<compile_context>
chip_gen: v7x
topology: tpu7x:2x2x1
jax: 0.10.2.dev20260603
libtpu: 0.0.44.dev20260713+nightly
codegen_flags: <defaults>
</compile_context>

<pallas_src>
import functools

import jax
import jax.numpy as jnp
from jax import lax
from jax.experimental import pallas as pl
from jax.experimental.pallas import tpu as pltpu
from jax.experimental.pallas import tpu_sc as plsc

N = 10000
E = 320000
D_IN = 128
H = 128
OUT = 64
L = 3

NC = 2
NS = 16
NW = NC * NS
EPW = E // NW
CHUNK = 40
NCHUNK = EPW // CHUNK
NBUF = 6
GDEPTH = 4
DBUF = 6
RPT = 624
ZROWS = 104
REM0 = NS * RPT
REM = N - REM0
DEG_W = 128


@functools.cache
def _sc_kernels():
    mesh = plsc.VectorSubcoreMesh(core_axis_name="c", subcore_axis_name="s")

    @functools.partial(
        pl.kernel,
        mesh=mesh,
        out_type=jax.ShapeDtypeStruct((NC, N, H), jnp.float32),
        scratch_types=[pltpu.VMEM((CHUNK,), jnp.int32)] * NBUF
          + [pltpu.VMEM((CHUNK,), jnp.int32)] * NBUF
          + [pltpu.VMEM((CHUNK, H), jnp.float32)] * NBUF
          + [pltpu.SemaphoreType.DMA] * (2 * NBUF)
          + [pltpu.VMEM_SHARED((N, H), jnp.float32)],
    )
    def sc_agg(h_hbm, src_hbm, dst_hbm, zero_hbm, out_hbm, *ring):
        srci = ring[:NBUF]
        dsti = ring[NBUF:2 * NBUF]
        rows = ring[2 * NBUF:3 * NBUF]
        sem_i = ring[3 * NBUF:4 * NBUF]
        sem_g = ring[4 * NBUF:5 * NBUF]
        acc_sh = ring[5 * NBUF]
        c = lax.axis_index("c")
        s = lax.axis_index("s")
        wid = s * NC + c
        row0 = s * RPT

        pltpu.sync_copy(zero_hbm, acc_sh.at[pl.ds(row0, RPT)])

        @pl.when(s == NS - 1)
        def _():
            pltpu.sync_copy(zero_hbm.at[pl.ds(0, REM)],
                            acc_sh.at[pl.ds(REM0, REM)])

        plsc.subcore_barrier()

        def idx_start(j, b):
            pltpu.async_copy(src_hbm.at[wid, j], srci[b], sem_i[b])
            pltpu.async_copy(dst_hbm.at[wid, j], dsti[b], sem_i[b])

        def idx_wait(j, b):
            pltpu.make_async_copy(src_hbm.at[wid, j], srci[b],
                                  sem_i[b]).wait()
            pltpu.make_async_copy(dst_hbm.at[wid, j], dsti[b],
                                  sem_i[b]).wait()

        def gather_start(b):
            pltpu.async_copy(h_hbm.at[srci[b]], rows[b], sem_g[b])

        def gather_wait(b):
            pltpu.make_async_copy(h_hbm.at[pl.ds(0, CHUNK)], rows[b],
                                  sem_g[b]).wait()

        for b in range(NBUF):
            idx_start(b, b)
        for b in range(GDEPTH):
            idx_wait(b, b)
            gather_start(b)

        def outer(g, carry):
            for b in range(NBUF):
                jj = NBUF * g + b

                @pl.when(jj < NCHUNK)
                def _():
                    gather_wait(b)
                    pltpu.sync_copy(rows[b], acc_sh.at[dsti[b]], add=True)

                    @pl.when(jj + NBUF < NCHUNK)
                    def _():
                        idx_start(jj + NBUF, b)

                    nb = (b + GDEPTH) % NBUF

                    @pl.when(jj + GDEPTH < NCHUNK)
                    def _():
                        idx_wait(jj + GDEPTH, nb)
                        gather_start(nb)
            return carry

        lax.fori_loop(0, (NCHUNK + NBUF - 1) // NBUF, outer, 0)
        plsc.subcore_barrier()

        pltpu.sync_copy(acc_sh.at[pl.ds(row0, RPT)],
                        out_hbm.at[c, pl.ds(row0, RPT)])

        @pl.when(s == NS - 1)
        def _():
            pltpu.sync_copy(acc_sh.at[pl.ds(REM0, REM)],
                            out_hbm.at[c, pl.ds(REM0, REM)])

    @functools.partial(
        pl.kernel,
        mesh=mesh,
        out_type=jax.ShapeDtypeStruct((NC, N, H), jnp.float32),
        scratch_types=[pltpu.VMEM((CHUNK, H), jnp.float32)]
          + [pltpu.VMEM((CHUNK,), jnp.int32)] * DBUF
          + [pltpu.SemaphoreType.DMA] * (2 * DBUF)
          + [pltpu.VMEM_SHARED((N, H), jnp.float32)],
    )
    def sc_deg(dst_hbm, zero_hbm, out_hbm, ones_v, *ring):
        dsti = ring[:DBUF]
        sem_i = ring[DBUF:2 * DBUF]
        sem_s = ring[2 * DBUF:3 * DBUF]
        acc_sh = ring[3 * DBUF]
        c = lax.axis_index("c")
        s = lax.axis_index("s")
        wid = s * NC + c
        row0 = s * RPT

        def ofill(r, carry):
            for k in range(H // 16):
                ones_v[r, pl.ds(k * 16, 16)] = jnp.full((16,), 1.0 / H,
                                                        jnp.float32)
            return carry

        lax.fori_loop(0, CHUNK, ofill, 0)

        pltpu.sync_copy(zero_hbm, acc_sh.at[pl.ds(row0, RPT)])

        @pl.when(s == NS - 1)
        def _():
            pltpu.sync_copy(zero_hbm.at[pl.ds(0, REM)],
                            acc_sh.at[pl.ds(REM0, REM)])

        plsc.subcore_barrier()

        for b in range(DBUF):
            pltpu.async_copy(dst_hbm.at[wid, b], dsti[b], sem_i[b])

        def outer(g, carry):
            for b in range(DBUF):
                jj = DBUF * g + b

                @pl.when(jj < NCHUNK)
                def _():
                    pltpu.make_async_copy(dst_hbm.at[wid, 0], dsti[b],
                                          sem_i[b]).wait()
                    pltpu.async_copy(ones_v, acc_sh.at[dsti[b]], sem_s[b],
                                     add=True)
                    pb = (b + DBUF - 1) % DBUF

                    @pl.when(jj >= 1)
                    def _():
                        pltpu.make_async_copy(zero_hbm.at[pl.ds(0, CHUNK)],
                                              ones_v, sem_s[pb]).wait()

                    @pl.when(jj + DBUF - 1 < NCHUNK)
                    def _():
                        pltpu.async_copy(dst_hbm.at[wid, jj + DBUF - 1],
                                         dsti[pb], sem_i[pb])
            return carry

        lax.fori_loop(0, (NCHUNK + DBUF - 1) // DBUF, outer, 0)
        pltpu.make_async_copy(zero_hbm.at[pl.ds(0, CHUNK)], ones_v,
                              sem_s[(NCHUNK - 1) % DBUF]).wait()
        plsc.subcore_barrier()

        pltpu.sync_copy(acc_sh.at[pl.ds(row0, RPT)],
                        out_hbm.at[c, pl.ds(row0, RPT)])

        @pl.when(s == NS - 1)
        def _():
            pltpu.sync_copy(acc_sh.at[pl.ds(REM0, REM)],
                            out_hbm.at[c, pl.ds(REM0, REM)])

    return sc_agg, sc_deg


RB = 2000
GRID = N // RB


def _init_body(x_ref, w_ref, b_ref, dp_ref, h_ref, cs_ref, invdeg_ref):
    acc = jnp.dot(x_ref[...], w_ref[...],
                  preferred_element_type=jnp.float32) + b_ref[...]
    h = jnp.maximum(acc, 0.0)
    h_ref[...] = h

    @pl.when(pl.program_id(0) == 0)
    def _():
        cs_ref[...] = jnp.zeros_like(cs_ref)

    cs_ref[...] += jnp.sum(h, axis=0, keepdims=True)
    deg = jnp.sum(dp_ref[...], axis=(0, 2))
    invdeg_ref[...] = (1.0 / jnp.maximum(deg, 1.0))[:, None]


_tc_init = pl.pallas_call(
    _init_body,
    grid=(GRID,),
    in_specs=[
        pl.BlockSpec((RB, D_IN), lambda i: (i, 0)),
        pl.BlockSpec((D_IN, H), lambda i: (0, 0)),
        pl.BlockSpec((1, H), lambda i: (0, 0)),
        pl.BlockSpec((NC, RB, DEG_W), lambda i: (0, i, 0)),
    ],
    out_specs=[
        pl.BlockSpec((RB, H), lambda i: (i, 0)),
        pl.BlockSpec((1, H), lambda i: (0, 0)),
        pl.BlockSpec((RB, 1), lambda i: (i, 0)),
    ],
    out_shape=[
        jax.ShapeDtypeStruct((N, H), jnp.float32),
        jax.ShapeDtypeStruct((1, H), jnp.float32),
        jax.ShapeDtypeStruct((N, 1), jnp.float32),
    ],
)


def _layer_body(h_ref, p_ref, invdeg_ref, cs_ref, ws_ref, wn_ref, wt_ref,
                b_ref, out_ref, cs_out_ref):
    h = h_ref[...]
    agg = (p_ref[0] + p_ref[1]) * invdeg_ref[...]
    star = cs_ref[...] * (1.0 / N)
    acc = jnp.dot(h, ws_ref[...], preferred_element_type=jnp.float32)
    acc += jnp.dot(agg, wn_ref[...], preferred_element_type=jnp.float32)
    acc += jnp.dot(star, wt_ref[...],
                   preferred_element_type=jnp.float32) + b_ref[...]
    out = jnp.where(acc > 0, acc, 0.1 * acc)
    out_ref[...] = out

    @pl.when(pl.program_id(0) == 0)
    def _():
        cs_out_ref[...] = jnp.zeros_like(cs_out_ref)

    cs_out_ref[...] += jnp.sum(out, axis=0, keepdims=True)


_tc_layer = pl.pallas_call(
    _layer_body,
    grid=(GRID,),
    in_specs=[
        pl.BlockSpec((RB, H), lambda i: (i, 0)),
        pl.BlockSpec((NC, RB, H), lambda i: (0, i, 0)),
        pl.BlockSpec((RB, 1), lambda i: (i, 0)),
        pl.BlockSpec((1, H), lambda i: (0, 0)),
        pl.BlockSpec((H, H), lambda i: (0, 0)),
        pl.BlockSpec((H, H), lambda i: (0, 0)),
        pl.BlockSpec((H, H), lambda i: (0, 0)),
        pl.BlockSpec((1, H), lambda i: (0, 0)),
    ],
    out_specs=[
        pl.BlockSpec((RB, H), lambda i: (i, 0)),
        pl.BlockSpec((1, H), lambda i: (0, 0)),
    ],
    out_shape=[
        jax.ShapeDtypeStruct((N, H), jnp.float32),
        jax.ShapeDtypeStruct((1, H), jnp.float32),
    ],
)


def _final_body(h_ref, wh_ref, bh_ref, wo_ref, bo_ref, out_ref):
    h = h_ref[...]
    z = jnp.dot(h, wh_ref[...],
                preferred_element_type=jnp.float32) + bh_ref[...]
    z = jnp.maximum(z, 0.0) + h
    o = jnp.dot(z, wo_ref[...],
                preferred_element_type=jnp.float32) + bo_ref[...]
    m = jnp.max(o, axis=1, keepdims=True)
    ex = jnp.exp(o - m)
    lse = jnp.log(jnp.sum(ex, axis=1, keepdims=True)) + m
    out_ref[...] = o - lse


_tc_final = pl.pallas_call(
    _final_body,
    grid=(GRID,),
    in_specs=[
        pl.BlockSpec((RB, H), lambda i: (i, 0)),
        pl.BlockSpec((H, H), lambda i: (0, 0)),
        pl.BlockSpec((1, H), lambda i: (0, 0)),
        pl.BlockSpec((H, OUT), lambda i: (0, 0)),
        pl.BlockSpec((1, OUT), lambda i: (0, 0)),
    ],
    out_specs=pl.BlockSpec((RB, OUT), lambda i: (i, 0)),
    out_shape=jax.ShapeDtypeStruct((N, OUT), jnp.float32),
)


def kernel(x, edge_index, w_init, b_init, w_self, w_nbr, w_star, b_conv,
           w_h, b_h, w_out, b_out):
    sc_agg, sc_deg = _sc_kernels()
    src = edge_index[0].reshape(NW, NCHUNK, CHUNK)
    dst = edge_index[1].reshape(NW, NCHUNK, CHUNK)
    zero_h = jnp.zeros((RPT, H), jnp.float32)
    degparts = sc_deg(dst, zero_h)
    h, colsum, invdeg = _tc_init(x, w_init, b_init.reshape(1, H), degparts)
    for i in range(L):
        parts = sc_agg(h, src, dst, zero_h)
        h, colsum = _tc_layer(h, parts, invdeg, colsum, w_self[i], w_nbr[i],
                              w_star[i], b_conv[i].reshape(1, H))
    return _tc_final(h, w_h, b_h.reshape(1, H), w_out,
                     b_out.reshape(1, OUT))

# --- scband reference (transcript-rebuilt; emitter-appended) ---
"""Pipeline reference for scband-bi-scale-gcn-53936199303448 (READ-ONLY COPY).

The authoritative reference and input builder live on the scoring server;
editing this copy changes nothing except your own understanding.
"""

import jax, jax.numpy as jnp
import numpy as np

N = 10000
E = 320000
D_IN = 128
H = 128
OUT = 64
L = 3

def setup_inputs(seed: int = 0) -> dict:
    key = jax.random.key(seed)
    ks = jax.random.split(key, 12)
    x = jax.random.normal(ks[0], (N, D_IN), dtype=jnp.float32)
    edge_index = jax.random.randint(ks[1], (2, E), 0, N, dtype=jnp.int32)
    s_in = 1.0 / np.sqrt(D_IN)
    s_h = 1.0 / np.sqrt(H)
    w_init = jax.random.normal(ks[2], (D_IN, H), dtype=jnp.float32) * s_in
    b_init = jnp.zeros((H,), dtype=jnp.float32)
    w_self = jax.random.normal(ks[3], (L, H, H), dtype=jnp.float32) * s_h
    w_nbr = jax.random.normal(ks[4], (L, H, H), dtype=jnp.float32) * s_h
    w_star = jax.random.normal(ks[5], (L, H, H), dtype=jnp.float32) * s_h
    b_conv = jnp.zeros((L, H), dtype=jnp.float32)
    w_h = jax.random.normal(ks[6], (H, H), dtype=jnp.float32) * s_h
    b_h = jnp.zeros((H,), dtype=jnp.float32)
    w_out = jax.random.normal(ks[7], (H, OUT), dtype=jnp.float32) * s_h
    b_out = jnp.zeros((OUT,), dtype=jnp.float32)
    return {"x": x, "edge_index": edge_index, "w_init": w_init, "b_init": b_init,
            "w_self": w_self, "w_nbr": w_nbr, "w_star": w_star, "b_conv": b_conv,
            "w_h": w_h, "b_h": b_h, "w_out": w_out, "b_out": b_out}

def reference(x, edge_index, w_init, b_init, w_self, w_nbr, w_star, b_conv, w_h, b_h, w_out, b_out):
    # eval mode: dropout is identity
    src = edge_index[0]
    dst = edge_index[1]
    # init_layer + relu
    h = jax.nn.relu(x @ w_init + b_init)
    # in-degree for mean aggregation
    deg = jax.ops.segment_sum(jnp.ones((E,), dtype=jnp.float32), dst, num_segments=N)
    deg = jnp.clip(deg, 1.0, None)
    # BiScaleStarGConv layers: local neighbor-mean scale + global star-node scale
    for i in range(L):
        msg = h[src]
        agg = jax.ops.segment_sum(msg, dst, num_segments=N) / deg[:, None]
        star = jnp.mean(h, axis=0, keepdims=True)
        h = h @ w_self[i] + agg @ w_nbr[i] + star @ w_star[i] + b_conv[i]
        h = jax.nn.leaky_relu(h, negative_slope=0.1)
    # final MLP (num_final_update=2, res_connect=True, no batchnorm)
    h = jax.nn.relu(h @ w_h + b_h) + h
    out = h @ w_out + b_out
    return jax.nn.log_softmax(out, axis=1)

if __name__ == "__main__":
    import jax
    _d = setup_inputs()
    print(jax.jit(kernel)(*tuple(_d.values())))

</pallas_src>

<mosaic_0001>
#map = affine_map<(d0, d1) -> (0, 0, 0)>
#map1 = affine_map<(d0, d1) -> (0, 0)>
module attributes {stable_mosaic.version = 14 : i64} {
  func.func @sc_deg(%arg0: i32, %arg1: i32, %arg2: memref<32x250x40xi32, #tpu.memory_space<hbm>>, %arg3: memref<624x128xf32, #tpu.memory_space<hbm>>, %arg4: memref<2x10000x128xf32, #tpu.memory_space<hbm>>, %arg5: memref<40x128xf32, #tpu.memory_space<vmem>>, %arg6: memref<40xi32, #tpu.memory_space<vmem>>, %arg7: memref<40xi32, #tpu.memory_space<vmem>>, %arg8: memref<40xi32, #tpu.memory_space<vmem>>, %arg9: memref<40xi32, #tpu.memory_space<vmem>>, %arg10: memref<40xi32, #tpu.memory_space<vmem>>, %arg11: memref<40xi32, #tpu.memory_space<vmem>>, %arg12: memref<!tpu.dma_semaphore, #tpu.memory_space<semaphore_mem>>, %arg13: memref<!tpu.dma_semaphore, #tpu.memory_space<semaphore_mem>>, %arg14: memref<!tpu.dma_semaphore, #tpu.memory_space<semaphore_mem>>, %arg15: memref<!tpu.dma_semaphore, #tpu.memory_space<semaphore_mem>>, %arg16: memref<!tpu.dma_semaphore, #tpu.memory_space<semaphore_mem>>, %arg17: memref<!tpu.dma_semaphore, #tpu.memory_space<semaphore_mem>>, %arg18: memref<!tpu.dma_semaphore, #tpu.memory_space<semaphore_mem>>, %arg19: memref<!tpu.dma_semaphore, #tpu.memory_space<semaphore_mem>>, %arg20: memref<!tpu.dma_semaphore, #tpu.memory_space<semaphore_mem>>, %arg21: memref<!tpu.dma_semaphore, #tpu.memory_space<semaphore_mem>>, %arg22: memref<!tpu.dma_semaphore, #tpu.memory_space<semaphore_mem>>, %arg23: memref<!tpu.dma_semaphore, #tpu.memory_space<semaphore_mem>>, %arg24: memref<10000x128xf32, #tpu.memory_space<vmem_shared>>) attributes {dimension_semantics = [#tpu.dimension_semantics<core_parallel>, #tpu.dimension_semantics<subcore_parallel>], iteration_bounds = array<i64: 2, 16>, scalar_prefetch = 0 : i64, scratch_operands = 20 : i64, tpu.core_type = #tpu.core_type<sc_vector_subcore>, window_params = [{transform_indices = #map}, {transform_indices = #map1}, {transform_indices = #map}]} {
    %mul3A = arith.constant 2 : i32
    %mul3A_0 = arith.muli %arg1, %mul3A : i32
    %add3A = arith.addi %mul3A_0, %arg0 : i32
    %mul3A_1 = arith.constant 624 : i32
    %mul3A_2 = arith.muli %arg1, %mul3A_1 : i32
    %scan3A = arith.constant 0 : i32
    %scan3A_3 = arith.constant 0 : i32
    %scan3A_4 = arith.constant 40 : i32
    %scan3A_5 = arith.addi %scan3A_3, %scan3A_4 : i32
    %scan3A_6 = arith.constant 1 : i32
    scf.for %scan3A_68 = %scan3A_3 to %scan3A_5 step %scan3A_6  : i32 {
      %broadcast_in_dim3A = arith.constant 7.812500e-03 : f32
      %broadcast_in_dim3A_69 = vector.broadcast %broadcast_in_dim3A : f32 to vector<16xf32>
      %swap3A = arith.index_cast %scan3A_68 : i32 to index
      %swap3A_70 = arith.constant 0 : index
      %swap3A_71 = tpu.vector_load %arg5[%swap3A, %swap3A_70] {strides = array<i32>} : memref<40x128xf32, #tpu.memory_space<vmem>>, vector<1x16xf32>,
      %swap3A_72 = vector.shape_cast %swap3A_71 : vector<1x16xf32> to vector<16xf32>
      %swap3A_73 = vector.shape_cast %broadcast_in_dim3A_69 : vector<16xf32> to vector<1x16xf32>
      tpu.vector_store %arg5[%swap3A, %swap3A_70], %swap3A_73 {strides = array<i32>} : memref<40x128xf32, #tpu.memory_space<vmem>>, vector<1x16xf32>,
      %broadcast_in_dim3A_74 = arith.constant 7.812500e-03 : f32
      %broadcast_in_dim3A_75 = vector.broadcast %broadcast_in_dim3A_74 : f32 to vector<16xf32>
      %swap3A_76 = arith.index_cast %scan3A_68 : i32 to index
      %swap3A_77 = arith.constant 16 : index
      %swap3A_78 = tpu.vector_load %arg5[%swap3A_76, %swap3A_77] {strides = array<i32>} : memref<40x128xf32, #tpu.memory_space<vmem>>, vector<1x16xf32>,
      %swap3A_79 = vector.shape_cast %swap3A_78 : vector<1x16xf32> to vector<16xf32>
      %swap3A_80 = vector.shape_cast %broadcast_in_dim3A_75 : vector<16xf32> to vector<1x16xf32>
      tpu.vector_store %arg5[%swap3A_76, %swap3A_77], %swap3A_80 {strides = array<i32>} : memref<40x128xf32, #tpu.memory_space<vmem>>, vector<1x16xf32>,
      %broadcast_in_dim3A_81 = arith.constant 7.812500e-03 : f32
      %broadcast_in_dim3A_82 = vector.broadcast %broadcast_in_dim3A_81 : f32 to vector<16xf32>
      %swap3A_83 = arith.index_cast %scan3A_68 : i32 to index
      %swap3A_84 = arith.constant 32 : index
      %swap3A_85 = tpu.vector_load %arg5[%swap3A_83, %swap3A_84] {strides = array<i32>} : memref<40x128xf32, #tpu.memory_space<vmem>>, vector<1x16xf32>,
      %swap3A_86 = vector.shape_cast %swap3A_85 : vector<1x16xf32> to vector<16xf32>
      %swap3A_87 = vector.shape_cast %broadcast_in_dim3A_82 : vector<16xf32> to vector<1x16xf32>
      tpu.vector_store %arg5[%swap3A_83, %swap3A_84], %swap3A_87 {strides = array<i32>} : memref<40x128xf32, #tpu.memory_space<vmem>>, vector<1x16xf32>,
      %broadcast_in_dim3A_88 = arith.constant 7.812500e-03 : f32
      %broadcast_in_dim3A_89 = vector.broadcast %broadcast_in_dim3A_88 : f32 to vector<16xf32>
      %swap3A_90 = arith.index_cast %scan3A_68 : i32 to index
      %swap3A_91 = arith.constant 48 : index
      %swap3A_92 = tpu.vector_load %arg5[%swap3A_90, %swap3A_91] {strides = array<i32>} : memref<40x128xf32, #tpu.memory_space<vmem>>, vector<1x16xf32>,
      %swap3A_93 = vector.shape_cast %swap3A_92 : vector<1x16xf32> to vector<16xf32>
      %swap3A_94 = vector.shape_cast %broadcast_in_dim3A_89 : vector<16xf32> to vector<1x16xf32>
      tpu.vector_store %arg5[%swap3A_90, %swap3A_91], %swap3A_94 {strides = array<i32>} : memref<40x128xf32, #tpu.memory_space<vmem>>, vector<1x16xf32>,
      %broadcast_in_dim3A_95 = arith.constant 7.812500e-03 : f32
      %broadcast_in_dim3A_96 = vector.broadcast %broadcast_in_dim3A_95 : f32 to vector<16xf32>
      %swap3A_97 = arith.index_cast %scan3A_68 : i32 to index
      %swap3A_98 = arith.constant 64 : index
      %swap3A_99 = tpu.vector_load %arg5[%swap3A_97, %swap3A_98] {strides = array<i32>} : memref<40x128xf32, #tpu.memory_space<vmem>>, vector<1x16xf32>,
      %swap3A_100 = vector.shape_cast %swap3A_99 : vector<1x16xf32> to vector<16xf32>
      %swap3A_101 = vector.shape_cast %broadcast_in_dim3A_96 : vector<16xf32> to vector<1x16xf32>
      tpu.vector_store %arg5[%swap3A_97, %swap3A_98], %swap3A_101 {strides = array<i32>} : memref<40x128xf32, #tpu.memory_space<vmem>>, vector<1x16xf32>,
      %broadcast_in_dim3A_102 = arith.constant 7.812500e-03 : f32
      %broadcast_in_dim3A_103 = vector.broadcast %broadcast_in_dim3A_102 : f32 to vector<16xf32>
      %swap3A_104 = arith.index_cast %scan3A_68 : i32 to index
      %swap3A_105 = arith.constant 80 : index
      %swap3A_106 = tpu.vector_load %arg5[%swap3A_104, %swap3A_105] {strides = array<i32>} : memref<40x128xf32, #tpu.memory_space<vmem>>, vector<1x16xf32>,
      %swap3A_107 = vector.shape_cast %swap3A_106 : vector<1x16xf32> to vector<16xf32>
      %swap3A_108 = vector.shape_cast %broadcast_in_dim3A_103 : vector<16xf32> to vector<1x16xf32>
      tpu.vector_store %arg5[%swap3A_104, %swap3A_105], %swap3A_108 {strides = array<i32>} : memref<40x128xf32, #tpu.memory_space<vmem>>, vector<1x16xf32>,
      %broadcast_in_dim3A_109 = arith.constant 7.812500e-03 : f32
      %broadcast_in_dim3A_110 = vector.broadcast %broadcast_in_dim3A_109 : f32 to vector<16xf32>
      %swap3A_111 = arith.index_cast %scan3A_68 : i32 to index
      %swap3A_112 = arith.constant 96 : index
      %swap3A_113 = tpu.vector_load %arg5[%swap3A_111, %swap3A_112] {strides = array<i32>} : memref<40x128xf32, #tpu.memory_space<vmem>>, vector<1x16xf32>,
      %swap3A_114 = vector.shape_cast %swap3A_113 : vector<1x16xf32> to vector<16xf32>
      %swap3A_115 = vector.shape_cast %broadcast_in_dim3A_110 : vector<16xf32> to vector<1x16xf32>
      tpu.vector_store %arg5[%swap3A_111, %swap3A_112], %swap3A_115 {strides = array<i32>} : memref<40x128xf32, #tpu.memory_space<vmem>>, vector<1x16xf32>,
      %broadcast_in_dim3A_116 = arith.constant 7.812500e-03 : f32
      %broadcast_in_dim3A_117 = vector.broadcast %broadcast_in_dim3A_116 : f32 to vector<16xf32>
      %swap3A_118 = arith.index_cast %scan3A_68 : i32 to index
      %swap3A_119 = arith.constant 112 : index
      %swap3A_120 = tpu.vector_load %arg5[%swap3A_118, %swap3A_119] {strides = array<i32>} : memref<40x128xf32, #tpu.memory_space<vmem>>, vector<1x16xf32>,
      %swap3A_121 = vector.shape_cast %swap3A_120 : vector<1x16xf32> to vector<16xf32>
      %swap3A_122 = vector.shape_cast %broadcast_in_dim3A_117 : vector<16xf32> to vector<1x16xf32>
      tpu.vector_store %arg5[%swap3A_118, %swap3A_119], %swap3A_122 {strides = array<i32>} : memref<40x128xf32, #tpu.memory_space<vmem>>, vector<1x16xf32>,
    }
    %scan3A_7 = arith.constant 40 : i32
    "tpu.region"() ({
      %run_scoped3A = tpu.sem_alloc : memref<!tpu.dma_semaphore, #tpu.memory_space<semaphore_mem>>
      %dma_start3A_68 = arith.constant 0 : i32
      %dma_start3A_69 = tpu.memref_slice %arg24[%mul3A_2, %dma_start3A_68] : memref<10000x128xf32, #tpu.memory_space<vmem_shared>> -> memref<624x128xf32, #tpu.memory_space<vmem_shared>>
      tpu.enqueue_dma source(%arg3 : memref<624x128xf32, #tpu.memory_space<hbm>>) target(%dma_start3A_69 : memref<624x128xf32, #tpu.memory_space<vmem_shared>>) target_semaphore(%run_scoped3A : memref<!tpu.dma_semaphore, #tpu.memory_space<semaphore_mem>>)
      %dma_wait3A_70 = arith.constant 0 : i32
      %dma_wait3A_71 = tpu.memref_slice %arg24[%mul3A_2, %dma_wait3A_70] : memref<10000x128xf32, #tpu.memory_space<vmem_shared>> -> memref<624x128xf32, #tpu.memory_space<vmem_shared>>
      tpu.wait_dma2 semaphore(%run_scoped3A : memref<!tpu.dma_semaphore, #tpu.memory_space<semaphore_mem>>) src(%arg3 : memref<624x128xf32, #tpu.memory_space<hbm>>) dst(%dma_wait3A_71 : memref<624x128xf32, #tpu.memory_space<vmem_shared>>)
      tpu.yield
    }) : () -> ()
    %eq3A = arith.constant 15 : i32
    %eq3A_8 = arith.cmpi eq, %arg1, %eq3A : i32
    %convert_element_type3A = arith.extui %eq3A_8 : i1 to i32
    %cond3A = arith.constant 0 : i32
    %cond3A_9 = arith.cmpi ne, %convert_element_type3A, %cond3A : i32
    scf.if %cond3A_9 {
      "tpu.region"() ({
        %run_scoped3A = tpu.sem_alloc : memref<!tpu.dma_semaphore, #tpu.memory_space<semaphore_mem>>
        %dma_start3A_68 = arith.constant 9984 : i32
        %dma_start3A_69 = arith.constant 0 : i32
        %dma_start3A_70 = tpu.memref_slice %arg24[%dma_start3A_68, %dma_start3A_69] : memref<10000x128xf32, #tpu.memory_space<vmem_shared>> -> memref<16x128xf32, #tpu.memory_space<vmem_shared>>
        %dma_start3A_71 = arith.constant 0 : i32
        %dma_start3A_72 = arith.constant 0 : i32
        %dma_start3A_73 = tpu.memref_slice %arg3[%dma_start3A_71, %dma_start3A_72] : memref<624x128xf32, #tpu.memory_space<hbm>> -> memref<16x128xf32, #tpu.memory_space<hbm>>
        tpu.enqueue_dma source(%dma_start3A_73 : memref<16x128xf32, #tpu.memory_space<hbm>>) target(%dma_start3A_70 : memref<16x128xf32, #tpu.memory_space<vmem_shared>>) target_semaphore(%run_scoped3A : memref<!tpu.dma_semaphore, #tpu.memory_space<semaphore_mem>>)
        %dma_wait3A_74 = arith.constant 9984 : i32
        %dma_wait3A_75 = arith.constant 0 : i32
        %dma_wait3A_76 = tpu.memref_slice %arg24[%dma_wait3A_74, %dma_wait3A_75] : memref<10000x128xf32, #tpu.memory_space<vmem_shared>> -> memref<16x128xf32, #tpu.memory_space<vmem_shared>>
        %dma_wait3A_77 = arith.constant 0 : i32
        %dma_wait3A_78 = arith.constant 0 : i32
        %dma_wait3A_79 = tpu.memref_slice %arg3[%dma_wait3A_77, %dma_wait3A_78] : memref<624x128xf32, #tpu.memory_space<hbm>> -> memref<16x128xf32, #tpu.memory_space<hbm>>
        tpu.wait_dma2 semaphore(%run_scoped3A : memref<!tpu.dma_semaphore, #tpu.memory_space<semaphore_mem>>) src(%dma_wait3A_79 : memref<16x128xf32, #tpu.memory_space<hbm>>) dst(%dma_wait3A_76 : memref<16x128xf32, #tpu.memory_space<vmem_shared>>)
        tpu.yield
      }) : () -> ()
    } else {
    }
    %barrier3A = arith.constant 0 : index
    tpu.barrier barrier_id(%barrier3A)
    %dma_start3A = arith.constant 0 : i32
    %dma_start3A_10 = arith.constant 0 : i32
    %dma_start3A_11 = tpu.memref_slice %arg2[%add3A, %dma_start3A, %dma_start3A_10] : memref<32x250x40xi32, #tpu.memory_space<hbm>> -> memref<1x1x40xi32, #tpu.memory_space<hbm>>
    %dma_start3A_12 = tpu.memref_squeeze %dma_start3A_11 : memref<1x1x40xi32, #tpu.memory_space<hbm>> -> memref<40xi32, #tpu.memory_space<hbm>>
    %dma_start3A_13 = arith.constant 0 : i32
    %dma_start3A_14 = tpu.memref_slice %arg2[%add3A, %dma_start3A, %dma_start3A_13] : memref<32x250x40xi32, #tpu.memory_space<hbm>> -> memref<1x1x40xi32, #tpu.memory_space<hbm>>
    %dma_start3A_15 = tpu.memref_squeeze %dma_start3A_14 : memref<1x1x40xi32, #tpu.memory_space<hbm>> -> memref<40xi32, #tpu.memory_space<hbm>>
    tpu.enqueue_dma source(%dma_start3A_15 : memref<40xi32, #tpu.memory_space<hbm>>) target(%arg6 : memref<40xi32, #tpu.memory_space<vmem>>) target_semaphore(%arg12 : memref<!tpu.dma_semaphore, #tpu.memory_space<semaphore_mem>>)
    %dma_start3A_16 = arith.constant 1 : i32
    %dma_start3A_17 = arith.constant 0 : i32
    %dma_start3A_18 = tpu.memref_slice %arg2[%add3A, %dma_start3A_16, %dma_start3A_17] : memref<32x250x40xi32, #tpu.memory_space<hbm>> -> memref<1x1x40xi32, #tpu.memory_space<hbm>>
    %dma_start3A_19 = tpu.memref_squeeze %dma_start3A_18 : memref<1x1x40xi32, #tpu.memory_space<hbm>> -> memref<40xi32, #tpu.memory_space<hbm>>
    %dma_start3A_20 = arith.constant 0 : i32
    %dma_start3A_21 = tpu.memref_slice %arg2[%add3A, %dma_start3A_16, %dma_start3A_20] : memref<32x250x40xi32, #tpu.memory_space<hbm>> -> memref<1x1x40xi32, #tpu.memory_space<hbm>>
    %dma_start3A_22 = tpu.memref_squeeze %dma_start3A_21 : memref<1x1x40xi32, #tpu.memory_space<hbm>> -> memref<40xi32, #tpu.memory_space<hbm>>
    tpu.enqueue_dma source(%dma_start3A_22 : memref<40xi32, #tpu.memory_space<hbm>>) target(%arg7 : memref<40xi32, #tpu.memory_space<vmem>>) target_semaphore(%arg13 : memref<!tpu.dma_semaphore, #tpu.memory_space<semaphore_mem>>)
    %dma_start3A_23 = arith.constant 2 : i32
    %dma_start3A_24 = arith.constant 0 : i32
    %dma_start3A_25 = tpu.memref_slice %arg2[%add3A, %dma_start3A_23, %dma_start3A_24] : memref<32x250x40xi32, #tpu.memory_space<hbm>> -> memref<1x1x40xi32, #tpu.memory_space<hbm>>
    %dma_start3A_26 = tpu.memref_squeeze %dma_start3A_25 : memref<1x1x40xi32, #tpu.memory_space<hbm>> -> memref<40xi32, #tpu.memory_space<hbm>>
    %dma_start3A_27 = arith.constant 0 : i32
    %dma_start3A_28 = tpu.memref_slice %arg2[%add3A, %dma_start3A_23, %dma_start3A_27] : memref<32x250x40xi32, #tpu.memory_space<hbm>> -> memref<1x1x40xi32, #tpu.memory_space<hbm>>
    %dma_start3A_29 = tpu.memref_squeeze %dma_start3A_28 : memref<1x1x40xi32, #tpu.memory_space<hbm>> -> memref<40xi32, #tpu.memory_space<hbm>>
    tpu.enqueue_dma source(%dma_start3A_29 : memref<40xi32, #tpu.memory_space<hbm>>) target(%arg8 : memref<40xi32, #tpu.memory_space<vmem>>) target_semaphore(%arg14 : memref<!tpu.dma_semaphore, #tpu.memory_space<semaphore_mem>>)
    %dma_start3A_30 = arith.constant 3 : i32
    %dma_start3A_31 = arith.constant 0 : i32
    %dma_start3A_32 = tpu.memref_slice %arg2[%add3A, %dma_start3A_30, %dma_start3A_31] : memref<32x250x40xi32, #tpu.memory_space<hbm>> -> memref<1x1x40xi32, #tpu.memory_space<hbm>>
    %dma_start3A_33 = tpu.memref_squeeze %dma_start3A_32 : memref<1x1x40xi32, #tpu.memory_space<hbm>> -> memref<40xi32, #tpu.memory_space<hbm>>
    %dma_start3A_34 = arith.constant 0 : i32
    %dma_start3A_35 = tpu.memref_slice %arg2[%add3A, %dma_start3A_30, %dma_start3A_34] : memref<32x250x40xi32, #tpu.memory_space<hbm>> -> memref<1x1x40xi32, #tpu.memory_space<hbm>>
    %dma_start3A_36 = tpu.memref_squeeze %dma_start3A_35 : memref<1x1x40xi32, #tpu.memory_space<hbm>> -> memref<40xi32, #tpu.memory_space<hbm>>
    tpu.enqueue_dma source(%dma_start3A_36 : memref<40xi32, #tpu.memory_space<hbm>>) target(%arg9 : memref<40xi32, #tpu.memory_space<vmem>>) target_semaphore(%arg15 : memref<!tpu.dma_semaphore, #tpu.memory_space<semaphore_mem>>)
    %dma_start3A_37 = arith.constant 4 : i32
    %dma_start3A_38 = arith.constant 0 : i32
    %dma_start3A_39 = tpu.memref_slice %arg2[%add3A, %dma_start3A_37, %dma_start3A_38] : memref<32x250x40xi32, #tpu.memory_space<hbm>> -> memref<1x1x40xi32, #tpu.memory_space<hbm>>
    %dma_start3A_40 = tpu.memref_squeeze %dma_start3A_39 : memref<1x1x40xi32, #tpu.memory_space<hbm>> -> memref<40xi32, #tpu.memory_space<hbm>>
    %dma_start3A_41 = arith.constant 0 : i32
    %dma_start3A_42 = tpu.memref_slice %arg2[%add3A, %dma_start3A_37, %dma_start3A_41] : memref<32x250x40xi32, #tpu.memory_space<hbm>> -> memref<1x1x40xi32, #tpu.memory_space<hbm>>
    %dma_start3A_43 = tpu.memref_squeeze %dma_start3A_42 : memref<1x1x40xi32, #tpu.memory_space<hbm>> -> memref<40xi32, #tpu.memory_space<hbm>>
    tpu.enqueue_dma source(%dma_start3A_43 : memref<40xi32, #tpu.memory_space<hbm>>) target(%arg10 : memref<40xi32, #tpu.memory_space<vmem>>) target_semaphore(%arg16 : memref<!tpu.dma_semaphore, #tpu.memory_space<semaphore_mem>>)
    %dma_start3A_44 = arith.constant 5 : i32
    %dma_start3A_45 = arith.constant 0 : i32
    %dma_start3A_46 = tpu.memref_slice %arg2[%add3A, %dma_start3A_44, %dma_start3A_45] : memref<32x250x40xi32, #tpu.memory_space<hbm>> -> memref<1x1x40xi32, #tpu.memory_space<hbm>>
    %dma_start3A_47 = tpu.memref_squeeze %dma_start3A_46 : memref<1x1x40xi32, #tpu.memory_space<hbm>> -> memref<40xi32, #tpu.memory_space<hbm>>
    %dma_start3A_48 = arith.constant 0 : i32
    %dma_start3A_49 = tpu.memref_slice %arg2[%add3A, %dma_start3A_44, %dma_start3A_48] : memref<32x250x40xi32, #tpu.memory_space<hbm>> -> memref<1x1x40xi32, #tpu.memory_space<hbm>>
    %dma_start3A_50 = tpu.memref_squeeze %dma_start3A_49 : memref<1x1x40xi32, #tpu.memory_space<hbm>> -> memref<40xi32, #tpu.memory_space<hbm>>
    tpu.enqueue_dma source(%dma_start3A_50 : memref<40xi32, #tpu.memory_space<hbm>>) target(%arg11 : memref<40xi32, #tpu.memory_space<vmem>>) target_semaphore(%arg17 : memref<!tpu.dma_semaphore, #tpu.memory_space<semaphore_mem>>)
    %scan3A_51 = arith.constant 0 : i32
    %scan3A_52 = arith.constant 0 : i32
    %scan3A_53 = arith.constant 42 : i32
    %scan3A_54 = arith.addi %scan3A_52, %scan3A_53 : i32
    %scan3A_55 = arith.constant 1 : i32
    scf.for %scan3A_68 = %scan3A_52 to %scan3A_54 step %scan3A_55  : i32 {
      %mul3A_69 = arith.constant 6 : i32
      %mul3A_70 = arith.muli %mul3A_69, %scan3A_68 : i32
      %add3A_71 = arith.constant 0 : i32
      %add3A_72 = arith.addi %mul3A_70, %add3A_71 : i32
      %lt3A = arith.constant 250 : i32
      %lt3A_73 = arith.cmpi slt, %add3A_72, %lt3A : i32
      %convert_element_type3A_74 = arith.extui %lt3A_73 : i1 to i32
      %cond3A_75 = arith.constant 0 : i32
      %cond3A_76 = arith.cmpi ne, %convert_element_type3A_74, %cond3A_75 : i32
      scf.if %cond3A_76 {
        %dma_wait3A_122 = arith.constant 0 : i32
        %dma_wait3A_123 = arith.constant 0 : i32
        %dma_wait3A_124 = tpu.memref_slice %arg2[%add3A, %dma_wait3A_122, %dma_wait3A_123] : memref<32x250x40xi32, #tpu.memory_space<hbm>> -> memref<1x1x40xi32, #tpu.memory_space<hbm>>
        %dma_wait3A_125 = tpu.memref_squeeze %dma_wait3A_124 : memref<1x1x40xi32, #tpu.memory_space<hbm>> -> memref<40xi32, #tpu.memory_space<hbm>>
        %dma_wait3A_126 = arith.constant 0 : i32
        %dma_wait3A_127 = tpu.memref_slice %arg2[%add3A, %dma_wait3A_122, %dma_wait3A_126] : memref<32x250x40xi32, #tpu.memory_space<hbm>> -> memref<1x1x40xi32, #tpu.memory_space<hbm>>
        %dma_wait3A_128 = tpu.memref_squeeze %dma_wait3A_127 : memref<1x1x40xi32, #tpu.memory_space<hbm>> -> memref<40xi32, #tpu.memory_space<hbm>>
        tpu.wait_dma2 semaphore(%arg12 : memref<!tpu.dma_semaphore, #tpu.memory_space<semaphore_mem>>) src(%dma_wait3A_128 : memref<40xi32, #tpu.memory_space<hbm>>) dst(%arg6 : memref<40xi32, #tpu.memory_space<vmem>>)
        %dma_start3A_129 = arith.constant 0 : i32
        %dma_start3A_130 = arith.constant 0 : i32
        %dma_start3A_131 = tpu.memref_slice %arg24[%dma_start3A_129, %dma_start3A_130] : memref<10000x128xf32, #tpu.memory_space<vmem_shared>> -> memref<10000x128xf32, #tpu.memory_space<vmem_shared>>
        tpu.enqueue_indirect_dma source(%arg5 : memref<40x128xf32, #tpu.memory_space<vmem>>) target(%dma_start3A_131 : memref<10000x128xf32, #tpu.memory_space<vmem_shared>>) offsets(%arg6 : memref<40xi32, #tpu.memory_space<vmem>>) semaphore(%arg18 : memref<!tpu.dma_semaphore, #tpu.memory_space<semaphore_mem>>) {add = true}
        %ge3A = arith.constant 1 : i32
        %ge3A_132 = arith.cmpi sge, %add3A_72, %ge3A : i32
        %convert_element_type3A_133 = arith.extui %ge3A_132 : i1 to i32
        %cond3A_134 = arith.constant 0 : i32
        %cond3A_135 = arith.cmpi ne, %convert_element_type3A_133, %cond3A_134 : i32
        scf.if %cond3A_135 {
          %dma_wait3A_144 = arith.constant 0 : i32
          %dma_wait3A_145 = arith.constant 0 : i32
          %dma_wait3A_146 = tpu.memref_slice %arg3[%dma_wait3A_144, %dma_wait3A_145] : memref<624x128xf32, #tpu.memory_space<hbm>> -> memref<40x128xf32, #tpu.memory_space<hbm>>
          %dma_wait3A_147 = arith.constant 0 : i32
          %dma_wait3A_148 = arith.constant 0 : i32
          %dma_wait3A_149 = tpu.memref_slice %arg3[%dma_wait3A_147, %dma_wait3A_148] : memref<624x128xf32, #tpu.memory_space<hbm>> -> memref<40x128xf32, #tpu.memory_space<hbm>>
          tpu.wait_dma2 semaphore(%arg23 : memref<!tpu.dma_semaphore, #tpu.memory_space<semaphore_mem>>) src(%dma_wait3A_149 : memref<40x128xf32, #tpu.memory_space<hbm>>) dst(%arg5 : memref<40x128xf32, #tpu.memory_space<vmem>>)
        } else {
        }
        %add3A_136 = arith.constant 6 : i32
        %add3A_137 = arith.addi %add3A_72, %add3A_136 : i32
        %sub3A = arith.constant 1 : i32
        %sub3A_138 = arith.subi %add3A_137, %sub3A : i32
        %lt3A_139 = arith.constant 250 : i32
        %lt3A_140 = arith.cmpi slt, %sub3A_138, %lt3A_139 : i32
        %convert_element_type3A_141 = arith.extui %lt3A_140 : i1 to i32
        %cond3A_142 = arith.constant 0 : i32
        %cond3A_143 = arith.cmpi ne, %convert_element_type3A_141, %cond3A_142 : i32
        scf.if %cond3A_143 {
          %add3A_144 = arith.constant 6 : i32
          %add3A_145 = arith.addi %add3A_72, %add3A_144 : i32
          %sub3A_146 = arith.constant 1 : i32
          %sub3A_147 = arith.subi %add3A_145, %sub3A_146 : i32
          %dma_start3A_148 = arith.constant 0 : i32
          %dma_start3A_149 = tpu.memref_slice %arg2[%add3A, %sub3A_147, %dma_start3A_148] : memref<32x250x40xi32, #tpu.memory_space<hbm>> -> memref<1x1x40xi32, #tpu.memory_space<hbm>>
          %dma_start3A_150 = tpu.memref_squeeze %dma_start3A_149 : memref<1x1x40xi32, #tpu.memory_space<hbm>> -> memref<40xi32, #tpu.memory_space<hbm>>
          %dma_start3A_151 = arith.constant 0 : i32
          %dma_start3A_152 = tpu.memref_slice %arg2[%add3A, %sub3A_147, %dma_start3A_151] : memref<32x250x40xi32, #tpu.memory_space<hbm>> -> memref<1x1x40xi32, #tpu.memory_space<hbm>>
          %dma_start3A_153 = tpu.memref_squeeze %dma_start3A_152 : memref<1x1x40xi32, #tpu.memory_space<hbm>> -> memref<40xi32, #tpu.memory_space<hbm>>
          tpu.enqueue_dma source(%dma_start3A_153 : memref<40xi32, #tpu.memory_space<hbm>>) target(%arg11 : memref<40xi32, #tpu.memory_space<vmem>>) target_semaphore(%arg17 : memref<!tpu.dma_semaphore, #tpu.memory_space<semaphore_mem>>)
        } else {
        }
      } else {
      }
      %mul3A_77 = arith.constant 6 : i32
      %mul3A_78 = arith.muli %mul3A_77, %scan3A_68 : i32
      %add3A_79 = arith.constant 1 : i32
      %add3A_80 = arith.addi %mul3A_78, %add3A_79 : i32
      %lt3A_81 = arith.constant 250 : i32
      %lt3A_82 = arith.cmpi slt, %add3A_80, %lt3A_81 : i32
      %convert_element_type3A_83 = arith.extui %lt3A_82 : i1 to i32
      %cond3A_84 = arith.constant 0 : i32
      %cond3A_85 = arith.cmpi ne, %convert_element_type3A_83, %cond3A_84 : i32
      scf.if %cond3A_85 {
        %dma_wait3A_122 = arith.constant 0 : i32
        %dma_wait3A_123 = arith.constant 0 : i32
        %dma_wait3A_124 = tpu.memref_slice %arg2[%add3A, %dma_wait3A_122, %dma_wait3A_123] : memref<32x250x40xi32, #tpu.memory_space<hbm>> -> memref<1x1x40xi32, #tpu.memory_space<hbm>>
        %dma_wait3A_125 = tpu.memref_squeeze %dma_wait3A_124 : memref<1x1x40xi32, #tpu.memory_space<hbm>> -> memref<40xi32, #tpu.memory_space<hbm>>
        %dma_wait3A_126 = arith.constant 0 : i32
        %dma_wait3A_127 = tpu.memref_slice %arg2[%add3A, %dma_wait3A_122, %dma_wait3A_126] : memref<32x250x40xi32, #tpu.memory_space<hbm>> -> memref<1x1x40xi32, #tpu.memory_space<hbm>>
        %dma_wait3A_128 = tpu.memref_squeeze %dma_wait3A_127 : memref<1x1x40xi32, #tpu.memory_space<hbm>> -> memref<40xi32, #tpu.memory_space<hbm>>
        tpu.wait_dma2 semaphore(%arg13 : memref<!tpu.dma_semaphore, #tpu.memory_space<semaphore_mem>>) src(%dma_wait3A_128 : memref<40xi32, #tpu.memory_space<hbm>>) dst(%arg7 : memref<40xi32, #tpu.memory_space<vmem>>)
        %dma_start3A_129 = arith.constant 0 : i32
        %dma_start3A_130 = arith.constant 0 : i32
        %dma_start3A_131 = tpu.memref_slice %arg24[%dma_start3A_129, %dma_start3A_130] : memref<10000x128xf32, #tpu.memory_space<vmem_shared>> -> memref<10000x128xf32, #tpu.memory_space<vmem_shared>>
        tpu.enqueue_indirect_dma source(%arg5 : memref<40x128xf32, #tpu.memory_space<vmem>>) target(%dma_start3A_131 : memref<10000x128xf32, #tpu.memory_space<vmem_shared>>) offsets(%arg7 : memref<40xi32, #tpu.memory_space<vmem>>) semaphore(%arg19 : memref<!tpu.dma_semaphore, #tpu.memory_space<semaphore_mem>>) {add = true}
        %ge3A = arith.constant 1 : i32
        %ge3A_132 = arith.cmpi sge, %add3A_80, %ge3A : i32
        %convert_element_type3A_133 = arith.extui %ge3A_132 : i1 to i32
        %cond3A_134 = arith.constant 0 : i32
        %cond3A_135 = arith.cmpi ne, %convert_element_type3A_133, %cond3A_134 : i32
        scf.if %cond3A_135 {
          %dma_wait3A_144 = arith.constant 0 : i32
          %dma_wait3A_145 = arith.constant 0 : i32
          %dma_wait3A_146 = tpu.memref_slice %arg3[%dma_wait3A_144, %dma_wait3A_145] : memref<624x128xf32, #tpu.memory_space<hbm>> -> memref<40x128xf32, #tpu.memory_space<hbm>>
          %dma_wait3A_147 = arith.constant 0 : i32
          %dma_wait3A_148 = arith.constant 0 : i32
          %dma_wait3A_149 = tpu.memref_slice %arg3[%dma_wait3A_147, %dma_wait3A_148] : memref<624x128xf32, #tpu.memory_space<hbm>> -> memref<40x128xf32, #tpu.memory_space<hbm>>
          tpu.wait_dma2 semaphore(%arg18 : memref<!tpu.dma_semaphore, #tpu.memory_space<semaphore_mem>>) src(%dma_wait3A_149 : memref<40x128xf32, #tpu.memory_space<hbm>>) dst(%arg5 : memref<40x128xf32, #tpu.memory_space<vmem>>)
        } else {
        }
        %add3A_136 = arith.constant 6 : i32
        %add3A_137 = arith.addi %add3A_80, %add3A_136 : i32
        %sub3A = arith.constant 1 : i32
        %sub3A_138 = arith.subi %add3A_137, %sub3A : i32
        %lt3A_139 = arith.constant 250 : i32
        %lt3A_140 = arith.cmpi slt, %sub3A_138, %lt3A_139 : i32
        %convert_element_type3A_141 = arith.extui %lt3A_140 : i1 to i32
        %cond3A_142 = arith.constant 0 : i32
        %cond3A_143 = arith.cmpi ne, %convert_element_type3A_141, %cond3A_142 : i32
        scf.if %cond3A_143 {
          %add3A_144 = arith.constant 6 : i32
          %add3A_145 = arith.addi %add3A_80, %add3A_144 : i32
          %sub3A_146 = arith.constant 1 : i32
          %sub3A_147 = arith.subi %add3A_145, %sub3A_146 : i32
          %dma_start3A_148 = arith.constant 0 : i32
          %dma_start3A_149 = tpu.memref_slice %arg2[%add3A, %sub3A_147, %dma_start3A_148] : memref<32x250x40xi32, #tpu.memory_space<hbm>> -> memref<1x1x40xi32, #tpu.memory_space<hbm>>
          %dma_start3A_150 = tpu.memref_squeeze %dma_start3A_149 : memref<1x1x40xi32, #tpu.memory_space<hbm>> -> memref<40xi32, #tpu.memory_space<hbm>>
          %dma_start3A_151 = arith.constant 0 : i32
          %dma_start3A_152 = tpu.memref_slice %arg2[%add3A, %sub3A_147, %dma_start3A_151] : memref<32x250x40xi32, #tpu.memory_space<hbm>> -> memref<1x1x40xi32, #tpu.memory_space<hbm>>
          %dma_start3A_153 = tpu.memref_squeeze %dma_start3A_152 : memref<1x1x40xi32, #tpu.memory_space<hbm>> -> memref<40xi32, #tpu.memory_space<hbm>>
          tpu.enqueue_dma source(%dma_start3A_153 : memref<40xi32, #tpu.memory_space<hbm>>) target(%arg6 : memref<40xi32, #tpu.memory_space<vmem>>) target_semaphore(%arg12 : memref<!tpu.dma_semaphore, #tpu.memory_space<semaphore_mem>>)
        } else {
        }
      } else {
      }
      %mul3A_86 = arith.constant 6 : i32
      %mul3A_87 = arith.muli %mul3A_86, %scan3A_68 : i32
      %add3A_88 = arith.constant 2 : i32
      %add3A_89 = arith.addi %mul3A_87, %add3A_88 : i32
      %lt3A_90 = arith.constant 250 : i32
      %lt3A_91 = arith.cmpi slt, %add3A_89, %lt3A_90 : i32
      %convert_element_type3A_92 = arith.extui %lt3A_91 : i1 to i32
      %cond3A_93 = arith.constant 0 : i32
      %cond3A_94 = arith.cmpi ne, %convert_element_type3A_92, %cond3A_93 : i32
      scf.if %cond3A_94 {
        %dma_wait3A_122 = arith.constant 0 : i32
        %dma_wait3A_123 = arith.constant 0 : i32
        %dma_wait3A_124 = tpu.memref_slice %arg2[%add3A, %dma_wait3A_122, %dma_wait3A_123] : memref<32x250x40xi32, #tpu.memory_space<hbm>> -> memref<1x1x40xi32, #tpu.memory_space<hbm>>
        %dma_wait3A_125 = tpu.memref_squeeze %dma_wait3A_124 : memref<1x1x40xi32, #tpu.memory_space<hbm>> -> memref<40xi32, #tpu.memory_space<hbm>>
        %dma_wait3A_126 = arith.constant 0 : i32
        %dma_wait3A_127 = tpu.memref_slice %arg2[%add3A, %dma_wait3A_122, %dma_wait3A_126] : memref<32x250x40xi32, #tpu.memory_space<hbm>> -> memref<1x1x40xi32, #tpu.memory_space<hbm>>
        %dma_wait3A_128 = tpu.memref_squeeze %dma_wait3A_127 : memref<1x1x40xi32, #tpu.memory_space<hbm>> -> memref<40xi32, #tpu.memory_space<hbm>>
        tpu.wait_dma2 semaphore(%arg14 : memref<!tpu.dma_semaphore, #tpu.memory_space<semaphore_mem>>) src(%dma_wait3A_128 : memref<40xi32, #tpu.memory_space<hbm>>) dst(%arg8 : memref<40xi32, #tpu.memory_space<vmem>>)
        %dma_start3A_129 = arith.constant 0 : i32
        %dma_start3A_130 = arith.constant 0 : i32
        %dma_start3A_131 = tpu.memref_slice %arg24[%dma_start3A_129, %dma_start3A_130] : memref<10000x128xf32, #tpu.memory_space<vmem_shared>> -> memref<10000x128xf32, #tpu.memory_space<vmem_shared>>
        tpu.enqueue_indirect_dma source(%arg5 : memref<40x128xf32, #tpu.memory_space<vmem>>) target(%dma_start3A_131 : memref<10000x128xf32, #tpu.memory_space<vmem_shared>>) offsets(%arg8 : memref<40xi32, #tpu.memory_space<vmem>>) semaphore(%arg20 : memref<!tpu.dma_semaphore, #tpu.memory_space<semaphore_mem>>) {add = true}
        %ge3A = arith.constant 1 : i32
        %ge3A_132 = arith.cmpi sge, %add3A_89, %ge3A : i32
        %convert_element_type3A_133 = arith.extui %ge3A_132 : i1 to i32
        %cond3A_134 = arith.constant 0 : i32
        %cond3A_135 = arith.cmpi ne, %convert_element_type3A_133, %cond3A_134 : i32
        scf.if %cond3A_135 {
          %dma_wait3A_144 = arith.constant 0 : i32
          %dma_wait3A_145 = arith.constant 0 : i32
          %dma_wait3A_146 = tpu.memref_slice %arg3[%dma_wait3A_144, %dma_wait3A_145] : memref<624x128xf32, #tpu.memory_space<hbm>> -> memref<40x128xf32, #tpu.memory_space<hbm>>
          %dma_wait3A_147 = arith.constant 0 : i32
          %dma_wait3A_148 = arith.constant 0 : i32
          %dma_wait3A_149 = tpu.memref_slice %arg3[%dma_wait3A_147, %dma_wait3A_148] : memref<624x128xf32, #tpu.memory_space<hbm>> -> memref<40x128xf32, #tpu.memory_space<hbm>>
          tpu.wait_dma2 semaphore(%arg19 : memref<!tpu.dma_semaphore, #tpu.memory_space<semaphore_mem>>) src(%dma_wait3A_149 : memref<40x128xf32, #tpu.memory_space<hbm>>) dst(%arg5 : memref<40x128xf32, #tpu.memory_space<vmem>>)
        } else {
        }
        %add3A_136 = arith.constant 6 : i32
        %add3A_137 = arith.addi %add3A_89, %add3A_136 : i32
        %sub3A = arith.constant 1 : i32
        %sub3A_138 = arith.subi %add3A_137, %sub3A : i32
        %lt3A_139 = arith.constant 250 : i32
        %lt3A_140 = arith.cmpi slt, %sub3A_138, %lt3A_139 : i32
        %convert_element_type3A_141 = arith.extui %lt3A_140 : i1 to i32
        %cond3A_142 = arith.constant 0 : i32
        %cond3A_143 = arith.cmpi ne, %convert_element_type3A_141, %cond3A_142 : i32
        scf.if %cond3A_143 {
          %add3A_144 = arith.constant 6 : i32
          %add3A_145 = arith.addi %add3A_89, %add3A_144 : i32
          %sub3A_146 = arith.constant 1 : i32
          %sub3A_147 = arith.subi %add3A_145, %sub3A_146 : i32
          %dma_start3A_148 = arith.constant 0 : i32
          %dma_start3A_149 = tpu.memref_slice %arg2[%add3A, %sub3A_147, %dma_start3A_148] : memref<32x250x40xi32, #tpu.memory_space<hbm>> -> memref<1x1x40xi32, #tpu.memory_space<hbm>>
          %dma_start3A_150 = tpu.memref_squeeze %dma_start3A_149 : memref<1x1x40xi32, #tpu.memory_space<hbm>> -> memref<40xi32, #tpu.memory_space<hbm>>
          %dma_start3A_151 = arith.constant 0 : i32
          %dma_start3A_152 = tpu.memref_slice %arg2[%add3A, %sub3A_147, %dma_start3A_151] : memref<32x250x40xi32, #tpu.memory_space<hbm>> -> memref<1x1x40xi32, #tpu.memory_space<hbm>>
          %dma_start3A_153 = tpu.memref_squeeze %dma_start3A_152 : memref<1x1x40xi32, #tpu.memory_space<hbm>> -> memref<40xi32, #tpu.memory_space<hbm>>
          tpu.enqueue_dma source(%dma_start3A_153 : memref<40xi32, #tpu.memory_space<hbm>>) target(%arg7 : memref<40xi32, #tpu.memory_space<vmem>>) target_semaphore(%arg13 : memref<!tpu.dma_semaphore, #tpu.memory_space<semaphore_mem>>)
        } else {
        }
      } else {
      }
      %mul3A_95 = arith.constant 6 : i32
      %mul3A_96 = arith.muli %mul3A_95, %scan3A_68 : i32
      %add3A_97 = arith.constant 3 : i32
      %add3A_98 = arith.addi %mul3A_96, %add3A_97 : i32
      %lt3A_99 = arith.constant 250 : i32
      %lt3A_100 = arith.cmpi slt, %add3A_98, %lt3A_99 : i32
      %convert_element_type3A_101 = arith.extui %lt3A_100 : i1 to i32
      %cond3A_102 = arith.constant 0 : i32
      %cond3A_103 = arith.cmpi ne, %convert_element_type3A_101, %cond3A_102 : i32
      scf.if %cond3A_103 {
        %dma_wait3A_122 = arith.constant 0 : i32
        %dma_wait3A_123 = arith.constant 0 : i32
        %dma_wait3A_124 = tpu.memref_slice %arg2[%add3A, %dma_wait3A_122, %dma_wait3A_123] : memref<32x250x40xi32, #tpu.memory_space<hbm>> -> memref<1x1x40xi32, #tpu.memory_space<hbm>>
        %dma_wait3A_125 = tpu.memref_squeeze %dma_wait3A_124 : memref<1x1x40xi32, #tpu.memory_space<hbm>> -> memref<40xi32, #tpu.memory_space<hbm>>
        %dma_wait3A_126 = arith.constant 0 : i32
        %dma_wait3A_127 = tpu.memref_slice %arg2[%add3A, %dma_wait3A_122, %dma_wait3A_126] : memref<32x250x40xi32, #tpu.memory_space<hbm>> -> memref<1x1x40xi32, #tpu.memory_space<hbm>>
        %dma_wait3A_128 = tpu.memref_squeeze %dma_wait3A_127 : memref<1x1x40xi32, #tpu.memory_space<hbm>> -> memref<40xi32, #tpu.memory_space<hbm>>
        tpu.wait_dma2 semaphore(%arg15 : memref<!tpu.dma_semaphore, #tpu.memory_space<semaphore_mem>>) src(%dma_wait3A_128 : memref<40xi32, #tpu.memory_space<hbm>>) dst(%arg9 : memref<40xi32, #tpu.memory_space<vmem>>)
        %dma_start3A_129 = arith.constant 0 : i32
        %dma_start3A_130 = arith.constant 0 : i32
        %dma_start3A_131 = tpu.memref_slice %arg24[%dma_start3A_129, %dma_start3A_130] : memref<10000x128xf32, #tpu.memory_space<vmem_shared>> -> memref<10000x128xf32, #tpu.memory_space<vmem_shared>>
        tpu.enqueue_indirect_dma source(%arg5 : memref<40x128xf32, #tpu.memory_space<vmem>>) target(%dma_start3A_131 : memref<10000x128xf32, #tpu.memory_space<vmem_shared>>) offsets(%arg9 : memref<40xi32, #tpu.memory_space<vmem>>) semaphore(%arg21 : memref<!tpu.dma_semaphore, #tpu.memory_space<semaphore_mem>>) {add = true}
        %ge3A = arith.constant 1 : i32
        %ge3A_132 = arith.cmpi sge, %add3A_98, %ge3A : i32
        %convert_element_type3A_133 = arith.extui %ge3A_132 : i1 to i32
        %cond3A_134 = arith.constant 0 : i32
        %cond3A_135 = arith.cmpi ne, %convert_element_type3A_133, %cond3A_134 : i32
        scf.if %cond3A_135 {
          %dma_wait3A_144 = arith.constant 0 : i32
          %dma_wait3A_145 = arith.constant 0 : i32
          %dma_wait3A_146 = tpu.memref_slice %arg3[%dma_wait3A_144, %dma_wait3A_145] : memref<624x128xf32, #tpu.memory_space<hbm>> -> memref<40x128xf32, #tpu.memory_space<hbm>>
          %dma_wait3A_147 = arith.constant 0 : i32
          %dma_wait3A_148 = arith.constant 0 : i32
          %dma_wait3A_149 = tpu.memref_slice %arg3[%dma_wait3A_147, %dma_wait3A_148] : memref<624x128xf32, #tpu.memory_space<hbm>> -> memref<40x128xf32, #tpu.memory_space<hbm>>
          tpu.wait_dma2 semaphore(%arg20 : memref<!tpu.dma_semaphore, #tpu.memory_space<semaphore_mem>>) src(%dma_wait3A_149 : memref<40x128xf32, #tpu.memory_space<hbm>>) dst(%arg5 : memref<40x128xf32, #tpu.memory_space<vmem>>)
        } else {
        }
        %add3A_136 = arith.constant 6 : i32
        %add3A_137 = arith.addi %add3A_98, %add3A_136 : i32
        %sub3A = arith.constant 1 : i32
        %sub3A_138 = arith.subi %add3A_137, %sub3A : i32
        %lt3A_139 = arith.constant 250 : i32
        %lt3A_140 = arith.cmpi slt, %sub3A_138, %lt3A_139 : i32
        %convert_element_type3A_141 = arith.extui %lt3A_140 : i1 to i32
        %cond3A_142 = arith.constant 0 : i32
        %cond3A_143 = arith.cmpi ne, %convert_element_type3A_141, %cond3A_142 : i32
        scf.if %cond3A_143 {
          %add3A_144 = arith.constant 6 : i32
          %add3A_145 = arith.addi %add3A_98, %add3A_144 : i32
          %sub3A_146 = arith.constant 1 : i32
          %sub3A_147 = arith.subi %add3A_145, %sub3A_146 : i32
          %dma_start3A_148 = arith.constant 0 : i32
          %dma_start3A_149 = tpu.memref_slice %arg2[%add3A, %sub3A_147, %dma_start3A_148] : memref<32x250x40xi32, #tpu.memory_space<hbm>> -> memref<1x1x40xi32, #tpu.memory_space<hbm>>
          %dma_start3A_150 = tpu.memref_squeeze %dma_start3A_149 : memref<1x1x40xi32, #tpu.memory_space<hbm>> -> memref<40xi32, #tpu.memory_space<hbm>>
          %dma_start3A_151 = arith.constant 0 : i32
          %dma_start3A_152 = tpu.memref_slice %arg2[%add3A, %sub3A_147, %dma_start3A_151] : memref<32x250x40xi32, #tpu.memory_space<hbm>> -> memref<1x1x40xi32, #tpu.memory_space<hbm>>
          %dma_start3A_153 = tpu.memref_squeeze %dma_start3A_152 : memref<1x1x40xi32, #tpu.memory_space<hbm>> -> memref<40xi32, #tpu.memory_space<hbm>>
          tpu.enqueue_dma source(%dma_start3A_153 : memref<40xi32, #tpu.memory_space<hbm>>) target(%arg8 : memref<40xi32, #tpu.memory_space<vmem>>) target_semaphore(%arg14 : memref<!tpu.dma_semaphore, #tpu.memory_space<semaphore_mem>>)
        } else {
        }
      } else {
      }
      %mul3A_104 = arith.constant 6 : i32
      %mul3A_105 = arith.muli %mul3A_104, %scan3A_68 : i32
      %add3A_106 = arith.constant 4 : i32
      %add3A_107 = arith.addi %mul3A_105, %add3A_106 : i32
      %lt3A_108 = arith.constant 250 : i32
      %lt3A_109 = arith.cmpi slt, %add3A_107, %lt3A_108 : i32
      %convert_element_type3A_110 = arith.extui %lt3A_109 : i1 to i32
      %cond3A_111 = arith.constant 0 : i32
      %cond3A_112 = arith.cmpi ne, %convert_element_type3A_110, %cond3A_111 : i32
      scf.if %cond3A_112 {
        %dma_wait3A_122 = arith.constant 0 : i32
        %dma_wait3A_123 = arith.constant 0 : i32
        %dma_wait3A_124 = tpu.memref_slice %arg2[%add3A, %dma_wait3A_122, %dma_wait3A_123] : memref<32x250x40xi32, #tpu.memory_space<hbm>> -> memref<1x1x40xi32, #tpu.memory_space<hbm>>
        %dma_wait3A_125 = tpu.memref_squeeze %dma_wait3A_124 : memref<1x1x40xi32, #tpu.memory_space<hbm>> -> memref<40xi32, #tpu.memory_space<hbm>>
        %dma_wait3A_126 = arith.constant 0 : i32
        %dma_wait3A_127 = tpu.memref_slice %arg2[%add3A, %dma_wait3A_122, %dma_wait3A_126] : memref<32x250x40xi32, #tpu.memory_space<hbm>> -> memref<1x1x40xi32, #tpu.memory_space<hbm>>
        %dma_wait3A_128 = tpu.memref_squeeze %dma_wait3A_127 : memref<1x1x40xi32, #tpu.memory_space<hbm>> -> memref<40xi32, #tpu.memory_space<hbm>>
        tpu.wait_dma2 semaphore(%arg16 : memref<!tpu.dma_semaphore, #tpu.memory_space<semaphore_mem>>) src(%dma_wait3A_128 : memref<40xi32, #tpu.memory_space<hbm>>) dst(%arg10 : memref<40xi32, #tpu.memory_space<vmem>>)
        %dma_start3A_129 = arith.constant 0 : i32
        %dma_start3A_130 = arith.constant 0 : i32
        %dma_start3A_131 = tpu.memref_slice %arg24[%dma_start3A_129, %dma_start3A_130] : memref<10000x128xf32, #tpu.memory_space<vmem_shared>> -> memref<10000x128xf32, #tpu.memory_space<vmem_shared>>
        tpu.enqueue_indirect_dma source(%arg5 : memref<40x128xf32, #tpu.memory_space<vmem>>) target(%dma_start3A_131 : memref<10000x128xf32, #tpu.memory_space<vmem_shared>>) offsets(%arg10 : memref<40xi32, #tpu.memory_space<vmem>>) semaphore(%arg22 : memref<!tpu.dma_semaphore, #tpu.memory_space<semaphore_mem>>) {add = true}
        %ge3A = arith.constant 1 : i32
        %ge3A_132 = arith.cmpi sge, %add3A_107, %ge3A : i32
        %convert_element_type3A_133 = arith.extui %ge3A_132 : i1 to i32
        %cond3A_134 = arith.constant 0 : i32
        %cond3A_135 = arith.cmpi ne, %convert_element_type3A_133, %cond3A_134 : i32
        scf.if %cond3A_135 {
          %dma_wait3A_144 = arith.constant 0 : i32
          %dma_wait3A_145 = arith.constant 0 : i32
          %dma_wait3A_146 = tpu.memref_slice %arg3[%dma_wait3A_144, %dma_wait3A_145] : memref<624x128xf32, #tpu.memory_space<hbm>> -> memref<40x128xf32, #tpu.memory_space<hbm>>
          %dma_wait3A_147 = arith.constant 0 : i32
          %dma_wait3A_148 = arith.constant 0 : i32
          %dma_wait3A_149 = tpu.memref_slice %arg3[%dma_wait3A_147, %dma_wait3A_148] : memref<624x128xf32, #tpu.memory_space<hbm>> -> memref<40x128xf32, #tpu.memory_space<hbm>>
          tpu.wait_dma2 semaphore(%arg21 : memref<!tpu.dma_semaphore, #tpu.memory_space<semaphore_mem>>) src(%dma_wait3A_149 : memref<40x128xf32, #tpu.memory_space<hbm>>) dst(%arg5 : memref<40x128xf32, #tpu.memory_space<vmem>>)
        } else {
        }
        %add3A_136 = arith.constant 6 : i32
        %add3A_137 = arith.addi %add3A_107, %add3A_136 : i32
        %sub3A = arith.constant 1 : i32
        %sub3A_138 = arith.subi %add3A_137, %sub3A : i32
        %lt3A_139 = arith.constant 250 : i32
        %lt3A_140 = arith.cmpi slt, %sub3A_138, %lt3A_139 : i32
        %convert_element_type3A_141 = arith.extui %lt3A_140 : i1 to i32
        %cond3A_142 = arith.constant 0 : i32
        %cond3A_143 = arith.cmpi ne, %convert_element_type3A_141, %cond3A_142 : i32
        scf.if %cond3A_143 {
          %add3A_144 = arith.constant 6 : i32
          %add3A_145 = arith.addi %add3A_107, %add3A_144 : i32
          %sub3A_146 = arith.constant 1 : i32
          %sub3A_147 = arith.subi %add3A_145, %sub3A_146 : i32
          %dma_start3A_148 = arith.constant 0 : i32
          %dma_start3A_149 = tpu.memref_slice %arg2[%add3A, %sub3A_147, %dma_start3A_148] : memref<32x250x40xi32, #tpu.memory_space<hbm>> -> memref<1x1x40xi32, #tpu.memory_space<hbm>>
          %dma_start3A_150 = tpu.memref_squeeze %dma_start3A_149 : memref<1x1x40xi32, #tpu.memory_space<hbm>> -> memref<40xi32, #tpu.memory_space<hbm>>
          %dma_start3A_151 = arith.constant 0 : i32
          %dma_start3A_152 = tpu.memref_slice %arg2[%add3A, %sub3A_147, %dma_start3A_151] : memref<32x250x40xi32, #tpu.memory_space<hbm>> -> memref<1x1x40xi32, #tpu.memory_space<hbm>>
          %dma_start3A_153 = tpu.memref_squeeze %dma_start3A_152 : memref<1x1x40xi32, #tpu.memory_space<hbm>> -> memref<40xi32, #tpu.memory_space<hbm>>
          tpu.enqueue_dma source(%dma_start3A_153 : memref<40xi32, #tpu.memory_space<hbm>>) target(%arg9 : memref<40xi32, #tpu.memory_space<vmem>>) target_semaphore(%arg15 : memref<!tpu.dma_semaphore, #tpu.memory_space<semaphore_mem>>)
        } else {
        }
      } else {
      }
      %mul3A_113 = arith.constant 6 : i32
      %mul3A_114 = arith.muli %mul3A_113, %scan3A_68 : i32
      %add3A_115 = arith.constant 5 : i32
      %add3A_116 = arith.addi %mul3A_114, %add3A_115 : i32
      %lt3A_117 = arith.constant 250 : i32
      %lt3A_118 = arith.cmpi slt, %add3A_116, %lt3A_117 : i32
      %convert_element_type3A_119 = arith.extui %lt3A_118 : i1 to i32
      %cond3A_120 = arith.constant 0 : i32
      %cond3A_121 = arith.cmpi ne, %convert_element_type3A_119, %cond3A_120 : i32
      scf.if %cond3A_121 {
        %dma_wait3A_122 = arith.constant 0 : i32
        %dma_wait3A_123 = arith.constant 0 : i32
        %dma_wait3A_124 = tpu.memref_slice %arg2[%add3A, %dma_wait3A_122, %dma_wait3A_123] : memref<32x250x40xi32, #tpu.memory_space<hbm>> -> memref<1x1x40xi32, #tpu.memory_space<hbm>>
        %dma_wait3A_125 = tpu.memref_squeeze %dma_wait3A_124 : memref<1x1x40xi32, #tpu.memory_space<hbm>> -> memref<40xi32, #tpu.memory_space<hbm>>
        %dma_wait3A_126 = arith.constant 0 : i32
        %dma_wait3A_127 = tpu.memref_slice %arg2[%add3A, %dma_wait3A_122, %dma_wait3A_126] : memref<32x250x40xi32, #tpu.memory_space<hbm>> -> memref<1x1x40xi32, #tpu.memory_space<hbm>>
        %dma_wait3A_128 = tpu.memref_squeeze %dma_wait3A_127 : memref<1x1x40xi32, #tpu.memory_space<hbm>> -> memref<40xi32, #tpu.memory_space<hbm>>
        tpu.wait_dma2 semaphore(%arg17 : memref<!tpu.dma_semaphore, #tpu.memory_space<semaphore_mem>>) src(%dma_wait3A_128 : memref<40xi32, #tpu.memory_space<hbm>>) dst(%arg11 : memref<40xi32, #tpu.memory_space<vmem>>)
        %dma_start3A_129 = arith.constant 0 : i32
        %dma_start3A_130 = arith.constant 0 : i32
        %dma_start3A_131 = tpu.memref_slice %arg24[%dma_start3A_129, %dma_start3A_130] : memref<10000x128xf32, #tpu.memory_space<vmem_shared>> -> memref<10000x128xf32, #tpu.memory_space<vmem_shared>>
        tpu.enqueue_indirect_dma source(%arg5 : memref<40x128xf32, #tpu.memory_space<vmem>>) target(%dma_start3A_131 : memref<10000x128xf32, #tpu.memory_space<vmem_shared>>) offsets(%arg11 : memref<40xi32, #tpu.memory_space<vmem>>) semaphore(%arg23 : memref<!tpu.dma_semaphore, #tpu.memory_space<semaphore_mem>>) {add = true}
        %ge3A = arith.constant 1 : i32
        %ge3A_132 = arith.cmpi sge, %add3A_116, %ge3A : i32
        %convert_element_type3A_133 = arith.extui %ge3A_132 : i1 to i32
        %cond3A_134 = arith.constant 0 : i32
        %cond3A_135 = arith.cmpi ne, %convert_element_type3A_133, %cond3A_134 : i32
        scf.if %cond3A_135 {
          %dma_wait3A_144 = arith.constant 0 : i32
          %dma_wait3A_145 = arith.constant 0 : i32
          %dma_wait3A_146 = tpu.memref_slice %arg3[%dma_wait3A_144, %dma_wait3A_145] : memref<624x128xf32, #tpu.memory_space<hbm>> -> memref<40x128xf32, #tpu.memory_space<hbm>>
          %dma_wait3A_147 = arith.constant 0 : i32
          %dma_wait3A_148 = arith.constant 0 : i32
          %dma_wait3A_149 = tpu.memref_slice %arg3[%dma_wait3A_147, %dma_wait3A_148] : memref<624x128xf32, #tpu.memory_space<hbm>> -> memref<40x128xf32, #tpu.memory_space<hbm>>
          tpu.wait_dma2 semaphore(%arg22 : memref<!tpu.dma_semaphore, #tpu.memory_space<semaphore_mem>>) src(%dma_wait3A_149 : memref<40x128xf32, #tpu.memory_space<hbm>>) dst(%arg5 : memref<40x128xf32, #tpu.memory_space<vmem>>)
        } else {
        }
        %add3A_136 = arith.constant 6 : i32
        %add3A_137 = arith.addi %add3A_116, %add3A_136 : i32
        %sub3A = arith.constant 1 : i32
        %sub3A_138 = arith.subi %add3A_137, %sub3A : i32
        %lt3A_139 = arith.constant 250 : i32
        %lt3A_140 = arith.cmpi slt, %sub3A_138, %lt3A_139 : i32
        %convert_element_type3A_141 = arith.extui %lt3A_140 : i1 to i32
        %cond3A_142 = arith.constant 0 : i32
        %cond3A_143 = arith.cmpi ne, %convert_element_type3A_141, %cond3A_142 : i32
        scf.if %cond3A_143 {
          %add3A_144 = arith.constant 6 : i32
          %add3A_145 = arith.addi %add3A_116, %add3A_144 : i32
          %sub3A_146 = arith.constant 1 : i32
          %sub3A_147 = arith.subi %add3A_145, %sub3A_146 : i32
          %dma_start3A_148 = arith.constant 0 : i32
          %dma_start3A_149 = tpu.memref_slice %arg2[%add3A, %sub3A_147, %dma_start3A_148] : memref<32x250x40xi32, #tpu.memory_space<hbm>> -> memref<1x1x40xi32, #tpu.memory_space<hbm>>
          %dma_start3A_150 = tpu.memref_squeeze %dma_start3A_149 : memref<1x1x40xi32, #tpu.memory_space<hbm>> -> memref<40xi32, #tpu.memory_space<hbm>>
          %dma_start3A_151 = arith.constant 0 : i32
          %dma_start3A_152 = tpu.memref_slice %arg2[%add3A, %sub3A_147, %dma_start3A_151] : memref<32x250x40xi32, #tpu.memory_space<hbm>> -> memref<1x1x40xi32, #tpu.memory_space<hbm>>
          %dma_start3A_153 = tpu.memref_squeeze %dma_start3A_152 : memref<1x1x40xi32, #tpu.memory_space<hbm>> -> memref<40xi32, #tpu.memory_space<hbm>>
          tpu.enqueue_dma source(%dma_start3A_153 : memref<40xi32, #tpu.memory_space<hbm>>) target(%arg10 : memref<40xi32, #tpu.memory_space<vmem>>) target_semaphore(%arg16 : memref<!tpu.dma_semaphore, #tpu.memory_space<semaphore_mem>>)
        } else {
        }
      } else {
      }
    }
    %scan3A_56 = arith.constant 42 : i32
    %dma_wait3A = arith.constant 0 : i32
    %dma_wait3A_57 = arith.constant 0 : i32
    %dma_wait3A_58 = tpu.memref_slice %arg3[%dma_wait3A, %dma_wait3A_57] : memref<624x128xf32, #tpu.memory_space<hbm>> -> memref<40x128xf32, #tpu.memory_space<hbm>>
    %dma_wait3A_59 = arith.constant 0 : i32
    %dma_wait3A_60 = arith.constant 0 : i32
    %dma_wait3A_61 = tpu.memref_slice %arg3[%dma_wait3A_59, %dma_wait3A_60] : memref<624x128xf32, #tpu.memory_space<hbm>> -> memref<40x128xf32, #tpu.memory_space<hbm>>
    tpu.wait_dma2 semaphore(%arg21 : memref<!tpu.dma_semaphore, #tpu.memory_space<semaphore_mem>>) src(%dma_wait3A_61 : memref<40x128xf32, #tpu.memory_space<hbm>>) dst(%arg5 : memref<40x128xf32, #tpu.memory_space<vmem>>)
    %barrier3A_62 = arith.constant 0 : index
    tpu.barrier barrier_id(%barrier3A_62)
    "tpu.region"() ({
      %run_scoped3A = tpu.sem_alloc : memref<!tpu.dma_semaphore, #tpu.memory_space<semaphore_mem>>
      %dma_start3A_68 = arith.constant 0 : i32
      %dma_start3A_69 = tpu.memref_slice %arg4[%arg0, %mul3A_2, %dma_start3A_68] : memref<2x10000x128xf32, #tpu.memory_space<hbm>> -> memref<1x624x128xf32, #tpu.memory_space<hbm>>
      %dma_start3A_70 = tpu.memref_squeeze %dma_start3A_69 : memref<1x624x128xf32, #tpu.memory_space<hbm>> -> memref<624x128xf32, #tpu.memory_space<hbm>>
      %dma_start3A_71 = arith.constant 0 : i32
      %dma_start3A_72 = tpu.memref_slice %arg24[%mul3A_2, %dma_start3A_71] : memref<10000x128xf32, #tpu.memory_space<vmem_shared>> -> memref<624x128xf32, #tpu.memory_space<vmem_shared>>
      tpu.enqueue_dma source(%dma_start3A_72 : memref<624x128xf32, #tpu.memory_space<vmem_shared>>) target(%dma_start3A_70 : memref<624x128xf32, #tpu.memory_space<hbm>>) target_semaphore(%run_scoped3A : memref<!tpu.dma_semaphore, #tpu.memory_space<semaphore_mem>>)
      %dma_wait3A_73 = arith.constant 0 : i32
      %dma_wait3A_74 = tpu.memref_slice %arg4[%arg0, %mul3A_2, %dma_wait3A_73] : memref<2x10000x128xf32, #tpu.memory_space<hbm>> -> memref<1x624x128xf32, #tpu.memory_space<hbm>>
      %dma_wait3A_75 = tpu.memref_squeeze %dma_wait3A_74 : memref<1x624x128xf32, #tpu.memory_space<hbm>> -> memref<624x128xf32, #tpu.memory_space<hbm>>
      %dma_wait3A_76 = arith.constant 0 : i32
      %dma_wait3A_77 = tpu.memref_slice %arg24[%mul3A_2, %dma_wait3A_76] : memref<10000x128xf32, #tpu.memory_space<vmem_shared>> -> memref<624x128xf32, #tpu.memory_space<vmem_shared>>
      tpu.wait_dma2 semaphore(%run_scoped3A : memref<!tpu.dma_semaphore, #tpu.memory_space<semaphore_mem>>) src(%dma_wait3A_77 : memref<624x128xf32, #tpu.memory_space<vmem_shared>>) dst(%dma_wait3A_75 : memref<624x128xf32, #tpu.memory_space<hbm>>)
      tpu.yield
    }) : () -> ()
    %eq3A_63 = arith.constant 15 : i32
    %eq3A_64 = arith.cmpi eq, %arg1, %eq3A_63 : i32
    %convert_element_type3A_65 = arith.extui %eq3A_64 : i1 to i32
    %cond3A_66 = arith.constant 0 : i32
    %cond3A_67 = arith.cmpi ne, %convert_element_type3A_65, %cond3A_66 : i32
    scf.if %cond3A_67 {
      "tpu.region"() ({
        %run_scoped3A = tpu.sem_alloc : memref<!tpu.dma_semaphore, #tpu.memory_space<semaphore_mem>>
        %dma_start3A_68 = arith.constant 9984 : i32
        %dma_start3A_69 = arith.constant 0 : i32
        %dma_start3A_70 = tpu.memref_slice %arg4[%arg0, %dma_start3A_68, %dma_start3A_69] : memref<2x10000x128xf32, #tpu.memory_space<hbm>> -> memref<1x16x128xf32, #tpu.memory_space<hbm>>
        %dma_start3A_71 = tpu.memref_squeeze %dma_start3A_70 : memref<1x16x128xf32, #tpu.memory_space<hbm>> -> memref<16x128xf32, #tpu.memory_space<hbm>>
        %dma_start3A_72 = arith.constant 9984 : i32
        %dma_start3A_73 = arith.constant 0 : i32
        %dma_start3A_74 = tpu.memref_slice %arg24[%dma_start3A_72, %dma_start3A_73] : memref<10000x128xf32, #tpu.memory_space<vmem_shared>> -> memref<16x128xf32, #tpu.memory_space<vmem_shared>>
        tpu.enqueue_dma source(%dma_start3A_74 : memref<16x128xf32, #tpu.memory_space<vmem_shared>>) target(%dma_start3A_71 : memref<16x128xf32, #tpu.memory_space<hbm>>) target_semaphore(%run_scoped3A : memref<!tpu.dma_semaphore, #tpu.memory_space<semaphore_mem>>)
        %dma_wait3A_75 = arith.constant 9984 : i32
        %dma_wait3A_76 = arith.constant 0 : i32
        %dma_wait3A_77 = tpu.memref_slice %arg4[%arg0, %dma_wait3A_75, %dma_wait3A_76] : memref<2x10000x128xf32, #tpu.memory_space<hbm>> -> memref<1x16x128xf32, #tpu.memory_space<hbm>>
        %dma_wait3A_78 = tpu.memref_squeeze %dma_wait3A_77 : memref<1x16x128xf32, #tpu.memory_space<hbm>> -> memref<16x128xf32, #tpu.memory_space<hbm>>
        %dma_wait3A_79 = arith.constant 9984 : i32
        %dma_wait3A_80 = arith.constant 0 : i32
        %dma_wait3A_81 = tpu.memref_slice %arg24[%dma_wait3A_79, %dma_wait3A_80] : memref<10000x128xf32, #tpu.memory_space<vmem_shared>> -> memref<16x128xf32, #tpu.memory_space<vmem_shared>>
        tpu.wait_dma2 semaphore(%run_scoped3A : memref<!tpu.dma_semaphore, #tpu.memory_space<semaphore_mem>>) src(%dma_wait3A_81 : memref<16x128xf32, #tpu.memory_space<vmem_shared>>) dst(%dma_wait3A_78 : memref<16x128xf32, #tpu.memory_space<hbm>>)
        tpu.yield
      }) : () -> ()
    } else {
    }
    return
  }
}

#map = affine_map<(d0, d1) -> (0, 0)>
#map1 = affine_map<(d0, d1) -> (0, 0, 0)>
module attributes {stable_mosaic.version = 14 : i64} {
  func.func @sc_agg(%arg0: i32, %arg1: i32, %arg2: memref<10000x128xf32, #tpu.memory_space<hbm>>, %arg3: memref<32x250x40xi32, #tpu.memory_space<hbm>>, %arg4: memref<32x250x40xi32, #tpu.memory_space<hbm>>, %arg5: memref<624x128xf32, #tpu.memory_space<hbm>>, %arg6: memref<2x10000x128xf32, #tpu.memory_space<hbm>>, %arg7: memref<40xi32, #tpu.memory_space<vmem>>, %arg8: memref<40xi32, #tpu.memory_space<vmem>>, %arg9: memref<40xi32, #tpu.memory_space<vmem>>, %arg10: memref<40xi32, #tpu.memory_space<vmem>>, %arg11: memref<40xi32, #tpu.memory_space<vmem>>, %arg12: memref<40xi32, #tpu.memory_space<vmem>>, %arg13: memref<40xi32, #tpu.memory_space<vmem>>, %arg14: memref<40xi32, #tpu.memory_space<vmem>>, %arg15: memref<40xi32, #tpu.memory_space<vmem>>, %arg16: memref<40xi32, #tpu.memory_space<vmem>>, %arg17: memref<40xi32, #tpu.memory_space<vmem>>, %arg18: memref<40xi32, #tpu.memory_space<vmem>>, %arg19: memref<40x128xf32, #tpu.memory_space<vmem>>, %arg20: memref<40x128xf32, #tpu.memory_space<vmem>>, %arg21: memref<40x128xf32, #tpu.memory_space<vmem>>, %arg22: memref<40x128xf32, #tpu.memory_space<vmem>>, %arg23: memref<40x128xf32, #tpu.memory_space<vmem>>, %arg24: memref<40x128xf32, #tpu.memory_space<vmem>>, %arg25: memref<!tpu.dma_semaphore, #tpu.memory_space<semaphore_mem>>, %arg26: memref<!tpu.dma_semaphore, #tpu.memory_space<semaphore_mem>>, %arg27: memref<!tpu.dma_semaphore, #tpu.memory_space<semaphore_mem>>, %arg28: memref<!tpu.dma_semaphore, #tpu.memory_space<semaphore_mem>>, %arg29: memref<!tpu.dma_semaphore, #tpu.memory_space<semaphore_mem>>, %arg30: memref<!tpu.dma_semaphore, #tpu.memory_space<semaphore_mem>>, %arg31: memref<!tpu.dma_semaphore, #tpu.memory_space<semaphore_mem>>, %arg32: memref<!tpu.dma_semaphore, #tpu.memory_space<semaphore_mem>>, %arg33: memref<!tpu.dma_semaphore, #tpu.memory_space<semaphore_mem>>, %arg34: memref<!tpu.dma_semaphore, #tpu.memory_space<semaphore_mem>>, %arg35: memref<!tpu.dma_semaphore, #tpu.memory_space<semaphore_mem>>, %arg36: memref<!tpu.dma_semaphore, #tpu.memory_space<semaphore_mem>>, %arg37: memref<10000x128xf32, #tpu.memory_space<vmem_shared>>) attributes {dimension_semantics = [#tpu.dimension_semantics<core_parallel>, #tpu.dimension_semantics<subcore_parallel>], iteration_bounds = array<i64: 2, 16>, scalar_prefetch = 0 : i64, scratch_operands = 31 : i64, tpu.core_type = #tpu.core_type<sc_vector_subcore>, window_params = [{transform_indices = #map}, {transform_indices = #map1}, {transform_indices = #map1}, {transform_indices = #map}, {transform_indices = #map1}]} {
    %mul3A = arith.constant 2 : i32
    %mul3A_0 = arith.muli %arg1, %mul3A : i32
    %add3A = arith.addi %mul3A_0, %arg0 : i32
    %mul3A_1 = arith.constant 624 : i32
    %mul3A_2 = arith.muli %arg1, %mul3A_1 : i32
    "tpu.region"() ({
      %run_scoped3A = tpu.sem_alloc : memref<!tpu.dma_semaphore, #tpu.memory_space<semaphore_mem>>
      %dma_start3A_166 = arith.constant 0 : i32
      %dma_start3A_167 = tpu.memref_slice %arg37[%mul3A_2, %dma_start3A_166] : memref<10000x128xf32, #tpu.memory_space<vmem_shared>> -> memref<624x128xf32, #tpu.memory_space<vmem_shared>>
      tpu.enqueue_dma source(%arg5 : memref<624x128xf32, #tpu.memory_space<hbm>>) target(%dma_start3A_167 : memref<624x128xf32, #tpu.memory_space<vmem_shared>>) target_semaphore(%run_scoped3A : memref<!tpu.dma_semaphore, #tpu.memory_space<semaphore_mem>>)
      %dma_wait3A_168 = arith.constant 0 : i32
      %dma_wait3A_169 = tpu.memref_slice %arg37[%mul3A_2, %dma_wait3A_168] : memref<10000x128xf32, #tpu.memory_space<vmem_shared>> -> memref<624x128xf32, #tpu.memory_space<vmem_shared>>
      tpu.wait_dma2 semaphore(%run_scoped3A : memref<!tpu.dma_semaphore, #tpu.memory_space<semaphore_mem>>) src(%arg5 : memref<624x128xf32, #tpu.memory_space<hbm>>) dst(%dma_wait3A_169 : memref<624x128xf32, #tpu.memory_space<vmem_shared>>)
      tpu.yield
    }) : () -> ()
    %eq3A = arith.constant 15 : i32
    %eq3A_3 = arith.cmpi eq, %arg1, %eq3A : i32
    %convert_element_type3A = arith.extui %eq3A_3 : i1 to i32
    %cond3A = arith.constant 0 : i32
    %cond3A_4 = arith.cmpi ne, %convert_element_type3A, %cond3A : i32
    scf.if %cond3A_4 {
      "tpu.region"() ({
        %run_scoped3A = tpu.sem_alloc : memref<!tpu.dma_semaphore, #tpu.memory_space<semaphore_mem>>
        %dma_start3A_166 = arith.constant 9984 : i32
        %dma_start3A_167 = arith.constant 0 : i32
        %dma_start3A_168 = tpu.memref_slice %arg37[%dma_start3A_166, %dma_start3A_167] : memref<10000x128xf32, #tpu.memory_space<vmem_shared>> -> memref<16x128xf32, #tpu.memory_space<vmem_shared>>
        %dma_start3A_169 = arith.constant 0 : i32
        %dma_start3A_170 = arith.constant 0 : i32
        %dma_start3A_171 = tpu.memref_slice %arg5[%dma_start3A_169, %dma_start3A_170] : memref<624x128xf32, #tpu.memory_space<hbm>> -> memref<16x128xf32, #tpu.memory_space<hbm>>
        tpu.enqueue_dma source(%dma_start3A_171 : memref<16x128xf32, #tpu.memory_space<hbm>>) target(%dma_start3A_168 : memref<16x128xf32, #tpu.memory_space<vmem_shared>>) target_semaphore(%run_scoped3A : memref<!tpu.dma_semaphore, #tpu.memory_space<semaphore_mem>>)
        %dma_wait3A_172 = arith.constant 9984 : i32
        %dma_wait3A_173 = arith.constant 0 : i32
        %dma_wait3A_174 = tpu.memref_slice %arg37[%dma_wait3A_172, %dma_wait3A_173] : memref<10000x128xf32, #tpu.memory_space<vmem_shared>> -> memref<16x128xf32, #tpu.memory_space<vmem_shared>>
        %dma_wait3A_175 = arith.constant 0 : i32
        %dma_wait3A_176 = arith.constant 0 : i32
        %dma_wait3A_177 = tpu.memref_slice %arg5[%dma_wait3A_175, %dma_wait3A_176] : memref<624x128xf32, #tpu.memory_space<hbm>> -> memref<16x128xf32, #tpu.memory_space<hbm>>
        tpu.wait_dma2 semaphore(%run_scoped3A : memref<!tpu.dma_semaphore, #tpu.memory_space<semaphore_mem>>) src(%dma_wait3A_177 : memref<16x128xf32, #tpu.memory_space<hbm>>) dst(%dma_wait3A_174 : memref<16x128xf32, #tpu.memory_space<vmem_shared>>)
        tpu.yield
      }) : () -> ()
    } else {
    }
    %barrier3A = arith.constant 0 : index
    tpu.barrier barrier_id(%barrier3A)
    %dma_start3A = arith.constant 0 : i32
    %dma_start3A_5 = arith.constant 0 : i32
    %dma_start3A_6 = tpu.memref_slice %arg3[%add3A, %dma_start3A, %dma_start3A_5] : memref<32x250x40xi32, #tpu.memory_space<hbm>> -> memref<1x1x40xi32, #tpu.memory_space<hbm>>
    %dma_start3A_7 = tpu.memref_squeeze %dma_start3A_6 : memref<1x1x40xi32, #tpu.memory_space<hbm>> -> memref<40xi32, #tpu.memory_space<hbm>>
    %dma_start3A_8 = arith.constant 0 : i32
    %dma_start3A_9 = tpu.memref_slice %arg3[%add3A, %dma_start3A, %dma_start3A_8] : memref<32x250x40xi32, #tpu.memory_space<hbm>> -> memref<1x1x40xi32, #tpu.memory_space<hbm>>
    %dma_start3A_10 = tpu.memref_squeeze %dma_start3A_9 : memref<1x1x40xi32, #tpu.memory_space<hbm>> -> memref<40xi32, #tpu.memory_space<hbm>>
    tpu.enqueue_dma source(%dma_start3A_10 : memref<40xi32, #tpu.memory_space<hbm>>) target(%arg7 : memref<40xi32, #tpu.memory_space<vmem>>) target_semaphore(%arg25 : memref<!tpu.dma_semaphore, #tpu.memory_space<semaphore_mem>>)
    %dma_start3A_11 = arith.constant 0 : i32
    %dma_start3A_12 = arith.constant 0 : i32
    %dma_start3A_13 = tpu.memref_slice %arg4[%add3A, %dma_start3A_11, %dma_start3A_12] : memref<32x250x40xi32, #tpu.memory_space<hbm>> -> memref<1x1x40xi32, #tpu.memory_space<hbm>>
    %dma_start3A_14 = tpu.memref_squeeze %dma_start3A_13 : memref<1x1x40xi32, #tpu.memory_space<hbm>> -> memref<40xi32, #tpu.memory_space<hbm>>
    %dma_start3A_15 = arith.constant 0 : i32
    %dma_start3A_16 = tpu.memref_slice %arg4[%add3A, %dma_start3A_11, %dma_start3A_15] : memref<32x250x40xi32, #tpu.memory_space<hbm>> -> memref<1x1x40xi32, #tpu.memory_space<hbm>>
    %dma_start3A_17 = tpu.memref_squeeze %dma_start3A_16 : memref<1x1x40xi32, #tpu.memory_space<hbm>> -> memref<40xi32, #tpu.memory_space<hbm>>
    tpu.enqueue_dma source(%dma_start3A_17 : memref<40xi32, #tpu.memory_space<hbm>>) target(%arg13 : memref<40xi32, #tpu.memory_space<vmem>>) target_semaphore(%arg25 : memref<!tpu.dma_semaphore, #tpu.memory_space<semaphore_mem>>)
    %dma_start3A_18 = arith.constant 1 : i32
    %dma_start3A_19 = arith.constant 0 : i32
    %dma_start3A_20 = tpu.memref_slice %arg3[%add3A, %dma_start3A_18, %dma_start3A_19] : memref<32x250x40xi32, #tpu.memory_space<hbm>> -> memref<1x1x40xi32, #tpu.memory_space<hbm>>
    %dma_start3A_21 = tpu.memref_squeeze %dma_start3A_20 : memref<1x1x40xi32, #tpu.memory_space<hbm>> -> memref<40xi32, #tpu.memory_space<hbm>>
    %dma_start3A_22 = arith.constant 0 : i32
    %dma_start3A_23 = tpu.memref_slice %arg3[%add3A, %dma_start3A_18, %dma_start3A_22] : memref<32x250x40xi32, #tpu.memory_space<hbm>> -> memref<1x1x40xi32, #tpu.memory_space<hbm>>
    %dma_start3A_24 = tpu.memref_squeeze %dma_start3A_23 : memref<1x1x40xi32, #tpu.memory_space<hbm>> -> memref<40xi32, #tpu.memory_space<hbm>>
    tpu.enqueue_dma source(%dma_start3A_24 : memref<40xi32, #tpu.memory_space<hbm>>) target(%arg8 : memref<40xi32, #tpu.memory_space<vmem>>) target_semaphore(%arg26 : memref<!tpu.dma_semaphore, #tpu.memory_space<semaphore_mem>>)
    %dma_start3A_25 = arith.constant 1 : i32
    %dma_start3A_26 = arith.constant 0 : i32
    %dma_start3A_27 = tpu.memref_slice %arg4[%add3A, %dma_start3A_25, %dma_start3A_26] : memref<32x250x40xi32, #tpu.memory_space<hbm>> -> memref<1x1x40xi32, #tpu.memory_space<hbm>>
    %dma_start3A_28 = tpu.memref_squeeze %dma_start3A_27 : memref<1x1x40xi32, #tpu.memory_space<hbm>> -> memref<40xi32, #tpu.memory_space<hbm>>
    %dma_start3A_29 = arith.constant 0 : i32
    %dma_start3A_30 = tpu.memref_slice %arg4[%add3A, %dma_start3A_25, %dma_start3A_29] : memref<32x250x40xi32, #tpu.memory_space<hbm>> -> memref<1x1x40xi32, #tpu.memory_space<hbm>>
    %dma_start3A_31 = tpu.memref_squeeze %dma_start3A_30 : memref<1x1x40xi32, #tpu.memory_space<hbm>> -> memref<40xi32, #tpu.memory_space<hbm>>
    tpu.enqueue_dma source(%dma_start3A_31 : memref<40xi32, #tpu.memory_space<hbm>>) target(%arg14 : memref<40xi32, #tpu.memory_space<vmem>>) target_semaphore(%arg26 : memref<!tpu.dma_semaphore, #tpu.memory_space<semaphore_mem>>)
    %dma_start3A_32 = arith.constant 2 : i32
    %dma_start3A_33 = arith.constant 0 : i32
    %dma_start3A_34 = tpu.memref_slice %arg3[%add3A, %dma_start3A_32, %dma_start3A_33] : memref<32x250x40xi32, #tpu.memory_space<hbm>> -> memref<1x1x40xi32, #tpu.memory_space<hbm>>
    %dma_start3A_35 = tpu.memref_squeeze %dma_start3A_34 : memref<1x1x40xi32, #tpu.memory_space<hbm>> -> memref<40xi32, #tpu.memory_space<hbm>>
    %dma_start3A_36 = arith.constant 0 : i32
    %dma_start3A_37 = tpu.memref_slice %arg3[%add3A, %dma_start3A_32, %dma_start3A_36] : memref<32x250x40xi32, #tpu.memory_space<hbm>> -> memref<1x1x40xi32, #tpu.memory_space<hbm>>
    %dma_start3A_38 = tpu.memref_squeeze %dma_start3A_37 : memref<1x1x40xi32, #tpu.memory_space<hbm>> -> memref<40xi32, #tpu.memory_space<hbm>>
    tpu.enqueue_dma source(%dma_start3A_38 : memref<40xi32, #tpu.memory_space<hbm>>) target(%arg9 : memref<40xi32, #tpu.memory_space<vmem>>) target_semaphore(%arg27 : memref<!tpu.dma_semaphore, #tpu.memory_space<semaphore_mem>>)
    %dma_start3A_39 = arith.constant 2 : i32
    %dma_start3A_40 = arith.constant 0 : i32
    %dma_start3A_41 = tpu.memref_slice %arg4[%add3A, %dma_start3A_39, %dma_start3A_40] : memref<32x250x40xi32, #tpu.memory_space<hbm>> -> memref<1x1x40xi32, #tpu.memory_space<hbm>>
    %dma_start3A_42 = tpu.memref_squeeze %dma_start3A_41 : memref<1x1x40xi32, #tpu.memory_space<hbm>> -> memref<40xi32, #tpu.memory_space<hbm>>
    %dma_start3A_43 = arith.constant 0 : i32
    %dma_start3A_44 = tpu.memref_slice %arg4[%add3A, %dma_start3A_39, %dma_start3A_43] : memref<32x250x40xi32, #tpu.memory_space<hbm>> -> memref<1x1x40xi32, #tpu.memory_space<hbm>>
    %dma_start3A_45 = tpu.memref_squeeze %dma_start3A_44 : memref<1x1x40xi32, #tpu.memory_space<hbm>> -> memref<40xi32, #tpu.memory_space<hbm>>
    tpu.enqueue_dma source(%dma_start3A_45 : memref<40xi32, #tpu.memory_space<hbm>>) target(%arg15 : memref<40xi32, #tpu.memory_space<vmem>>) target_semaphore(%arg27 : memref<!tpu.dma_semaphore, #tpu.memory_space<semaphore_mem>>)
    %dma_start3A_46 = arith.constant 3 : i32
    %dma_start3A_47 = arith.constant 0 : i32
    %dma_start3A_48 = tpu.memref_slice %arg3[%add3A, %dma_start3A_46, %dma_start3A_47] : memref<32x250x40xi32, #tpu.memory_space<hbm>> -> memref<1x1x40xi32, #tpu.memory_space<hbm>>
    %dma_start3A_49 = tpu.memref_squeeze %dma_start3A_48 : memref<1x1x40xi32, #tpu.memory_space<hbm>> -> memref<40xi32, #tpu.memory_space<hbm>>
    %dma_start3A_50 = arith.constant 0 : i32
    %dma_start3A_51 = tpu.memref_slice %arg3[%add3A, %dma_start3A_46, %dma_start3A_50] : memref<32x250x40xi32, #tpu.memory_space<hbm>> -> memref<1x1x40xi32, #tpu.memory_space<hbm>>
    %dma_start3A_52 = tpu.memref_squeeze %dma_start3A_51 : memref<1x1x40xi32, #tpu.memory_space<hbm>> -> memref<40xi32, #tpu.memory_space<hbm>>
    tpu.enqueue_dma source(%dma_start3A_52 : memref<40xi32, #tpu.memory_space<hbm>>) target(%arg10 : memref<40xi32, #tpu.memory_space<vmem>>) target_semaphore(%arg28 : memref<!tpu.dma_semaphore, #tpu.memory_space<semaphore_mem>>)
    %dma_start3A_53 = arith.constant 3 : i32
    %dma_start3A_54 = arith.constant 0 : i32
    %dma_start3A_55 = tpu.memref_slice %arg4[%add3A, %dma_start3A_53, %dma_start3A_54] : memref<32x250x40xi32, #tpu.memory_space<hbm>> -> memref<1x1x40xi32, #tpu.memory_space<hbm>>
    %dma_start3A_56 = tpu.memref_squeeze %dma_start3A_55 : memref<1x1x40xi32, #tpu.memory_space<hbm>> -> memref<40xi32, #tpu.memory_space<hbm>>
    %dma_start3A_57 = arith.constant 0 : i32
    %dma_start3A_58 = tpu.memref_slice %arg4[%add3A, %dma_start3A_53, %dma_start3A_57] : memref<32x250x40xi32, #tpu.memory_space<hbm>> -> memref<1x1x40xi32, #tpu.memory_space<hbm>>
    %dma_start3A_59 = tpu.memref_squeeze %dma_start3A_58 : memref<1x1x40xi32, #tpu.memory_space<hbm>> -> memref<40xi32, #tpu.memory_space<hbm>>
    tpu.enqueue_dma source(%dma_start3A_59 : memref<40xi32, #tpu.memory_space<hbm>>) target(%arg16 : memref<40xi32, #tpu.memory_space<vmem>>) target_semaphore(%arg28 : memref<!tpu.dma_semaphore, #tpu.memory_space<semaphore_mem>>)
    %dma_start3A_60 = arith.constant 4 : i32
    %dma_start3A_61 = arith.constant 0 : i32
    %dma_start3A_62 = tpu.memref_slice %arg3[%add3A, %dma_start3A_60, %dma_start3A_61] : memref<32x250x40xi32, #tpu.memory_space<hbm>> -> memref<1x1x40xi32, #tpu.memory_space<hbm>>
    %dma_start3A_63 = tpu.memref_squeeze %dma_start3A_62 : memref<1x1x40xi32, #tpu.memory_space<hbm>> -> memref<40xi32, #tpu.memory_space<hbm>>
    %dma_start3A_64 = arith.constant 0 : i32
    %dma_start3A_65 = tpu.memref_slice %arg3[%add3A, %dma_start3A_60, %dma_start3A_64] : memref<32x250x40xi32, #tpu.memory_space<hbm>> -> memref<1x1x40xi32, #tpu.memory_space<hbm>>
    %dma_start3A_66 = tpu.memref_squeeze %dma_start3A_65 : memref<1x1x40xi32, #tpu.memory_space<hbm>> -> memref<40xi32, #tpu.memory_space<hbm>>
    tpu.enqueue_dma source(%dma_start3A_66 : memref<40xi32, #tpu.memory_space<hbm>>) target(%arg11 : memref<40xi32, #tpu.memory_space<vmem>>) target_semaphore(%arg29 : memref<!tpu.dma_semaphore, #tpu.memory_space<semaphore_mem>>)
    %dma_start3A_67 = arith.constant 4 : i32
    %dma_start3A_68 = arith.constant 0 : i32
    %dma_start3A_69 = tpu.memref_slice %arg4[%add3A, %dma_start3A_67, %dma_start3A_68] : memref<32x250x40xi32, #tpu.memory_space<hbm>> -> memref<1x1x40xi32, #tpu.memory_space<hbm>>
    %dma_start3A_70 = tpu.memref_squeeze %dma_start3A_69 : memref<1x1x40xi32, #tpu.memory_space<hbm>> -> memref<40xi32, #tpu.memory_space<hbm>>
    %dma_start3A_71 = arith.constant 0 : i32
    %dma_start3A_72 = tpu.memref_slice %arg4[%add3A, %dma_start3A_67, %dma_start3A_71] : memref<32x250x40xi32, #tpu.memory_space<hbm>> -> memref<1x1x40xi32, #tpu.memory_space<hbm>>
    %dma_start3A_73 = tpu.memref_squeeze %dma_start3A_72 : memref<1x1x40xi32, #tpu.memory_space<hbm>> -> memref<40xi32, #tpu.memory_space<hbm>>
    tpu.enqueue_dma source(%dma_start3A_73 : memref<40xi32, #tpu.memory_space<hbm>>) target(%arg17 : memref<40xi32, #tpu.memory_space<vmem>>) target_semaphore(%arg29 : memref<!tpu.dma_semaphore, #tpu.memory_space<semaphore_mem>>)
    %dma_start3A_74 = arith.constant 5 : i32
    %dma_start3A_75 = arith.constant 0 : i32
    %dma_start3A_76 = tpu.memref_slice %arg3[%add3A, %dma_start3A_74, %dma_start3A_75] : memref<32x250x40xi32, #tpu.memory_space<hbm>> -> memref<1x1x40xi32, #tpu.memory_space<hbm>>
    %dma_start3A_77 = tpu.memref_squeeze %dma_start3A_76 : memref<1x1x40xi32, #tpu.memory_space<hbm>> -> memref<40xi32, #tpu.memory_space<hbm>>
    %dma_start3A_78 = arith.constant 0 : i32
    %dma_start3A_79 = tpu.memref_slice %arg3[%add3A, %dma_start3A_74, %dma_start3A_78] : memref<32x250x40xi32, #tpu.memory_space<hbm>> -> memref<1x1x40xi32, #tpu.memory_space<hbm>>
    %dma_start3A_80 = tpu.memref_squeeze %dma_start3A_79 : memref<1x1x40xi32, #tpu.memory_space<hbm>> -> memref<40xi32, #tpu.memory_space<hbm>>
    tpu.enqueue_dma source(%dma_start3A_80 : memref<40xi32, #tpu.memory_space<hbm>>) target(%arg12 : memref<40xi32, #tpu.memory_space<vmem>>) target_semaphore(%arg30 : memref<!tpu.dma_semaphore, #tpu.memory_space<semaphore_mem>>)
    %dma_start3A_81 = arith.constant 5 : i32
    %dma_start3A_82 = arith.constant 0 : i32
    %dma_start3A_83 = tpu.memref_slice %arg4[%add3A, %dma_start3A_81, %dma_start3A_82] : memref<32x250x40xi32, #tpu.memory_space<hbm>> -> memref<1x1x40xi32, #tpu.memory_space<hbm>>
    %dma_start3A_84 = tpu.memref_squeeze %dma_start3A_83 : memref<1x1x40xi32, #tpu.memory_space<hbm>> -> memref<40xi32, #tpu.memory_space<hbm>>
    %dma_start3A_85 = arith.constant 0 : i32
    %dma_start3A_86 = tpu.memref_slice %arg4[%add3A, %dma_start3A_81, %dma_start3A_85] : memref<32x250x40xi32, #tpu.memory_space<hbm>> -> memref<1x1x40xi32, #tpu.memory_space<hbm>>
    %dma_start3A_87 = tpu.memref_squeeze %dma_start3A_86 : memref<1x1x40xi32, #tpu.memory_space<hbm>> -> memref<40xi32, #tpu.memory_space<hbm>>
    tpu.enqueue_dma source(%dma_start3A_87 : memref<40xi32, #tpu.memory_space<hbm>>) target(%arg18 : memref<40xi32, #tpu.memory_space<vmem>>) target_semaphore(%arg30 : memref<!tpu.dma_semaphore, #tpu.memory_space<semaphore_mem>>)
    %dma_wait3A = arith.constant 0 : i32
    %dma_wait3A_88 = arith.constant 0 : i32
    %dma_wait3A_89 = tpu.memref_slice %arg3[%add3A, %dma_wait3A, %dma_wait3A_88] : memref<32x250x40xi32, #tpu.memory_space<hbm>> -> memref<1x1x40xi32, #tpu.memory_space<hbm>>
    %dma_wait3A_90 = tpu.memref_squeeze %dma_wait3A_89 : memref<1x1x40xi32, #tpu.memory_space<hbm>> -> memref<40xi32, #tpu.memory_space<hbm>>
    %dma_wait3A_91 = arith.constant 0 : i32
    %dma_wait3A_92 = tpu.memref_slice %arg3[%add3A, %dma_wait3A, %dma_wait3A_91] : memref<32x250x40xi32, #tpu.memory_space<hbm>> -> memref<1x1x40xi32, #tpu.memory_space<hbm>>
    %dma_wait3A_93 = tpu.memref_squeeze %dma_wait3A_92 : memref<1x1x40xi32, #tpu.memory_space<hbm>> -> memref<40xi32, #tpu.memory_space<hbm>>
    tpu.wait_dma2 semaphore(%arg25 : memref<!tpu.dma_semaphore, #tpu.memory_space<semaphore_mem>>) src(%dma_wait3A_93 : memref<40xi32, #tpu.memory_space<hbm>>) dst(%arg7 : memref<40xi32, #tpu.memory_space<vmem>>)
    %dma_wait3A_94 = arith.constant 0 : i32
    %dma_wait3A_95 = arith.constant 0 : i32
    %dma_wait3A_96 = tpu.memref_slice %arg4[%add3A, %dma_wait3A_94, %dma_wait3A_95] : memref<32x250x40xi32, #tpu.memory_space<hbm>> -> memref<1x1x40xi32, #tpu.memory_space<hbm>>
    %dma_wait3A_97 = tpu.memref_squeeze %dma_wait3A_96 : memref<1x1x40xi32, #tpu.memory_space<hbm>> -> memref<40xi32, #tpu.memory_space<hbm>>
    %dma_wait3A_98 = arith.constant 0 : i32
    %dma_wait3A_99 = tpu.memref_slice %arg4[%add3A, %dma_wait3A_94, %dma_wait3A_98] : memref<32x250x40xi32, #tpu.memory_space<hbm>> -> memref<1x1x40xi32, #tpu.memory_space<hbm>>
    %dma_wait3A_100 = tpu.memref_squeeze %dma_wait3A_99 : memref<1x1x40xi32, #tpu.memory_space<hbm>> -> memref<40xi32, #tpu.memory_space<hbm>>
    tpu.wait_dma2 semaphore(%arg25 : memref<!tpu.dma_semaphore, #tpu.memory_space<semaphore_mem>>) src(%dma_wait3A_100 : memref<40xi32, #tpu.memory_space<hbm>>) dst(%arg13 : memref<40xi32, #tpu.memory_space<vmem>>)
    %dma_start3A_101 = arith.constant 0 : i32
    %dma_start3A_102 = arith.constant 0 : i32
    %dma_start3A_103 = tpu.memref_slice %arg2[%dma_start3A_101, %dma_start3A_102] : memref<10000x128xf32, #tpu.memory_space<hbm>> -> memref<10000x128xf32, #tpu.memory_space<hbm>>
    tpu.enqueue_indirect_dma source(%dma_start3A_103 : memref<10000x128xf32, #tpu.memory_space<hbm>>) target(%arg19 : memref<40x128xf32, #tpu.memory_space<vmem>>) offsets(%arg7 : memref<40xi32, #tpu.memory_space<vmem>>) semaphore(%arg31 : memref<!tpu.dma_semaphore, #tpu.memory_space<semaphore_mem>>)
    %dma_wait3A_104 = arith.constant 1 : i32
    %dma_wait3A_105 = arith.constant 0 : i32
    %dma_wait3A_106 = tpu.memref_slice %arg3[%add3A, %dma_wait3A_104, %dma_wait3A_105] : memref<32x250x40xi32, #tpu.memory_space<hbm>> -> memref<1x1x40xi32, #tpu.memory_space<hbm>>
    %dma_wait3A_107 = tpu.memref_squeeze %dma_wait3A_106 : memref<1x1x40xi32, #tpu.memory_space<hbm>> -> memref<40xi32, #tpu.memory_space<hbm>>
    %dma_wait3A_108 = arith.constant 0 : i32
    %dma_wait3A_109 = tpu.memref_slice %arg3[%add3A, %dma_wait3A_104, %dma_wait3A_108] : memref<32x250x40xi32, #tpu.memory_space<hbm>> -> memref<1x1x40xi32, #tpu.memory_space<hbm>>
    %dma_wait3A_110 = tpu.memref_squeeze %dma_wait3A_109 : memref<1x1x40xi32, #tpu.memory_space<hbm>> -> memref<40xi32, #tpu.memory_space<hbm>>
    tpu.wait_dma2 semaphore(%arg26 : memref<!tpu.dma_semaphore, #tpu.memory_space<semaphore_mem>>) src(%dma_wait3A_110 : memref<40xi32, #tpu.memory_space<hbm>>) dst(%arg8 : memref<40xi32, #tpu.memory_space<vmem>>)
    %dma_wait3A_111 = arith.constant 1 : i32
    %dma_wait3A_112 = arith.constant 0 : i32
    %dma_wait3A_113 = tpu.memref_slice %arg4[%add3A, %dma_wait3A_111, %dma_wait3A_112] : memref<32x250x40xi32, #tpu.memory_space<hbm>> -> memref<1x1x40xi32, #tpu.memory_space<hbm>>
    %dma_wait3A_114 = tpu.memref_squeeze %dma_wait3A_113 : memref<1x1x40xi32, #tpu.memory_space<hbm>> -> memref<40xi32, #tpu.memory_space<hbm>>
    %dma_wait3A_115 = arith.constant 0 : i32
    %dma_wait3A_116 = tpu.memref_slice %arg4[%add3A, %dma_wait3A_111, %dma_wait3A_115] : memref<32x250x40xi32, #tpu.memory_space<hbm>> -> memref<1x1x40xi32, #tpu.memory_space<hbm>>
    %dma_wait3A_117 = tpu.memref_squeeze %dma_wait3A_116 : memref<1x1x40xi32, #tpu.memory_space<hbm>> -> memref<40xi32, #tpu.memory_space<hbm>>
    tpu.wait_dma2 semaphore(%arg26 : memref<!tpu.dma_semaphore, #tpu.memory_space<semaphore_mem>>) src(%dma_wait3A_117 : memref<40xi32, #tpu.memory_space<hbm>>) dst(%arg14 : memref<40xi32, #tpu.memory_space<vmem>>)
    %dma_start3A_118 = arith.constant 0 : i32
    %dma_start3A_119 = arith.constant 0 : i32
    %dma_start3A_120 = tpu.memref_slice %arg2[%dma_start3A_118, %dma_start3A_119] : memref<10000x128xf32, #tpu.memory_space<hbm>> -> memref<10000x128xf32, #tpu.memory_space<hbm>>
    tpu.enqueue_indirect_dma source(%dma_start3A_120 : memref<10000x128xf32, #tpu.memory_space<hbm>>) target(%arg20 : memref<40x128xf32, #tpu.memory_space<vmem>>) offsets(%arg8 : memref<40xi32, #tpu.memory_space<vmem>>) semaphore(%arg32 : memref<!tpu.dma_semaphore, #tpu.memory_space<semaphore_mem>>)
    %dma_wait3A_121 = arith.constant 2 : i32
    %dma_wait3A_122 = arith.constant 0 : i32
    %dma_wait3A_123 = tpu.memref_slice %arg3[%add3A, %dma_wait3A_121, %dma_wait3A_122] : memref<32x250x40xi32, #tpu.memory_space<hbm>> -> memref<1x1x40xi32, #tpu.memory_space<hbm>>
    %dma_wait3A_124 = tpu.memref_squeeze %dma_wait3A_123 : memref<1x1x40xi32, #tpu.memory_space<hbm>> -> memref<40xi32, #tpu.memory_space<hbm>>
    %dma_wait3A_125 = arith.constant 0 : i32
    %dma_wait3A_126 = tpu.memref_slice %arg3[%add3A, %dma_wait3A_121, %dma_wait3A_125] : memref<32x250x40xi32, #tpu.memory_space<hbm>> -> memref<1x1x40xi32, #tpu.memory_space<hbm>>
    %dma_wait3A_127 = tpu.memref_squeeze %dma_wait3A_126 : memref<1x1x40xi32, #tpu.memory_space<hbm>> -> memref<40xi32, #tpu.memory_space<hbm>>
    tpu.wait_dma2 semaphore(%arg27 : memref<!tpu.dma_semaphore, #tpu.memory_space<semaphore_mem>>) src(%dma_wait3A_127 : memref<40xi32, #tpu.memory_space<hbm>>) dst(%arg9 : memref<40xi32, #tpu.memory_space<vmem>>)
    %dma_wait3A_128 = arith.constant 2 : i32
    %dma_wait3A_129 = arith.constant 0 : i32
    %dma_wait3A_130 = tpu.memref_slice %arg4[%add3A, %dma_wait3A_128, %dma_wait3A_129] : memref<32x250x40xi32, #tpu.memory_space<hbm>> -> memref<1x1x40xi32, #tpu.memory_space<hbm>>
    %dma_wait3A_131 = tpu.memref_squeeze %dma_wait3A_130 : memref<1x1x40xi32, #tpu.memory_space<hbm>> -> memref<40xi32, #tpu.memory_space<hbm>>
    %dma_wait3A_132 = arith.constant 0 : i32
    %dma_wait3A_133 = tpu.memref_slice %arg4[%add3A, %dma_wait3A_128, %dma_wait3A_132] : memref<32x250x40xi32, #tpu.memory_space<hbm>> -> memref<1x1x40xi32, #tpu.memory_space<hbm>>
    %dma_wait3A_134 = tpu.memref_squeeze %dma_wait3A_133 : memref<1x1x40xi32, #tpu.memory_space<hbm>> -> memref<40xi32, #tpu.memory_space<hbm>>
    tpu.wait_dma2 semaphore(%arg27 : memref<!tpu.dma_semaphore, #tpu.memory_space<semaphore_mem>>) src(%dma_wait3A_134 : memref<40xi32, #tpu.memory_space<hbm>>) dst(%arg15 : memref<40xi32, #tpu.memory_space<vmem>>)
    %dma_start3A_135 = arith.constant 0 : i32
    %dma_start3A_136 = arith.constant 0 : i32
    %dma_start3A_137 = tpu.memref_slice %arg2[%dma_start3A_135, %dma_start3A_136] : memref<10000x128xf32, #tpu.memory_space<hbm>> -> memref<10000x128xf32, #tpu.memory_space<hbm>>
    tpu.enqueue_indirect_dma source(%dma_start3A_137 : memref<10000x128xf32, #tpu.memory_space<hbm>>) target(%arg21 : memref<40x128xf32, #tpu.memory_space<vmem>>) offsets(%arg9 : memref<40xi32, #tpu.memory_space<vmem>>) semaphore(%arg33 : memref<!tpu.dma_semaphore, #tpu.memory_space<semaphore_mem>>)
    %dma_wait3A_138 = arith.constant 3 : i32
    %dma_wait3A_139 = arith.constant 0 : i32
    %dma_wait3A_140 = tpu.memref_slice %arg3[%add3A, %dma_wait3A_138, %dma_wait3A_139] : memref<32x250x40xi32, #tpu.memory_space<hbm>> -> memref<1x1x40xi32, #tpu.memory_space<hbm>>
    %dma_wait3A_141 = tpu.memref_squeeze %dma_wait3A_140 : memref<1x1x40xi32, #tpu.memory_space<hbm>> -> memref<40xi32, #tpu.memory_space<hbm>>
    %dma_wait3A_142 = arith.constant 0 : i32
    %dma_wait3A_143 = tpu.memref_slice %arg3[%add3A, %dma_wait3A_138, %dma_wait3A_142] : memref<32x250x40xi32, #tpu.memory_space<hbm>> -> memref<1x1x40xi32, #tpu.memory_space<hbm>>
    %dma_wait3A_144 = tpu.memref_squeeze %dma_wait3A_143 : memref<1x1x40xi32, #tpu.memory_space<hbm>> -> memref<40xi32, #tpu.memory_space<hbm>>
    tpu.wait_dma2 semaphore(%arg28 : memref<!tpu.dma_semaphore, #tpu.memory_space<semaphore_mem>>) src(%dma_wait3A_144 : memref<40xi32, #tpu.memory_space<hbm>>) dst(%arg10 : memref<40xi32, #tpu.memory_space<vmem>>)
    %dma_wait3A_145 = arith.constant 3 : i32
    %dma_wait3A_146 = arith.constant 0 : i32
    %dma_wait3A_147 = tpu.memref_slice %arg4[%add3A, %dma_wait3A_145, %dma_wait3A_146] : memref<32x250x40xi32, #tpu.memory_space<hbm>> -> memref<1x1x40xi32, #tpu.memory_space<hbm>>
    %dma_wait3A_148 = tpu.memref_squeeze %dma_wait3A_147 : memref<1x1x40xi32, #tpu.memory_space<hbm>> -> memref<40xi32, #tpu.memory_space<hbm>>
    %dma_wait3A_149 = arith.constant 0 : i32
    %dma_wait3A_150 = tpu.memref_slice %arg4[%add3A, %dma_wait3A_145, %dma_wait3A_149] : memref<32x250x40xi32, #tpu.memory_space<hbm>> -> memref<1x1x40xi32, #tpu.memory_space<hbm>>
    %dma_wait3A_151 = tpu.memref_squeeze %dma_wait3A_150 : memref<1x1x40xi32, #tpu.memory_space<hbm>> -> memref<40xi32, #tpu.memory_space<hbm>>
    tpu.wait_dma2 semaphore(%arg28 : memref<!tpu.dma_semaphore, #tpu.memory_space<semaphore_mem>>) src(%dma_wait3A_151 : memref<40xi32, #tpu.memory_space<hbm>>) dst(%arg16 : memref<40xi32, #tpu.memory_space<vmem>>)
    %dma_start3A_152 = arith.constant 0 : i32
    %dma_start3A_153 = arith.constant 0 : i32
    %dma_start3A_154 = tpu.memref_slice %arg2[%dma_start3A_152, %dma_start3A_153] : memref<10000x128xf32, #tpu.memory_space<hbm>> -> memref<10000x128xf32, #tpu.memory_space<hbm>>
    tpu.enqueue_indirect_dma source(%dma_start3A_154 : memref<10000x128xf32, #tpu.memory_space<hbm>>) target(%arg22 : memref<40x128xf32, #tpu.memory_space<vmem>>) offsets(%arg10 : memref<40xi32, #tpu.memory_space<vmem>>) semaphore(%arg34 : memref<!tpu.dma_semaphore, #tpu.memory_space<semaphore_mem>>)
    %scan3A = arith.constant 0 : i32
    %scan3A_155 = arith.constant 0 : i32
    %scan3A_156 = arith.constant 42 : i32
    %scan3A_157 = arith.addi %scan3A_155, %scan3A_156 : i32
    %scan3A_158 = arith.constant 1 : i32
    scf.for %scan3A_166 = %scan3A_155 to %scan3A_157 step %scan3A_158  : i32 {
      %mul3A_167 = arith.constant 6 : i32
      %mul3A_168 = arith.muli %mul3A_167, %scan3A_166 : i32
      %add3A_169 = arith.constant 0 : i32
      %add3A_170 = arith.addi %mul3A_168, %add3A_169 : i32
      %lt3A = arith.constant 250 : i32
      %lt3A_171 = arith.cmpi slt, %add3A_170, %lt3A : i32
      %convert_element_type3A_172 = arith.extui %lt3A_171 : i1 to i32
      %cond3A_173 = arith.constant 0 : i32
      %cond3A_174 = arith.cmpi ne, %convert_element_type3A_172, %cond3A_173 : i32
      scf.if %cond3A_174 {
        %dma_wait3A_220 = arith.constant 0 : i32
        %dma_wait3A_221 = arith.constant 0 : i32
        %dma_wait3A_222 = tpu.memref_slice %arg2[%dma_wait3A_220, %dma_wait3A_221] : memref<10000x128xf32, #tpu.memory_space<hbm>> -> memref<40x128xf32, #tpu.memory_space<hbm>>
        %dma_wait3A_223 = arith.constant 0 : i32
        %dma_wait3A_224 = arith.constant 0 : i32
        %dma_wait3A_225 = tpu.memref_slice %arg2[%dma_wait3A_223, %dma_wait3A_224] : memref<10000x128xf32, #tpu.memory_space<hbm>> -> memref<40x128xf32, #tpu.memory_space<hbm>>
        tpu.wait_dma2 semaphore(%arg31 : memref<!tpu.dma_semaphore, #tpu.memory_space<semaphore_mem>>) src(%dma_wait3A_225 : memref<40x128xf32, #tpu.memory_space<hbm>>) dst(%arg19 : memref<40x128xf32, #tpu.memory_space<vmem>>)
        "tpu.region"() ({
          %run_scoped3A = tpu.sem_alloc : memref<!tpu.dma_semaphore, #tpu.memory_space<semaphore_mem>>
          %dma_start3A_240 = arith.constant 0 : i32
          %dma_start3A_241 = arith.constant 0 : i32
          %dma_start3A_242 = tpu.memref_slice %arg37[%dma_start3A_240, %dma_start3A_241] : memref<10000x128xf32, #tpu.memory_space<vmem_shared>> -> memref<10000x128xf32, #tpu.memory_space<vmem_shared>>
          tpu.enqueue_indirect_dma source(%arg19 : memref<40x128xf32, #tpu.memory_space<vmem>>) target(%dma_start3A_242 : memref<10000x128xf32, #tpu.memory_space<vmem_shared>>) offsets(%arg13 : memref<40xi32, #tpu.memory_space<vmem>>) semaphore(%run_scoped3A : memref<!tpu.dma_semaphore, #tpu.memory_space<semaphore_mem>>) {add = true}
          %dma_wait3A_243 = arith.constant 0 : i32
          %dma_wait3A_244 = arith.constant 0 : i32
          %dma_wait3A_245 = tpu.memref_slice %arg37[%dma_wait3A_243, %dma_wait3A_244] : memref<10000x128xf32, #tpu.memory_space<vmem_shared>> -> memref<10000x128xf32, #tpu.memory_space<vmem_shared>>
          tpu.wait_indirect_dma semaphore(%run_scoped3A : memref<!tpu.dma_semaphore, #tpu.memory_space<semaphore_mem>>) src(%arg19 : memref<40x128xf32, #tpu.memory_space<vmem>>) dst(%dma_wait3A_245 : memref<10000x128xf32, #tpu.memory_space<vmem_shared>>)
          tpu.yield
        }) : () -> ()
        %add3A_226 = arith.constant 6 : i32
        %add3A_227 = arith.addi %add3A_170, %add3A_226 : i32
        %lt3A_228 = arith.constant 250 : i32
        %lt3A_229 = arith.cmpi slt, %add3A_227, %lt3A_228 : i32
        %convert_element_type3A_230 = arith.extui %lt3A_229 : i1 to i32
        %cond3A_231 = arith.constant 0 : i32
        %cond3A_232 = arith.cmpi ne, %convert_element_type3A_230, %cond3A_231 : i32
        scf.if %cond3A_232 {
          %add3A_240 = arith.constant 6 : i32
          %add3A_241 = arith.addi %add3A_170, %add3A_240 : i32
          %dma_start3A_242 = arith.constant 0 : i32
          %dma_start3A_243 = tpu.memref_slice %arg3[%add3A, %add3A_241, %dma_start3A_242] : memref<32x250x40xi32, #tpu.memory_space<hbm>> -> memref<1x1x40xi32, #tpu.memory_space<hbm>>
          %dma_start3A_244 = tpu.memref_squeeze %dma_start3A_243 : memref<1x1x40xi32, #tpu.memory_space<hbm>> -> memref<40xi32, #tpu.memory_space<hbm>>
          %dma_start3A_245 = arith.constant 0 : i32
          %dma_start3A_246 = tpu.memref_slice %arg3[%add3A, %add3A_241, %dma_start3A_245] : memref<32x250x40xi32, #tpu.memory_space<hbm>> -> memref<1x1x40xi32, #tpu.memory_space<hbm>>
          %dma_start3A_247 = tpu.memref_squeeze %dma_start3A_246 : memref<1x1x40xi32, #tpu.memory_space<hbm>> -> memref<40xi32, #tpu.memory_space<hbm>>
          tpu.enqueue_dma source(%dma_start3A_247 : memref<40xi32, #tpu.memory_space<hbm>>) target(%arg7 : memref<40xi32, #tpu.memory_space<vmem>>) target_semaphore(%arg25 : memref<!tpu.dma_semaphore, #tpu.memory_space<semaphore_mem>>)
          %dma_start3A_248 = arith.constant 0 : i32
          %dma_start3A_249 = tpu.memref_slice %arg4[%add3A, %add3A_241, %dma_start3A_248] : memref<32x250x40xi32, #tpu.memory_space<hbm>> -> memref<1x1x40xi32, #tpu.memory_space<hbm>>
          %dma_start3A_250 = tpu.memref_squeeze %dma_start3A_249 : memref<1x1x40xi32, #tpu.memory_space<hbm>> -> memref<40xi32, #tpu.memory_space<hbm>>
          %dma_start3A_251 = arith.constant 0 : i32
          %dma_start3A_252 = tpu.memref_slice %arg4[%add3A, %add3A_241, %dma_start3A_251] : memref<32x250x40xi32, #tpu.memory_space<hbm>> -> memref<1x1x40xi32, #tpu.memory_space<hbm>>
          %dma_start3A_253 = tpu.memref_squeeze %dma_start3A_252 : memref<1x1x40xi32, #tpu.memory_space<hbm>> -> memref<40xi32, #tpu.memory_space<hbm>>
          tpu.enqueue_dma source(%dma_start3A_253 : memref<40xi32, #tpu.memory_space<hbm>>) target(%arg13 : memref<40xi32, #tpu.memory_space<vmem>>) target_semaphore(%arg25 : memref<!tpu.dma_semaphore, #tpu.memory_space<semaphore_mem>>)
        } else {
        }
        %add3A_233 = arith.constant 4 : i32
        %add3A_234 = arith.addi %add3A_170, %add3A_233 : i32
        %lt3A_235 = arith.constant 250 : i32
        %lt3A_236 = arith.cmpi slt, %add3A_234, %lt3A_235 : i32
        %convert_element_type3A_237 = arith.extui %lt3A_236 : i1 to i32
        %cond3A_238 = arith.constant 0 : i32
        %cond3A_239 = arith.cmpi ne, %convert_element_type3A_237, %cond3A_238 : i32
        scf.if %cond3A_239 {
          %add3A_240 = arith.constant 4 : i32
          %add3A_241 = arith.addi %add3A_170, %add3A_240 : i32
          %dma_wait3A_242 = arith.constant 0 : i32
          %dma_wait3A_243 = tpu.memref_slice %arg3[%add3A, %add3A_241, %dma_wait3A_242] : memref<32x250x40xi32, #tpu.memory_space<hbm>> -> memref<1x1x40xi32, #tpu.memory_space<hbm>>
          %dma_wait3A_244 = tpu.memref_squeeze %dma_wait3A_243 : memref<1x1x40xi32, #tpu.memory_space<hbm>> -> memref<40xi32, #tpu.memory_space<hbm>>
          %dma_wait3A_245 = arith.constant 0 : i32
          %dma_wait3A_246 = tpu.memref_slice %arg3[%add3A, %add3A_241, %dma_wait3A_245] : memref<32x250x40xi32, #tpu.memory_space<hbm>> -> memref<1x1x40xi32, #tpu.memory_space<hbm>>
          %dma_wait3A_247 = tpu.memref_squeeze %dma_wait3A_246 : memref<1x1x40xi32, #tpu.memory_space<hbm>> -> memref<40xi32, #tpu.memory_space<hbm>>
          tpu.wait_dma2 semaphore(%arg29 : memref<!tpu.dma_semaphore, #tpu.memory_space<semaphore_mem>>) src(%dma_wait3A_247 : memref<40xi32, #tpu.memory_space<hbm>>) dst(%arg11 : memref<40xi32, #tpu.memory_space<vmem>>)
          %dma_wait3A_248 = arith.constant 0 : i32
          %dma_wait3A_249 = tpu.memref_slice %arg4[%add3A, %add3A_241, %dma_wait3A_248] : memref<32x250x40xi32, #tpu.memory_space<hbm>> -> memref<1x1x40xi32, #tpu.memory_space<hbm>>
          %dma_wait3A_250 = tpu.memref_squeeze %dma_wait3A_249 : memref<1x1x40xi32, #tpu.memory_space<hbm>> -> memref<40xi32, #tpu.memory_space<hbm>>
          %dma_wait3A_251 = arith.constant 0 : i32
          %dma_wait3A_252 = tpu.memref_slice %arg4[%add3A, %add3A_241, %dma_wait3A_251] : memref<32x250x40xi32, #tpu.memory_space<hbm>> -> memref<1x1x40xi32, #tpu.memory_space<hbm>>
          %dma_wait3A_253 = tpu.memref_squeeze %dma_wait3A_252 : memref<1x1x40xi32, #tpu.memory_space<hbm>> -> memref<40xi32, #tpu.memory_space<hbm>>
          tpu.wait_dma2 semaphore(%arg29 : memref<!tpu.dma_semaphore, #tpu.memory_space<semaphore_mem>>) src(%dma_wait3A_253 : memref<40xi32, #tpu.memory_space<hbm>>) dst(%arg17 : memref<40xi32, #tpu.memory_space<vmem>>)
          %dma_start3A_254 = arith.constant 0 : i32
          %dma_start3A_255 = arith.constant 0 : i32
          %dma_start3A_256 = tpu.memref_slice %arg2[%dma_start3A_254, %dma_start3A_255] : memref<10000x128xf32, #tpu.memory_space<hbm>> -> memref<10000x128xf32, #tpu.memory_space<hbm>>
          tpu.enqueue_indirect_dma source(%dma_start3A_256 : memref<10000x128xf32, #tpu.memory_space<hbm>>) target(%arg23 : memref<40x128xf32, #tpu.memory_space<vmem>>) offsets(%arg11 : memref<40xi32, #tpu.memory_space<vmem>>) semaphore(%arg35 : memref<!tpu.dma_semaphore, #tpu.memory_space<semaphore_mem>>)
        } else {
        }
      } else {
      }
      %mul3A_175 = arith.constant 6 : i32
      %mul3A_176 = arith.muli %mul3A_175, %scan3A_166 : i32
      %add3A_177 = arith.constant 1 : i32
      %add3A_178 = arith.addi %mul3A_176, %add3A_177 : i32
      %lt3A_179 = arith.constant 250 : i32
      %lt3A_180 = arith.cmpi slt, %add3A_178, %lt3A_179 : i32
      %convert_element_type3A_181 = arith.extui %lt3A_180 : i1 to i32
      %cond3A_182 = arith.constant 0 : i32
      %cond3A_183 = arith.cmpi ne, %convert_element_type3A_181, %cond3A_182 : i32
      scf.if %cond3A_183 {
        %dma_wait3A_220 = arith.constant 0 : i32
        %dma_wait3A_221 = arith.constant 0 : i32
        %dma_wait3A_222 = tpu.memref_slice %arg2[%dma_wait3A_220, %dma_wait3A_221] : memref<10000x128xf32, #tpu.memory_space<hbm>> -> memref<40x128xf32, #tpu.memory_space<hbm>>
        %dma_wait3A_223 = arith.constant 0 : i32
        %dma_wait3A_224 = arith.constant 0 : i32
        %dma_wait3A_225 = tpu.memref_slice %arg2[%dma_wait3A_223, %dma_wait3A_224] : memref<10000x128xf32, #tpu.memory_space<hbm>> -> memref<40x128xf32, #tpu.memory_space<hbm>>
        tpu.wait_dma2 semaphore(%arg32 : memref<!tpu.dma_semaphore, #tpu.memory_space<semaphore_mem>>) src(%dma_wait3A_225 : memref<40x128xf32, #tpu.memory_space<hbm>>) dst(%arg20 : memref<40x128xf32, #tpu.memory_space<vmem>>)
        "tpu.region"() ({
          %run_scoped3A = tpu.sem_alloc : memref<!tpu.dma_semaphore, #tpu.memory_space<semaphore_mem>>
          %dma_start3A_240 = arith.constant 0 : i32
          %dma_start3A_241 = arith.constant 0 : i32
          %dma_start3A_242 = tpu.memref_slice %arg37[%dma_start3A_240, %dma_start3A_241] : memref<10000x128xf32, #tpu.memory_space<vmem_shared>> -> memref<10000x128xf32, #tpu.memory_space<vmem_shared>>
          tpu.enqueue_indirect_dma source(%arg20 : memref<40x128xf32, #tpu.memory_space<vmem>>) target(%dma_start3A_242 : memref<10000x128xf32, #tpu.memory_space<vmem_shared>>) offsets(%arg14 : memref<40xi32, #tpu.memory_space<vmem>>) semaphore(%run_scoped3A : memref<!tpu.dma_semaphore, #tpu.memory_space<semaphore_mem>>) {add = true}
          %dma_wait3A_243 = arith.constant 0 : i32
          %dma_wait3A_244 = arith.constant 0 : i32
          %dma_wait3A_245 = tpu.memref_slice %arg37[%dma_wait3A_243, %dma_wait3A_244] : memref<10000x128xf32, #tpu.memory_space<vmem_shared>> -> memref<10000x128xf32, #tpu.memory_space<vmem_shared>>
          tpu.wait_indirect_dma semaphore(%run_scoped3A : memref<!tpu.dma_semaphore, #tpu.memory_space<semaphore_mem>>) src(%arg20 : memref<40x128xf32, #tpu.memory_space<vmem>>) dst(%dma_wait3A_245 : memref<10000x128xf32, #tpu.memory_space<vmem_shared>>)
          tpu.yield
        }) : () -> ()
        %add3A_226 = arith.constant 6 : i32
        %add3A_227 = arith.addi %add3A_178, %add3A_226 : i32
        %lt3A_228 = arith.constant 250 : i32
        %lt3A_229 = arith.cmpi slt, %add3A_227, %lt3A_228 : i32
        %convert_element_type3A_230 = arith.extui %lt3A_229 : i1 to i32
        %cond3A_231 = arith.constant 0 : i32
        %cond3A_232 = arith.cmpi ne, %convert_element_type3A_230, %cond3A_231 : i32
        scf.if %cond3A_232 {
          %add3A_240 = arith.constant 6 : i32
          %add3A_241 = arith.addi %add3A_178, %add3A_240 : i32
          %dma_start3A_242 = arith.constant 0 : i32
          %dma_start3A_243 = tpu.memref_slice %arg3[%add3A, %add3A_241, %dma_start3A_242] : memref<32x250x40xi32, #tpu.memory_space<hbm>> -> memref<1x1x40xi32, #tpu.memory_space<hbm>>
          %dma_start3A_244 = tpu.memref_squeeze %dma_start3A_243 : memref<1x1x40xi32, #tpu.memory_space<hbm>> -> memref<40xi32, #tpu.memory_space<hbm>>
          %dma_start3A_245 = arith.constant 0 : i32
          %dma_start3A_246 = tpu.memref_slice %arg3[%add3A, %add3A_241, %dma_start3A_245] : memref<32x250x40xi32, #tpu.memory_space<hbm>> -> memref<1x1x40xi32, #tpu.memory_space<hbm>>
          %dma_start3A_247 = tpu.memref_squeeze %dma_start3A_246 : memref<1x1x40xi32, #tpu.memory_space<hbm>> -> memref<40xi32, #tpu.memory_space<hbm>>
          tpu.enqueue_dma source(%dma_start3A_247 : memref<40xi32, #tpu.memory_space<hbm>>) target(%arg8 : memref<40xi32, #tpu.memory_space<vmem>>) target_semaphore(%arg26 : memref<!tpu.dma_semaphore, #tpu.memory_space<semaphore_mem>>)
          %dma_start3A_248 = arith.constant 0 : i32
          %dma_start3A_249 = tpu.memref_slice %arg4[%add3A, %add3A_241, %dma_start3A_248] : memref<32x250x40xi32, #tpu.memory_space<hbm>> -> memref<1x1x40xi32, #tpu.memory_space<hbm>>
          %dma_start3A_250 = tpu.memref_squeeze %dma_start3A_249 : memref<1x1x40xi32, #tpu.memory_space<hbm>> -> memref<40xi32, #tpu.memory_space<hbm>>
          %dma_start3A_251 = arith.constant 0 : i32
          %dma_start3A_252 = tpu.memref_slice %arg4[%add3A, %add3A_241, %dma_start3A_251] : memref<32x250x40xi32, #tpu.memory_space<hbm>> -> memref<1x1x40xi32, #tpu.memory_space<hbm>>
          %dma_start3A_253 = tpu.memref_squeeze %dma_start3A_252 : memref<1x1x40xi32, #tpu.memory_space<hbm>> -> memref<40xi32, #tpu.memory_space<hbm>>
          tpu.enqueue_dma source(%dma_start3A_253 : memref<40xi32, #tpu.memory_space<hbm>>) target(%arg14 : memref<40xi32, #tpu.memory_space<vmem>>) target_semaphore(%arg26 : memref<!tpu.dma_semaphore, #tpu.memory_space<semaphore_mem>>)
        } else {
        }
        %add3A_233 = arith.constant 4 : i32
        %add3A_234 = arith.addi %add3A_178, %add3A_233 : i32
        %lt3A_235 = arith.constant 250 : i32
        %lt3A_236 = arith.cmpi slt, %add3A_234, %lt3A_235 : i32
        %convert_element_type3A_237 = arith.extui %lt3A_236 : i1 to i32
        %cond3A_238 = arith.constant 0 : i32
        %cond3A_239 = arith.cmpi ne, %convert_element_type3A_237, %cond3A_238 : i32
        scf.if %cond3A_239 {
          %add3A_240 = arith.constant 4 : i32
          %add3A_241 = arith.addi %add3A_178, %add3A_240 : i32
          %dma_wait3A_242 = arith.constant 0 : i32
          %dma_wait3A_243 = tpu.memref_slice %arg3[%add3A, %add3A_241, %dma_wait3A_242] : memref<32x250x40xi32, #tpu.memory_space<hbm>> -> memref<1x1x40xi32, #tpu.memory_space<hbm>>
          %dma_wait3A_244 = tpu.memref_squeeze %dma_wait3A_243 : memref<1x1x40xi32, #tpu.memory_space<hbm>> -> memref<40xi32, #tpu.memory_space<hbm>>
          %dma_wait3A_245 = arith.constant 0 : i32
          %dma_wait3A_246 = tpu.memref_slice %arg3[%add3A, %add3A_241, %dma_wait3A_245] : memref<32x250x40xi32, #tpu.memory_space<hbm>> -> memref<1x1x40xi32, #tpu.memory_space<hbm>>
          %dma_wait3A_247 = tpu.memref_squeeze %dma_wait3A_246 : memref<1x1x40xi32, #tpu.memory_space<hbm>> -> memref<40xi32, #tpu.memory_space<hbm>>
          tpu.wait_dma2 semaphore(%arg30 : memref<!tpu.dma_semaphore, #tpu.memory_space<semaphore_mem>>) src(%dma_wait3A_247 : memref<40xi32, #tpu.memory_space<hbm>>) dst(%arg12 : memref<40xi32, #tpu.memory_space<vmem>>)
          %dma_wait3A_248 = arith.constant 0 : i32
          %dma_wait3A_249 = tpu.memref_slice %arg4[%add3A, %add3A_241, %dma_wait3A_248] : memref<32x250x40xi32, #tpu.memory_space<hbm>> -> memref<1x1x40xi32, #tpu.memory_space<hbm>>
          %dma_wait3A_250 = tpu.memref_squeeze %dma_wait3A_249 : memref<1x1x40xi32, #tpu.memory_space<hbm>> -> memref<40xi32, #tpu.memory_space<hbm>>
          %dma_wait3A_251 = arith.constant 0 : i32
          %dma_wait3A_252 = tpu.memref_slice %arg4[%add3A, %add3A_241, %dma_wait3A_251] : memref<32x250x40xi32, #tpu.memory_space<hbm>> -> memref<1x1x40xi32, #tpu.memory_space<hbm>>
          %dma_wait3A_253 = tpu.memref_squeeze %dma_wait3A_252 : memref<1x1x40xi32, #tpu.memory_space<hbm>> -> memref<40xi32, #tpu.memory_space<hbm>>
          tpu.wait_dma2 semaphore(%arg30 : memref<!tpu.dma_semaphore, #tpu.memory_space<semaphore_mem>>) src(%dma_wait3A_253 : memref<40xi32, #tpu.memory_space<hbm>>) dst(%arg18 : memref<40xi32, #tpu.memory_space<vmem>>)
          %dma_start3A_254 = arith.constant 0 : i32
          %dma_start3A_255 = arith.constant 0 : i32
          %dma_start3A_256 = tpu.memref_slice %arg2[%dma_start3A_254, %dma_start3A_255] : memref<10000x128xf32, #tpu.memory_space<hbm>> -> memref<10000x128xf32, #tpu.memory_space<hbm>>
          tpu.enqueue_indirect_dma source(%dma_start3A_256 : memref<10000x128xf32, #tpu.memory_space<hbm>>) target(%arg24 : memref<40x128xf32, #tpu.memory_space<vmem>>) offsets(%arg12 : memref<40xi32, #tpu.memory_space<vmem>>) semaphore(%arg36 : memref<!tpu.dma_semaphore, #tpu.memory_space<semaphore_mem>>)
        } else {
        }
      } else {
      }
      %mul3A_184 = arith.constant 6 : i32
      %mul3A_185 = arith.muli %mul3A_184, %scan3A_166 : i32
      %add3A_186 = arith.constant 2 : i32
      %add3A_187 = arith.addi %mul3A_185, %add3A_186 : i32
      %lt3A_188 = arith.constant 250 : i32
      %lt3A_189 = arith.cmpi slt, %add3A_187, %lt3A_188 : i32
      %convert_element_type3A_190 = arith.extui %lt3A_189 : i1 to i32
      %cond3A_191 = arith.constant 0 : i32
      %cond3A_192 = arith.cmpi ne, %convert_element_type3A_190, %cond3A_191 : i32
      scf.if %cond3A_192 {
        %dma_wait3A_220 = arith.constant 0 : i32
        %dma_wait3A_221 = arith.constant 0 : i32
        %dma_wait3A_222 = tpu.memref_slice %arg2[%dma_wait3A_220, %dma_wait3A_221] : memref<10000x128xf32, #tpu.memory_space<hbm>> -> memref<40x128xf32, #tpu.memory_space<hbm>>
        %dma_wait3A_223 = arith.constant 0 : i32
        %dma_wait3A_224 = arith.constant 0 : i32
        %dma_wait3A_225 = tpu.memref_slice %arg2[%dma_wait3A_223, %dma_wait3A_224] : memref<10000x128xf32, #tpu.memory_space<hbm>> -> memref<40x128xf32, #tpu.memory_space<hbm>>
        tpu.wait_dma2 semaphore(%arg33 : memref<!tpu.dma_semaphore, #tpu.memory_space<semaphore_mem>>) src(%dma_wait3A_225 : memref<40x128xf32, #tpu.memory_space<hbm>>) dst(%arg21 : memref<40x128xf32, #tpu.memory_space<vmem>>)
        "tpu.region"() ({
          %run_scoped3A = tpu.sem_alloc : memref<!tpu.dma_semaphore, #tpu.memory_space<semaphore_mem>>
          %dma_start3A_240 = arith.constant 0 : i32
          %dma_start3A_241 = arith.constant 0 : i32
          %dma_start3A_242 = tpu.memref_slice %arg37[%dma_start3A_240, %dma_start3A_241] : memref<10000x128xf32, #tpu.memory_space<vmem_shared>> -> memref<10000x128xf32, #tpu.memory_space<vmem_shared>>
          tpu.enqueue_indirect_dma source(%arg21 : memref<40x128xf32, #tpu.memory_space<vmem>>) target(%dma_start3A_242 : memref<10000x128xf32, #tpu.memory_space<vmem_shared>>) offsets(%arg15 : memref<40xi32, #tpu.memory_space<vmem>>) semaphore(%run_scoped3A : memref<!tpu.dma_semaphore, #tpu.memory_space<semaphore_mem>>) {add = true}
          %dma_wait3A_243 = arith.constant 0 : i32
          %dma_wait3A_244 = arith.constant 0 : i32
          %dma_wait3A_245 = tpu.memref_slice %arg37[%dma_wait3A_243, %dma_wait3A_244] : memref<10000x128xf32, #tpu.memory_space<vmem_shared>> -> memref<10000x128xf32, #tpu.memory_space<vmem_shared>>
          tpu.wait_indirect_dma semaphore(%run_scoped3A : memref<!tpu.dma_semaphore, #tpu.memory_space<semaphore_mem>>) src(%arg21 : memref<40x128xf32, #tpu.memory_space<vmem>>) dst(%dma_wait3A_245 : memref<10000x128xf32, #tpu.memory_space<vmem_shared>>)
          tpu.yield
        }) : () -> ()
        %add3A_226 = arith.constant 6 : i32
        %add3A_227 = arith.addi %add3A_187, %add3A_226 : i32
        %lt3A_228 = arith.constant 250 : i32
        %lt3A_229 = arith.cmpi slt, %add3A_227, %lt3A_228 : i32
        %convert_element_type3A_230 = arith.extui %lt3A_229 : i1 to i32
        %cond3A_231 = arith.constant 0 : i32
        %cond3A_232 = arith.cmpi ne, %convert_element_type3A_230, %cond3A_231 : i32
        scf.if %cond3A_232 {
          %add3A_240 = arith.constant 6 : i32
          %add3A_241 = arith.addi %add3A_187, %add3A_240 : i32
          %dma_start3A_242 = arith.constant 0 : i32
          %dma_start3A_243 = tpu.memref_slice %arg3[%add3A, %add3A_241, %dma_start3A_242] : memref<32x250x40xi32, #tpu.memory_space<hbm>> -> memref<1x1x40xi32, #tpu.memory_space<hbm>>
          %dma_start3A_244 = tpu.memref_squeeze %dma_start3A_243 : memref<1x1x40xi32, #tpu.memory_space<hbm>> -> memref<40xi32, #tpu.memory_space<hbm>>
          %dma_start3A_245 = arith.constant 0 : i32
          %dma_start3A_246 = tpu.memref_slice %arg3[%add3A, %add3A_241, %dma_start3A_245] : memref<32x250x40xi32, #tpu.memory_space<hbm>> -> memref<1x1x40xi32, #tpu.memory_space<hbm>>
          %dma_start3A_247 = tpu.memref_squeeze %dma_start3A_246 : memref<1x1x40xi32, #tpu.memory_space<hbm>> -> memref<40xi32, #tpu.memory_space<hbm>>
          tpu.enqueue_dma source(%dma_start3A_247 : memref<40xi32, #tpu.memory_space<hbm>>) target(%arg9 : memref<40xi32, #tpu.memory_space<vmem>>) target_semaphore(%arg27 : memref<!tpu.dma_semaphore, #tpu.memory_space<semaphore_mem>>)
          %dma_start3A_248 = arith.constant 0 : i32
          %dma_start3A_249 = tpu.memref_slice %arg4[%add3A, %add3A_241, %dma_start3A_248] : memref<32x250x40xi32, #tpu.memory_space<hbm>> -> memref<1x1x40xi32, #tpu.memory_space<hbm>>
          %dma_start3A_250 = tpu.memref_squeeze %dma_start3A_249 : memref<1x1x40xi32, #tpu.memory_space<hbm>> -> memref<40xi32, #tpu.memory_space<hbm>>
          %dma_start3A_251 = arith.constant 0 : i32
          %dma_start3A_252 = tpu.memref_slice %arg4[%add3A, %add3A_241, %dma_start3A_251] : memref<32x250x40xi32, #tpu.memory_space<hbm>> -> memref<1x1x40xi32, #tpu.memory_space<hbm>>
          %dma_start3A_253 = tpu.memref_squeeze %dma_start3A_252 : memref<1x1x40xi32, #tpu.memory_space<hbm>> -> memref<40xi32, #tpu.memory_space<hbm>>
          tpu.enqueue_dma source(%dma_start3A_253 : memref<40xi32, #tpu.memory_space<hbm>>) target(%arg15 : memref<40xi32, #tpu.memory_space<vmem>>) target_semaphore(%arg27 : memref<!tpu.dma_semaphore, #tpu.memory_space<semaphore_mem>>)
        } else {
        }
        %add3A_233 = arith.constant 4 : i32
        %add3A_234 = arith.addi %add3A_187, %add3A_233 : i32
        %lt3A_235 = arith.constant 250 : i32
        %lt3A_236 = arith.cmpi slt, %add3A_234, %lt3A_235 : i32
        %convert_element_type3A_237 = arith.extui %lt3A_236 : i1 to i32
        %cond3A_238 = arith.constant 0 : i32
        %cond3A_239 = arith.cmpi ne, %convert_element_type3A_237, %cond3A_238 : i32
        scf.if %cond3A_239 {
          %add3A_240 = arith.constant 4 : i32
          %add3A_241 = arith.addi %add3A_187, %add3A_240 : i32
          %dma_wait3A_242 = arith.constant 0 : i32
          %dma_wait3A_243 = tpu.memref_slice %arg3[%add3A, %add3A_241, %dma_wait3A_242] : memref<32x250x40xi32, #tpu.memory_space<hbm>> -> memref<1x1x40xi32, #tpu.memory_space<hbm>>
          %dma_wait3A_244 = tpu.memref_squeeze %dma_wait3A_243 : memref<1x1x40xi32, #tpu.memory_space<hbm>> -> memref<40xi32, #tpu.memory_space<hbm>>
          %dma_wait3A_245 = arith.constant 0 : i32
          %dma_wait3A_246 = tpu.memref_slice %arg3[%add3A, %add3A_241, %dma_wait3A_245] : memref<32x250x40xi32, #tpu.memory_space<hbm>> -> memref<1x1x40xi32, #tpu.memory_space<hbm>>
          %dma_wait3A_247 = tpu.memref_squeeze %dma_wait3A_246 : memref<1x1x40xi32, #tpu.memory_space<hbm>> -> memref<40xi32, #tpu.memory_space<hbm>>
          tpu.wait_dma2 semaphore(%arg25 : memref<!tpu.dma_semaphore, #tpu.memory_space<semaphore_mem>>) src(%dma_wait3A_247 : memref<40xi32, #tpu.memory_space<hbm>>) dst(%arg7 : memref<40xi32, #tpu.memory_space<vmem>>)
          %dma_wait3A_248 = arith.constant 0 : i32
          %dma_wait3A_249 = tpu.memref_slice %arg4[%add3A, %add3A_241, %dma_wait3A_248] : memref<32x250x40xi32, #tpu.memory_space<hbm>> -> memref<1x1x40xi32, #tpu.memory_space<hbm>>
          %dma_wait3A_250 = tpu.memref_squeeze %dma_wait3A_249 : memref<1x1x40xi32, #tpu.memory_space<hbm>> -> memref<40xi32, #tpu.memory_space<hbm>>
          %dma_wait3A_251 = arith.constant 0 : i32
          %dma_wait3A_252 = tpu.memref_slice %arg4[%add3A, %add3A_241, %dma_wait3A_251] : memref<32x250x40xi32, #tpu.memory_space<hbm>> -> memref<1x1x40xi32, #tpu.memory_space<hbm>>
          %dma_wait3A_253 = tpu.memref_squeeze %dma_wait3A_252 : memref<1x1x40xi32, #tpu.memory_space<hbm>> -> memref<40xi32, #tpu.memory_space<hbm>>
          tpu.wait_dma2 semaphore(%arg25 : memref<!tpu.dma_semaphore, #tpu.memory_space<semaphore_mem>>) src(%dma_wait3A_253 : memref<40xi32, #tpu.memory_space<hbm>>) dst(%arg13 : memref<40xi32, #tpu.memory_space<vmem>>)
          %dma_start3A_254 = arith.constant 0 : i32
          %dma_start3A_255 = arith.constant 0 : i32
          %dma_start3A_256 = tpu.memref_slice %arg2[%dma_start3A_254, %dma_start3A_255] : memref<10000x128xf32, #tpu.memory_space<hbm>> -> memref<10000x128xf32, #tpu.memory_space<hbm>>
          tpu.enqueue_indirect_dma source(%dma_start3A_256 : memref<10000x128xf32, #tpu.memory_space<hbm>>) target(%arg19 : memref<40x128xf32, #tpu.memory_space<vmem>>) offsets(%arg7 : memref<40xi32, #tpu.memory_space<vmem>>) semaphore(%arg31 : memref<!tpu.dma_semaphore, #tpu.memory_space<semaphore_mem>>)
        } else {
        }
      } else {
      }
      %mul3A_193 = arith.constant 6 : i32
      %mul3A_194 = arith.muli %mul3A_193, %scan3A_166 : i32
      %add3A_195 = arith.constant 3 : i32
      %add3A_196 = arith.addi %mul3A_194, %add3A_195 : i32
      %lt3A_197 = arith.constant 250 : i32
      %lt3A_198 = arith.cmpi slt, %add3A_196, %lt3A_197 : i32
      %convert_element_type3A_199 = arith.extui %lt3A_198 : i1 to i32
      %cond3A_200 = arith.constant 0 : i32
      %cond3A_201 = arith.cmpi ne, %convert_element_type3A_199, %cond3A_200 : i32
      scf.if %cond3A_201 {
        %dma_wait3A_220 = arith.constant 0 : i32
        %dma_wait3A_221 = arith.constant 0 : i32
        %dma_wait3A_222 = tpu.memref_slice %arg2[%dma_wait3A_220, %dma_wait3A_221] : memref<10000x128xf32, #tpu.memory_space<hbm>> -> memref<40x128xf32, #tpu.memory_space<hbm>>
        %dma_wait3A_223 = arith.constant 0 : i32
        %dma_wait3A_224 = arith.constant 0 : i32
        %dma_wait3A_225 = tpu.memref_slice %arg2[%dma_wait3A_223, %dma_wait3A_224] : memref<10000x128xf32, #tpu.memory_space<hbm>> -> memref<40x128xf32, #tpu.memory_space<hbm>>
        tpu.wait_dma2 semaphore(%arg34 : memref<!tpu.dma_semaphore, #tpu.memory_space<semaphore_mem>>) src(%dma_wait3A_225 : memref<40x128xf32, #tpu.memory_space<hbm>>) dst(%arg22 : memref<40x128xf32, #tpu.memory_space<vmem>>)
        "tpu.region"() ({
          %run_scoped3A = tpu.sem_alloc : memref<!tpu.dma_semaphore, #tpu.memory_space<semaphore_mem>>
          %dma_start3A_240 = arith.constant 0 : i32
          %dma_start3A_241 = arith.constant 0 : i32
          %dma_start3A_242 = tpu.memref_slice %arg37[%dma_start3A_240, %dma_start3A_241] : memref<10000x128xf32, #tpu.memory_space<vmem_shared>> -> memref<10000x128xf32, #tpu.memory_space<vmem_shared>>
          tpu.enqueue_indirect_dma source(%arg22 : memref<40x128xf32, #tpu.memory_space<vmem>>) target(%dma_start3A_242 : memref<10000x128xf32, #tpu.memory_space<vmem_shared>>) offsets(%arg16 : memref<40xi32, #tpu.memory_space<vmem>>) semaphore(%run_scoped3A : memref<!tpu.dma_semaphore, #tpu.memory_space<semaphore_mem>>) {add = true}
          %dma_wait3A_243 = arith.constant 0 : i32
          %dma_wait3A_244 = arith.constant 0 : i32
          %dma_wait3A_245 = tpu.memref_slice %arg37[%dma_wait3A_243, %dma_wait3A_244] : memref<10000x128xf32, #tpu.memory_space<vmem_shared>> -> memref<10000x128xf32, #tpu.memory_space<vmem_shared>>
          tpu.wait_indirect_dma semaphore(%run_scoped3A : memref<!tpu.dma_semaphore, #tpu.memory_space<semaphore_mem>>) src(%arg22 : memref<40x128xf32, #tpu.memory_space<vmem>>) dst(%dma_wait3A_245 : memref<10000x128xf32, #tpu.memory_space<vmem_shared>>)
          tpu.yield
        }) : () -> ()
        %add3A_226 = arith.constant 6 : i32
        %add3A_227 = arith.addi %add3A_196, %add3A_226 : i32
        %lt3A_228 = arith.constant 250 : i32
        %lt3A_229 = arith.cmpi slt, %add3A_227, %lt3A_228 : i32
        %convert_element_type3A_230 = arith.extui %lt3A_229 : i1 to i32
        %cond3A_231 = arith.constant 0 : i32
        %cond3A_232 = arith.cmpi ne, %convert_element_type3A_230, %cond3A_231 : i32
        scf.if %cond3A_232 {
          %add3A_240 = arith.constant 6 : i32
          %add3A_241 = arith.addi %add3A_196, %add3A_240 : i32
          %dma_start3A_242 = arith.constant 0 : i32
          %dma_start3A_243 = tpu.memref_slice %arg3[%add3A, %add3A_241, %dma_start3A_242] : memref<32x250x40xi32, #tpu.memory_space<hbm>> -> memref<1x1x40xi32, #tpu.memory_space<hbm>>
          %dma_start3A_244 = tpu.memref_squeeze %dma_start3A_243 : memref<1x1x40xi32, #tpu.memory_space<hbm>> -> memref<40xi32, #tpu.memory_space<hbm>>
          %dma_start3A_245 = arith.constant 0 : i32
          %dma_start3A_246 = tpu.memref_slice %arg3[%add3A, %add3A_241, %dma_start3A_245] : memref<32x250x40xi32, #tpu.memory_space<hbm>> -> memref<1x1x40xi32, #tpu.memory_space<hbm>>
          %dma_start3A_247 = tpu.memref_squeeze %dma_start3A_246 : memref<1x1x40xi32, #tpu.memory_space<hbm>> -> memref<40xi32, #tpu.memory_space<hbm>>
          tpu.enqueue_dma source(%dma_start3A_247 : memref<40xi32, #tpu.memory_space<hbm>>) target(%arg10 : memref<40xi32, #tpu.memory_space<vmem>>) target_semaphore(%arg28 : memref<!tpu.dma_semaphore, #tpu.memory_space<semaphore_mem>>)
          %dma_start3A_248 = arith.constant 0 : i32
          %dma_start3A_249 = tpu.memref_slice %arg4[%add3A, %add3A_241, %dma_start3A_248] : memref<32x250x40xi32, #tpu.memory_space<hbm>> -> memref<1x1x40xi32, #tpu.memory_space<hbm>>
          %dma_start3A_250 = tpu.memref_squeeze %dma_start3A_249 : memref<1x1x40xi32, #tpu.memory_space<hbm>> -> memref<40xi32, #tpu.memory_space<hbm>>
          %dma_start3A_251 = arith.constant 0 : i32
          %dma_start3A_252 = tpu.memref_slice %arg4[%add3A, %add3A_241, %dma_start3A_251] : memref<32x250x40xi32, #tpu.memory_space<hbm>> -> memref<1x1x40xi32, #tpu.memory_space<hbm>>
          %dma_start3A_253 = tpu.memref_squeeze %dma_start3A_252 : memref<1x1x40xi32, #tpu.memory_space<hbm>> -> memref<40xi32, #tpu.memory_space<hbm>>
          tpu.enqueue_dma source(%dma_start3A_253 : memref<40xi32, #tpu.memory_space<hbm>>) target(%arg16 : memref<40xi32, #tpu.memory_space<vmem>>) target_semaphore(%arg28 : memref<!tpu.dma_semaphore, #tpu.memory_space<semaphore_mem>>)
        } else {
        }
        %add3A_233 = arith.constant 4 : i32
        %add3A_234 = arith.addi %add3A_196, %add3A_233 : i32
        %lt3A_235 = arith.constant 250 : i32
        %lt3A_236 = arith.cmpi slt, %add3A_234, %lt3A_235 : i32
        %convert_element_type3A_237 = arith.extui %lt3A_236 : i1 to i32
        %cond3A_238 = arith.constant 0 : i32
        %cond3A_239 = arith.cmpi ne, %convert_element_type3A_237, %cond3A_238 : i32
        scf.if %cond3A_239 {
          %add3A_240 = arith.constant 4 : i32
          %add3A_241 = arith.addi %add3A_196, %add3A_240 : i32
          %dma_wait3A_242 = arith.constant 0 : i32
          %dma_wait3A_243 = tpu.memref_slice %arg3[%add3A, %add3A_241, %dma_wait3A_242] : memref<32x250x40xi32, #tpu.memory_space<hbm>> -> memref<1x1x40xi32, #tpu.memory_space<hbm>>
          %dma_wait3A_244 = tpu.memref_squeeze %dma_wait3A_243 : memref<1x1x40xi32, #tpu.memory_space<hbm>> -> memref<40xi32, #tpu.memory_space<hbm>>
          %dma_wait3A_245 = arith.constant 0 : i32
          %dma_wait3A_246 = tpu.memref_slice %arg3[%add3A, %add3A_241, %dma_wait3A_245] : memref<32x250x40xi32, #tpu.memory_space<hbm>> -> memref<1x1x40xi32, #tpu.memory_space<hbm>>
          %dma_wait3A_247 = tpu.memref_squeeze %dma_wait3A_246 : memref<1x1x40xi32, #tpu.memory_space<hbm>> -> memref<40xi32, #tpu.memory_space<hbm>>
          tpu.wait_dma2 semaphore(%arg26 : memref<!tpu.dma_semaphore, #tpu.memory_space<semaphore_mem>>) src(%dma_wait3A_247 : memref<40xi32, #tpu.memory_space<hbm>>) dst(%arg8 : memref<40xi32, #tpu.memory_space<vmem>>)
          %dma_wait3A_248 = arith.constant 0 : i32
          %dma_wait3A_249 = tpu.memref_slice %arg4[%add3A, %add3A_241, %dma_wait3A_248] : memref<32x250x40xi32, #tpu.memory_space<hbm>> -> memref<1x1x40xi32, #tpu.memory_space<hbm>>
          %dma_wait3A_250 = tpu.memref_squeeze %dma_wait3A_249 : memref<1x1x40xi32, #tpu.memory_space<hbm>> -> memref<40xi32, #tpu.memory_space<hbm>>
          %dma_wait3A_251 = arith.constant 0 : i32
          %dma_wait3A_252 = tpu.memref_slice %arg4[%add3A, %add3A_241, %dma_wait3A_251] : memref<32x250x40xi32, #tpu.memory_space<hbm>> -> memref<1x1x40xi32, #tpu.memory_space<hbm>>
          %dma_wait3A_253 = tpu.memref_squeeze %dma_wait3A_252 : memref<1x1x40xi32, #tpu.memory_space<hbm>> -> memref<40xi32, #tpu.memory_space<hbm>>
          tpu.wait_dma2 semaphore(%arg26 : memref<!tpu.dma_semaphore, #tpu.memory_space<semaphore_mem>>) src(%dma_wait3A_253 : memref<40xi32, #tpu.memory_space<hbm>>) dst(%arg14 : memref<40xi32, #tpu.memory_space<vmem>>)
          %dma_start3A_254 = arith.constant 0 : i32
          %dma_start3A_255 = arith.constant 0 : i32
          %dma_start3A_256 = tpu.memref_slice %arg2[%dma_start3A_254, %dma_start3A_255] : memref<10000x128xf32, #tpu.memory_space<hbm>> -> memref<10000x128xf32, #tpu.memory_space<hbm>>
          tpu.enqueue_indirect_dma source(%dma_start3A_256 : memref<10000x128xf32, #tpu.memory_space<hbm>>) target(%arg20 : memref<40x128xf32, #tpu.memory_space<vmem>>) offsets(%arg8 : memref<40xi32, #tpu.memory_space<vmem>>) semaphore(%arg32 : memref<!tpu.dma_semaphore, #tpu.memory_space<semaphore_mem>>)
        } else {
        }
      } else {
      }
      %mul3A_202 = arith.constant 6 : i32
      %mul3A_203 = arith.muli %mul3A_202, %scan3A_166 : i32
      %add3A_204 = arith.constant 4 : i32
      %add3A_205 = arith.addi %mul3A_203, %add3A_204 : i32
      %lt3A_206 = arith.constant 250 : i32
      %lt3A_207 = arith.cmpi slt, %add3A_205, %lt3A_206 : i32
      %convert_element_type3A_208 = arith.extui %lt3A_207 : i1 to i32
      %cond3A_209 = arith.constant 0 : i32
      %cond3A_210 = arith.cmpi ne, %convert_element_type3A_208, %cond3A_209 : i32
      scf.if %cond3A_210 {
        %dma_wait3A_220 = arith.constant 0 : i32
        %dma_wait3A_221 = arith.constant 0 : i32
        %dma_wait3A_222 = tpu.memref_slice %arg2[%dma_wait3A_220, %dma_wait3A_221] : memref<10000x128xf32, #tpu.memory_space<hbm>> -> memref<40x128xf32, #tpu.memory_space<hbm>>
        %dma_wait3A_223 = arith.constant 0 : i32
        %dma_wait3A_224 = arith.constant 0 : i32
        %dma_wait3A_225 = tpu.memref_slice %arg2[%dma_wait3A_223, %dma_wait3A_224] : memref<10000x128xf32, #tpu.memory_space<hbm>> -> memref<40x128xf32, #tpu.memory_space<hbm>>
        tpu.wait_dma2 semaphore(%arg35 : memref<!tpu.dma_semaphore, #tpu.memory_space<semaphore_mem>>) src(%dma_wait3A_225 : memref<40x128xf32, #tpu.memory_space<hbm>>) dst(%arg23 : memref<40x128xf32, #tpu.memory_space<vmem>>)
        "tpu.region"() ({
          %run_scoped3A = tpu.sem_alloc : memref<!tpu.dma_semaphore, #tpu.memory_space<semaphore_mem>>
          %dma_start3A_240 = arith.constant 0 : i32
          %dma_start3A_241 = arith.constant 0 : i32
          %dma_start3A_242 = tpu.memref_slice %arg37[%dma_start3A_240, %dma_start3A_241] : memref<10000x128xf32, #tpu.memory_space<vmem_shared>> -> memref<10000x128xf32, #tpu.memory_space<vmem_shared>>
          tpu.enqueue_indirect_dma source(%arg23 : memref<40x128xf32, #tpu.memory_space<vmem>>) target(%dma_start3A_242 : memref<10000x128xf32, #tpu.memory_space<vmem_shared>>) offsets(%arg17 : memref<40xi32, #tpu.memory_space<vmem>>) semaphore(%run_scoped3A : memref<!tpu.dma_semaphore, #tpu.memory_space<semaphore_mem>>) {add = true}
          %dma_wait3A_243 = arith.constant 0 : i32
          %dma_wait3A_244 = arith.constant 0 : i32
          %dma_wait3A_245 = tpu.memref_slice %arg37[%dma_wait3A_243, %dma_wait3A_244] : memref<10000x128xf32, #tpu.memory_space<vmem_shared>> -> memref<10000x128xf32, #tpu.memory_space<vmem_shared>>
          tpu.wait_indirect_dma semaphore(%run_scoped3A : memref<!tpu.dma_semaphore, #tpu.memory_space<semaphore_mem>>) src(%arg23 : memref<40x128xf32, #tpu.memory_space<vmem>>) dst(%dma_wait3A_245 : memref<10000x128xf32, #tpu.memory_space<vmem_shared>>)
          tpu.yield
        }) : () -> ()
        %add3A_226 = arith.constant 6 : i32
        %add3A_227 = arith.addi %add3A_205, %add3A_226 : i32
        %lt3A_228 = arith.constant 250 : i32
        %lt3A_229 = arith.cmpi slt, %add3A_227, %lt3A_228 : i32
        %convert_element_type3A_230 = arith.extui %lt3A_229 : i1 to i32
        %cond3A_231 = arith.constant 0 : i32
        %cond3A_232 = arith.cmpi ne, %convert_element_type3A_230, %cond3A_231 : i32
        scf.if %cond3A_232 {
          %add3A_240 = arith.constant 6 : i32
          %add3A_241 = arith.addi %add3A_205, %add3A_240 : i32
          %dma_start3A_242 = arith.constant 0 : i32
          %dma_start3A_243 = tpu.memref_slice %arg3[%add3A, %add3A_241, %dma_start3A_242] : memref<32x250x40xi32, #tpu.memory_space<hbm>> -> memref<1x1x40xi32, #tpu.memory_space<hbm>>
          %dma_start3A_244 = tpu.memref_squeeze %dma_start3A_243 : memref<1x1x40xi32, #tpu.memory_space<hbm>> -> memref<40xi32, #tpu.memory_space<hbm>>
          %dma_start3A_245 = arith.constant 0 : i32
          %dma_start3A_246 = tpu.memref_slice %arg3[%add3A, %add3A_241, %dma_start3A_245] : memref<32x250x40xi32, #tpu.memory_space<hbm>> -> memref<1x1x40xi32, #tpu.memory_space<hbm>>
          %dma_start3A_247 = tpu.memref_squeeze %dma_start3A_246 : memref<1x1x40xi32, #tpu.memory_space<hbm>> -> memref<40xi32, #tpu.memory_space<hbm>>
          tpu.enqueue_dma source(%dma_start3A_247 : memref<40xi32, #tpu.memory_space<hbm>>) target(%arg11 : memref<40xi32, #tpu.memory_space<vmem>>) target_semaphore(%arg29 : memref<!tpu.dma_semaphore, #tpu.memory_space<semaphore_mem>>)
          %dma_start3A_248 = arith.constant 0 : i32
          %dma_start3A_249 = tpu.memref_slice %arg4[%add3A, %add3A_241, %dma_start3A_248] : memref<32x250x40xi32, #tpu.memory_space<hbm>> -> memref<1x1x40xi32, #tpu.memory_space<hbm>>
          %dma_start3A_250 = tpu.memref_squeeze %dma_start3A_249 : memref<1x1x40xi32, #tpu.memory_space<hbm>> -> memref<40xi32, #tpu.memory_space<hbm>>
          %dma_start3A_251 = arith.constant 0 : i32
          %dma_start3A_252 = tpu.memref_slice %arg4[%add3A, %add3A_241, %dma_start3A_251] : memref<32x250x40xi32, #tpu.memory_space<hbm>> -> memref<1x1x40xi32, #tpu.memory_space<hbm>>
          %dma_start3A_253 = tpu.memref_squeeze %dma_start3A_252 : memref<1x1x40xi32, #tpu.memory_space<hbm>> -> memref<40xi32, #tpu.memory_space<hbm>>
          tpu.enqueue_dma source(%dma_start3A_253 : memref<40xi32, #tpu.memory_space<hbm>>) target(%arg17 : memref<40xi32, #tpu.memory_space<vmem>>) target_semaphore(%arg29 : memref<!tpu.dma_semaphore, #tpu.memory_space<semaphore_mem>>)
        } else {
        }
        %add3A_233 = arith.constant 4 : i32
        %add3A_234 = arith.addi %add3A_205, %add3A_233 : i32
        %lt3A_235 = arith.constant 250 : i32
        %lt3A_236 = arith.cmpi slt, %add3A_234, %lt3A_235 : i32
        %convert_element_type3A_237 = arith.extui %lt3A_236 : i1 to i32
        %cond3A_238 = arith.constant 0 : i32
        %cond3A_239 = arith.cmpi ne, %convert_element_type3A_237, %cond3A_238 : i32
        scf.if %cond3A_239 {
          %add3A_240 = arith.constant 4 : i32
          %add3A_241 = arith.addi %add3A_205, %add3A_240 : i32
          %dma_wait3A_242 = arith.constant 0 : i32
          %dma_wait3A_243 = tpu.memref_slice %arg3[%add3A, %add3A_241, %dma_wait3A_242] : memref<32x250x40xi32, #tpu.memory_space<hbm>> -> memref<1x1x40xi32, #tpu.memory_space<hbm>>
          %dma_wait3A_244 = tpu.memref_squeeze %dma_wait3A_243 : memref<1x1x40xi32, #tpu.memory_space<hbm>> -> memref<40xi32, #tpu.memory_space<hbm>>
          %dma_wait3A_245 = arith.constant 0 : i32
          %dma_wait3A_246 = tpu.memref_slice %arg3[%add3A, %add3A_241, %dma_wait3A_245] : memref<32x250x40xi32, #tpu.memory_space<hbm>> -> memref<1x1x40xi32, #tpu.memory_space<hbm>>
          %dma_wait3A_247 = tpu.memref_squeeze %dma_wait3A_246 : memref<1x1x40xi32, #tpu.memory_space<hbm>> -> memref<40xi32, #tpu.memory_space<hbm>>
          tpu.wait_dma2 semaphore(%arg27 : memref<!tpu.dma_semaphore, #tpu.memory_space<semaphore_mem>>) src(%dma_wait3A_247 : memref<40xi32, #tpu.memory_space<hbm>>) dst(%arg9 : memref<40xi32, #tpu.memory_space<vmem>>)
          %dma_wait3A_248 = arith.constant 0 : i32
          %dma_wait3A_249 = tpu.memref_slice %arg4[%add3A, %add3A_241, %dma_wait3A_248] : memref<32x250x40xi32, #tpu.memory_space<hbm>> -> memref<1x1x40xi32, #tpu.memory_space<hbm>>
          %dma_wait3A_250 = tpu.memref_squeeze %dma_wait3A_249 : memref<1x1x40xi32, #tpu.memory_space<hbm>> -> memref<40xi32, #tpu.memory_space<hbm>>
          %dma_wait3A_251 = arith.constant 0 : i32
          %dma_wait3A_252 = tpu.memref_slice %arg4[%add3A, %add3A_241, %dma_wait3A_251] : memref<32x250x40xi32, #tpu.memory_space<hbm>> -> memref<1x1x40xi32, #tpu.memory_space<hbm>>
          %dma_wait3A_253 = tpu.memref_squeeze %dma_wait3A_252 : memref<1x1x40xi32, #tpu.memory_space<hbm>> -> memref<40xi32, #tpu.memory_space<hbm>>
          tpu.wait_dma2 semaphore(%arg27 : memref<!tpu.dma_semaphore, #tpu.memory_space<semaphore_mem>>) src(%dma_wait3A_253 : memref<40xi32, #tpu.memory_space<hbm>>) dst(%arg15 : memref<40xi32, #tpu.memory_space<vmem>>)
          %dma_start3A_254 = arith.constant 0 : i32
          %dma_start3A_255 = arith.constant 0 : i32
          %dma_start3A_256 = tpu.memref_slice %arg2[%dma_start3A_254, %dma_start3A_255] : memref<10000x128xf32, #tpu.memory_space<hbm>> -> memref<10000x128xf32, #tpu.memory_space<hbm>>
          tpu.enqueue_indirect_dma source(%dma_start3A_256 : memref<10000x128xf32, #tpu.memory_space<hbm>>) target(%arg21 : memref<40x128xf32, #tpu.memory_space<vmem>>) offsets(%arg9 : memref<40xi32, #tpu.memory_space<vmem>>) semaphore(%arg33 : memref<!tpu.dma_semaphore, #tpu.memory_space<semaphore_mem>>)
        } else {
        }
      } else {
      }
      %mul3A_211 = arith.constant 6 : i32
      %mul3A_212 = arith.muli %mul3A_211, %scan3A_166 : i32
      %add3A_213 = arith.constant 5 : i32
      %add3A_214 = arith.addi %mul3A_212, %add3A_213 : i32
      %lt3A_215 = arith.constant 250 : i32
      %lt3A_216 = arith.cmpi slt, %add3A_214, %lt3A_215 : i32
      %convert_element_type3A_217 = arith.extui %lt3A_216 : i1 to i32
      %cond3A_218 = arith.constant 0 : i32
      %cond3A_219 = arith.cmpi ne, %convert_element_type3A_217, %cond3A_218 : i32
      scf.if %cond3A_219 {
        %dma_wait3A_220 = arith.constant 0 : i32
        %dma_wait3A_221 = arith.constant 0 : i32
        %dma_wait3A_222 = tpu.memref_slice %arg2[%dma_wait3A_220, %dma_wait3A_221] : memref<10000x128xf32, #tpu.memory_space<hbm>> -> memref<40x128xf32, #tpu.memory_space<hbm>>
        %dma_wait3A_223 = arith.constant 0 : i32
        %dma_wait3A_224 = arith.constant 0 : i32
        %dma_wait3A_225 = tpu.memref_slice %arg2[%dma_wait3A_223, %dma_wait3A_224] : memref<10000x128xf32, #tpu.memory_space<hbm>> -> memref<40x128xf32, #tpu.memory_space<hbm>>
        tpu.wait_dma2 semaphore(%arg36 : memref<!tpu.dma_semaphore, #tpu.memory_space<semaphore_mem>>) src(%dma_wait3A_225 : memref<40x128xf32, #tpu.memory_space<hbm>>) dst(%arg24 : memref<40x128xf32, #tpu.memory_space<vmem>>)
        "tpu.region"() ({
          %run_scoped3A = tpu.sem_alloc : memref<!tpu.dma_semaphore, #tpu.memory_space<semaphore_mem>>
          %dma_start3A_240 = arith.constant 0 : i32
          %dma_start3A_241 = arith.constant 0 : i32
          %dma_start3A_242 = tpu.memref_slice %arg37[%dma_start3A_240, %dma_start3A_241] : memref<10000x128xf32, #tpu.memory_space<vmem_shared>> -> memref<10000x128xf32, #tpu.memory_space<vmem_shared>>
          tpu.enqueue_indirect_dma source(%arg24 : memref<40x128xf32, #tpu.memory_space<vmem>>) target(%dma_start3A_242 : memref<10000x128xf32, #tpu.memory_space<vmem_shared>>) offsets(%arg18 : memref<40xi32, #tpu.memory_space<vmem>>) semaphore(%run_scoped3A : memref<!tpu.dma_semaphore, #tpu.memory_space<semaphore_mem>>) {add = true}
          %dma_wait3A_243 = arith.constant 0 : i32
          %dma_wait3A_244 = arith.constant 0 : i32
          %dma_wait3A_245 = tpu.memref_slice %arg37[%dma_wait3A_243, %dma_wait3A_244] : memref<10000x128xf32, #tpu.memory_space<vmem_shared>> -> memref<10000x128xf32, #tpu.memory_space<vmem_shared>>
          tpu.wait_indirect_dma semaphore(%run_scoped3A : memref<!tpu.dma_semaphore, #tpu.memory_space<semaphore_mem>>) src(%arg24 : memref<40x128xf32, #tpu.memory_space<vmem>>) dst(%dma_wait3A_245 : memref<10000x128xf32, #tpu.memory_space<vmem_shared>>)
          tpu.yield
        }) : () -> ()
        %add3A_226 = arith.constant 6 : i32
        %add3A_227 = arith.addi %add3A_214, %add3A_226 : i32
        %lt3A_228 = arith.constant 250 : i32
        %lt3A_229 = arith.cmpi slt, %add3A_227, %lt3A_228 : i32
        %convert_element_type3A_230 = arith.extui %lt3A_229 : i1 to i32
        %cond3A_231 = arith.constant 0 : i32
        %cond3A_232 = arith.cmpi ne, %convert_element_type3A_230, %cond3A_231 : i32
        scf.if %cond3A_232 {
          %add3A_240 = arith.constant 6 : i32
          %add3A_241 = arith.addi %add3A_214, %add3A_240 : i32
          %dma_start3A_242 = arith.constant 0 : i32
          %dma_start3A_243 = tpu.memref_slice %arg3[%add3A, %add3A_241, %dma_start3A_242] : memref<32x250x40xi32, #tpu.memory_space<hbm>> -> memref<1x1x40xi32, #tpu.memory_space<hbm>>
          %dma_start3A_244 = tpu.memref_squeeze %dma_start3A_243 : memref<1x1x40xi32, #tpu.memory_space<hbm>> -> memref<40xi32, #tpu.memory_space<hbm>>
          %dma_start3A_245 = arith.constant 0 : i32
          %dma_start3A_246 = tpu.memref_slice %arg3[%add3A, %add3A_241, %dma_start3A_245] : memref<32x250x40xi32, #tpu.memory_space<hbm>> -> memref<1x1x40xi32, #tpu.memory_space<hbm>>
          %dma_start3A_247 = tpu.memref_squeeze %dma_start3A_246 : memref<1x1x40xi32, #tpu.memory_space<hbm>> -> memref<40xi32, #tpu.memory_space<hbm>>
          tpu.enqueue_dma source(%dma_start3A_247 : memref<40xi32, #tpu.memory_space<hbm>>) target(%arg12 : memref<40xi32, #tpu.memory_space<vmem>>) target_semaphore(%arg30 : memref<!tpu.dma_semaphore, #tpu.memory_space<semaphore_mem>>)
          %dma_start3A_248 = arith.constant 0 : i32
          %dma_start3A_249 = tpu.memref_slice %arg4[%add3A, %add3A_241, %dma_start3A_248] : memref<32x250x40xi32, #tpu.memory_space<hbm>> -> memref<1x1x40xi32, #tpu.memory_space<hbm>>
          %dma_start3A_250 = tpu.memref_squeeze %dma_start3A_249 : memref<1x1x40xi32, #tpu.memory_space<hbm>> -> memref<40xi32, #tpu.memory_space<hbm>>
          %dma_start3A_251 = arith.constant 0 : i32
          %dma_start3A_252 = tpu.memref_slice %arg4[%add3A, %add3A_241, %dma_start3A_251] : memref<32x250x40xi32, #tpu.memory_space<hbm>> -> memref<1x1x40xi32, #tpu.memory_space<hbm>>
          %dma_start3A_253 = tpu.memref_squeeze %dma_start3A_252 : memref<1x1x40xi32, #tpu.memory_space<hbm>> -> memref<40xi32, #tpu.memory_space<hbm>>
          tpu.enqueue_dma source(%dma_start3A_253 : memref<40xi32, #tpu.memory_space<hbm>>) target(%arg18 : memref<40xi32, #tpu.memory_space<vmem>>) target_semaphore(%arg30 : memref<!tpu.dma_semaphore, #tpu.memory_space<semaphore_mem>>)
        } else {
        }
        %add3A_233 = arith.constant 4 : i32
        %add3A_234 = arith.addi %add3A_214, %add3A_233 : i32
        %lt3A_235 = arith.constant 250 : i32
        %lt3A_236 = arith.cmpi slt, %add3A_234, %lt3A_235 : i32
        %convert_element_type3A_237 = arith.extui %lt3A_236 : i1 to i32
        %cond3A_238 = arith.constant 0 : i32
        %cond3A_239 = arith.cmpi ne, %convert_element_type3A_237, %cond3A_238 : i32
        scf.if %cond3A_239 {
          %add3A_240 = arith.constant 4 : i32
          %add3A_241 = arith.addi %add3A_214, %add3A_240 : i32
          %dma_wait3A_242 = arith.constant 0 : i32
          %dma_wait3A_243 = tpu.memref_slice %arg3[%add3A, %add3A_241, %dma_wait3A_242] : memref<32x250x40xi32, #tpu.memory_space<hbm>> -> memref<1x1x40xi32, #tpu.memory_space<hbm>>
          %dma_wait3A_244 = tpu.memref_squeeze %dma_wait3A_243 : memref<1x1x40xi32, #tpu.memory_space<hbm>> -> memref<40xi32, #tpu.memory_space<hbm>>
          %dma_wait3A_245 = arith.constant 0 : i32
          %dma_wait3A_246 = tpu.memref_slice %arg3[%add3A, %add3A_241, %dma_wait3A_245] : memref<32x250x40xi32, #tpu.memory_space<hbm>> -> memref<1x1x40xi32, #tpu.memory_space<hbm>>
          %dma_wait3A_247 = tpu.memref_squeeze %dma_wait3A_246 : memref<1x1x40xi32, #tpu.memory_space<hbm>> -> memref<40xi32, #tpu.memory_space<hbm>>
          tpu.wait_dma2 semaphore(%arg28 : memref<!tpu.dma_semaphore, #tpu.memory_space<semaphore_mem>>) src(%dma_wait3A_247 : memref<40xi32, #tpu.memory_space<hbm>>) dst(%arg10 : memref<40xi32, #tpu.memory_space<vmem>>)
          %dma_wait3A_248 = arith.constant 0 : i32
          %dma_wait3A_249 = tpu.memref_slice %arg4[%add3A, %add3A_241, %dma_wait3A_248] : memref<32x250x40xi32, #tpu.memory_space<hbm>> -> memref<1x1x40xi32, #tpu.memory_space<hbm>>
          %dma_wait3A_250 = tpu.memref_squeeze %dma_wait3A_249 : memref<1x1x40xi32, #tpu.memory_space<hbm>> -> memref<40xi32, #tpu.memory_space<hbm>>
          %dma_wait3A_251 = arith.constant 0 : i32
          %dma_wait3A_252 = tpu.memref_slice %arg4[%add3A, %add3A_241, %dma_wait3A_251] : memref<32x250x40xi32, #tpu.memory_space<hbm>> -> memref<1x1x40xi32, #tpu.memory_space<hbm>>
          %dma_wait3A_253 = tpu.memref_squeeze %dma_wait3A_252 : memref<1x1x40xi32, #tpu.memory_space<hbm>> -> memref<40xi32, #tpu.memory_space<hbm>>
          tpu.wait_dma2 semaphore(%arg28 : memref<!tpu.dma_semaphore, #tpu.memory_space<semaphore_mem>>) src(%dma_wait3A_253 : memref<40xi32, #tpu.memory_space<hbm>>) dst(%arg16 : memref<40xi32, #tpu.memory_space<vmem>>)
          %dma_start3A_254 = arith.constant 0 : i32
          %dma_start3A_255 = arith.constant 0 : i32
          %dma_start3A_256 = tpu.memref_slice %arg2[%dma_start3A_254, %dma_start3A_255] : memref<10000x128xf32, #tpu.memory_space<hbm>> -> memref<10000x128xf32, #tpu.memory_space<hbm>>
          tpu.enqueue_indirect_dma source(%dma_start3A_256 : memref<10000x128xf32, #tpu.memory_space<hbm>>) target(%arg22 : memref<40x128xf32, #tpu.memory_space<vmem>>) offsets(%arg10 : memref<40xi32, #tpu.memory_space<vmem>>) semaphore(%arg34 : memref<!tpu.dma_semaphore, #tpu.memory_space<semaphore_mem>>)
        } else {
        }
      } else {
      }
    }
    %scan3A_159 = arith.constant 42 : i32
    %barrier3A_160 = arith.constant 0 : index
    tpu.barrier barrier_id(%barrier3A_160)
    "tpu.region"() ({
      %run_scoped3A = tpu.sem_alloc : memref<!tpu.dma_semaphore, #tpu.memory_space<semaphore_mem>>
      %dma_start3A_166 = arith.constant 0 : i32
      %dma_start3A_167 = tpu.memref_slice %arg6[%arg0, %mul3A_2, %dma_start3A_166] : memref<2x10000x128xf32, #tpu.memory_space<hbm>> -> memref<1x624x128xf32, #tpu.memory_space<hbm>>
      %dma_start3A_168 = tpu.memref_squeeze %dma_start3A_167 : memref<1x624x128xf32, #tpu.memory_space<hbm>> -> memref<624x128xf32, #tpu.memory_space<hbm>>
      %dma_start3A_169 = arith.constant 0 : i32
      %dma_start3A_170 = tpu.memref_slice %arg37[%mul3A_2, %dma_start3A_169] : memref<10000x128xf32, #tpu.memory_space<vmem_shared>> -> memref<624x128xf32, #tpu.memory_space<vmem_shared>>
      tpu.enqueue_dma source(%dma_start3A_170 : memref<624x128xf32, #tpu.memory_space<vmem_shared>>) target(%dma_start3A_168 : memref<624x128xf32, #tpu.memory_space<hbm>>) target_semaphore(%run_scoped3A : memref<!tpu.dma_semaphore, #tpu.memory_space<semaphore_mem>>)
      %dma_wait3A_171 = arith.constant 0 : i32
      %dma_wait3A_172 = tpu.memref_slice %arg6[%arg0, %mul3A_2, %dma_wait3A_171] : memref<2x10000x128xf32, #tpu.memory_space<hbm>> -> memref<1x624x128xf32, #tpu.memory_space<hbm>>
      %dma_wait3A_173 = tpu.memref_squeeze %dma_wait3A_172 : memref<1x624x128xf32, #tpu.memory_space<hbm>> -> memref<624x128xf32, #tpu.memory_space<hbm>>
      %dma_wait3A_174 = arith.constant 0 : i32
      %dma_wait3A_175 = tpu.memref_slice %arg37[%mul3A_2, %dma_wait3A_174] : memref<10000x128xf32, #tpu.memory_space<vmem_shared>> -> memref<624x128xf32, #tpu.memory_space<vmem_shared>>
      tpu.wait_dma2 semaphore(%run_scoped3A : memref<!tpu.dma_semaphore, #tpu.memory_space<semaphore_mem>>) src(%dma_wait3A_175 : memref<624x128xf32, #tpu.memory_space<vmem_shared>>) dst(%dma_wait3A_173 : memref<624x128xf32, #tpu.memory_space<hbm>>)
      tpu.yield
    }) : () -> ()
    %eq3A_161 = arith.constant 15 : i32
    %eq3A_162 = arith.cmpi eq, %arg1, %eq3A_161 : i32
    %convert_element_type3A_163 = arith.extui %eq3A_162 : i1 to i32
    %cond3A_164 = arith.constant 0 : i32
    %cond3A_165 = arith.cmpi ne, %convert_element_type3A_163, %cond3A_164 : i32
    scf.if %cond3A_165 {
      "tpu.region"() ({
        %run_scoped3A = tpu.sem_alloc : memref<!tpu.dma_semaphore, #tpu.memory_space<semaphore_mem>>
        %dma_start3A_166 = arith.constant 9984 : i32
        %dma_start3A_167 = arith.constant 0 : i32
        %dma_start3A_168 = tpu.memref_slice %arg6[%arg0, %dma_start3A_166, %dma_start3A_167] : memref<2x10000x128xf32, #tpu.memory_space<hbm>> -> memref<1x16x128xf32, #tpu.memory_space<hbm>>
        %dma_start3A_169 = tpu.memref_squeeze %dma_start3A_168 : memref<1x16x128xf32, #tpu.memory_space<hbm>> -> memref<16x128xf32, #tpu.memory_space<hbm>>
        %dma_start3A_170 = arith.constant 9984 : i32
        %dma_start3A_171 = arith.constant 0 : i32
        %dma_start3A_172 = tpu.memref_slice %arg37[%dma_start3A_170, %dma_start3A_171] : memref<10000x128xf32, #tpu.memory_space<vmem_shared>> -> memref<16x128xf32, #tpu.memory_space<vmem_shared>>
        tpu.enqueue_dma source(%dma_start3A_172 : memref<16x128xf32, #tpu.memory_space<vmem_shared>>) target(%dma_start3A_169 : memref<16x128xf32, #tpu.memory_space<hbm>>) target_semaphore(%run_scoped3A : memref<!tpu.dma_semaphore, #tpu.memory_space<semaphore_mem>>)
        %dma_wait3A_173 = arith.constant 9984 : i32
        %dma_wait3A_174 = arith.constant 0 : i32
        %dma_wait3A_175 = tpu.memref_slice %arg6[%arg0, %dma_wait3A_173, %dma_wait3A_174] : memref<2x10000x128xf32, #tpu.memory_space<hbm>> -> memref<1x16x128xf32, #tpu.memory_space<hbm>>
        %dma_wait3A_176 = tpu.memref_squeeze %dma_wait3A_175 : memref<1x16x128xf32, #tpu.memory_space<hbm>> -> memref<16x128xf32, #tpu.memory_space<hbm>>
        %dma_wait3A_177 = arith.constant 9984 : i32
        %dma_wait3A_178 = arith.constant 0 : i32
        %dma_wait3A_179 = tpu.memref_slice %arg37[%dma_wait3A_177, %dma_wait3A_178] : memref<10000x128xf32, #tpu.memory_space<vmem_shared>> -> memref<16x128xf32, #tpu.memory_space<vmem_shared>>
        tpu.wait_dma2 semaphore(%run_scoped3A : memref<!tpu.dma_semaphore, #tpu.memory_space<semaphore_mem>>) src(%dma_wait3A_179 : memref<16x128xf32, #tpu.memory_space<vmem_shared>>) dst(%dma_wait3A_176 : memref<16x128xf32, #tpu.memory_space<hbm>>)
        tpu.yield
      }) : () -> ()
    } else {
    }
    return
  }
}

#map = affine_map<(d0, d1) -> (0, 0)>
#map1 = affine_map<(d0, d1) -> (0, 0, 0)>
module attributes {stable_mosaic.version = 14 : i64} {
  func.func @sc_agg(%arg0: i32, %arg1: i32, %arg2: memref<10000x128xf32, #tpu.memory_space<hbm>>, %arg3: memref<32x250x40xi32, #tpu.memory_space<hbm>>, %arg4: memref<32x250x40xi32, #tpu.memory_space<hbm>>, %arg5: memref<624x128xf32, #tpu.memory_space<hbm>>, %arg6: memref<2x10000x128xf32, #tpu.memory_space<hbm>>, %arg7: memref<40xi32, #tpu.memory_space<vmem>>, %arg8: memref<40xi32, #tpu.memory_space<vmem>>, %arg9: memref<40xi32, #tpu.memory_space<vmem>>, %arg10: memref<40xi32, #tpu.memory_space<vmem>>, %arg11: memref<40xi32, #tpu.memory_space<vmem>>, %arg12: memref<40xi32, #tpu.memory_space<vmem>>, %arg13: memref<40xi32, #tpu.memory_space<vmem>>, %arg14: memref<40xi32, #tpu.memory_space<vmem>>, %arg15: memref<40xi32, #tpu.memory_space<vmem>>, %arg16: memref<40xi32, #tpu.memory_space<vmem>>, %arg17: memref<40xi32, #tpu.memory_space<vmem>>, %arg18: memref<40xi32, #tpu.memory_space<vmem>>, %arg19: memref<40x128xf32, #tpu.memory_space<vmem>>, %arg20: memref<40x128xf32, #tpu.memory_space<vmem>>, %arg21: memref<40x128xf32, #tpu.memory_space<vmem>>, %arg22: memref<40x128xf32, #tpu.memory_space<vmem>>, %arg23: memref<40x128xf32, #tpu.memory_space<vmem>>, %arg24: memref<40x128xf32, #tpu.memory_space<vmem>>, %arg25: memref<!tpu.dma_semaphore, #tpu.memory_space<semaphore_mem>>, %arg26: memref<!tpu.dma_semaphore, #tpu.memory_space<semaphore_mem>>, %arg27: memref<!tpu.dma_semaphore, #tpu.memory_space<semaphore_mem>>, %arg28: memref<!tpu.dma_semaphore, #tpu.memory_space<semaphore_mem>>, %arg29: memref<!tpu.dma_semaphore, #tpu.memory_space<semaphore_mem>>, %arg30: memref<!tpu.dma_semaphore, #tpu.memory_space<semaphore_mem>>, %arg31: memref<!tpu.dma_semaphore, #tpu.memory_space<semaphore_mem>>, %arg32: memref<!tpu.dma_semaphore, #tpu.memory_space<semaphore_mem>>, %arg33: memref<!tpu.dma_semaphore, #tpu.memory_space<semaphore_mem>>, %arg34: memref<!tpu.dma_semaphore, #tpu.memory_space<semaphore_mem>>, %arg35: memref<!tpu.dma_semaphore, #tpu.memory_space<semaphore_mem>>, %arg36: memref<!tpu.dma_semaphore, #tpu.memory_space<semaphore_mem>>, %arg37: memref<10000x128xf32, #tpu.memory_space<vmem_shared>>) attributes {dimension_semantics = [#tpu.dimension_semantics<core_parallel>, #tpu.dimension_semantics<subcore_parallel>], iteration_bounds = array<i64: 2, 16>, scalar_prefetch = 0 : i64, scratch_operands = 31 : i64, tpu.core_type = #tpu.core_type<sc_vector_subcore>, window_params = [{transform_indices = #map}, {transform_indices = #map1}, {transform_indices = #map1}, {transform_indices = #map}, {transform_indices = #map1}]} {
    %mul3A = arith.constant 2 : i32
    %mul3A_0 = arith.muli %arg1, %mul3A : i32
    %add3A = arith.addi %mul3A_0, %arg0 : i32
    %mul3A_1 = arith.constant 624 : i32
    %mul3A_2 = arith.muli %arg1, %mul3A_1 : i32
    "tpu.region"() ({
      %run_scoped3A = tpu.sem_alloc : memref<!tpu.dma_semaphore, #tpu.memory_space<semaphore_mem>>
      %dma_start3A_166 = arith.constant 0 : i32
      %dma_start3A_167 = tpu.memref_slice %arg37[%mul3A_2, %dma_start3A_166] : memref<10000x128xf32, #tpu.memory_space<vmem_shared>> -> memref<624x128xf32, #tpu.memory_space<vmem_shared>>
      tpu.enqueue_dma source(%arg5 : memref<624x128xf32, #tpu.memory_space<hbm>>) target(%dma_start3A_167 : memref<624x128xf32, #tpu.memory_space<vmem_shared>>) target_semaphore(%run_scoped3A : memref<!tpu.dma_semaphore, #tpu.memory_space<semaphore_mem>>)
      %dma_wait3A_168 = arith.constant 0 : i32
      %dma_wait3A_169 = tpu.memref_slice %arg37[%mul3A_2, %dma_wait3A_168] : memref<10000x128xf32, #tpu.memory_space<vmem_shared>> -> memref<624x128xf32, #tpu.memory_space<vmem_shared>>
      tpu.wait_dma2 semaphore(%run_scoped3A : memref<!tpu.dma_semaphore, #tpu.memory_space<semaphore_mem>>) src(%arg5 : memref<624x128xf32, #tpu.memory_space<hbm>>) dst(%dma_wait3A_169 : memref<624x128xf32, #tpu.memory_space<vmem_shared>>)
      tpu.yield
    }) : () -> ()
    %eq3A = arith.constant 15 : i32
    %eq3A_3 = arith.cmpi eq, %arg1, %eq3A : i32
    %convert_element_type3A = arith.extui %eq3A_3 : i1 to i32
    %cond3A = arith.constant 0 : i32
    %cond3A_4 = arith.cmpi ne, %convert_element_type3A, %cond3A : i32
    scf.if %cond3A_4 {
      "tpu.region"() ({
        %run_scoped3A = tpu.sem_alloc : memref<!tpu.dma_semaphore, #tpu.memory_space<semaphore_mem>>
        %dma_start3A_166 = arith.constant 9984 : i32
        %dma_start3A_167 = arith.constant 0 : i32
        %dma_start3A_168 = tpu.memref_slice %arg37[%dma_start3A_166, %dma_start3A_167] : memref<10000x128xf32, #tpu.memory_space<vmem_shared>> -> memref<16x128xf32, #tpu.memory_space<vmem_shared>>
        %dma_start3A_169 = arith.constant 0 : i32
        %dma_start3A_170 = arith.constant 0 : i32
        %dma_start3A_171 = tpu.memref_slice %arg5[%dma_start3A_169, %dma_start3A_170] : memref<624x128xf32, #tpu.memory_space<hbm>> -> memref<16x128xf32, #tpu.memory_space<hbm>>
        tpu.enqueue_dma source(%dma_start3A_171 : memref<16x128xf32, #tpu.memory_space<hbm>>) target(%dma_start3A_168 : memref<16x128xf32, #tpu.memory_space<vmem_shared>>) target_semaphore(%run_scoped3A : memref<!tpu.dma_semaphore, #tpu.memory_space<semaphore_mem>>)
        %dma_wait3A_172 = arith.constant 9984 : i32
        %dma_wait3A_173 = arith.constant 0 : i32
        %dma_wait3A_174 = tpu.memref_slice %arg37[%dma_wait3A_172, %dma_wait3A_173] : memref<10000x128xf32, #tpu.memory_space<vmem_shared>> -> memref<16x128xf32, #tpu.memory_space<vmem_shared>>
        %dma_wait3A_175 = arith.constant 0 : i32
        %dma_wait3A_176 = arith.constant 0 : i32
        %dma_wait3A_177 = tpu.memref_slice %arg5[%dma_wait3A_175, %dma_wait3A_176] : memref<624x128xf32, #tpu.memory_space<hbm>> -> memref<16x128xf32, #tpu.memory_space<hbm>>
        tpu.wait_dma2 semaphore(%run_scoped3A : memref<!tpu.dma_semaphore, #tpu.memory_space<semaphore_mem>>) src(%dma_wait3A_177 : memref<16x128xf32, #tpu.memory_space<hbm>>) dst(%dma_wait3A_174 : memref<16x128xf32, #tpu.memory_space<vmem_shared>>)
        tpu.yield
      }) : () -> ()
    } else {
    }
    %barrier3A = arith.constant 0 : index
    tpu.barrier barrier_id(%barrier3A)
    %dma_start3A = arith.constant 0 : i32
    %dma_start3A_5 = arith.constant 0 : i32
    %dma_start3A_6 = tpu.memref_slice %arg3[%add3A, %dma_start3A, %dma_start3A_5] : memref<32x250x40xi32, #tpu.memory_space<hbm>> -> memref<1x1x40xi32, #tpu.memory_space<hbm>>
    %dma_start3A_7 = tpu.memref_squeeze %dma_start3A_6 : memref<1x1x40xi32, #tpu.memory_space<hbm>> -> memref<40xi32, #tpu.memory_space<hbm>>
    %dma_start3A_8 = arith.constant 0 : i32
    %dma_start3A_9 = tpu.memref_slice %arg3[%add3A, %dma_start3A, %dma_start3A_8] : memref<32x250x40xi32, #tpu.memory_space<hbm>> -> memref<1x1x40xi32, #tpu.memory_space<hbm>>
    %dma_start3A_10 = tpu.memref_squeeze %dma_start3A_9 : memref<1x1x40xi32, #tpu.memory_space<hbm>> -> memref<40xi32, #tpu.memory_space<hbm>>
    tpu.enqueue_dma source(%dma_start3A_10 : memref<40xi32, #tpu.memory_space<hbm>>) target(%arg7 : memref<40xi32, #tpu.memory_space<vmem>>) target_semaphore(%arg25 : memref<!tpu.dma_semaphore, #tpu.memory_space<semaphore_mem>>)
    %dma_start3A_11 = arith.constant 0 : i32
    %dma_start3A_12 = arith.constant 0 : i32
    %dma_start3A_13 = tpu.memref_slice %arg4[%add3A, %dma_start3A_11, %dma_start3A_12] : memref<32x250x40xi32, #tpu.memory_space<hbm>> -> memref<1x1x40xi32, #tpu.memory_space<hbm>>
    %dma_start3A_14 = tpu.memref_squeeze %dma_start3A_13 : memref<1x1x40xi32, #tpu.memory_space<hbm>> -> memref<40xi32, #tpu.memory_space<hbm>>
    %dma_start3A_15 = arith.constant 0 : i32
    %dma_start3A_16 = tpu.memref_slice %arg4[%add3A, %dma_start3A_11, %dma_start3A_15] : memref<32x250x40xi32, #tpu.memory_space<hbm>> -> memref<1x1x40xi32, #tpu.memory_space<hbm>>
    %dma_start3A_17 = tpu.memref_squeeze %dma_start3A_16 : memref<1x1x40xi32, #tpu.memory_space<hbm>> -> memref<40xi32, #tpu.memory_space<hbm>>
    tpu.enqueue_dma source(%dma_start3A_17 : memref<40xi32, #tpu.memory_space<hbm>>) target(%arg13 : memref<40xi32, #tpu.memory_space<vmem>>) target_semaphore(%arg25 : memref<!tpu.dma_semaphore, #tpu.memory_space<semaphore_mem>>)
    %dma_start3A_18 = arith.constant 1 : i32
    %dma_start3A_19 = arith.constant 0 : i32
    %dma_start3A_20 = tpu.memref_slice %arg3[%add3A, %dma_start3A_18, %dma_start3A_19] : memref<32x250x40xi32, #tpu.memory_space<hbm>> -> memref<1x1x40xi32, #tpu.memory_space<hbm>>
    %dma_start3A_21 = tpu.memref_squeeze %dma_start3A_20 : memref<1x1x40xi32, #tpu.memory_space<hbm>> -> memref<40xi32, #tpu.memory_space<hbm>>
    %dma_start3A_22 = arith.constant 0 : i32
    %dma_start3A_23 = tpu.memref_slice %arg3[%add3A, %dma_start3A_18, %dma_start3A_22] : memref<32x250x40xi32, #tpu.memory_space<hbm>> -> memref<1x1x40xi32, #tpu.memory_space<hbm>>
    %dma_start3A_24 = tpu.memref_squeeze %dma_start3A_23 : memref<1x1x40xi32, #tpu.memory_space<hbm>> -> memref<40xi32, #tpu.memory_space<hbm>>
    tpu.enqueue_dma source(%dma_start3A_24 : memref<40xi32, #tpu.memory_space<hbm>>) target(%arg8 : memref<40xi32, #tpu.memory_space<vmem>>) target_semaphore(%arg26 : memref<!tpu.dma_semaphore, #tpu.memory_space<semaphore_mem>>)
    %dma_start3A_25 = arith.constant 1 : i32
    %dma_start3A_26 = arith.constant 0 : i32
    %dma_start3A_27 = tpu.memref_slice %arg4[%add3A, %dma_start3A_25, %dma_start3A_26] : memref<32x250x40xi32, #tpu.memory_space<hbm>> -> memref<1x1x40xi32, #tpu.memory_space<hbm>>
    %dma_start3A_28 = tpu.memref_squeeze %dma_start3A_27 : memref<1x1x40xi32, #tpu.memory_space<hbm>> -> memref<40xi32, #tpu.memory_space<hbm>>
    %dma_start3A_29 = arith.constant 0 : i32
    %dma_start3A_30 = tpu.memref_slice %arg4[%add3A, %dma_start3A_25, %dma_start3A_29] : memref<32x250x40xi32, #tpu.memory_space<hbm>> -> memref<1x1x40xi32, #tpu.memory_space<hbm>>
    %dma_start3A_31 = tpu.memref_squeeze %dma_start3A_30 : memref<1x1x40xi32, #tpu.memory_space<hbm>> -> memref<40xi32, #tpu.memory_space<hbm>>
    tpu.enqueue_dma source(%dma_start3A_31 : memref<40xi32, #tpu.memory_space<hbm>>) target(%arg14 : memref<40xi32, #tpu.memory_space<vmem>>) target_semaphore(%arg26 : memref<!tpu.dma_semaphore, #tpu.memory_space<semaphore_mem>>)
    %dma_start3A_32 = arith.constant 2 : i32
    %dma_start3A_33 = arith.constant 0 : i32
    %dma_start3A_34 = tpu.memref_slice %arg3[%add3A, %dma_start3A_32, %dma_start3A_33] : memref<32x250x40xi32, #tpu.memory_space<hbm>> -> memref<1x1x40xi32, #tpu.memory_space<hbm>>
    %dma_start3A_35 = tpu.memref_squeeze %dma_start3A_34 : memref<1x1x40xi32, #tpu.memory_space<hbm>> -> memref<40xi32, #tpu.memory_space<hbm>>
    %dma_start3A_36 = arith.constant 0 : i32
    %dma_start3A_37 = tpu.memref_slice %arg3[%add3A, %dma_start3A_32, %dma_start3A_36] : memref<32x250x40xi32, #tpu.memory_space<hbm>> -> memref<1x1x40xi32, #tpu.memory_space<hbm>>
    %dma_start3A_38 = tpu.memref_squeeze %dma_start3A_37 : memref<1x1x40xi32, #tpu.memory_space<hbm>> -> memref<40xi32, #tpu.memory_space<hbm>>
    tpu.enqueue_dma source(%dma_start3A_38 : memref<40xi32, #tpu.memory_space<hbm>>) target(%arg9 : memref<40xi32, #tpu.memory_space<vmem>>) target_semaphore(%arg27 : memref<!tpu.dma_semaphore, #tpu.memory_space<semaphore_mem>>)
    %dma_start3A_39 = arith.constant 2 : i32
    %dma_start3A_40 = arith.constant 0 : i32
    %dma_start3A_41 = tpu.memref_slice %arg4[%add3A, %dma_start3A_39, %dma_start3A_40] : memref<32x250x40xi32, #tpu.memory_space<hbm>> -> memref<1x1x40xi32, #tpu.memory_space<hbm>>
    %dma_start3A_42 = tpu.memref_squeeze %dma_start3A_41 : memref<1x1x40xi32, #tpu.memory_space<hbm>> -> memref<40xi32, #tpu.memory_space<hbm>>
    %dma_start3A_43 = arith.constant 0 : i32
    %dma_start3A_44 = tpu.memref_slice %arg4[%add3A, %dma_start3A_39, %dma_start3A_43] : memref<32x250x40xi32, #tpu.memory_space<hbm>> -> memref<1x1x40xi32, #tpu.memory_space<hbm>>
    %dma_start3A_45 = tpu.memref_squeeze %dma_start3A_44 : memref<1x1x40xi32, #tpu.memory_space<hbm>> -> memref<40xi32, #tpu.memory_space<hbm>>
    tpu.enqueue_dma source(%dma_start3A_45 : memref<40xi32, #tpu.memory_space<hbm>>) target(%arg15 : memref<40xi32, #tpu.memory_space<vmem>>) target_semaphore(%arg27 : memref<!tpu.dma_semaphore, #tpu.memory_space<semaphore_mem>>)
    %dma_start3A_46 = arith.constant 3 : i32
    %dma_start3A_47 = arith.constant 0 : i32
    %dma_start3A_48 = tpu.memref_slice %arg3[%add3A, %dma_start3A_46, %dma_start3A_47] : memref<32x250x40xi32, #tpu.memory_space<hbm>> -> memref<1x1x40xi32, #tpu.memory_space<hbm>>
    %dma_start3A_49 = tpu.memref_squeeze %dma_start3A_48 : memref<1x1x40xi32, #tpu.memory_space<hbm>> -> memref<40xi32, #tpu.memory_space<hbm>>
    %dma_start3A_50 = arith.constant 0 : i32
    %dma_start3A_51 = tpu.memref_slice %arg3[%add3A, %dma_start3A_46, %dma_start3A_50] : memref<32x250x40xi32, #tpu.memory_space<hbm>> -> memref<1x1x40xi32, #tpu.memory_space<hbm>>
    %dma_start3A_52 = tpu.memref_squeeze %dma_start3A_51 : memref<1x1x40xi32, #tpu.memory_space<hbm>> -> memref<40xi32, #tpu.memory_space<hbm>>
    tpu.enqueue_dma source(%dma_start3A_52 : memref<40xi32, #tpu.memory_space<hbm>>) target(%arg10 : memref<40xi32, #tpu.memory_space<vmem>>) target_semaphore(%arg28 : memref<!tpu.dma_semaphore, #tpu.memory_space<semaphore_mem>>)
    %dma_start3A_53 = arith.constant 3 : i32
    %dma_start3A_54 = arith.constant 0 : i32
    %dma_start3A_55 = tpu.memref_slice %arg4[%add3A, %dma_start3A_53, %dma_start3A_54] : memref<32x250x40xi32, #tpu.memory_space<hbm>> -> memref<1x1x40xi32, #tpu.memory_space<hbm>>
    %dma_start3A_56 = tpu.memref_squeeze %dma_start3A_55 : memref<1x1x40xi32, #tpu.memory_space<hbm>> -> memref<40xi32, #tpu.memory_space<hbm>>
    %dma_start3A_57 = arith.constant 0 : i32
    %dma_start3A_58 = tpu.memref_slice %arg4[%add3A, %dma_start3A_53, %dma_start3A_57] : memref<32x250x40xi32, #tpu.memory_space<hbm>> -> memref<1x1x40xi32, #tpu.memory_space<hbm>>
    %dma_start3A_59 = tpu.memref_squeeze %dma_start3A_58 : memref<1x1x40xi32, #tpu.memory_space<hbm>> -> memref<40xi32, #tpu.memory_space<hbm>>
    tpu.enqueue_dma source(%dma_start3A_59 : memref<40xi32, #tpu.memory_space<hbm>>) target(%arg16 : memref<40xi32, #tpu.memory_space<vmem>>) target_semaphore(%arg28 : memref<!tpu.dma_semaphore, #tpu.memory_space<semaphore_mem>>)
    %dma_start3A_60 = arith.constant 4 : i32
    %dma_start3A_61 = arith.constant 0 : i32
    %dma_start3A_62 = tpu.memref_slice %arg3[%add3A, %dma_start3A_60, %dma_start3A_61] : memref<32x250x40xi32, #tpu.memory_space<hbm>> -> memref<1x1x40xi32, #tpu.memory_space<hbm>>
    %dma_start3A_63 = tpu.memref_squeeze %dma_start3A_62 : memref<1x1x40xi32, #tpu.memory_space<hbm>> -> memref<40xi32, #tpu.memory_space<hbm>>
    %dma_start3A_64 = arith.constant 0 : i32
    %dma_start3A_65 = tpu.memref_slice %arg3[%add3A, %dma_start3A_60, %dma_start3A_64] : memref<32x250x40xi32, #tpu.memory_space<hbm>> -> memref<1x1x40xi32, #tpu.memory_space<hbm>>
    %dma_start3A_66 = tpu.memref_squeeze %dma_start3A_65 : memref<1x1x40xi32, #tpu.memory_space<hbm>> -> memref<40xi32, #tpu.memory_space<hbm>>
    tpu.enqueue_dma source(%dma_start3A_66 : memref<40xi32, #tpu.memory_space<hbm>>) target(%arg11 : memref<40xi32, #tpu.memory_space<vmem>>) target_semaphore(%arg29 : memref<!tpu.dma_semaphore, #tpu.memory_space<semaphore_mem>>)
    %dma_start3A_67 = arith.constant 4 : i32
    %dma_start3A_68 = arith.constant 0 : i32
    %dma_start3A_69 = tpu.memref_slice %arg4[%add3A, %dma_start3A_67, %dma_start3A_68] : memref<32x250x40xi32, #tpu.memory_space<hbm>> -> memref<1x1x40xi32, #tpu.memory_space<hbm>>
    %dma_start3A_70 = tpu.memref_squeeze %dma_start3A_69 : memref<1x1x40xi32, #tpu.memory_space<hbm>> -> memref<40xi32, #tpu.memory_space<hbm>>
    %dma_start3A_71 = arith.constant 0 : i32
    %dma_start3A_72 = tpu.memref_slice %arg4[%add3A, %dma_start3A_67, %dma_start3A_71] : memref<32x250x40xi32, #tpu.memory_space<hbm>> -> memref<1x1x40xi32, #tpu.memory_space<hbm>>
    %dma_start3A_73 = tpu.memref_squeeze %dma_start3A_72 : memref<1x1x40xi32, #tpu.memory_space<hbm>> -> memref<40xi32, #tpu.memory_space<hbm>>
    tpu.enqueue_dma source(%dma_start3A_73 : memref<40xi32, #tpu.memory_space<hbm>>) target(%arg17 : memref<40xi32, #tpu.memory_space<vmem>>) target_semaphore(%arg29 : memref<!tpu.dma_semaphore, #tpu.memory_space<semaphore_mem>>)
    %dma_start3A_74 = arith.constant 5 : i32
    %dma_start3A_75 = arith.constant 0 : i32
    %dma_start3A_76 = tpu.memref_slice %arg3[%add3A, %dma_start3A_74, %dma_start3A_75] : memref<32x250x40xi32, #tpu.memory_space<hbm>> -> memref<1x1x40xi32, #tpu.memory_space<hbm>>
    %dma_start3A_77 = tpu.memref_squeeze %dma_start3A_76 : memref<1x1x40xi32, #tpu.memory_space<hbm>> -> memref<40xi32, #tpu.memory_space<hbm>>
    %dma_start3A_78 = arith.constant 0 : i32
    %dma_start3A_79 = tpu.memref_slice %arg3[%add3A, %dma_start3A_74, %dma_start3A_78] : memref<32x250x40xi32, #tpu.memory_space<hbm>> -> memref<1x1x40xi32, #tpu.memory_space<hbm>>
    %dma_start3A_80 = tpu.memref_squeeze %dma_start3A_79 : memref<1x1x40xi32, #tpu.memory_space<hbm>> -> memref<40xi32, #tpu.memory_space<hbm>>
    tpu.enqueue_dma source(%dma_start3A_80 : memref<40xi32, #tpu.memory_space<hbm>>) target(%arg12 : memref<40xi32, #tpu.memory_space<vmem>>) target_semaphore(%arg30 : memref<!tpu.dma_semaphore, #tpu.memory_space<semaphore_mem>>)
    %dma_start3A_81 = arith.constant 5 : i32
    %dma_start3A_82 = arith.constant 0 : i32
    %dma_start3A_83 = tpu.memref_slice %arg4[%add3A, %dma_start3A_81, %dma_start3A_82] : memref<32x250x40xi32, #tpu.memory_space<hbm>> -> memref<1x1x40xi32, #tpu.memory_space<hbm>>
    %dma_start3A_84 = tpu.memref_squeeze %dma_start3A_83 : memref<1x1x40xi32, #tpu.memory_space<hbm>> -> memref<40xi32, #tpu.memory_space<hbm>>
    %dma_start3A_85 = arith.constant 0 : i32
    %dma_start3A_86 = tpu.memref_slice %arg4[%add3A, %dma_start3A_81, %dma_start3A_85] : memref<32x250x40xi32, #tpu.memory_space<hbm>> -> memref<1x1x40xi32, #tpu.memory_space<hbm>>
    %dma_start3A_87 = tpu.memref_squeeze %dma_start3A_86 : memref<1x1x40xi32, #tpu.memory_space<hbm>> -> memref<40xi32, #tpu.memory_space<hbm>>
    tpu.enqueue_dma source(%dma_start3A_87 : memref<40xi32, #tpu.memory_space<hbm>>) target(%arg18 : memref<40xi32, #tpu.memory_space<vmem>>) target_semaphore(%arg30 : memref<!tpu.dma_semaphore, #tpu.memory_space<semaphore_mem>>)
    %dma_wait3A = arith.constant 0 : i32
    %dma_wait3A_88 = arith.constant 0 : i32
    %dma_wait3A_89 = tpu.memref_slice %arg3[%add3A, %dma_wait3A, %dma_wait3A_88] : memref<32x250x40xi32, #tpu.memory_space<hbm>> -> memref<1x1x40xi32, #tpu.memory_space<hbm>>
    %dma_wait3A_90 = tpu.memref_squeeze %dma_wait3A_89 : memref<1x1x40xi32, #tpu.memory_space<hbm>> -> memref<40xi32, #tpu.memory_space<hbm>>
    %dma_wait3A_91 = arith.constant 0 : i32
    %dma_wait3A_92 = tpu.memref_slice %arg3[%add3A, %dma_wait3A, %dma_wait3A_91] : memref<32x250x40xi32, #tpu.memory_space<hbm>> -> memref<1x1x40xi32, #tpu.memory_space<hbm>>
    %dma_wait3A_93 = tpu.memref_squeeze %dma_wait3A_92 : memref<1x1x40xi32, #tpu.memory_space<hbm>> -> memref<40xi32, #tpu.memory_space<hbm>>
    tpu.wait_dma2 semaphore(%arg25 : memref<!tpu.dma_semaphore, #tpu.memory_space<semaphore_mem>>) src(%dma_wait3A_93 : memref<40xi32, #tpu.memory_space<hbm>>) dst(%arg7 : memref<40xi32, #tpu.memory_space<vmem>>)
    %dma_wait3A_94 = arith.constant 0 : i32
    %dma_wait3A_95 = arith.constant 0 : i32
    %dma_wait3A_96 = tpu.memref_slice %arg4[%add3A, %dma_wait3A_94, %dma_wait3A_95] : memref<32x250x40xi32, #tpu.memory_space<hbm>> -> memref<1x1x40xi32, #tpu.memory_space<hbm>>
    %dma_wait3A_97 = tpu.memref_squeeze %dma_wait3A_96 : memref<1x1x40xi32, #tpu.memory_space<hbm>> -> memref<40xi32, #tpu.memory_space<hbm>>
    %dma_wait3A_98 = arith.constant 0 : i32
    %dma_wait3A_99 = tpu.memref_slice %arg4[%add3A, %dma_wait3A_94, %dma_wait3A_98] : memref<32x250x40xi32, #tpu.memory_space<hbm>> -> memref<1x1x40xi32, #tpu.memory_space<hbm>>
    %dma_wait3A_100 = tpu.memref_squeeze %dma_wait3A_99 : memref<1x1x40xi32, #tpu.memory_space<hbm>> -> memref<40xi32, #tpu.memory_space<hbm>>
    tpu.wait_dma2 semaphore(%arg25 : memref<!tpu.dma_semaphore, #tpu.memory_space<semaphore_mem>>) src(%dma_wait3A_100 : memref<40xi32, #tpu.memory_space<hbm>>) dst(%arg13 : memref<40xi32, #tpu.memory_space<vmem>>)
    %dma_start3A_101 = arith.constant 0 : i32
    %dma_start3A_102 = arith.constant 0 : i32
    %dma_start3A_103 = tpu.memref_slice %arg2[%dma_start3A_101, %dma_start3A_102] : memref<10000x128xf32, #tpu.memory_space<hbm>> -> memref<10000x128xf32, #tpu.memory_space<hbm>>
    tpu.enqueue_indirect_dma source(%dma_start3A_103 : memref<10000x128xf32, #tpu.memory_space<hbm>>) target(%arg19 : memref<40x128xf32, #tpu.memory_space<vmem>>) offsets(%arg7 : memref<40xi32, #tpu.memory_space<vmem>>) semaphore(%arg31 : memref<!tpu.dma_semaphore, #tpu.memory_space<semaphore_mem>>)
    %dma_wait3A_104 = arith.constant 1 : i32
    %dma_wait3A_105 = arith.constant 0 : i32
    %dma_wait3A_106 = tpu.memref_slice %arg3[%add3A, %dma_wait3A_104, %dma_wait3A_105] : memref<32x250x40xi32, #tpu.memory_space<hbm>> -> memref<1x1x40xi32, #tpu.memory_space<hbm>>
    %dma_wait3A_107 = tpu.memref_squeeze %dma_wait3A_106 : memref<1x1x40xi32, #tpu.memory_space<hbm>> -> memref<40xi32, #tpu.memory_space<hbm>>
    %dma_wait3A_108 = arith.constant 0 : i32
    %dma_wait3A_109 = tpu.memref_slice %arg3[%add3A, %dma_wait3A_104, %dma_wait3A_108] : memref<32x250x40xi32, #tpu.memory_space<hbm>> -> memref<1x1x40xi32, #tpu.memory_space<hbm>>
    %dma_wait3A_110 = tpu.memref_squeeze %dma_wait3A_109 : memref<1x1x40xi32, #tpu.memory_space<hbm>> -> memref<40xi32, #tpu.memory_space<hbm>>
    tpu.wait_dma2 semaphore(%arg26 : memref<!tpu.dma_semaphore, #tpu.memory_space<semaphore_mem>>) src(%dma_wait3A_110 : memref<40xi32, #tpu.memory_space<hbm>>) dst(%arg8 : memref<40xi32, #tpu.memory_space<vmem>>)
    %dma_wait3A_111 = arith.constant 1 : i32
    %dma_wait3A_112 = arith.constant 0 : i32
    %dma_wait3A_113 = tpu.memref_slice %arg4[%add3A, %dma_wait3A_111, %dma_wait3A_112] : memref<32x250x40xi32, #tpu.memory_space<hbm>> -> memref<1x1x40xi32, #tpu.memory_space<hbm>>
    %dma_wait3A_114 = tpu.memref_squeeze %dma_wait3A_113 : memref<1x1x40xi32, #tpu.memory_space<hbm>> -> memref<40xi32, #tpu.memory_space<hbm>>
    %dma_wait3A_115 = arith.constant 0 : i32
    %dma_wait3A_116 = tpu.memref_slice %arg4[%add3A, %dma_wait3A_111, %dma_wait3A_115] : memref<32x250x40xi32, #tpu.memory_space<hbm>> -> memref<1x1x40xi32, #tpu.memory_space<hbm>>
    %dma_wait3A_117 = tpu.memref_squeeze %dma_wait3A_116 : memref<1x1x40xi32, #tpu.memory_space<hbm>> -> memref<40xi32, #tpu.memory_space<hbm>>
    tpu.wait_dma2 semaphore(%arg26 : memref<!tpu.dma_semaphore, #tpu.memory_space<semaphore_mem>>) src(%dma_wait3A_117 : memref<40xi32, #tpu.memory_space<hbm>>) dst(%arg14 : memref<40xi32, #tpu.memory_space<vmem>>)
    %dma_start3A_118 = arith.constant 0 : i32
    %dma_start3A_119 = arith.constant 0 : i32
    %dma_start3A_120 = tpu.memref_slice %arg2[%dma_start3A_118, %dma_start3A_119] : memref<10000x128xf32, #tpu.memory_space<hbm>> -> memref<10000x128xf32, #tpu.memory_space<hbm>>
    tpu.enqueue_indirect_dma source(%dma_start3A_120 : memref<10000x128xf32, #tpu.memory_space<hbm>>) target(%arg20 : memref<40x128xf32, #tpu.memory_space<vmem>>) offsets(%arg8 : memref<40xi32, #tpu.memory_space<vmem>>) semaphore(%arg32 : memref<!tpu.dma_semaphore, #tpu.memory_space<semaphore_mem>>)
    %dma_wait3A_121 = arith.constant 2 : i32
    %dma_wait3A_122 = arith.constant 0 : i32
    %dma_wait3A_123 = tpu.memref_slice %arg3[%add3A, %dma_wait3A_121, %dma_wait3A_122] : memref<32x250x40xi32, #tpu.memory_space<hbm>> -> memref<1x1x40xi32, #tpu.memory_space<hbm>>
    %dma_wait3A_124 = tpu.memref_squeeze %dma_wait3A_123 : memref<1x1x40xi32, #tpu.memory_space<hbm>> -> memref<40xi32, #tpu.memory_space<hbm>>
    %dma_wait3A_125 = arith.constant 0 : i32
    %dma_wait3A_126 = tpu.memref_slice %arg3[%add3A, %dma_wait3A_121, %dma_wait3A_125] : memref<32x250x40xi32, #tpu.memory_space<hbm>> -> memref<1x1x40xi32, #tpu.memory_space<hbm>>
    %dma_wait3A_127 = tpu.memref_squeeze %dma_wait3A_126 : memref<1x1x40xi32, #tpu.memory_space<hbm>> -> memref<40xi32, #tpu.memory_space<hbm>>
    tpu.wait_dma2 semaphore(%arg27 : memref<!tpu.dma_semaphore, #tpu.memory_space<semaphore_mem>>) src(%dma_wait3A_127 : memref<40xi32, #tpu.memory_space<hbm>>) dst(%arg9 : memref<40xi32, #tpu.memory_space<vmem>>)
    %dma_wait3A_128 = arith.constant 2 : i32
    %dma_wait3A_129 = arith.constant 0 : i32
    %dma_wait3A_130 = tpu.memref_slice %arg4[%add3A, %dma_wait3A_128, %dma_wait3A_129] : memref<32x250x40xi32, #tpu.memory_space<hbm>> -> memref<1x1x40xi32, #tpu.memory_space<hbm>>
    %dma_wait3A_131 = tpu.memref_squeeze %dma_wait3A_130 : memref<1x1x40xi32, #tpu.memory_space<hbm>> -> memref<40xi32, #tpu.memory_space<hbm>>
    %dma_wait3A_132 = arith.constant 0 : i32
    %dma_wait3A_133 = tpu.memref_slice %arg4[%add3A, %dma_wait3A_128, %dma_wait3A_132] : memref<32x250x40xi32, #tpu.memory_space<hbm>> -> memref<1x1x40xi32, #tpu.memory_space<hbm>>
    %dma_wait3A_134 = tpu.memref_squeeze %dma_wait3A_133 : memref<1x1x40xi32, #tpu.memory_space<hbm>> -> memref<40xi32, #tpu.memory_space<hbm>>
    tpu.wait_dma2 semaphore(%arg27 : memref<!tpu.dma_semaphore, #tpu.memory_space<semaphore_mem>>) src(%dma_wait3A_134 : memref<40xi32, #tpu.memory_space<hbm>>) dst(%arg15 : memref<40xi32, #tpu.memory_space<vmem>>)
    %dma_start3A_135 = arith.constant 0 : i32
    %dma_start3A_136 = arith.constant 0 : i32
    %dma_start3A_137 = tpu.memref_slice %arg2[%dma_start3A_135, %dma_start3A_136] : memref<10000x128xf32, #tpu.memory_space<hbm>> -> memref<10000x128xf32, #tpu.memory_space<hbm>>
    tpu.enqueue_indirect_dma source(%dma_start3A_137 : memref<10000x128xf32, #tpu.memory_space<hbm>>) target(%arg21 : memref<40x128xf32, #tpu.memory_space<vmem>>) offsets(%arg9 : memref<40xi32, #tpu.memory_space<vmem>>) semaphore(%arg33 : memref<!tpu.dma_semaphore, #tpu.memory_space<semaphore_mem>>)
    %dma_wait3A_138 = arith.constant 3 : i32
    %dma_wait3A_139 = arith.constant 0 : i32
    %dma_wait3A_140 = tpu.memref_slice %arg3[%add3A, %dma_wait3A_138, %dma_wait3A_139] : memref<32x250x40xi32, #tpu.memory_space<hbm>> -> memref<1x1x40xi32, #tpu.memory_space<hbm>>
    %dma_wait3A_141 = tpu.memref_squeeze %dma_wait3A_140 : memref<1x1x40xi32, #tpu.memory_space<hbm>> -> memref<40xi32, #tpu.memory_space<hbm>>
    %dma_wait3A_142 = arith.constant 0 : i32
    %dma_wait3A_143 = tpu.memref_slice %arg3[%add3A, %dma_wait3A_138, %dma_wait3A_142] : memref<32x250x40xi32, #tpu.memory_space<hbm>> -> memref<1x1x40xi32, #tpu.memory_space<hbm>>
    %dma_wait3A_144 = tpu.memref_squeeze %dma_wait3A_143 : memref<1x1x40xi32, #tpu.memory_space<hbm>> -> memref<40xi32, #tpu.memory_space<hbm>>
    tpu.wait_dma2 semaphore(%arg28 : memref<!tpu.dma_semaphore, #tpu.memory_space<semaphore_mem>>) src(%dma_wait3A_144 : memref<40xi32, #tpu.memory_space<hbm>>) dst(%arg10 : memref<40xi32, #tpu.memory_space<vmem>>)
    %dma_wait3A_145 = arith.constant 3 : i32
    %dma_wait3A_146 = arith.constant 0 : i32
    %dma_wait3A_147 = tpu.memref_slice %arg4[%add3A, %dma_wait3A_145, %dma_wait3A_146] : memref<32x250x40xi32, #tpu.memory_space<hbm>> -> memref<1x1x40xi32, #tpu.memory_space<hbm>>
    %dma_wait3A_148 = tpu.memref_squeeze %dma_wait3A_147 : memref<1x1x40xi32, #tpu.memory_space<hbm>> -> memref<40xi32, #tpu.memory_space<hbm>>
    %dma_wait3A_149 = arith.constant 0 : i32
    %dma_wait3A_150 = tpu.memref_slice %arg4[%add3A, %dma_wait3A_145, %dma_wait3A_149] : memref<32x250x40xi32, #tpu.memory_space<hbm>> -> memref<1x1x40xi32, #tpu.memory_space<hbm>>
    %dma_wait3A_151 = tpu.memref_squeeze %dma_wait3A_150 : memref<1x1x40xi32, #tpu.memory_space<hbm>> -> memref<40xi32, #tpu.memory_space<hbm>>
    tpu.wait_dma2 semaphore(%arg28 : memref<!tpu.dma_semaphore, #tpu.memory_space<semaphore_mem>>) src(%dma_wait3A_151 : memref<40xi32, #tpu.memory_space<hbm>>) dst(%arg16 : memref<40xi32, #tpu.memory_space<vmem>>)
    %dma_start3A_152 = arith.constant 0 : i32
    %dma_start3A_153 = arith.constant 0 : i32
    %dma_start3A_154 = tpu.memref_slice %arg2[%dma_start3A_152, %dma_start3A_153] : memref<10000x128xf32, #tpu.memory_space<hbm>> -> memref<10000x128xf32, #tpu.memory_space<hbm>>
    tpu.enqueue_indirect_dma source(%dma_start3A_154 : memref<10000x128xf32, #tpu.memory_space<hbm>>) target(%arg22 : memref<40x128xf32, #tpu.memory_space<vmem>>) offsets(%arg10 : memref<40xi32, #tpu.memory_space<vmem>>) semaphore(%arg34 : memref<!tpu.dma_semaphore, #tpu.memory_space<semaphore_mem>>)
    %scan3A = arith.constant 0 : i32
    %scan3A_155 = arith.constant 0 : i32
    %scan3A_156 = arith.constant 42 : i32
    %scan3A_157 = arith.addi %scan3A_155, %scan3A_156 : i32
    %scan3A_158 = arith.constant 1 : i32
    scf.for %scan3A_166 = %scan3A_155 to %scan3A_157 step %scan3A_158  : i32 {
      %mul3A_167 = arith.constant 6 : i32
      %mul3A_168 = arith.muli %mul3A_167, %scan3A_166 : i32
      %add3A_169 = arith.constant 0 : i32
      %add3A_170 = arith.addi %mul3A_168, %add3A_169 : i32
      %lt3A = arith.constant 250 : i32
      %lt3A_171 = arith.cmpi slt, %add3A_170, %lt3A : i32
      %convert_element_type3A_172 = arith.extui %lt3A_171 : i1 to i32
      %cond3A_173 = arith.constant 0 : i32
      %cond3A_174 = arith.cmpi ne, %convert_element_type3A_172, %cond3A_173 : i32
      scf.if %cond3A_174 {
        %dma_wait3A_220 = arith.constant 0 : i32
        %dma_wait3A_221 = arith.constant 0 : i32
        %dma_wait3A_222 = tpu.memref_slice %arg2[%dma_wait3A_220, %dma_wait3A_221] : memref<10000x128xf32, #tpu.memory_space<hbm>> -> memref<40x128xf32, #tpu.memory_space<hbm>>
        %dma_wait3A_223 = arith.constant 0 : i32
        %dma_wait3A_224 = arith.constant 0 : i32
        %dma_wait3A_225 = tpu.memref_slice %arg2[%dma_wait3A_223, %dma_wait3A_224] : memref<10000x128xf32, #tpu.memory_space<hbm>> -> memref<40x128xf32, #tpu.memory_space<hbm>>
        tpu.wait_dma2 semaphore(%arg31 : memref<!tpu.dma_semaphore, #tpu.memory_space<semaphore_mem>>) src(%dma_wait3A_225 : memref<40x128xf32, #tpu.memory_space<hbm>>) dst(%arg19 : memref<40x128xf32, #tpu.memory_space<vmem>>)
        "tpu.region"() ({
          %run_scoped3A = tpu.sem_alloc : memref<!tpu.dma_semaphore, #tpu.memory_space<semaphore_mem>>
          %dma_start3A_240 = arith.constant 0 : i32
          %dma_start3A_241 = arith.constant 0 : i32
          %dma_start3A_242 = tpu.memref_slice %arg37[%dma_start3A_240, %dma_start3A_241] : memref<10000x128xf32, #tpu.memory_space<vmem_shared>> -> memref<10000x128xf32, #tpu.memory_space<vmem_shared>>
          tpu.enqueue_indirect_dma source(%arg19 : memref<40x128xf32, #tpu.memory_space<vmem>>) target(%dma_start3A_242 : memref<10000x128xf32, #tpu.memory_space<vmem_shared>>) offsets(%arg13 : memref<40xi32, #tpu.memory_space<vmem>>) semaphore(%run_scoped3A : memref<!tpu.dma_semaphore, #tpu.memory_space<semaphore_mem>>) {add = true}
          %dma_wait3A_243 = arith.constant 0 : i32
          %dma_wait3A_244 = arith.constant 0 : i32
          %dma_wait3A_245 = tpu.memref_slice %arg37[%dma_wait3A_243, %dma_wait3A_244] : memref<10000x128xf32, #tpu.memory_space<vmem_shared>> -> memref<10000x128xf32, #tpu.memory_space<vmem_shared>>
          tpu.wait_indirect_dma semaphore(%run_scoped3A : memref<!tpu.dma_semaphore, #tpu.memory_space<semaphore_mem>>) src(%arg19 : memref<40x128xf32, #tpu.memory_space<vmem>>) dst(%dma_wait3A_245 : memref<10000x128xf32, #tpu.memory_space<vmem_shared>>)
          tpu.yield
        }) : () -> ()
        %add3A_226 = arith.constant 6 : i32
        %add3A_227 = arith.addi %add3A_170, %add3A_226 : i32
        %lt3A_228 = arith.constant 250 : i32
        %lt3A_229 = arith.cmpi slt, %add3A_227, %lt3A_228 : i32
        %convert_element_type3A_230 = arith.extui %lt3A_229 : i1 to i32
        %cond3A_231 = arith.constant 0 : i32
        %cond3A_232 = arith.cmpi ne, %convert_element_type3A_230, %cond3A_231 : i32
        scf.if %cond3A_232 {
          %add3A_240 = arith.constant 6 : i32
          %add3A_241 = arith.addi %add3A_170, %add3A_240 : i32
          %dma_start3A_242 = arith.constant 0 : i32
          %dma_start3A_243 = tpu.memref_slice %arg3[%add3A, %add3A_241, %dma_start3A_242] : memref<32x250x40xi32, #tpu.memory_space<hbm>> -> memref<1x1x40xi32, #tpu.memory_space<hbm>>
          %dma_start3A_244 = tpu.memref_squeeze %dma_start3A_243 : memref<1x1x40xi32, #tpu.memory_space<hbm>> -> memref<40xi32, #tpu.memory_space<hbm>>
          %dma_start3A_245 = arith.constant 0 : i32
          %dma_start3A_246 = tpu.memref_slice %arg3[%add3A, %add3A_241, %dma_start3A_245] : memref<32x250x40xi32, #tpu.memory_space<hbm>> -> memref<1x1x40xi32, #tpu.memory_space<hbm>>
          %dma_start3A_247 = tpu.memref_squeeze %dma_start3A_246 : memref<1x1x40xi32, #tpu.memory_space<hbm>> -> memref<40xi32, #tpu.memory_space<hbm>>
          tpu.enqueue_dma source(%dma_start3A_247 : memref<40xi32, #tpu.memory_space<hbm>>) target(%arg7 : memref<40xi32, #tpu.memory_space<vmem>>) target_semaphore(%arg25 : memref<!tpu.dma_semaphore, #tpu.memory_space<semaphore_mem>>)
          %dma_start3A_248 = arith.constant 0 : i32
          %dma_start3A_249 = tpu.memref_slice %arg4[%add3A, %add3A_241, %dma_start3A_248] : memref<32x250x40xi32, #tpu.memory_space<hbm>> -> memref<1x1x40xi32, #tpu.memory_space<hbm>>
          %dma_start3A_250 = tpu.memref_squeeze %dma_start3A_249 : memref<1x1x40xi32, #tpu.memory_space<hbm>> -> memref<40xi32, #tpu.memory_space<hbm>>
          %dma_start3A_251 = arith.constant 0 : i32
          %dma_start3A_252 = tpu.memref_slice %arg4[%add3A, %add3A_241, %dma_start3A_251] : memref<32x250x40xi32, #tpu.memory_space<hbm>> -> memref<1x1x40xi32, #tpu.memory_space<hbm>>
          %dma_start3A_253 = tpu.memref_squeeze %dma_start3A_252 : memref<1x1x40xi32, #tpu.memory_space<hbm>> -> memref<40xi32, #tpu.memory_space<hbm>>
          tpu.enqueue_dma source(%dma_start3A_253 : memref<40xi32, #tpu.memory_space<hbm>>) target(%arg13 : memref<40xi32, #tpu.memory_space<vmem>>) target_semaphore(%arg25 : memref<!tpu.dma_semaphore, #tpu.memory_space<semaphore_mem>>)
        } else {
        }
        %add3A_233 = arith.constant 4 : i32
        %add3A_234 = arith.addi %add3A_170, %add3A_233 : i32
        %lt3A_235 = arith.constant 250 : i32
        %lt3A_236 = arith.cmpi slt, %add3A_234, %lt3A_235 : i32
        %convert_element_type3A_237 = arith.extui %lt3A_236 : i1 to i32
        %cond3A_238 = arith.constant 0 : i32
        %cond3A_239 = arith.cmpi ne, %convert_element_type3A_237, %cond3A_238 : i32
        scf.if %cond3A_239 {
          %add3A_240 = arith.constant 4 : i32
          %add3A_241 = arith.addi %add3A_170, %add3A_240 : i32
          %dma_wait3A_242 = arith.constant 0 : i32
          %dma_wait3A_243 = tpu.memref_slice %arg3[%add3A, %add3A_241, %dma_wait3A_242] : memref<32x250x40xi32, #tpu.memory_space<hbm>> -> memref<1x1x40xi32, #tpu.memory_space<hbm>>
          %dma_wait3A_244 = tpu.memref_squeeze %dma_wait3A_243 : memref<1x1x40xi32, #tpu.memory_space<hbm>> -> memref<40xi32, #tpu.memory_space<hbm>>
          %dma_wait3A_245 = arith.constant 0 : i32
          %dma_wait3A_246 = tpu.memref_slice %arg3[%add3A, %add3A_241, %dma_wait3A_245] : memref<32x250x40xi32, #tpu.memory_space<hbm>> -> memref<1x1x40xi32, #tpu.memory_space<hbm>>
          %dma_wait3A_247 = tpu.memref_squeeze %dma_wait3A_246 : memref<1x1x40xi32, #tpu.memory_space<hbm>> -> memref<40xi32, #tpu.memory_space<hbm>>
          tpu.wait_dma2 semaphore(%arg29 : memref<!tpu.dma_semaphore, #tpu.memory_space<semaphore_mem>>) src(%dma_wait3A_247 : memref<40xi32, #tpu.memory_space<hbm>>) dst(%arg11 : memref<40xi32, #tpu.memory_space<vmem>>)
          %dma_wait3A_248 = arith.constant 0 : i32
          %dma_wait3A_249 = tpu.memref_slice %arg4[%add3A, %add3A_241, %dma_wait3A_248] : memref<32x250x40xi32, #tpu.memory_space<hbm>> -> memref<1x1x40xi32, #tpu.memory_space<hbm>>
          %dma_wait3A_250 = tpu.memref_squeeze %dma_wait3A_249 : memref<1x1x40xi32, #tpu.memory_space<hbm>> -> memref<40xi32, #tpu.memory_space<hbm>>
          %dma_wait3A_251 = arith.constant 0 : i32
          %dma_wait3A_252 = tpu.memref_slice %arg4[%add3A, %add3A_241, %dma_wait3A_251] : memref<32x250x40xi32, #tpu.memory_space<hbm>> -> memref<1x1x40xi32, #tpu.memory_space<hbm>>
          %dma_wait3A_253 = tpu.memref_squeeze %dma_wait3A_252 : memref<1x1x40xi32, #tpu.memory_space<hbm>> -> memref<40xi32, #tpu.memory_space<hbm>>
          tpu.wait_dma2 semaphore(%arg29 : memref<!tpu.dma_semaphore, #tpu.memory_space<semaphore_mem>>) src(%dma_wait3A_253 : memref<40xi32, #tpu.memory_space<hbm>>) dst(%arg17 : memref<40xi32, #tpu.memory_space<vmem>>)
          %dma_start3A_254 = arith.constant 0 : i32
          %dma_start3A_255 = arith.constant 0 : i32
          %dma_start3A_256 = tpu.memref_slice %arg2[%dma_start3A_254, %dma_start3A_255] : memref<10000x128xf32, #tpu.memory_space<hbm>> -> memref<10000x128xf32, #tpu.memory_space<hbm>>
          tpu.enqueue_indirect_dma source(%dma_start3A_256 : memref<10000x128xf32, #tpu.memory_space<hbm>>) target(%arg23 : memref<40x128xf32, #tpu.memory_space<vmem>>) offsets(%arg11 : memref<40xi32, #tpu.memory_space<vmem>>) semaphore(%arg35 : memref<!tpu.dma_semaphore, #tpu.memory_space<semaphore_mem>>)
        } else {
        }
      } else {
      }
      %mul3A_175 = arith.constant 6 : i32
      %mul3A_176 = arith.muli %mul3A_175, %scan3A_166 : i32
      %add3A_177 = arith.constant 1 : i32
      %add3A_178 = arith.addi %mul3A_176, %add3A_177 : i32
      %lt3A_179 = arith.constant 250 : i32
      %lt3A_180 = arith.cmpi slt, %add3A_178, %lt3A_179 : i32
      %convert_element_type3A_181 = arith.extui %lt3A_180 : i1 to i32
      %cond3A_182 = arith.constant 0 : i32
      %cond3A_183 = arith.cmpi ne, %convert_element_type3A_181, %cond3A_182 : i32
      scf.if %cond3A_183 {
        %dma_wait3A_220 = arith.constant 0 : i32
        %dma_wait3A_221 = arith.constant 0 : i32
        %dma_wait3A_222 = tpu.memref_slice %arg2[%dma_wait3A_220, %dma_wait3A_221] : memref<10000x128xf32, #tpu.memory_space<hbm>> -> memref<40x128xf32, #tpu.memory_space<hbm>>
        %dma_wait3A_223 = arith.constant 0 : i32
        %dma_wait3A_224 = arith.constant 0 : i32
        %dma_wait3A_225 = tpu.memref_slice %arg2[%dma_wait3A_223, %dma_wait3A_224] : memref<10000x128xf32, #tpu.memory_space<hbm>> -> memref<40x128xf32, #tpu.memory_space<hbm>>
        tpu.wait_dma2 semaphore(%arg32 : memref<!tpu.dma_semaphore, #tpu.memory_space<semaphore_mem>>) src(%dma_wait3A_225 : memref<40x128xf32, #tpu.memory_space<hbm>>) dst(%arg20 : memref<40x128xf32, #tpu.memory_space<vmem>>)
        "tpu.region"() ({
          %run_scoped3A = tpu.sem_alloc : memref<!tpu.dma_semaphore, #tpu.memory_space<semaphore_mem>>
          %dma_start3A_240 = arith.constant 0 : i32
          %dma_start3A_241 = arith.constant 0 : i32
          %dma_start3A_242 = tpu.memref_slice %arg37[%dma_start3A_240, %dma_start3A_241] : memref<10000x128xf32, #tpu.memory_space<vmem_shared>> -> memref<10000x128xf32, #tpu.memory_space<vmem_shared>>
          tpu.enqueue_indirect_dma source(%arg20 : memref<40x128xf32, #tpu.memory_space<vmem>>) target(%dma_start3A_242 : memref<10000x128xf32, #tpu.memory_space<vmem_shared>>) offsets(%arg14 : memref<40xi32, #tpu.memory_space<vmem>>) semaphore(%run_scoped3A : memref<!tpu.dma_semaphore, #tpu.memory_space<semaphore_mem>>) {add = true}
          %dma_wait3A_243 = arith.constant 0 : i32
          %dma_wait3A_244 = arith.constant 0 : i32
          %dma_wait3A_245 = tpu.memref_slice %arg37[%dma_wait3A_243, %dma_wait3A_244] : memref<10000x128xf32, #tpu.memory_space<vmem_shared>> -> memref<10000x128xf32, #tpu.memory_space<vmem_shared>>
          tpu.wait_indirect_dma semaphore(%run_scoped3A : memref<!tpu.dma_semaphore, #tpu.memory_space<semaphore_mem>>) src(%arg20 : memref<40x128xf32, #tpu.memory_space<vmem>>) dst(%dma_wait3A_245 : memref<10000x128xf32, #tpu.memory_space<vmem_shared>>)
          tpu.yield
        }) : () -> ()
        %add3A_226 = arith.constant 6 : i32
        %add3A_227 = arith.addi %add3A_178, %add3A_226 : i32
        %lt3A_228 = arith.constant 250 : i32
        %lt3A_229 = arith.cmpi slt, %add3A_227, %lt3A_228 : i32
        %convert_element_type3A_230 = arith.extui %lt3A_229 : i1 to i32
        %cond3A_231 = arith.constant 0 : i32
        %cond3A_232 = arith.cmpi ne, %convert_element_type3A_230, %cond3A_231 : i32
        scf.if %cond3A_232 {
          %add3A_240 = arith.constant 6 : i32
          %add3A_241 = arith.addi %add3A_178, %add3A_240 : i32
          %dma_start3A_242 = arith.constant 0 : i32
          %dma_start3A_243 = tpu.memref_slice %arg3[%add3A, %add3A_241, %dma_start3A_242] : memref<32x250x40xi32, #tpu.memory_space<hbm>> -> memref<1x1x40xi32, #tpu.memory_space<hbm>>
          %dma_start3A_244 = tpu.memref_squeeze %dma_start3A_243 : memref<1x1x40xi32, #tpu.memory_space<hbm>> -> memref<40xi32, #tpu.memory_space<hbm>>
          %dma_start3A_245 = arith.constant 0 : i32
          %dma_start3A_246 = tpu.memref_slice %arg3[%add3A, %add3A_241, %dma_start3A_245] : memref<32x250x40xi32, #tpu.memory_space<hbm>> -> memref<1x1x40xi32, #tpu.memory_space<hbm>>
          %dma_start3A_247 = tpu.memref_squeeze %dma_start3A_246 : memref<1x1x40xi32, #tpu.memory_space<hbm>> -> memref<40xi32, #tpu.memory_space<hbm>>
          tpu.enqueue_dma source(%dma_start3A_247 : memref<40xi32, #tpu.memory_space<hbm>>) target(%arg8 : memref<40xi32, #tpu.memory_space<vmem>>) target_semaphore(%arg26 : memref<!tpu.dma_semaphore, #tpu.memory_space<semaphore_mem>>)
          %dma_start3A_248 = arith.constant 0 : i32
          %dma_start3A_249 = tpu.memref_slice %arg4[%add3A, %add3A_241, %dma_start3A_248] : memref<32x250x40xi32, #tpu.memory_space<hbm>> -> memref<1x1x40xi32, #tpu.memory_space<hbm>>
          %dma_start3A_250 = tpu.memref_squeeze %dma_start3A_249 : memref<1x1x40xi32, #tpu.memory_space<hbm>> -> memref<40xi32, #tpu.memory_space<hbm>>
          %dma_start3A_251 = arith.constant 0 : i32
          %dma_start3A_252 = tpu.memref_slice %arg4[%add3A, %add3A_241, %dma_start3A_251] : memref<32x250x40xi32, #tpu.memory_space<hbm>> -> memref<1x1x40xi32, #tpu.memory_space<hbm>>
          %dma_start3A_253 = tpu.memref_squeeze %dma_start3A_252 : memref<1x1x40xi32, #tpu.memory_space<hbm>> -> memref<40xi32, #tpu.memory_space<hbm>>
          tpu.enqueue_dma source(%dma_start3A_253 : memref<40xi32, #tpu.memory_space<hbm>>) target(%arg14 : memref<40xi32, #tpu.memory_space<vmem>>) target_semaphore(%arg26 : memref<!tpu.dma_semaphore, #tpu.memory_space<semaphore_mem>>)
        } else {
        }
        %add3A_233 = arith.constant 4 : i32
        %add3A_234 = arith.addi %add3A_178, %add3A_233 : i32
        %lt3A_235 = arith.constant 250 : i32
        %lt3A_236 = arith.cmpi slt, %add3A_234, %lt3A_235 : i32
        %convert_element_type3A_237 = arith.extui %lt3A_236 : i1 to i32
        %cond3A_238 = arith.constant 0 : i32
        %cond3A_239 = arith.cmpi ne, %convert_element_type3A_237, %cond3A_238 : i32
        scf.if %cond3A_239 {
          %add3A_240 = arith.constant 4 : i32
          %add3A_241 = arith.addi %add3A_178, %add3A_240 : i32
          %dma_wait3A_242 = arith.constant 0 : i32
          %dma_wait3A_243 = tpu.memref_slice %arg3[%add3A, %add3A_241, %dma_wait3A_242] : memref<32x250x40xi32, #tpu.memory_space<hbm>> -> memref<1x1x40xi32, #tpu.memory_space<hbm>>
          %dma_wait3A_244 = tpu.memref_squeeze %dma_wait3A_243 : memref<1x1x40xi32, #tpu.memory_space<hbm>> -> memref<40xi32, #tpu.memory_space<hbm>>
          %dma_wait3A_245 = arith.constant 0 : i32
          %dma_wait3A_246 = tpu.memref_slice %arg3[%add3A, %add3A_241, %dma_wait3A_245] : memref<32x250x40xi32, #tpu.memory_space<hbm>> -> memref<1x1x40xi32, #tpu.memory_space<hbm>>
          %dma_wait3A_247 = tpu.memref_squeeze %dma_wait3A_246 : memref<1x1x40xi32, #tpu.memory_space<hbm>> -> memref<40xi32, #tpu.memory_space<hbm>>
          tpu.wait_dma2 semaphore(%arg30 : memref<!tpu.dma_semaphore, #tpu.memory_space<semaphore_mem>>) src(%dma_wait3A_247 : memref<40xi32, #tpu.memory_space<hbm>>) dst(%arg12 : memref<40xi32, #tpu.memory_space<vmem>>)
          %dma_wait3A_248 = arith.constant 0 : i32
          %dma_wait3A_249 = tpu.memref_slice %arg4[%add3A, %add3A_241, %dma_wait3A_248] : memref<32x250x40xi32, #tpu.memory_space<hbm>> -> memref<1x1x40xi32, #tpu.memory_space<hbm>>
          %dma_wait3A_250 = tpu.memref_squeeze %dma_wait3A_249 : memref<1x1x40xi32, #tpu.memory_space<hbm>> -> memref<40xi32, #tpu.memory_space<hbm>>
          %dma_wait3A_251 = arith.constant 0 : i32
          %dma_wait3A_252 = tpu.memref_slice %arg4[%add3A, %add3A_241, %dma_wait3A_251] : memref<32x250x40xi32, #tpu.memory_space<hbm>> -> memref<1x1x40xi32, #tpu.memory_space<hbm>>
          %dma_wait3A_253 = tpu.memref_squeeze %dma_wait3A_252 : memref<1x1x40xi32, #tpu.memory_space<hbm>> -> memref<40xi32, #tpu.memory_space<hbm>>
          tpu.wait_dma2 semaphore(%arg30 : memref<!tpu.dma_semaphore, #tpu.memory_space<semaphore_mem>>) src(%dma_wait3A_253 : memref<40xi32, #tpu.memory_space<hbm>>) dst(%arg18 : memref<40xi32, #tpu.memory_space<vmem>>)
          %dma_start3A_254 = arith.constant 0 : i32
          %dma_start3A_255 = arith.constant 0 : i32
          %dma_start3A_256 = tpu.memref_slice %arg2[%dma_start3A_254, %dma_start3A_255] : memref<10000x128xf32, #tpu.memory_space<hbm>> -> memref<10000x128xf32, #tpu.memory_space<hbm>>
          tpu.enqueue_indirect_dma source(%dma_start3A_256 : memref<10000x128xf32, #tpu.memory_space<hbm>>) target(%arg24 : memref<40x128xf32, #tpu.memory_space<vmem>>) offsets(%arg12 : memref<40xi32, #tpu.memory_space<vmem>>) semaphore(%arg36 : memref<!tpu.dma_semaphore, #tpu.memory_space<semaphore_mem>>)
        } else {
        }
      } else {
      }
      %mul3A_184 = arith.constant 6 : i32
      %mul3A_185 = arith.muli %mul3A_184, %scan3A_166 : i32
      %add3A_186 = arith.constant 2 : i32
      %add3A_187 = arith.addi %mul3A_185, %add3A_186 : i32
      %lt3A_188 = arith.constant 250 : i32
      %lt3A_189 = arith.cmpi slt, %add3A_187, %lt3A_188 : i32
      %convert_element_type3A_190 = arith.extui %lt3A_189 : i1 to i32
      %cond3A_191 = arith.constant 0 : i32
      %cond3A_192 = arith.cmpi ne, %convert_element_type3A_190, %cond3A_191 : i32
      scf.if %cond3A_192 {
        %dma_wait3A_220 = arith.constant 0 : i32
        %dma_wait3A_221 = arith.constant 0 : i32
        %dma_wait3A_222 = tpu.memref_slice %arg2[%dma_wait3A_220, %dma_wait3A_221] : memref<10000x128xf32, #tpu.memory_space<hbm>> -> memref<40x128xf32, #tpu.memory_space<hbm>>
        %dma_wait3A_223 = arith.constant 0 : i32
        %dma_wait3A_224 = arith.constant 0 : i32
        %dma_wait3A_225 = tpu.memref_slice %arg2[%dma_wait3A_223, %dma_wait3A_224] : memref<10000x128xf32, #tpu.memory_space<hbm>> -> memref<40x128xf32, #tpu.memory_space<hbm>>
        tpu.wait_dma2 semaphore(%arg33 : memref<!tpu.dma_semaphore, #tpu.memory_space<semaphore_mem>>) src(%dma_wait3A_225 : memref<40x128xf32, #tpu.memory_space<hbm>>) dst(%arg21 : memref<40x128xf32, #tpu.memory_space<vmem>>)
        "tpu.region"() ({
          %run_scoped3A = tpu.sem_alloc : memref<!tpu.dma_semaphore, #tpu.memory_space<semaphore_mem>>
          %dma_start3A_240 = arith.constant 0 : i32
          %dma_start3A_241 = arith.constant 0 : i32
          %dma_start3A_242 = tpu.memref_slice %arg37[%dma_start3A_240, %dma_start3A_241] : memref<10000x128xf32, #tpu.memory_space<vmem_shared>> -> memref<10000x128xf32, #tpu.memory_space<vmem_shared>>
          tpu.enqueue_indirect_dma source(%arg21 : memref<40x128xf32, #tpu.memory_space<vmem>>) target(%dma_start3A_242 : memref<10000x128xf32, #tpu.memory_space<vmem_shared>>) offsets(%arg15 : memref<40xi32, #tpu.memory_space<vmem>>) semaphore(%run_scoped3A : memref<!tpu.dma_semaphore, #tpu.memory_space<semaphore_mem>>) {add = true}
          %dma_wait3A_243 = arith.constant 0 : i32
          %dma_wait3A_244 = arith.constant 0 : i32
          %dma_wait3A_245 = tpu.memref_slice %arg37[%dma_wait3A_243, %dma_wait3A_244] : memref<10000x128xf32, #tpu.memory_space<vmem_shared>> -> memref<10000x128xf32, #tpu.memory_space<vmem_shared>>
          tpu.wait_indirect_dma semaphore(%run_scoped3A : memref<!tpu.dma_semaphore, #tpu.memory_space<semaphore_mem>>) src(%arg21 : memref<40x128xf32, #tpu.memory_space<vmem>>) dst(%dma_wait3A_245 : memref<10000x128xf32, #tpu.memory_space<vmem_shared>>)
          tpu.yield
        }) : () -> ()
        %add3A_226 = arith.constant 6 : i32
        %add3A_227 = arith.addi %add3A_187, %add3A_226 : i32
        %lt3A_228 = arith.constant 250 : i32
        %lt3A_229 = arith.cmpi slt, %add3A_227, %lt3A_228 : i32
        %convert_element_type3A_230 = arith.extui %lt3A_229 : i1 to i32
        %cond3A_231 = arith.constant 0 : i32
        %cond3A_232 = arith.cmpi ne, %convert_element_type3A_230, %cond3A_231 : i32
        scf.if %cond3A_232 {
          %add3A_240 = arith.constant 6 : i32
          %add3A_241 = arith.addi %add3A_187, %add3A_240 : i32
          %dma_start3A_242 = arith.constant 0 : i32
          %dma_start3A_243 = tpu.memref_slice %arg3[%add3A, %add3A_241, %dma_start3A_242] : memref<32x250x40xi32, #tpu.memory_space<hbm>> -> memref<1x1x40xi32, #tpu.memory_space<hbm>>
          %dma_start3A_244 = tpu.memref_squeeze %dma_start3A_243 : memref<1x1x40xi32, #tpu.memory_space<hbm>> -> memref<40xi32, #tpu.memory_space<hbm>>
          %dma_start3A_245 = arith.constant 0 : i32
          %dma_start3A_246 = tpu.memref_slice %arg3[%add3A, %add3A_241, %dma_start3A_245] : memref<32x250x40xi32, #tpu.memory_space<hbm>> -> memref<1x1x40xi32, #tpu.memory_space<hbm>>
          %dma_start3A_247 = tpu.memref_squeeze %dma_start3A_246 : memref<1x1x40xi32, #tpu.memory_space<hbm>> -> memref<40xi32, #tpu.memory_space<hbm>>
          tpu.enqueue_dma source(%dma_start3A_247 : memref<40xi32, #tpu.memory_space<hbm>>) target(%arg9 : memref<40xi32, #tpu.memory_space<vmem>>) target_semaphore(%arg27 : memref<!tpu.dma_semaphore, #tpu.memory_space<semaphore_mem>>)
          %dma_start3A_248 = arith.constant 0 : i32
          %dma_start3A_249 = tpu.memref_slice %arg4[%add3A, %add3A_241, %dma_start3A_248] : memref<32x250x40xi32, #tpu.memory_space<hbm>> -> memref<1x1x40xi32, #tpu.memory_space<hbm>>
          %dma_start3A_250 = tpu.memref_squeeze %dma_start3A_249 : memref<1x1x40xi32, #tpu.memory_space<hbm>> -> memref<40xi32, #tpu.memory_space<hbm>>
          %dma_start3A_251 = arith.constant 0 : i32
          %dma_start3A_252 = tpu.memref_slice %arg4[%add3A, %add3A_241, %dma_start3A_251] : memref<32x250x40xi32, #tpu.memory_space<hbm>> -> memref<1x1x40xi32, #tpu.memory_space<hbm>>
          %dma_start3A_253 = tpu.memref_squeeze %dma_start3A_252 : memref<1x1x40xi32, #tpu.memory_space<hbm>> -> memref<40xi32, #tpu.memory_space<hbm>>
          tpu.enqueue_dma source(%dma_start3A_253 : memref<40xi32, #tpu.memory_space<hbm>>) target(%arg15 : memref<40xi32, #tpu.memory_space<vmem>>) target_semaphore(%arg27 : memref<!tpu.dma_semaphore, #tpu.memory_space<semaphore_mem>>)
        } else {
        }
        %add3A_233 = arith.constant 4 : i32
        %add3A_234 = arith.addi %add3A_187, %add3A_233 : i32
        %lt3A_235 = arith.constant 250 : i32
        %lt3A_236 = arith.cmpi slt, %add3A_234, %lt3A_235 : i32
        %convert_element_type3A_237 = arith.extui %lt3A_236 : i1 to i32
        %cond3A_238 = arith.constant 0 : i32
        %cond3A_239 = arith.cmpi ne, %convert_element_type3A_237, %cond3A_238 : i32
        scf.if %cond3A_239 {
          %add3A_240 = arith.constant 4 : i32
          %add3A_241 = arith.addi %add3A_187, %add3A_240 : i32
          %dma_wait3A_242 = arith.constant 0 : i32
          %dma_wait3A_243 = tpu.memref_slice %arg3[%add3A, %add3A_241, %dma_wait3A_242] : memref<32x250x40xi32, #tpu.memory_space<hbm>> -> memref<1x1x40xi32, #tpu.memory_space<hbm>>
          %dma_wait3A_244 = tpu.memref_squeeze %dma_wait3A_243 : memref<1x1x40xi32, #tpu.memory_space<hbm>> -> memref<40xi32, #tpu.memory_space<hbm>>
          %dma_wait3A_245 = arith.constant 0 : i32
          %dma_wait3A_246 = tpu.memref_slice %arg3[%add3A, %add3A_241, %dma_wait3A_245] : memref<32x250x40xi32, #tpu.memory_space<hbm>> -> memref<1x1x40xi32, #tpu.memory_space<hbm>>
          %dma_wait3A_247 = tpu.memref_squeeze %dma_wait3A_246 : memref<1x1x40xi32, #tpu.memory_space<hbm>> -> memref<40xi32, #tpu.memory_space<hbm>>
          tpu.wait_dma2 semaphore(%arg25 : memref<!tpu.dma_semaphore, #tpu.memory_space<semaphore_mem>>) src(%dma_wait3A_247 : memref<40xi32, #tpu.memory_space<hbm>>) dst(%arg7 : memref<40xi32, #tpu.memory_space<vmem>>)
          %dma_wait3A_248 = arith.constant 0 : i32
          %dma_wait3A_249 = tpu.memref_slice %arg4[%add3A, %add3A_241, %dma_wait3A_248] : memref<32x250x40xi32, #tpu.memory_space<hbm>> -> memref<1x1x40xi32, #tpu.memory_space<hbm>>
          %dma_wait3A_250 = tpu.memref_squeeze %dma_wait3A_249 : memref<1x1x40xi32, #tpu.memory_space<hbm>> -> memref<40xi32, #tpu.memory_space<hbm>>
          %dma_wait3A_251 = arith.constant 0 : i32
          %dma_wait3A_252 = tpu.memref_slice %arg4[%add3A, %add3A_241, %dma_wait3A_251] : memref<32x250x40xi32, #tpu.memory_space<hbm>> -> memref<1x1x40xi32, #tpu.memory_space<hbm>>
          %dma_wait3A_253 = tpu.memref_squeeze %dma_wait3A_252 : memref<1x1x40xi32, #tpu.memory_space<hbm>> -> memref<40xi32, #tpu.memory_space<hbm>>
          tpu.wait_dma2 semaphore(%arg25 : memref<!tpu.dma_semaphore, #tpu.memory_space<semaphore_mem>>) src(%dma_wait3A_253 : memref<40xi32, #tpu.memory_space<hbm>>) dst(%arg13 : memref<40xi32, #tpu.memory_space<vmem>>)
          %dma_start3A_254 = arith.constant 0 : i32
          %dma_start3A_255 = arith.constant 0 : i32
          %dma_start3A_256 = tpu.memref_slice %arg2[%dma_start3A_254, %dma_start3A_255] : memref<10000x128xf32, #tpu.memory_space<hbm>> -> memref<10000x128xf32, #tpu.memory_space<hbm>>
          tpu.enqueue_indirect_dma source(%dma_start3A_256 : memref<10000x128xf32, #tpu.memory_space<hbm>>) target(%arg19 : memref<40x128xf32, #tpu.memory_space<vmem>>) offsets(%arg7 : memref<40xi32, #tpu.memory_space<vmem>>) semaphore(%arg31 : memref<!tpu.dma_semaphore, #tpu.memory_space<semaphore_mem>>)
        } else {
        }
      } else {
      }
      %mul3A_193 = arith.constant 6 : i32
      %mul3A_194 = arith.muli %mul3A_193, %scan3A_166 : i32
      %add3A_195 = arith.constant 3 : i32
      %add3A_196 = arith.addi %mul3A_194, %add3A_195 : i32
      %lt3A_197 = arith.constant 250 : i32
      %lt3A_198 = arith.cmpi slt, %add3A_196, %lt3A_197 : i32
      %convert_element_type3A_199 = arith.extui %lt3A_198 : i1 to i32
      %cond3A_200 = arith.constant 0 : i32
      %cond3A_201 = arith.cmpi ne, %convert_element_type3A_199, %cond3A_200 : i32
      scf.if %cond3A_201 {
        %dma_wait3A_220 = arith.constant 0 : i32
        %dma_wait3A_221 = arith.constant 0 : i32
        %dma_wait3A_222 = tpu.memref_slice %arg2[%dma_wait3A_220, %dma_wait3A_221] : memref<10000x128xf32, #tpu.memory_space<hbm>> -> memref<40x128xf32, #tpu.memory_space<hbm>>
        %dma_wait3A_223 = arith.constant 0 : i32
        %dma_wait3A_224 = arith.constant 0 : i32
        %dma_wait3A_225 = tpu.memref_slice %arg2[%dma_wait3A_223, %dma_wait3A_224] : memref<10000x128xf32, #tpu.memory_space<hbm>> -> memref<40x128xf32, #tpu.memory_space<hbm>>
        tpu.wait_dma2 semaphore(%arg34 : memref<!tpu.dma_semaphore, #tpu.memory_space<semaphore_mem>>) src(%dma_wait3A_225 : memref<40x128xf32, #tpu.memory_space<hbm>>) dst(%arg22 : memref<40x128xf32, #tpu.memory_space<vmem>>)
        "tpu.region"() ({
          %run_scoped3A = tpu.sem_alloc : memref<!tpu.dma_semaphore, #tpu.memory_space<semaphore_mem>>
          %dma_start3A_240 = arith.constant 0 : i32
          %dma_start3A_241 = arith.constant 0 : i32
          %dma_start3A_242 = tpu.memref_slice %arg37[%dma_start3A_240, %dma_start3A_241] : memref<10000x128xf32, #tpu.memory_space<vmem_shared>> -> memref<10000x128xf32, #tpu.memory_space<vmem_shared>>
          tpu.enqueue_indirect_dma source(%arg22 : memref<40x128xf32, #tpu.memory_space<vmem>>) target(%dma_start3A_242 : memref<10000x128xf32, #tpu.memory_space<vmem_shared>>) offsets(%arg16 : memref<40xi32, #tpu.memory_space<vmem>>) semaphore(%run_scoped3A : memref<!tpu.dma_semaphore, #tpu.memory_space<semaphore_mem>>) {add = true}
          %dma_wait3A_243 = arith.constant 0 : i32
          %dma_wait3A_244 = arith.constant 0 : i32
          %dma_wait3A_245 = tpu.memref_slice %arg37[%dma_wait3A_243, %dma_wait3A_244] : memref<10000x128xf32, #tpu.memory_space<vmem_shared>> -> memref<10000x128xf32, #tpu.memory_space<vmem_shared>>
          tpu.wait_indirect_dma semaphore(%run_scoped3A : memref<!tpu.dma_semaphore, #tpu.memory_space<semaphore_mem>>) src(%arg22 : memref<40x128xf32, #tpu.memory_space<vmem>>) dst(%dma_wait3A_245 : memref<10000x128xf32, #tpu.memory_space<vmem_shared>>)
          tpu.yield
        }) : () -> ()
        %add3A_226 = arith.constant 6 : i32
        %add3A_227 = arith.addi %add3A_196, %add3A_226 : i32
        %lt3A_228 = arith.constant 250 : i32
        %lt3A_229 = arith.cmpi slt, %add3A_227, %lt3A_228 : i32
        %convert_element_type3A_230 = arith.extui %lt3A_229 : i1 to i32
        %cond3A_231 = arith.constant 0 : i32
        %cond3A_232 = arith.cmpi ne, %convert_element_type3A_230, %cond3A_231 : i32
        scf.if %cond3A_232 {
          %add3A_240 = arith.constant 6 : i32
          %add3A_241 = arith.addi %add3A_196, %add3A_240 : i32
          %dma_start3A_242 = arith.constant 0 : i32
          %dma_start3A_243 = tpu.memref_slice %arg3[%add3A, %add3A_241, %dma_start3A_242] : memref<32x250x40xi32, #tpu.memory_space<hbm>> -> memref<1x1x40xi32, #tpu.memory_space<hbm>>
          %dma_start3A_244 = tpu.memref_squeeze %dma_start3A_243 : memref<1x1x40xi32, #tpu.memory_space<hbm>> -> memref<40xi32, #tpu.memory_space<hbm>>
          %dma_start3A_245 = arith.constant 0 : i32
          %dma_start3A_246 = tpu.memref_slice %arg3[%add3A, %add3A_241, %dma_start3A_245] : memref<32x250x40xi32, #tpu.memory_space<hbm>> -> memref<1x1x40xi32, #tpu.memory_space<hbm>>
          %dma_start3A_247 = tpu.memref_squeeze %dma_start3A_246 : memref<1x1x40xi32, #tpu.memory_space<hbm>> -> memref<40xi32, #tpu.memory_space<hbm>>
          tpu.enqueue_dma source(%dma_start3A_247 : memref<40xi32, #tpu.memory_space<hbm>>) target(%arg10 : memref<40xi32, #tpu.memory_space<vmem>>) target_semaphore(%arg28 : memref<!tpu.dma_semaphore, #tpu.memory_space<semaphore_mem>>)
          %dma_start3A_248 = arith.constant 0 : i32
          %dma_start3A_249 = tpu.memref_slice %arg4[%add3A, %add3A_241, %dma_start3A_248] : memref<32x250x40xi32, #tpu.memory_space<hbm>> -> memref<1x1x40xi32, #tpu.memory_space<hbm>>
          %dma_start3A_250 = tpu.memref_squeeze %dma_start3A_249 : memref<1x1x40xi32, #tpu.memory_space<hbm>> -> memref<40xi32, #tpu.memory_space<hbm>>
          %dma_start3A_251 = arith.constant 0 : i32
          %dma_start3A_252 = tpu.memref_slice %arg4[%add3A, %add3A_241, %dma_start3A_251] : memref<32x250x40xi32, #tpu.memory_space<hbm>> -> memref<1x1x40xi32, #tpu.memory_space<hbm>>
          %dma_start3A_253 = tpu.memref_squeeze %dma_start3A_252 : memref<1x1x40xi32, #tpu.memory_space<hbm>> -> memref<40xi32, #tpu.memory_space<hbm>>
          tpu.enqueue_dma source(%dma_start3A_253 : memref<40xi32, #tpu.memory_space<hbm>>) target(%arg16 : memref<40xi32, #tpu.memory_space<vmem>>) target_semaphore(%arg28 : memref<!tpu.dma_semaphore, #tpu.memory_space<semaphore_mem>>)
        } else {
        }
        %add3A_233 = arith.constant 4 : i32
        %add3A_234 = arith.addi %add3A_196, %add3A_233 : i32
        %lt3A_235 = arith.constant 250 : i32
        %lt3A_236 = arith.cmpi slt, %add3A_234, %lt3A_235 : i32
        %convert_element_type3A_237 = arith.extui %lt3A_236 : i1 to i32
        %cond3A_238 = arith.constant 0 : i32
        %cond3A_239 = arith.cmpi ne, %convert_element_type3A_237, %cond3A_238 : i32
        scf.if %cond3A_239 {
          %add3A_240 = arith.constant 4 : i32
          %add3A_241 = arith.addi %add3A_196, %add3A_240 : i32
          %dma_wait3A_242 = arith.constant 0 : i32
          %dma_wait3A_243 = tpu.memref_slice %arg3[%add3A, %add3A_241, %dma_wait3A_242] : memref<32x250x40xi32, #tpu.memory_space<hbm>> -> memref<1x1x40xi32, #tpu.memory_space<hbm>>
          %dma_wait3A_244 = tpu.memref_squeeze %dma_wait3A_243 : memref<1x1x40xi32, #tpu.memory_space<hbm>> -> memref<40xi32, #tpu.memory_space<hbm>>
          %dma_wait3A_245 = arith.constant 0 : i32
          %dma_wait3A_246 = tpu.memref_slice %arg3[%add3A, %add3A_241, %dma_wait3A_245] : memref<32x250x40xi32, #tpu.memory_space<hbm>> -> memref<1x1x40xi32, #tpu.memory_space<hbm>>
          %dma_wait3A_247 = tpu.memref_squeeze %dma_wait3A_246 : memref<1x1x40xi32, #tpu.memory_space<hbm>> -> memref<40xi32, #tpu.memory_space<hbm>>
          tpu.wait_dma2 semaphore(%arg26 : memref<!tpu.dma_semaphore, #tpu.memory_space<semaphore_mem>>) src(%dma_wait3A_247 : memref<40xi32, #tpu.memory_space<hbm>>) dst(%arg8 : memref<40xi32, #tpu.memory_space<vmem>>)
          %dma_wait3A_248 = arith.constant 0 : i32
          %dma_wait3A_249 = tpu.memref_slice %arg4[%add3A, %add3A_241, %dma_wait3A_248] : memref<32x250x40xi32, #tpu.memory_space<hbm>> -> memref<1x1x40xi32, #tpu.memory_space<hbm>>
          %dma_wait3A_250 = tpu.memref_squeeze %dma_wait3A_249 : memref<1x1x40xi32, #tpu.memory_space<hbm>> -> memref<40xi32, #tpu.memory_space<hbm>>
          %dma_wait3A_251 = arith.constant 0 : i32
          %dma_wait3A_252 = tpu.memref_slice %arg4[%add3A, %add3A_241, %dma_wait3A_251] : memref<32x250x40xi32, #tpu.memory_space<hbm>> -> memref<1x1x40xi32, #tpu.memory_space<hbm>>
          %dma_wait3A_253 = tpu.memref_squeeze %dma_wait3A_252 : memref<1x1x40xi32, #tpu.memory_space<hbm>> -> memref<40xi32, #tpu.memory_space<hbm>>
          tpu.wait_dma2 semaphore(%arg26 : memref<!tpu.dma_semaphore, #tpu.memory_space<semaphore_mem>>) src(%dma_wait3A_253 : memref<40xi32, #tpu.memory_space<hbm>>) dst(%arg14 : memref<40xi32, #tpu.memory_space<vmem>>)
          %dma_start3A_254 = arith.constant 0 : i32
          %dma_start3A_255 = arith.constant 0 : i32
          %dma_start3A_256 = tpu.memref_slice %arg2[%dma_start3A_254, %dma_start3A_255] : memref<10000x128xf32, #tpu.memory_space<hbm>> -> memref<10000x128xf32, #tpu.memory_space<hbm>>
          tpu.enqueue_indirect_dma source(%dma_start3A_256 : memref<10000x128xf32, #tpu.memory_space<hbm>>) target(%arg20 : memref<40x128xf32, #tpu.memory_space<vmem>>) offsets(%arg8 : memref<40xi32, #tpu.memory_space<vmem>>) semaphore(%arg32 : memref<!tpu.dma_semaphore, #tpu.memory_space<semaphore_mem>>)
        } else {
        }
      } else {
      }
      %mul3A_202 = arith.constant 6 : i32
      %mul3A_203 = arith.muli %mul3A_202, %scan3A_166 : i32
      %add3A_204 = arith.constant 4 : i32
      %add3A_205 = arith.addi %mul3A_203, %add3A_204 : i32
      %lt3A_206 = arith.constant 250 : i32
      %lt3A_207 = arith.cmpi slt, %add3A_205, %lt3A_206 : i32
      %convert_element_type3A_208 = arith.extui %lt3A_207 : i1 to i32
      %cond3A_209 = arith.constant 0 : i32
      %cond3A_210 = arith.cmpi ne, %convert_element_type3A_208, %cond3A_209 : i32
      scf.if %cond3A_210 {
        %dma_wait3A_220 = arith.constant 0 : i32
        %dma_wait3A_221 = arith.constant 0 : i32
        %dma_wait3A_222 = tpu.memref_slice %arg2[%dma_wait3A_220, %dma_wait3A_221] : memref<10000x128xf32, #tpu.memory_space<hbm>> -> memref<40x128xf32, #tpu.memory_space<hbm>>
        %dma_wait3A_223 = arith.constant 0 : i32
        %dma_wait3A_224 = arith.constant 0 : i32
        %dma_wait3A_225 = tpu.memref_slice %arg2[%dma_wait3A_223, %dma_wait3A_224] : memref<10000x128xf32, #tpu.memory_space<hbm>> -> memref<40x128xf32, #tpu.memory_space<hbm>>
        tpu.wait_dma2 semaphore(%arg35 : memref<!tpu.dma_semaphore, #tpu.memory_space<semaphore_mem>>) src(%dma_wait3A_225 : memref<40x128xf32, #tpu.memory_space<hbm>>) dst(%arg23 : memref<40x128xf32, #tpu.memory_space<vmem>>)
        "tpu.region"() ({
          %run_scoped3A = tpu.sem_alloc : memref<!tpu.dma_semaphore, #tpu.memory_space<semaphore_mem>>
          %dma_start3A_240 = arith.constant 0 : i32
          %dma_start3A_241 = arith.constant 0 : i32
          %dma_start3A_242 = tpu.memref_slice %arg37[%dma_start3A_240, %dma_start3A_241] : memref<10000x128xf32, #tpu.memory_space<vmem_shared>> -> memref<10000x128xf32, #tpu.memory_space<vmem_shared>>
          tpu.enqueue_indirect_dma source(%arg23 : memref<40x128xf32, #tpu.memory_space<vmem>>) target(%dma_start3A_242 : memref<10000x128xf32, #tpu.memory_space<vmem_shared>>) offsets(%arg17 : memref<40xi32, #tpu.memory_space<vmem>>) semaphore(%run_scoped3A : memref<!tpu.dma_semaphore, #tpu.memory_space<semaphore_mem>>) {add = true}
          %dma_wait3A_243 = arith.constant 0 : i32
          %dma_wait3A_244 = arith.constant 0 : i32
          %dma_wait3A_245 = tpu.memref_slice %arg37[%dma_wait3A_243, %dma_wait3A_244] : memref<10000x128xf32, #tpu.memory_space<vmem_shared>> -> memref<10000x128xf32, #tpu.memory_space<vmem_shared>>
          tpu.wait_indirect_dma semaphore(%run_scoped3A : memref<!tpu.dma_semaphore, #tpu.memory_space<semaphore_mem>>) src(%arg23 : memref<40x128xf32, #tpu.memory_space<vmem>>) dst(%dma_wait3A_245 : memref<10000x128xf32, #tpu.memory_space<vmem_shared>>)
          tpu.yield
        }) : () -> ()
        %add3A_226 = arith.constant 6 : i32
        %add3A_227 = arith.addi %add3A_205, %add3A_226 : i32
        %lt3A_228 = arith.constant 250 : i32
        %lt3A_229 = arith.cmpi slt, %add3A_227, %lt3A_228 : i32
        %convert_element_type3A_230 = arith.extui %lt3A_229 : i1 to i32
        %cond3A_231 = arith.constant 0 : i32
        %cond3A_232 = arith.cmpi ne, %convert_element_type3A_230, %cond3A_231 : i32
        scf.if %cond3A_232 {
          %add3A_240 = arith.constant 6 : i32
          %add3A_241 = arith.addi %add3A_205, %add3A_240 : i32
          %dma_start3A_242 = arith.constant 0 : i32
          %dma_start3A_243 = tpu.memref_slice %arg3[%add3A, %add3A_241, %dma_start3A_242] : memref<32x250x40xi32, #tpu.memory_space<hbm>> -> memref<1x1x40xi32, #tpu.memory_space<hbm>>
          %dma_start3A_244 = tpu.memref_squeeze %dma_start3A_243 : memref<1x1x40xi32, #tpu.memory_space<hbm>> -> memref<40xi32, #tpu.memory_space<hbm>>
          %dma_start3A_245 = arith.constant 0 : i32
          %dma_start3A_246 = tpu.memref_slice %arg3[%add3A, %add3A_241, %dma_start3A_245] : memref<32x250x40xi32, #tpu.memory_space<hbm>> -> memref<1x1x40xi32, #tpu.memory_space<hbm>>
          %dma_start3A_247 = tpu.memref_squeeze %dma_start3A_246 : memref<1x1x40xi32, #tpu.memory_space<hbm>> -> memref<40xi32, #tpu.memory_space<hbm>>
          tpu.enqueue_dma source(%dma_start3A_247 : memref<40xi32, #tpu.memory_space<hbm>>) target(%arg11 : memref<40xi32, #tpu.memory_space<vmem>>) target_semaphore(%arg29 : memref<!tpu.dma_semaphore, #tpu.memory_space<semaphore_mem>>)
          %dma_start3A_248 = arith.constant 0 : i32
          %dma_start3A_249 = tpu.memref_slice %arg4[%add3A, %add3A_241, %dma_start3A_248] : memref<32x250x40xi32, #tpu.memory_space<hbm>> -> memref<1x1x40xi32, #tpu.memory_space<hbm>>
          %dma_start3A_250 = tpu.memref_squeeze %dma_start3A_249 : memref<1x1x40xi32, #tpu.memory_space<hbm>> -> memref<40xi32, #tpu.memory_space<hbm>>
          %dma_start3A_251 = arith.constant 0 : i32
          %dma_start3A_252 = tpu.memref_slice %arg4[%add3A, %add3A_241, %dma_start3A_251] : memref<32x250x40xi32, #tpu.memory_space<hbm>> -> memref<1x1x40xi32, #tpu.memory_space<hbm>>
          %dma_start3A_253 = tpu.memref_squeeze %dma_start3A_252 : memref<1x1x40xi32, #tpu.memory_space<hbm>> -> memref<40xi32, #tpu.memory_space<hbm>>
          tpu.enqueue_dma source(%dma_start3A_253 : memref<40xi32, #tpu.memory_space<hbm>>) target(%arg17 : memref<40xi32, #tpu.memory_space<vmem>>) target_semaphore(%arg29 : memref<!tpu.dma_semaphore, #tpu.memory_space<semaphore_mem>>)
        } else {
        }
        %add3A_233 = arith.constant 4 : i32
        %add3A_234 = arith.addi %add3A_205, %add3A_233 : i32
        %lt3A_235 = arith.constant 250 : i32
        %lt3A_236 = arith.cmpi slt, %add3A_234, %lt3A_235 : i32
        %convert_element_type3A_237 = arith.extui %lt3A_236 : i1 to i32
        %cond3A_238 = arith.constant 0 : i32
        %cond3A_239 = arith.cmpi ne, %convert_element_type3A_237, %cond3A_238 : i32
        scf.if %cond3A_239 {
          %add3A_240 = arith.constant 4 : i32
          %add3A_241 = arith.addi %add3A_205, %add3A_240 : i32
          %dma_wait3A_242 = arith.constant 0 : i32
          %dma_wait3A_243 = tpu.memref_slice %arg3[%add3A, %add3A_241, %dma_wait3A_242] : memref<32x250x40xi32, #tpu.memory_space<hbm>> -> memref<1x1x40xi32, #tpu.memory_space<hbm>>
          %dma_wait3A_244 = tpu.memref_squeeze %dma_wait3A_243 : memref<1x1x40xi32, #tpu.memory_space<hbm>> -> memref<40xi32, #tpu.memory_space<hbm>>
          %dma_wait3A_245 = arith.constant 0 : i32
          %dma_wait3A_246 = tpu.memref_slice %arg3[%add3A, %add3A_241, %dma_wait3A_245] : memref<32x250x40xi32, #tpu.memory_space<hbm>> -> memref<1x1x40xi32, #tpu.memory_space<hbm>>
          %dma_wait3A_247 = tpu.memref_squeeze %dma_wait3A_246 : memref<1x1x40xi32, #tpu.memory_space<hbm>> -> memref<40xi32, #tpu.memory_space<hbm>>
          tpu.wait_dma2 semaphore(%arg27 : memref<!tpu.dma_semaphore, #tpu.memory_space<semaphore_mem>>) src(%dma_wait3A_247 : memref<40xi32, #tpu.memory_space<hbm>>) dst(%arg9 : memref<40xi32, #tpu.memory_space<vmem>>)
          %dma_wait3A_248 = arith.constant 0 : i32
          %dma_wait3A_249 = tpu.memref_slice %arg4[%add3A, %add3A_241, %dma_wait3A_248] : memref<32x250x40xi32, #tpu.memory_space<hbm>> -> memref<1x1x40xi32, #tpu.memory_space<hbm>>
          %dma_wait3A_250 = tpu.memref_squeeze %dma_wait3A_249 : memref<1x1x40xi32, #tpu.memory_space<hbm>> -> memref<40xi32, #tpu.memory_space<hbm>>
          %dma_wait3A_251 = arith.constant 0 : i32
          %dma_wait3A_252 = tpu.memref_slice %arg4[%add3A, %add3A_241, %dma_wait3A_251] : memref<32x250x40xi32, #tpu.memory_space<hbm>> -> memref<1x1x40xi32, #tpu.memory_space<hbm>>
          %dma_wait3A_253 = tpu.memref_squeeze %dma_wait3A_252 : memref<1x1x40xi32, #tpu.memory_space<hbm>> -> memref<40xi32, #tpu.memory_space<hbm>>
          tpu.wait_dma2 semaphore(%arg27 : memref<!tpu.dma_semaphore, #tpu.memory_space<semaphore_mem>>) src(%dma_wait3A_253 : memref<40xi32, #tpu.memory_space<hbm>>) dst(%arg15 : memref<40xi32, #tpu.memory_space<vmem>>)
          %dma_start3A_254 = arith.constant 0 : i32
          %dma_start3A_255 = arith.constant 0 : i32
          %dma_start3A_256 = tpu.memref_slice %arg2[%dma_start3A_254, %dma_start3A_255] : memref<10000x128xf32, #tpu.memory_space<hbm>> -> memref<10000x128xf32, #tpu.memory_space<hbm>>
          tpu.enqueue_indirect_dma source(%dma_start3A_256 : memref<10000x128xf32, #tpu.memory_space<hbm>>) target(%arg21 : memref<40x128xf32, #tpu.memory_space<vmem>>) offsets(%arg9 : memref<40xi32, #tpu.memory_space<vmem>>) semaphore(%arg33 : memref<!tpu.dma_semaphore, #tpu.memory_space<semaphore_mem>>)
        } else {
        }
      } else {
      }
      %mul3A_211 = arith.constant 6 : i32
      %mul3A_212 = arith.muli %mul3A_211, %scan3A_166 : i32
      %add3A_213 = arith.constant 5 : i32
      %add3A_214 = arith.addi %mul3A_212, %add3A_213 : i32
      %lt3A_215 = arith.constant 250 : i32
      %lt3A_216 = arith.cmpi slt, %add3A_214, %lt3A_215 : i32
      %convert_element_type3A_217 = arith.extui %lt3A_216 : i1 to i32
      %cond3A_218 = arith.constant 0 : i32
      %cond3A_219 = arith.cmpi ne, %convert_element_type3A_217, %cond3A_218 : i32
      scf.if %cond3A_219 {
        %dma_wait3A_220 = arith.constant 0 : i32
        %dma_wait3A_221 = arith.constant 0 : i32
        %dma_wait3A_222 = tpu.memref_slice %arg2[%dma_wait3A_220, %dma_wait3A_221] : memref<10000x128xf32, #tpu.memory_space<hbm>> -> memref<40x128xf32, #tpu.memory_space<hbm>>
        %dma_wait3A_223 = arith.constant 0 : i32
        %dma_wait3A_224 = arith.constant 0 : i32
        %dma_wait3A_225 = tpu.memref_slice %arg2[%dma_wait3A_223, %dma_wait3A_224] : memref<10000x128xf32, #tpu.memory_space<hbm>> -> memref<40x128xf32, #tpu.memory_space<hbm>>
        tpu.wait_dma2 semaphore(%arg36 : memref<!tpu.dma_semaphore, #tpu.memory_space<semaphore_mem>>) src(%dma_wait3A_225 : memref<40x128xf32, #tpu.memory_space<hbm>>) dst(%arg24 : memref<40x128xf32, #tpu.memory_space<vmem>>)
        "tpu.region"() ({
          %run_scoped3A = tpu.sem_alloc : memref<!tpu.dma_semaphore, #tpu.memory_space<semaphore_mem>>
          %dma_start3A_240 = arith.constant 0 : i32
          %dma_start3A_241 = arith.constant 0 : i32
          %dma_start3A_242 = tpu.memref_slice %arg37[%dma_start3A_240, %dma_start3A_241] : memref<10000x128xf32, #tpu.memory_space<vmem_shared>> -> memref<10000x128xf32, #tpu.memory_space<vmem_shared>>
          tpu.enqueue_indirect_dma source(%arg24 : memref<40x128xf32, #tpu.memory_space<vmem>>) target(%dma_start3A_242 : memref<10000x128xf32, #tpu.memory_space<vmem_shared>>) offsets(%arg18 : memref<40xi32, #tpu.memory_space<vmem>>) semaphore(%run_scoped3A : memref<!tpu.dma_semaphore, #tpu.memory_space<semaphore_mem>>) {add = true}
          %dma_wait3A_243 = arith.constant 0 : i32
          %dma_wait3A_244 = arith.constant 0 : i32
          %dma_wait3A_245 = tpu.memref_slice %arg37[%dma_wait3A_243, %dma_wait3A_244] : memref<10000x128xf32, #tpu.memory_space<vmem_shared>> -> memref<10000x128xf32, #tpu.memory_space<vmem_shared>>
          tpu.wait_indirect_dma semaphore(%run_scoped3A : memref<!tpu.dma_semaphore, #tpu.memory_space<semaphore_mem>>) src(%arg24 : memref<40x128xf32, #tpu.memory_space<vmem>>) dst(%dma_wait3A_245 : memref<10000x128xf32, #tpu.memory_space<vmem_shared>>)
          tpu.yield
        }) : () -> ()
        %add3A_226 = arith.constant 6 : i32
        %add3A_227 = arith.addi %add3A_214, %add3A_226 : i32
        %lt3A_228 = arith.constant 250 : i32
        %lt3A_229 = arith.cmpi slt, %add3A_227, %lt3A_228 : i32
        %convert_element_type3A_230 = arith.extui %lt3A_229 : i1 to i32
        %cond3A_231 = arith.constant 0 : i32
        %cond3A_232 = arith.cmpi ne, %convert_element_type3A_230, %cond3A_231 : i32
        scf.if %cond3A_232 {
          %add3A_240 = arith.constant 6 : i32
          %add3A_241 = arith.addi %add3A_214, %add3A_240 : i32
          %dma_start3A_242 = arith.constant 0 : i32
          %dma_start3A_243 = tpu.memref_slice %arg3[%add3A, %add3A_241, %dma_start3A_242] : memref<32x250x40xi32, #tpu.memory_space<hbm>> -> memref<1x1x40xi32, #tpu.memory_space<hbm>>
          %dma_start3A_244 = tpu.memref_squeeze %dma_start3A_243 : memref<1x1x40xi32, #tpu.memory_space<hbm>> -> memref<40xi32, #tpu.memory_space<hbm>>
          %dma_start3A_245 = arith.constant 0 : i32
          %dma_start3A_246 = tpu.memref_slice %arg3[%add3A, %add3A_241, %dma_start3A_245] : memref<32x250x40xi32, #tpu.memory_space<hbm>> -> memref<1x1x40xi32, #tpu.memory_space<hbm>>
          %dma_start3A_247 = tpu.memref_squeeze %dma_start3A_246 : memref<1x1x40xi32, #tpu.memory_space<hbm>> -> memref<40xi32, #tpu.memory_space<hbm>>
          tpu.enqueue_dma source(%dma_start3A_247 : memref<40xi32, #tpu.memory_space<hbm>>) target(%arg12 : memref<40xi32, #tpu.memory_space<vmem>>) target_semaphore(%arg30 : memref<!tpu.dma_semaphore, #tpu.memory_space<semaphore_mem>>)
          %dma_start3A_248 = arith.constant 0 : i32
          %dma_start3A_249 = tpu.memref_slice %arg4[%add3A, %add3A_241, %dma_start3A_248] : memref<32x250x40xi32, #tpu.memory_space<hbm>> -> memref<1x1x40xi32, #tpu.memory_space<hbm>>
          %dma_start3A_250 = tpu.memref_squeeze %dma_start3A_249 : memref<1x1x40xi32, #tpu.memory_space<hbm>> -> memref<40xi32, #tpu.memory_space<hbm>>
          %dma_start3A_251 = arith.constant 0 : i32
          %dma_start3A_252 = tpu.memref_slice %arg4[%add3A, %add3A_241, %dma_start3A_251] : memref<32x250x40xi32, #tpu.memory_space<hbm>> -> memref<1x1x40xi32, #tpu.memory_space<hbm>>
          %dma_start3A_253 = tpu.memref_squeeze %dma_start3A_252 : memref<1x1x40xi32, #tpu.memory_space<hbm>> -> memref<40xi32, #tpu.memory_space<hbm>>
          tpu.enqueue_dma source(%dma_start3A_253 : memref<40xi32, #tpu.memory_space<hbm>>) target(%arg18 : memref<40xi32, #tpu.memory_space<vmem>>) target_semaphore(%arg30 : memref<!tpu.dma_semaphore, #tpu.memory_space<semaphore_mem>>)
        } else {
        }
        %add3A_233 = arith.constant 4 : i32
        %add3A_234 = arith.addi %add3A_214, %add3A_233 : i32
        %lt3A_235 = arith.constant 250 : i32
        %lt3A_236 = arith.cmpi slt, %add3A_234, %lt3A_235 : i32
        %convert_element_type3A_237 = arith.extui %lt3A_236 : i1 to i32
        %cond3A_238 = arith.constant 0 : i32
        %cond3A_239 = arith.cmpi ne, %convert_element_type3A_237, %cond3A_238 : i32
        scf.if %cond3A_239 {
          %add3A_240 = arith.constant 4 : i32
          %add3A_241 = arith.addi %add3A_214, %add3A_240 : i32
          %dma_wait3A_242 = arith.constant 0 : i32
          %dma_wait3A_243 = tpu.memref_slice %arg3[%add3A, %add3A_241, %dma_wait3A_242] : memref<32x250x40xi32, #tpu.memory_space<hbm>> -> memref<1x1x40xi32, #tpu.memory_space<hbm>>
          %dma_wait3A_244 = tpu.memref_squeeze %dma_wait3A_243 : memref<1x1x40xi32, #tpu.memory_space<hbm>> -> memref<40xi32, #tpu.memory_space<hbm>>
          %dma_wait3A_245 = arith.constant 0 : i32
          %dma_wait3A_246 = tpu.memref_slice %arg3[%add3A, %add3A_241, %dma_wait3A_245] : memref<32x250x40xi32, #tpu.memory_space<hbm>> -> memref<1x1x40xi32, #tpu.memory_space<hbm>>
          %dma_wait3A_247 = tpu.memref_squeeze %dma_wait3A_246 : memref<1x1x40xi32, #tpu.memory_space<hbm>> -> memref<40xi32, #tpu.memory_space<hbm>>
          tpu.wait_dma2 semaphore(%arg28 : memref<!tpu.dma_semaphore, #tpu.memory_space<semaphore_mem>>) src(%dma_wait3A_247 : memref<40xi32, #tpu.memory_space<hbm>>) dst(%arg10 : memref<40xi32, #tpu.memory_space<vmem>>)
          %dma_wait3A_248 = arith.constant 0 : i32
          %dma_wait3A_249 = tpu.memref_slice %arg4[%add3A, %add3A_241, %dma_wait3A_248] : memref<32x250x40xi32, #tpu.memory_space<hbm>> -> memref<1x1x40xi32, #tpu.memory_space<hbm>>
          %dma_wait3A_250 = tpu.memref_squeeze %dma_wait3A_249 : memref<1x1x40xi32, #tpu.memory_space<hbm>> -> memref<40xi32, #tpu.memory_space<hbm>>
          %dma_wait3A_251 = arith.constant 0 : i32
          %dma_wait3A_252 = tpu.memref_slice %arg4[%add3A, %add3A_241, %dma_wait3A_251] : memref<32x250x40xi32, #tpu.memory_space<hbm>> -> memref<1x1x40xi32, #tpu.memory_space<hbm>>
          %dma_wait3A_253 = tpu.memref_squeeze %dma_wait3A_252 : memref<1x1x40xi32, #tpu.memory_space<hbm>> -> memref<40xi32, #tpu.memory_space<hbm>>
          tpu.wait_dma2 semaphore(%arg28 : memref<!tpu.dma_semaphore, #tpu.memory_space<semaphore_mem>>) src(%dma_wait3A_253 : memref<40xi32, #tpu.memory_space<hbm>>) dst(%arg16 : memref<40xi32, #tpu.memory_space<vmem>>)
          %dma_start3A_254 = arith.constant 0 : i32
          %dma_start3A_255 = arith.constant 0 : i32
          %dma_start3A_256 = tpu.memref_slice %arg2[%dma_start3A_254, %dma_start3A_255] : memref<10000x128xf32, #tpu.memory_space<hbm>> -> memref<10000x128xf32, #tpu.memory_space<hbm>>
          tpu.enqueue_indirect_dma source(%dma_start3A_256 : memref<10000x128xf32, #tpu.memory_space<hbm>>) target(%arg22 : memref<40x128xf32, #tpu.memory_space<vmem>>) offsets(%arg10 : memref<40xi32, #tpu.memory_space<vmem>>) semaphore(%arg34 : memref<!tpu.dma_semaphore, #tpu.memory_space<semaphore_mem>>)
        } else {
        }
      } else {
      }
    }
    %scan3A_159 = arith.constant 42 : i32
    %barrier3A_160 = arith.constant 0 : index
    tpu.barrier barrier_id(%barrier3A_160)
    "tpu.region"() ({
      %run_scoped3A = tpu.sem_alloc : memref<!tpu.dma_semaphore, #tpu.memory_space<semaphore_mem>>
      %dma_start3A_166 = arith.constant 0 : i32
      %dma_start3A_167 = tpu.memref_slice %arg6[%arg0, %mul3A_2, %dma_start3A_166] : memref<2x10000x128xf32, #tpu.memory_space<hbm>> -> memref<1x624x128xf32, #tpu.memory_space<hbm>>
      %dma_start3A_168 = tpu.memref_squeeze %dma_start3A_167 : memref<1x624x128xf32, #tpu.memory_space<hbm>> -> memref<624x128xf32, #tpu.memory_space<hbm>>
      %dma_start3A_169 = arith.constant 0 : i32
      %dma_start3A_170 = tpu.memref_slice %arg37[%mul3A_2, %dma_start3A_169] : memref<10000x128xf32, #tpu.memory_space<vmem_shared>> -> memref<624x128xf32, #tpu.memory_space<vmem_shared>>
      tpu.enqueue_dma source(%dma_start3A_170 : memref<624x128xf32, #tpu.memory_space<vmem_shared>>) target(%dma_start3A_168 : memref<624x128xf32, #tpu.memory_space<hbm>>) target_semaphore(%run_scoped3A : memref<!tpu.dma_semaphore, #tpu.memory_space<semaphore_mem>>)
      %dma_wait3A_171 = arith.constant 0 : i32
      %dma_wait3A_172 = tpu.memref_slice %arg6[%arg0, %mul3A_2, %dma_wait3A_171] : memref<2x10000x128xf32, #tpu.memory_space<hbm>> -> memref<1x624x128xf32, #tpu.memory_space<hbm>>
      %dma_wait3A_173 = tpu.memref_squeeze %dma_wait3A_172 : memref<1x624x128xf32, #tpu.memory_space<hbm>> -> memref<624x128xf32, #tpu.memory_space<hbm>>
      %dma_wait3A_174 = arith.constant 0 : i32
      %dma_wait3A_175 = tpu.memref_slice %arg37[%mul3A_2, %dma_wait3A_174] : memref<10000x128xf32, #tpu.memory_space<vmem_shared>> -> memref<624x128xf32, #tpu.memory_space<vmem_shared>>
      tpu.wait_dma2 semaphore(%run_scoped3A : memref<!tpu.dma_semaphore, #tpu.memory_space<semaphore_mem>>) src(%dma_wait3A_175 : memref<624x128xf32, #tpu.memory_space<vmem_shared>>) dst(%dma_wait3A_173 : memref<624x128xf32, #tpu.memory_space<hbm>>)
      tpu.yield
    }) : () -> ()
    %eq3A_161 = arith.constant 15 : i32
    %eq3A_162 = arith.cmpi eq, %arg1, %eq3A_161 : i32
    %convert_element_type3A_163 = arith.extui %eq3A_162 : i1 to i32
    %cond3A_164 = arith.constant 0 : i32
    %cond3A_165 = arith.cmpi ne, %convert_element_type3A_163, %cond3A_164 : i32
    scf.if %cond3A_165 {
      "tpu.region"() ({
        %run_scoped3A = tpu.sem_alloc : memref<!tpu.dma_semaphore, #tpu.memory_space<semaphore_mem>>
        %dma_start3A_166 = arith.constant 9984 : i32
        %dma_start3A_167 = arith.constant 0 : i32
        %dma_start3A_168 = tpu.memref_slice %arg6[%arg0, %dma_start3A_166, %dma_start3A_167] : memref<2x10000x128xf32, #tpu.memory_space<hbm>> -> memref<1x16x128xf32, #tpu.memory_space<hbm>>
        %dma_start3A_169 = tpu.memref_squeeze %dma_start3A_168 : memref<1x16x128xf32, #tpu.memory_space<hbm>> -> memref<16x128xf32, #tpu.memory_space<hbm>>
        %dma_start3A_170 = arith.constant 9984 : i32
        %dma_start3A_171 = arith.constant 0 : i32
        %dma_start3A_172 = tpu.memref_slice %arg37[%dma_start3A_170, %dma_start3A_171] : memref<10000x128xf32, #tpu.memory_space<vmem_shared>> -> memref<16x128xf32, #tpu.memory_space<vmem_shared>>
        tpu.enqueue_dma source(%dma_start3A_172 : memref<16x128xf32, #tpu.memory_space<vmem_shared>>) target(%dma_start3A_169 : memref<16x128xf32, #tpu.memory_space<hbm>>) target_semaphore(%run_scoped3A : memref<!tpu.dma_semaphore, #tpu.memory_space<semaphore_mem>>)
        %dma_wait3A_173 = arith.constant 9984 : i32
        %dma_wait3A_174 = arith.constant 0 : i32
        %dma_wait3A_175 = tpu.memref_slice %arg6[%arg0, %dma_wait3A_173, %dma_wait3A_174] : memref<2x10000x128xf32, #tpu.memory_space<hbm>> -> memref<1x16x128xf32, #tpu.memory_space<hbm>>
        %dma_wait3A_176 = tpu.memref_squeeze %dma_wait3A_175 : memref<1x16x128xf32, #tpu.memory_space<hbm>> -> memref<16x128xf32, #tpu.memory_space<hbm>>
        %dma_wait3A_177 = arith.constant 9984 : i32
        %dma_wait3A_178 = arith.constant 0 : i32
        %dma_wait3A_179 = tpu.memref_slice %arg37[%dma_wait3A_177, %dma_wait3A_178] : memref<10000x128xf32, #tpu.memory_space<vmem_shared>> -> memref<16x128xf32, #tpu.memory_space<vmem_shared>>
        tpu.wait_dma2 semaphore(%run_scoped3A : memref<!tpu.dma_semaphore, #tpu.memory_space<semaphore_mem>>) src(%dma_wait3A_179 : memref<16x128xf32, #tpu.memory_space<vmem_shared>>) dst(%dma_wait3A_176 : memref<16x128xf32, #tpu.memory_space<hbm>>)
        tpu.yield
      }) : () -> ()
    } else {
    }
    return
  }
}

#map = affine_map<(d0, d1) -> (0, 0)>
#map1 = affine_map<(d0, d1) -> (0, 0, 0)>
module attributes {stable_mosaic.version = 14 : i64} {
  func.func @sc_agg(%arg0: i32, %arg1: i32, %arg2: memref<10000x128xf32, #tpu.memory_space<hbm>>, %arg3: memref<32x250x40xi32, #tpu.memory_space<hbm>>, %arg4: memref<32x250x40xi32, #tpu.memory_space<hbm>>, %arg5: memref<624x128xf32, #tpu.memory_space<hbm>>, %arg6: memref<2x10000x128xf32, #tpu.memory_space<hbm>>, %arg7: memref<40xi32, #tpu.memory_space<vmem>>, %arg8: memref<40xi32, #tpu.memory_space<vmem>>, %arg9: memref<40xi32, #tpu.memory_space<vmem>>, %arg10: memref<40xi32, #tpu.memory_space<vmem>>, %arg11: memref<40xi32, #tpu.memory_space<vmem>>, %arg12: memref<40xi32, #tpu.memory_space<vmem>>, %arg13: memref<40xi32, #tpu.memory_space<vmem>>, %arg14: memref<40xi32, #tpu.memory_space<vmem>>, %arg15: memref<40xi32, #tpu.memory_space<vmem>>, %arg16: memref<40xi32, #tpu.memory_space<vmem>>, %arg17: memref<40xi32, #tpu.memory_space<vmem>>, %arg18: memref<40xi32, #tpu.memory_space<vmem>>, %arg19: memref<40x128xf32, #tpu.memory_space<vmem>>, %arg20: memref<40x128xf32, #tpu.memory_space<vmem>>, %arg21: memref<40x128xf32, #tpu.memory_space<vmem>>, %arg22: memref<40x128xf32, #tpu.memory_space<vmem>>, %arg23: memref<40x128xf32, #tpu.memory_space<vmem>>, %arg24: memref<40x128xf32, #tpu.memory_space<vmem>>, %arg25: memref<!tpu.dma_semaphore, #tpu.memory_space<semaphore_mem>>, %arg26: memref<!tpu.dma_semaphore, #tpu.memory_space<semaphore_mem>>, %arg27: memref<!tpu.dma_semaphore, #tpu.memory_space<semaphore_mem>>, %arg28: memref<!tpu.dma_semaphore, #tpu.memory_space<semaphore_mem>>, %arg29: memref<!tpu.dma_semaphore, #tpu.memory_space<semaphore_mem>>, %arg30: memref<!tpu.dma_semaphore, #tpu.memory_space<semaphore_mem>>, %arg31: memref<!tpu.dma_semaphore, #tpu.memory_space<semaphore_mem>>, %arg32: memref<!tpu.dma_semaphore, #tpu.memory_space<semaphore_mem>>, %arg33: memref<!tpu.dma_semaphore, #tpu.memory_space<semaphore_mem>>, %arg34: memref<!tpu.dma_semaphore, #tpu.memory_space<semaphore_mem>>, %arg35: memref<!tpu.dma_semaphore, #tpu.memory_space<semaphore_mem>>, %arg36: memref<!tpu.dma_semaphore, #tpu.memory_space<semaphore_mem>>, %arg37: memref<10000x128xf32, #tpu.memory_space<vmem_shared>>) attributes {dimension_semantics = [#tpu.dimension_semantics<core_parallel>, #tpu.dimension_semantics<subcore_parallel>], iteration_bounds = array<i64: 2, 16>, scalar_prefetch = 0 : i64, scratch_operands = 31 : i64, tpu.core_type = #tpu.core_type<sc_vector_subcore>, window_params = [{transform_indices = #map}, {transform_indices = #map1}, {transform_indices = #map1}, {transform_indices = #map}, {transform_indices = #map1}]} {
    %mul3A = arith.constant 2 : i32
    %mul3A_0 = arith.muli %arg1, %mul3A : i32
    %add3A = arith.addi %mul3A_0, %arg0 : i32
    %mul3A_1 = arith.constant 624 : i32
    %mul3A_2 = arith.muli %arg1, %mul3A_1 : i32
    "tpu.region"() ({
      %run_scoped3A = tpu.sem_alloc : memref<!tpu.dma_semaphore, #tpu.memory_space<semaphore_mem>>
      %dma_start3A_166 = arith.constant 0 : i32
      %dma_start3A_167 = tpu.memref_slice %arg37[%mul3A_2, %dma_start3A_166] : memref<10000x128xf32, #tpu.memory_space<vmem_shared>> -> memref<624x128xf32, #tpu.memory_space<vmem_shared>>
      tpu.enqueue_dma source(%arg5 : memref<624x128xf32, #tpu.memory_space<hbm>>) target(%dma_start3A_167 : memref<624x128xf32, #tpu.memory_space<vmem_shared>>) target_semaphore(%run_scoped3A : memref<!tpu.dma_semaphore, #tpu.memory_space<semaphore_mem>>)
      %dma_wait3A_168 = arith.constant 0 : i32
      %dma_wait3A_169 = tpu.memref_slice %arg37[%mul3A_2, %dma_wait3A_168] : memref<10000x128xf32, #tpu.memory_space<vmem_shared>> -> memref<624x128xf32, #tpu.memory_space<vmem_shared>>
      tpu.wait_dma2 semaphore(%run_scoped3A : memref<!tpu.dma_semaphore, #tpu.memory_space<semaphore_mem>>) src(%arg5 : memref<624x128xf32, #tpu.memory_space<hbm>>) dst(%dma_wait3A_169 : memref<624x128xf32, #tpu.memory_space<vmem_shared>>)
      tpu.yield
    }) : () -> ()
    %eq3A = arith.constant 15 : i32
    %eq3A_3 = arith.cmpi eq, %arg1, %eq3A : i32
    %convert_element_type3A = arith.extui %eq3A_3 : i1 to i32
    %cond3A = arith.constant 0 : i32
    %cond3A_4 = arith.cmpi ne, %convert_element_type3A, %cond3A : i32
    scf.if %cond3A_4 {
      "tpu.region"() ({
        %run_scoped3A = tpu.sem_alloc : memref<!tpu.dma_semaphore, #tpu.memory_space<semaphore_mem>>
        %dma_start3A_166 = arith.constant 9984 : i32
        %dma_start3A_167 = arith.constant 0 : i32
        %dma_start3A_168 = tpu.memref_slice %arg37[%dma_start3A_166, %dma_start3A_167] : memref<10000x128xf32, #tpu.memory_space<vmem_shared>> -> memref<16x128xf32, #tpu.memory_space<vmem_shared>>
        %dma_start3A_169 = arith.constant 0 : i32
        %dma_start3A_170 = arith.constant 0 : i32
        %dma_start3A_171 = tpu.memref_slice %arg5[%dma_start3A_169, %dma_start3A_170] : memref<624x128xf32, #tpu.memory_space<hbm>> -> memref<16x128xf32, #tpu.memory_space<hbm>>
        tpu.enqueue_dma source(%dma_start3A_171 : memref<16x128xf32, #tpu.memory_space<hbm>>) target(%dma_start3A_168 : memref<16x128xf32, #tpu.memory_space<vmem_shared>>) target_semaphore(%run_scoped3A : memref<!tpu.dma_semaphore, #tpu.memory_space<semaphore_mem>>)
        %dma_wait3A_172 = arith.constant 9984 : i32
        %dma_wait3A_173 = arith.constant 0 : i32
        %dma_wait3A_174 = tpu.memref_slice %arg37[%dma_wait3A_172, %dma_wait3A_173] : memref<10000x128xf32, #tpu.memory_space<vmem_shared>> -> memref<16x128xf32, #tpu.memory_space<vmem_shared>>
        %dma_wait3A_175 = arith.constant 0 : i32
        %dma_wait3A_176 = arith.constant 0 : i32
        %dma_wait3A_177 = tpu.memref_slice %arg5[%dma_wait3A_175, %dma_wait3A_176] : memref<624x128xf32, #tpu.memory_space<hbm>> -> memref<16x128xf32, #tpu.memory_space<hbm>>
        tpu.wait_dma2 semaphore(%run_scoped3A : memref<!tpu.dma_semaphore, #tpu.memory_space<semaphore_mem>>) src(%dma_wait3A_177 : memref<16x128xf32, #tpu.memory_space<hbm>>) dst(%dma_wait3A_174 : memref<16x128xf32, #tpu.memory_space<vmem_shared>>)
        tpu.yield
      }) : () -> ()
    } else {
    }
    %barrier3A = arith.constant 0 : index
    tpu.barrier barrier_id(%barrier3A)
    %dma_start3A = arith.constant 0 : i32
    %dma_start3A_5 = arith.constant 0 : i32
    %dma_start3A_6 = tpu.memref_slice %arg3[%add3A, %dma_start3A, %dma_start3A_5] : memref<32x250x40xi32, #tpu.memory_space<hbm>> -> memref<1x1x40xi32, #tpu.memory_space<hbm>>
    %dma_start3A_7 = tpu.memref_squeeze %dma_start3A_6 : memref<1x1x40xi32, #tpu.memory_space<hbm>> -> memref<40xi32, #tpu.memory_space<hbm>>
    %dma_start3A_8 = arith.constant 0 : i32
    %dma_start3A_9 = tpu.memref_slice %arg3[%add3A, %dma_start3A, %dma_start3A_8] : memref<32x250x40xi32, #tpu.memory_space<hbm>> -> memref<1x1x40xi32, #tpu.memory_space<hbm>>
    %dma_start3A_10 = tpu.memref_squeeze %dma_start3A_9 : memref<1x1x40xi32, #tpu.memory_space<hbm>> -> memref<40xi32, #tpu.memory_space<hbm>>
    tpu.enqueue_dma source(%dma_start3A_10 : memref<40xi32, #tpu.memory_space<hbm>>) target(%arg7 : memref<40xi32, #tpu.memory_space<vmem>>) target_semaphore(%arg25 : memref<!tpu.dma_semaphore, #tpu.memory_space<semaphore_mem>>)
    %dma_start3A_11 = arith.constant 0 : i32
    %dma_start3A_12 = arith.constant 0 : i32
    %dma_start3A_13 = tpu.memref_slice %arg4[%add3A, %dma_start3A_11, %dma_start3A_12] : memref<32x250x40xi32, #tpu.memory_space<hbm>> -> memref<1x1x40xi32, #tpu.memory_space<hbm>>
    %dma_start3A_14 = tpu.memref_squeeze %dma_start3A_13 : memref<1x1x40xi32, #tpu.memory_space<hbm>> -> memref<40xi32, #tpu.memory_space<hbm>>
    %dma_start3A_15 = arith.constant 0 : i32
    %dma_start3A_16 = tpu.memref_slice %arg4[%add3A, %dma_start3A_11, %dma_start3A_15] : memref<32x250x40xi32, #tpu.memory_space<hbm>> -> memref<1x1x40xi32, #tpu.memory_space<hbm>>
    %dma_start3A_17 = tpu.memref_squeeze %dma_start3A_16 : memref<1x1x40xi32, #tpu.memory_space<hbm>> -> memref<40xi32, #tpu.memory_space<hbm>>
    tpu.enqueue_dma source(%dma_start3A_17 : memref<40xi32, #tpu.memory_space<hbm>>) target(%arg13 : memref<40xi32, #tpu.memory_space<vmem>>) target_semaphore(%arg25 : memref<!tpu.dma_semaphore, #tpu.memory_space<semaphore_mem>>)
    %dma_start3A_18 = arith.constant 1 : i32
    %dma_start3A_19 = arith.constant 0 : i32
    %dma_start3A_20 = tpu.memref_slice %arg3[%add3A, %dma_start3A_18, %dma_start3A_19] : memref<32x250x40xi32, #tpu.memory_space<hbm>> -> memref<1x1x40xi32, #tpu.memory_space<hbm>>
    %dma_start3A_21 = tpu.memref_squeeze %dma_start3A_20 : memref<1x1x40xi32, #tpu.memory_space<hbm>> -> memref<40xi32, #tpu.memory_space<hbm>>
    %dma_start3A_22 = arith.constant 0 : i32
    %dma_start3A_23 = tpu.memref_slice %arg3[%add3A, %dma_start3A_18, %dma_start3A_22] : memref<32x250x40xi32, #tpu.memory_space<hbm>> -> memref<1x1x40xi32, #tpu.memory_space<hbm>>
    %dma_start3A_24 = tpu.memref_squeeze %dma_start3A_23 : memref<1x1x40xi32, #tpu.memory_space<hbm>> -> memref<40xi32, #tpu.memory_space<hbm>>
    tpu.enqueue_dma source(%dma_start3A_24 : memref<40xi32, #tpu.memory_space<hbm>>) target(%arg8 : memref<40xi32, #tpu.memory_space<vmem>>) target_semaphore(%arg26 : memref<!tpu.dma_semaphore, #tpu.memory_space<semaphore_mem>>)
    %dma_start3A_25 = arith.constant 1 : i32
    %dma_start3A_26 = arith.constant 0 : i32
    %dma_start3A_27 = tpu.memref_slice %arg4[%add3A, %dma_start3A_25, %dma_start3A_26] : memref<32x250x40xi32, #tpu.memory_space<hbm>> -> memref<1x1x40xi32, #tpu.memory_space<hbm>>
    %dma_start3A_28 = tpu.memref_squeeze %dma_start3A_27 : memref<1x1x40xi32, #tpu.memory_space<hbm>> -> memref<40xi32, #tpu.memory_space<hbm>>
    %dma_start3A_29 = arith.constant 0 : i32
    %dma_start3A_30 = tpu.memref_slice %arg4[%add3A, %dma_start3A_25, %dma_start3A_29] : memref<32x250x40xi32, #tpu.memory_space<hbm>> -> memref<1x1x40xi32, #tpu.memory_space<hbm>>
    %dma_start3A_31 = tpu.memref_squeeze %dma_start3A_30 : memref<1x1x40xi32, #tpu.memory_space<hbm>> -> memref<40xi32, #tpu.memory_space<hbm>>
    tpu.enqueue_dma source(%dma_start3A_31 : memref<40xi32, #tpu.memory_space<hbm>>) target(%arg14 : memref<40xi32, #tpu.memory_space<vmem>>) target_semaphore(%arg26 : memref<!tpu.dma_semaphore, #tpu.memory_space<semaphore_mem>>)
    %dma_start3A_32 = arith.constant 2 : i32
    %dma_start3A_33 = arith.constant 0 : i32
    %dma_start3A_34 = tpu.memref_slice %arg3[%add3A, %dma_start3A_32, %dma_start3A_33] : memref<32x250x40xi32, #tpu.memory_space<hbm>> -> memref<1x1x40xi32, #tpu.memory_space<hbm>>
    %dma_start3A_35 = tpu.memref_squeeze %dma_start3A_34 : memref<1x1x40xi32, #tpu.memory_space<hbm>> -> memref<40xi32, #tpu.memory_space<hbm>>
    %dma_start3A_36 = arith.constant 0 : i32
    %dma_start3A_37 = tpu.memref_slice %arg3[%add3A, %dma_start3A_32, %dma_start3A_36] : memref<32x250x40xi32, #tpu.memory_space<hbm>> -> memref<1x1x40xi32, #tpu.memory_space<hbm>>
    %dma_start3A_38 = tpu.memref_squeeze %dma_start3A_37 : memref<1x1x40xi32, #tpu.memory_space<hbm>> -> memref<40xi32, #tpu.memory_space<hbm>>
    tpu.enqueue_dma source(%dma_start3A_38 : memref<40xi32, #tpu.memory_space<hbm>>) target(%arg9 : memref<40xi32, #tpu.memory_space<vmem>>) target_semaphore(%arg27 : memref<!tpu.dma_semaphore, #tpu.memory_space<semaphore_mem>>)
    %dma_start3A_39 = arith.constant 2 : i32
    %dma_start3A_40 = arith.constant 0 : i32
    %dma_start3A_41 = tpu.memref_slice %arg4[%add3A, %dma_start3A_39, %dma_start3A_40] : memref<32x250x40xi32, #tpu.memory_space<hbm>> -> memref<1x1x40xi32, #tpu.memory_space<hbm>>
    %dma_start3A_42 = tpu.memref_squeeze %dma_start3A_41 : memref<1x1x40xi32, #tpu.memory_space<hbm>> -> memref<40xi32, #tpu.memory_space<hbm>>
    %dma_start3A_43 = arith.constant 0 : i32
    %dma_start3A_44 = tpu.memref_slice %arg4[%add3A, %dma_start3A_39, %dma_start3A_43] : memref<32x250x40xi32, #tpu.memory_space<hbm>> -> memref<1x1x40xi32, #tpu.memory_space<hbm>>
    %dma_start3A_45 = tpu.memref_squeeze %dma_start3A_44 : memref<1x1x40xi32, #tpu.memory_space<hbm>> -> memref<40xi32, #tpu.memory_space<hbm>>
    tpu.enqueue_dma source(%dma_start3A_45 : memref<40xi32, #tpu.memory_space<hbm>>) target(%arg15 : memref<40xi32, #tpu.memory_space<vmem>>) target_semaphore(%arg27 : memref<!tpu.dma_semaphore, #tpu.memory_space<semaphore_mem>>)
    %dma_start3A_46 = arith.constant 3 : i32
    %dma_start3A_47 = arith.constant 0 : i32
    %dma_start3A_48 = tpu.memref_slice %arg3[%add3A, %dma_start3A_46, %dma_start3A_47] : memref<32x250x40xi32, #tpu.memory_space<hbm>> -> memref<1x1x40xi32, #tpu.memory_space<hbm>>
    %dma_start3A_49 = tpu.memref_squeeze %dma_start3A_48 : memref<1x1x40xi32, #tpu.memory_space<hbm>> -> memref<40xi32, #tpu.memory_space<hbm>>
    %dma_start3A_50 = arith.constant 0 : i32
    %dma_start3A_51 = tpu.memref_slice %arg3[%add3A, %dma_start3A_46, %dma_start3A_50] : memref<32x250x40xi32, #tpu.memory_space<hbm>> -> memref<1x1x40xi32, #tpu.memory_space<hbm>>
    %dma_start3A_52 = tpu.memref_squeeze %dma_start3A_51 : memref<1x1x40xi32, #tpu.memory_space<hbm>> -> memref<40xi32, #tpu.memory_space<hbm>>
    tpu.enqueue_dma source(%dma_start3A_52 : memref<40xi32, #tpu.memory_space<hbm>>) target(%arg10 : memref<40xi32, #tpu.memory_space<vmem>>) target_semaphore(%arg28 : memref<!tpu.dma_semaphore, #tpu.memory_space<semaphore_mem>>)
    %dma_start3A_53 = arith.constant 3 : i32
    %dma_start3A_54 = arith.constant 0 : i32
    %dma_start3A_55 = tpu.memref_slice %arg4[%add3A, %dma_start3A_53, %dma_start3A_54] : memref<32x250x40xi32, #tpu.memory_space<hbm>> -> memref<1x1x40xi32, #tpu.memory_space<hbm>>
    %dma_start3A_56 = tpu.memref_squeeze %dma_start3A_55 : memref<1x1x40xi32, #tpu.memory_space<hbm>> -> memref<40xi32, #tpu.memory_space<hbm>>
    %dma_start3A_57 = arith.constant 0 : i32
    %dma_start3A_58 = tpu.memref_slice %arg4[%add3A, %dma_start3A_53, %dma_start3A_57] : memref<32x250x40xi32, #tpu.memory_space<hbm>> -> memref<1x1x40xi32, #tpu.memory_space<hbm>>
    %dma_start3A_59 = tpu.memref_squeeze %dma_start3A_58 : memref<1x1x40xi32, #tpu.memory_space<hbm>> -> memref<40xi32, #tpu.memory_space<hbm>>
    tpu.enqueue_dma source(%dma_start3A_59 : memref<40xi32, #tpu.memory_space<hbm>>) target(%arg16 : memref<40xi32, #tpu.memory_space<vmem>>) target_semaphore(%arg28 : memref<!tpu.dma_semaphore, #tpu.memory_space<semaphore_mem>>)
    %dma_start3A_60 = arith.constant 4 : i32
    %dma_start3A_61 = arith.constant 0 : i32
    %dma_start3A_62 = tpu.memref_slice %arg3[%add3A, %dma_start3A_60, %dma_start3A_61] : memref<32x250x40xi32, #tpu.memory_space<hbm>> -> memref<1x1x40xi32, #tpu.memory_space<hbm>>
    %dma_start3A_63 = tpu.memref_squeeze %dma_start3A_62 : memref<1x1x40xi32, #tpu.memory_space<hbm>> -> memref<40xi32, #tpu.memory_space<hbm>>
    %dma_start3A_64 = arith.constant 0 : i32
    %dma_start3A_65 = tpu.memref_slice %arg3[%add3A, %dma_start3A_60, %dma_start3A_64] : memref<32x250x40xi32, #tpu.memory_space<hbm>> -> memref<1x1x40xi32, #tpu.memory_space<hbm>>
    %dma_start3A_66 = tpu.memref_squeeze %dma_start3A_65 : memref<1x1x40xi32, #tpu.memory_space<hbm>> -> memref<40xi32, #tpu.memory_space<hbm>>
    tpu.enqueue_dma source(%dma_start3A_66 : memref<40xi32, #tpu.memory_space<hbm>>) target(%arg11 : memref<40xi32, #tpu.memory_space<vmem>>) target_semaphore(%arg29 : memref<!tpu.dma_semaphore, #tpu.memory_space<semaphore_mem>>)
    %dma_start3A_67 = arith.constant 4 : i32
    %dma_start3A_68 = arith.constant 0 : i32
    %dma_start3A_69 = tpu.memref_slice %arg4[%add3A, %dma_start3A_67, %dma_start3A_68] : memref<32x250x40xi32, #tpu.memory_space<hbm>> -> memref<1x1x40xi32, #tpu.memory_space<hbm>>
    %dma_start3A_70 = tpu.memref_squeeze %dma_start3A_69 : memref<1x1x40xi32, #tpu.memory_space<hbm>> -> memref<40xi32, #tpu.memory_space<hbm>>
    %dma_start3A_71 = arith.constant 0 : i32
    %dma_start3A_72 = tpu.memref_slice %arg4[%add3A, %dma_start3A_67, %dma_start3A_71] : memref<32x250x40xi32, #tpu.memory_space<hbm>> -> memref<1x1x40xi32, #tpu.memory_space<hbm>>
    %dma_start3A_73 = tpu.memref_squeeze %dma_start3A_72 : memref<1x1x40xi32, #tpu.memory_space<hbm>> -> memref<40xi32, #tpu.memory_space<hbm>>
    tpu.enqueue_dma source(%dma_start3A_73 : memref<40xi32, #tpu.memory_space<hbm>>) target(%arg17 : memref<40xi32, #tpu.memory_space<vmem>>) target_semaphore(%arg29 : memref<!tpu.dma_semaphore, #tpu.memory_space<semaphore_mem>>)
    %dma_start3A_74 = arith.constant 5 : i32
    %dma_start3A_75 = arith.constant 0 : i32
    %dma_start3A_76 = tpu.memref_slice %arg3[%add3A, %dma_start3A_74, %dma_start3A_75] : memref<32x250x40xi32, #tpu.memory_space<hbm>> -> memref<1x1x40xi32, #tpu.memory_space<hbm>>
    %dma_start3A_77 = tpu.memref_squeeze %dma_start3A_76 : memref<1x1x40xi32, #tpu.memory_space<hbm>> -> memref<40xi32, #tpu.memory_space<hbm>>
    %dma_start3A_78 = arith.constant 0 : i32
    %dma_start3A_79 = tpu.memref_slice %arg3[%add3A, %dma_start3A_74, %dma_start3A_78] : memref<32x250x40xi32, #tpu.memory_space<hbm>> -> memref<1x1x40xi32, #tpu.memory_space<hbm>>
    %dma_start3A_80 = tpu.memref_squeeze %dma_start3A_79 : memref<1x1x40xi32, #tpu.memory_space<hbm>> -> memref<40xi32, #tpu.memory_space<hbm>>
    tpu.enqueue_dma source(%dma_start3A_80 : memref<40xi32, #tpu.memory_space<hbm>>) target(%arg12 : memref<40xi32, #tpu.memory_space<vmem>>) target_semaphore(%arg30 : memref<!tpu.dma_semaphore, #tpu.memory_space<semaphore_mem>>)
    %dma_start3A_81 = arith.constant 5 : i32
    %dma_start3A_82 = arith.constant 0 : i32
    %dma_start3A_83 = tpu.memref_slice %arg4[%add3A, %dma_start3A_81, %dma_start3A_82] : memref<32x250x40xi32, #tpu.memory_space<hbm>> -> memref<1x1x40xi32, #tpu.memory_space<hbm>>
    %dma_start3A_84 = tpu.memref_squeeze %dma_start3A_83 : memref<1x1x40xi32, #tpu.memory_space<hbm>> -> memref<40xi32, #tpu.memory_space<hbm>>
    %dma_start3A_85 = arith.constant 0 : i32
    %dma_start3A_86 = tpu.memref_slice %arg4[%add3A, %dma_start3A_81, %dma_start3A_85] : memref<32x250x40xi32, #tpu.memory_space<hbm>> -> memref<1x1x40xi32, #tpu.memory_space<hbm>>
    %dma_start3A_87 = tpu.memref_squeeze %dma_start3A_86 : memref<1x1x40xi32, #tpu.memory_space<hbm>> -> memref<40xi32, #tpu.memory_space<hbm>>
    tpu.enqueue_dma source(%dma_start3A_87 : memref<40xi32, #tpu.memory_space<hbm>>) target(%arg18 : memref<40xi32, #tpu.memory_space<vmem>>) target_semaphore(%arg30 : memref<!tpu.dma_semaphore, #tpu.memory_space<semaphore_mem>>)
    %dma_wait3A = arith.constant 0 : i32
    %dma_wait3A_88 = arith.constant 0 : i32
    %dma_wait3A_89 = tpu.memref_slice %arg3[%add3A, %dma_wait3A, %dma_wait3A_88] : memref<32x250x40xi32, #tpu.memory_space<hbm>> -> memref<1x1x40xi32, #tpu.memory_space<hbm>>
    %dma_wait3A_90 = tpu.memref_squeeze %dma_wait3A_89 : memref<1x1x40xi32, #tpu.memory_space<hbm>> -> memref<40xi32, #tpu.memory_space<hbm>>
    %dma_wait3A_91 = arith.constant 0 : i32
    %dma_wait3A_92 = tpu.memref_slice %arg3[%add3A, %dma_wait3A, %dma_wait3A_91] : memref<32x250x40xi32, #tpu.memory_space<hbm>> -> memref<1x1x40xi32, #tpu.memory_space<hbm>>
    %dma_wait3A_93 = tpu.memref_squeeze %dma_wait3A_92 : memref<1x1x40xi32, #tpu.memory_space<hbm>> -> memref<40xi32, #tpu.memory_space<hbm>>
    tpu.wait_dma2 semaphore(%arg25 : memref<!tpu.dma_semaphore, #tpu.memory_space<semaphore_mem>>) src(%dma_wait3A_93 : memref<40xi32, #tpu.memory_space<hbm>>) dst(%arg7 : memref<40xi32, #tpu.memory_space<vmem>>)
    %dma_wait3A_94 = arith.constant 0 : i32
    %dma_wait3A_95 = arith.constant 0 : i32
    %dma_wait3A_96 = tpu.memref_slice %arg4[%add3A, %dma_wait3A_94, %dma_wait3A_95] : memref<32x250x40xi32, #tpu.memory_space<hbm>> -> memref<1x1x40xi32, #tpu.memory_space<hbm>>
    %dma_wait3A_97 = tpu.memref_squeeze %dma_wait3A_96 : memref<1x1x40xi32, #tpu.memory_space<hbm>> -> memref<40xi32, #tpu.memory_space<hbm>>
    %dma_wait3A_98 = arith.constant 0 : i32
    %dma_wait3A_99 = tpu.memref_slice %arg4[%add3A, %dma_wait3A_94, %dma_wait3A_98] : memref<32x250x40xi32, #tpu.memory_space<hbm>> -> memref<1x1x40xi32, #tpu.memory_space<hbm>>
    %dma_wait3A_100 = tpu.memref_squeeze %dma_wait3A_99 : memref<1x1x40xi32, #tpu.memory_space<hbm>> -> memref<40xi32, #tpu.memory_space<hbm>>
    tpu.wait_dma2 semaphore(%arg25 : memref<!tpu.dma_semaphore, #tpu.memory_space<semaphore_mem>>) src(%dma_wait3A_100 : memref<40xi32, #tpu.memory_space<hbm>>) dst(%arg13 : memref<40xi32, #tpu.memory_space<vmem>>)
    %dma_start3A_101 = arith.constant 0 : i32
    %dma_start3A_102 = arith.constant 0 : i32
    %dma_start3A_103 = tpu.memref_slice %arg2[%dma_start3A_101, %dma_start3A_102] : memref<10000x128xf32, #tpu.memory_space<hbm>> -> memref<10000x128xf32, #tpu.memory_space<hbm>>
    tpu.enqueue_indirect_dma source(%dma_start3A_103 : memref<10000x128xf32, #tpu.memory_space<hbm>>) target(%arg19 : memref<40x128xf32, #tpu.memory_space<vmem>>) offsets(%arg7 : memref<40xi32, #tpu.memory_space<vmem>>) semaphore(%arg31 : memref<!tpu.dma_semaphore, #tpu.memory_space<semaphore_mem>>)
    %dma_wait3A_104 = arith.constant 1 : i32
    %dma_wait3A_105 = arith.constant 0 : i32
    %dma_wait3A_106 = tpu.memref_slice %arg3[%add3A, %dma_wait3A_104, %dma_wait3A_105] : memref<32x250x40xi32, #tpu.memory_space<hbm>> -> memref<1x1x40xi32, #tpu.memory_space<hbm>>
    %dma_wait3A_107 = tpu.memref_squeeze %dma_wait3A_106 : memref<1x1x40xi32, #tpu.memory_space<hbm>> -> memref<40xi32, #tpu.memory_space<hbm>>
    %dma_wait3A_108 = arith.constant 0 : i32
    %dma_wait3A_109 = tpu.memref_slice %arg3[%add3A, %dma_wait3A_104, %dma_wait3A_108] : memref<32x250x40xi32, #tpu.memory_space<hbm>> -> memref<1x1x40xi32, #tpu.memory_space<hbm>>
    %dma_wait3A_110 = tpu.memref_squeeze %dma_wait3A_109 : memref<1x1x40xi32, #tpu.memory_space<hbm>> -> memref<40xi32, #tpu.memory_space<hbm>>
    tpu.wait_dma2 semaphore(%arg26 : memref<!tpu.dma_semaphore, #tpu.memory_space<semaphore_mem>>) src(%dma_wait3A_110 : memref<40xi32, #tpu.memory_space<hbm>>) dst(%arg8 : memref<40xi32, #tpu.memory_space<vmem>>)
    %dma_wait3A_111 = arith.constant 1 : i32
    %dma_wait3A_112 = arith.constant 0 : i32
    %dma_wait3A_113 = tpu.memref_slice %arg4[%add3A, %dma_wait3A_111, %dma_wait3A_112] : memref<32x250x40xi32, #tpu.memory_space<hbm>> -> memref<1x1x40xi32, #tpu.memory_space<hbm>>
    %dma_wait3A_114 = tpu.memref_squeeze %dma_wait3A_113 : memref<1x1x40xi32, #tpu.memory_space<hbm>> -> memref<40xi32, #tpu.memory_space<hbm>>
    %dma_wait3A_115 = arith.constant 0 : i32
    %dma_wait3A_116 = tpu.memref_slice %arg4[%add3A, %dma_wait3A_111, %dma_wait3A_115] : memref<32x250x40xi32, #tpu.memory_space<hbm>> -> memref<1x1x40xi32, #tpu.memory_space<hbm>>
    %dma_wait3A_117 = tpu.memref_squeeze %dma_wait3A_116 : memref<1x1x40xi32, #tpu.memory_space<hbm>> -> memref<40xi32, #tpu.memory_space<hbm>>
    tpu.wait_dma2 semaphore(%arg26 : memref<!tpu.dma_semaphore, #tpu.memory_space<semaphore_mem>>) src(%dma_wait3A_117 : memref<40xi32, #tpu.memory_space<hbm>>) dst(%arg14 : memref<40xi32, #tpu.memory_space<vmem>>)
    %dma_start3A_118 = arith.constant 0 : i32
    %dma_start3A_119 = arith.constant 0 : i32
    %dma_start3A_120 = tpu.memref_slice %arg2[%dma_start3A_118, %dma_start3A_119] : memref<10000x128xf32, #tpu.memory_space<hbm>> -> memref<10000x128xf32, #tpu.memory_space<hbm>>
    tpu.enqueue_indirect_dma source(%dma_start3A_120 : memref<10000x128xf32, #tpu.memory_space<hbm>>) target(%arg20 : memref<40x128xf32, #tpu.memory_space<vmem>>) offsets(%arg8 : memref<40xi32, #tpu.memory_space<vmem>>) semaphore(%arg32 : memref<!tpu.dma_semaphore, #tpu.memory_space<semaphore_mem>>)
    %dma_wait3A_121 = arith.constant 2 : i32
    %dma_wait3A_122 = arith.constant 0 : i32
    %dma_wait3A_123 = tpu.memref_slice %arg3[%add3A, %dma_wait3A_121, %dma_wait3A_122] : memref<32x250x40xi32, #tpu.memory_space<hbm>> -> memref<1x1x40xi32, #tpu.memory_space<hbm>>
    %dma_wait3A_124 = tpu.memref_squeeze %dma_wait3A_123 : memref<1x1x40xi32, #tpu.memory_space<hbm>> -> memref<40xi32, #tpu.memory_space<hbm>>
    %dma_wait3A_125 = arith.constant 0 : i32
    %dma_wait3A_126 = tpu.memref_slice %arg3[%add3A, %dma_wait3A_121, %dma_wait3A_125] : memref<32x250x40xi32, #tpu.memory_space<hbm>> -> memref<1x1x40xi32, #tpu.memory_space<hbm>>
    %dma_wait3A_127 = tpu.memref_squeeze %dma_wait3A_126 : memref<1x1x40xi32, #tpu.memory_space<hbm>> -> memref<40xi32, #tpu.memory_space<hbm>>
    tpu.wait_dma2 semaphore(%arg27 : memref<!tpu.dma_semaphore, #tpu.memory_space<semaphore_mem>>) src(%dma_wait3A_127 : memref<40xi32, #tpu.memory_space<hbm>>) dst(%arg9 : memref<40xi32, #tpu.memory_space<vmem>>)
    %dma_wait3A_128 = arith.constant 2 : i32
    %dma_wait3A_129 = arith.constant 0 : i32
    %dma_wait3A_130 = tpu.memref_slice %arg4[%add3A, %dma_wait3A_128, %dma_wait3A_129] : memref<32x250x40xi32, #tpu.memory_space<hbm>> -> memref<1x1x40xi32, #tpu.memory_space<hbm>>
    %dma_wait3A_131 = tpu.memref_squeeze %dma_wait3A_130 : memref<1x1x40xi32, #tpu.memory_space<hbm>> -> memref<40xi32, #tpu.memory_space<hbm>>
    %dma_wait3A_132 = arith.constant 0 : i32
    %dma_wait3A_133 = tpu.memref_slice %arg4[%add3A, %dma_wait3A_128, %dma_wait3A_132] : memref<32x250x40xi32, #tpu.memory_space<hbm>> -> memref<1x1x40xi32, #tpu.memory_space<hbm>>
    %dma_wait3A_134 = tpu.memref_squeeze %dma_wait3A_133 : memref<1x1x40xi32, #tpu.memory_space<hbm>> -> memref<40xi32, #tpu.memory_space<hbm>>
    tpu.wait_dma2 semaphore(%arg27 : memref<!tpu.dma_semaphore, #tpu.memory_space<semaphore_mem>>) src(%dma_wait3A_134 : memref<40xi32, #tpu.memory_space<hbm>>) dst(%arg15 : memref<40xi32, #tpu.memory_space<vmem>>)
    %dma_start3A_135 = arith.constant 0 : i32
    %dma_start3A_136 = arith.constant 0 : i32
    %dma_start3A_137 = tpu.memref_slice %arg2[%dma_start3A_135, %dma_start3A_136] : memref<10000x128xf32, #tpu.memory_space<hbm>> -> memref<10000x128xf32, #tpu.memory_space<hbm>>
    tpu.enqueue_indirect_dma source(%dma_start3A_137 : memref<10000x128xf32, #tpu.memory_space<hbm>>) target(%arg21 : memref<40x128xf32, #tpu.memory_space<vmem>>) offsets(%arg9 : memref<40xi32, #tpu.memory_space<vmem>>) semaphore(%arg33 : memref<!tpu.dma_semaphore, #tpu.memory_space<semaphore_mem>>)
    %dma_wait3A_138 = arith.constant 3 : i32
    %dma_wait3A_139 = arith.constant 0 : i32
    %dma_wait3A_140 = tpu.memref_slice %arg3[%add3A, %dma_wait3A_138, %dma_wait3A_139] : memref<32x250x40xi32, #tpu.memory_space<hbm>> -> memref<1x1x40xi32, #tpu.memory_space<hbm>>
    %dma_wait3A_141 = tpu.memref_squeeze %dma_wait3A_140 : memref<1x1x40xi32, #tpu.memory_space<hbm>> -> memref<40xi32, #tpu.memory_space<hbm>>
    %dma_wait3A_142 = arith.constant 0 : i32
    %dma_wait3A_143 = tpu.memref_slice %arg3[%add3A, %dma_wait3A_138, %dma_wait3A_142] : memref<32x250x40xi32, #tpu.memory_space<hbm>> -> memref<1x1x40xi32, #tpu.memory_space<hbm>>
    %dma_wait3A_144 = tpu.memref_squeeze %dma_wait3A_143 : memref<1x1x40xi32, #tpu.memory_space<hbm>> -> memref<40xi32, #tpu.memory_space<hbm>>
    tpu.wait_dma2 semaphore(%arg28 : memref<!tpu.dma_semaphore, #tpu.memory_space<semaphore_mem>>) src(%dma_wait3A_144 : memref<40xi32, #tpu.memory_space<hbm>>) dst(%arg10 : memref<40xi32, #tpu.memory_space<vmem>>)
    %dma_wait3A_145 = arith.constant 3 : i32
    %dma_wait3A_146 = arith.constant 0 : i32
    %dma_wait3A_147 = tpu.memref_slice %arg4[%add3A, %dma_wait3A_145, %dma_wait3A_146] : memref<32x250x40xi32, #tpu.memory_space<hbm>> -> memref<1x1x40xi32, #tpu.memory_space<hbm>>
    %dma_wait3A_148 = tpu.memref_squeeze %dma_wait3A_147 : memref<1x1x40xi32, #tpu.memory_space<hbm>> -> memref<40xi32, #tpu.memory_space<hbm>>
    %dma_wait3A_149 = arith.constant 0 : i32
    %dma_wait3A_150 = tpu.memref_slice %arg4[%add3A, %dma_wait3A_145, %dma_wait3A_149] : memref<32x250x40xi32, #tpu.memory_space<hbm>> -> memref<1x1x40xi32, #tpu.memory_space<hbm>>
    %dma_wait3A_151 = tpu.memref_squeeze %dma_wait3A_150 : memref<1x1x40xi32, #tpu.memory_space<hbm>> -> memref<40xi32, #tpu.memory_space<hbm>>
    tpu.wait_dma2 semaphore(%arg28 : memref<!tpu.dma_semaphore, #tpu.memory_space<semaphore_mem>>) src(%dma_wait3A_151 : memref<40xi32, #tpu.memory_space<hbm>>) dst(%arg16 : memref<40xi32, #tpu.memory_space<vmem>>)
    %dma_start3A_152 = arith.constant 0 : i32
    %dma_start3A_153 = arith.constant 0 : i32
    %dma_start3A_154 = tpu.memref_slice %arg2[%dma_start3A_152, %dma_start3A_153] : memref<10000x128xf32, #tpu.memory_space<hbm>> -> memref<10000x128xf32, #tpu.memory_space<hbm>>
    tpu.enqueue_indirect_dma source(%dma_start3A_154 : memref<10000x128xf32, #tpu.memory_space<hbm>>) target(%arg22 : memref<40x128xf32, #tpu.memory_space<vmem>>) offsets(%arg10 : memref<40xi32, #tpu.memory_space<vmem>>) semaphore(%arg34 : memref<!tpu.dma_semaphore, #tpu.memory_space<semaphore_mem>>)
    %scan3A = arith.constant 0 : i32
    %scan3A_155 = arith.constant 0 : i32
    %scan3A_156 = arith.constant 42 : i32
    %scan3A_157 = arith.addi %scan3A_155, %scan3A_156 : i32
    %scan3A_158 = arith.constant 1 : i32
    scf.for %scan3A_166 = %scan3A_155 to %scan3A_157 step %scan3A_158  : i32 {
      %mul3A_167 = arith.constant 6 : i32
      %mul3A_168 = arith.muli %mul3A_167, %scan3A_166 : i32
      %add3A_169 = arith.constant 0 : i32
      %add3A_170 = arith.addi %mul3A_168, %add3A_169 : i32
      %lt3A = arith.constant 250 : i32
      %lt3A_171 = arith.cmpi slt, %add3A_170, %lt3A : i32
      %convert_element_type3A_172 = arith.extui %lt3A_171 : i1 to i32
      %cond3A_173 = arith.constant 0 : i32
      %cond3A_174 = arith.cmpi ne, %convert_element_type3A_172, %cond3A_173 : i32
      scf.if %cond3A_174 {
        %dma_wait3A_220 = arith.constant 0 : i32
        %dma_wait3A_221 = arith.constant 0 : i32
        %dma_wait3A_222 = tpu.memref_slice %arg2[%dma_wait3A_220, %dma_wait3A_221] : memref<10000x128xf32, #tpu.memory_space<hbm>> -> memref<40x128xf32, #tpu.memory_space<hbm>>
        %dma_wait3A_223 = arith.constant 0 : i32
        %dma_wait3A_224 = arith.constant 0 : i32
        %dma_wait3A_225 = tpu.memref_slice %arg2[%dma_wait3A_223, %dma_wait3A_224] : memref<10000x128xf32, #tpu.memory_space<hbm>> -> memref<40x128xf32, #tpu.memory_space<hbm>>
        tpu.wait_dma2 semaphore(%arg31 : memref<!tpu.dma_semaphore, #tpu.memory_space<semaphore_mem>>) src(%dma_wait3A_225 : memref<40x128xf32, #tpu.memory_space<hbm>>) dst(%arg19 : memref<40x128xf32, #tpu.memory_space<vmem>>)
        "tpu.region"() ({
          %run_scoped3A = tpu.sem_alloc : memref<!tpu.dma_semaphore, #tpu.memory_space<semaphore_mem>>
          %dma_start3A_240 = arith.constant 0 : i32
          %dma_start3A_241 = arith.constant 0 : i32
          %dma_start3A_242 = tpu.memref_slice %arg37[%dma_start3A_240, %dma_start3A_241] : memref<10000x128xf32, #tpu.memory_space<vmem_shared>> -> memref<10000x128xf32, #tpu.memory_space<vmem_shared>>
          tpu.enqueue_indirect_dma source(%arg19 : memref<40x128xf32, #tpu.memory_space<vmem>>) target(%dma_start3A_242 : memref<10000x128xf32, #tpu.memory_space<vmem_shared>>) offsets(%arg13 : memref<40xi32, #tpu.memory_space<vmem>>) semaphore(%run_scoped3A : memref<!tpu.dma_semaphore, #tpu.memory_space<semaphore_mem>>) {add = true}
          %dma_wait3A_243 = arith.constant 0 : i32
          %dma_wait3A_244 = arith.constant 0 : i32
          %dma_wait3A_245 = tpu.memref_slice %arg37[%dma_wait3A_243, %dma_wait3A_244] : memref<10000x128xf32, #tpu.memory_space<vmem_shared>> -> memref<10000x128xf32, #tpu.memory_space<vmem_shared>>
          tpu.wait_indirect_dma semaphore(%run_scoped3A : memref<!tpu.dma_semaphore, #tpu.memory_space<semaphore_mem>>) src(%arg19 : memref<40x128xf32, #tpu.memory_space<vmem>>) dst(%dma_wait3A_245 : memref<10000x128xf32, #tpu.memory_space<vmem_shared>>)
          tpu.yield
        }) : () -> ()
        %add3A_226 = arith.constant 6 : i32
        %add3A_227 = arith.addi %add3A_170, %add3A_226 : i32
        %lt3A_228 = arith.constant 250 : i32
        %lt3A_229 = arith.cmpi slt, %add3A_227, %lt3A_228 : i32
        %convert_element_type3A_230 = arith.extui %lt3A_229 : i1 to i32
        %cond3A_231 = arith.constant 0 : i32
        %cond3A_232 = arith.cmpi ne, %convert_element_type3A_230, %cond3A_231 : i32
        scf.if %cond3A_232 {
          %add3A_240 = arith.constant 6 : i32
          %add3A_241 = arith.addi %add3A_170, %add3A_240 : i32
          %dma_start3A_242 = arith.constant 0 : i32
          %dma_start3A_243 = tpu.memref_slice %arg3[%add3A, %add3A_241, %dma_start3A_242] : memref<32x250x40xi32, #tpu.memory_space<hbm>> -> memref<1x1x40xi32, #tpu.memory_space<hbm>>
          %dma_start3A_244 = tpu.memref_squeeze %dma_start3A_243 : memref<1x1x40xi32, #tpu.memory_space<hbm>> -> memref<40xi32, #tpu.memory_space<hbm>>
          %dma_start3A_245 = arith.constant 0 : i32
          %dma_start3A_246 = tpu.memref_slice %arg3[%add3A, %add3A_241, %dma_start3A_245] : memref<32x250x40xi32, #tpu.memory_space<hbm>> -> memref<1x1x40xi32, #tpu.memory_space<hbm>>
          %dma_start3A_247 = tpu.memref_squeeze %dma_start3A_246 : memref<1x1x40xi32, #tpu.memory_space<hbm>> -> memref<40xi32, #tpu.memory_space<hbm>>
          tpu.enqueue_dma source(%dma_start3A_247 : memref<40xi32, #tpu.memory_space<hbm>>) target(%arg7 : memref<40xi32, #tpu.memory_space<vmem>>) target_semaphore(%arg25 : memref<!tpu.dma_semaphore, #tpu.memory_space<semaphore_mem>>)
          %dma_start3A_248 = arith.constant 0 : i32
          %dma_start3A_249 = tpu.memref_slice %arg4[%add3A, %add3A_241, %dma_start3A_248] : memref<32x250x40xi32, #tpu.memory_space<hbm>> -> memref<1x1x40xi32, #tpu.memory_space<hbm>>
          %dma_start3A_250 = tpu.memref_squeeze %dma_start3A_249 : memref<1x1x40xi32, #tpu.memory_space<hbm>> -> memref<40xi32, #tpu.memory_space<hbm>>
          %dma_start3A_251 = arith.constant 0 : i32
          %dma_start3A_252 = tpu.memref_slice %arg4[%add3A, %add3A_241, %dma_start3A_251] : memref<32x250x40xi32, #tpu.memory_space<hbm>> -> memref<1x1x40xi32, #tpu.memory_space<hbm>>
          %dma_start3A_253 = tpu.memref_squeeze %dma_start3A_252 : memref<1x1x40xi32, #tpu.memory_space<hbm>> -> memref<40xi32, #tpu.memory_space<hbm>>
          tpu.enqueue_dma source(%dma_start3A_253 : memref<40xi32, #tpu.memory_space<hbm>>) target(%arg13 : memref<40xi32, #tpu.memory_space<vmem>>) target_semaphore(%arg25 : memref<!tpu.dma_semaphore, #tpu.memory_space<semaphore_mem>>)
        } else {
        }
        %add3A_233 = arith.constant 4 : i32
        %add3A_234 = arith.addi %add3A_170, %add3A_233 : i32
        %lt3A_235 = arith.constant 250 : i32
        %lt3A_236 = arith.cmpi slt, %add3A_234, %lt3A_235 : i32
        %convert_element_type3A_237 = arith.extui %lt3A_236 : i1 to i32
        %cond3A_238 = arith.constant 0 : i32
        %cond3A_239 = arith.cmpi ne, %convert_element_type3A_237, %cond3A_238 : i32
        scf.if %cond3A_239 {
          %add3A_240 = arith.constant 4 : i32
          %add3A_241 = arith.addi %add3A_170, %add3A_240 : i32
          %dma_wait3A_242 = arith.constant 0 : i32
          %dma_wait3A_243 = tpu.memref_slice %arg3[%add3A, %add3A_241, %dma_wait3A_242] : memref<32x250x40xi32, #tpu.memory_space<hbm>> -> memref<1x1x40xi32, #tpu.memory_space<hbm>>
          %dma_wait3A_244 = tpu.memref_squeeze %dma_wait3A_243 : memref<1x1x40xi32, #tpu.memory_space<hbm>> -> memref<40xi32, #tpu.memory_space<hbm>>
          %dma_wait3A_245 = arith.constant 0 : i32
          %dma_wait3A_246 = tpu.memref_slice %arg3[%add3A, %add3A_241, %dma_wait3A_245] : memref<32x250x40xi32, #tpu.memory_space<hbm>> -> memref<1x1x40xi32, #tpu.memory_space<hbm>>
          %dma_wait3A_247 = tpu.memref_squeeze %dma_wait3A_246 : memref<1x1x40xi32, #tpu.memory_space<hbm>> -> memref<40xi32, #tpu.memory_space<hbm>>
          tpu.wait_dma2 semaphore(%arg29 : memref<!tpu.dma_semaphore, #tpu.memory_space<semaphore_mem>>) src(%dma_wait3A_247 : memref<40xi32, #tpu.memory_space<hbm>>) dst(%arg11 : memref<40xi32, #tpu.memory_space<vmem>>)
          %dma_wait3A_248 = arith.constant 0 : i32
          %dma_wait3A_249 = tpu.memref_slice %arg4[%add3A, %add3A_241, %dma_wait3A_248] : memref<32x250x40xi32, #tpu.memory_space<hbm>> -> memref<1x1x40xi32, #tpu.memory_space<hbm>>
          %dma_wait3A_250 = tpu.memref_squeeze %dma_wait3A_249 : memref<1x1x40xi32, #tpu.memory_space<hbm>> -> memref<40xi32, #tpu.memory_space<hbm>>
          %dma_wait3A_251 = arith.constant 0 : i32
          %dma_wait3A_252 = tpu.memref_slice %arg4[%add3A, %add3A_241, %dma_wait3A_251] : memref<32x250x40xi32, #tpu.memory_space<hbm>> -> memref<1x1x40xi32, #tpu.memory_space<hbm>>
          %dma_wait3A_253 = tpu.memref_squeeze %dma_wait3A_252 : memref<1x1x40xi32, #tpu.memory_space<hbm>> -> memref<40xi32, #tpu.memory_space<hbm>>
          tpu.wait_dma2 semaphore(%arg29 : memref<!tpu.dma_semaphore, #tpu.memory_space<semaphore_mem>>) src(%dma_wait3A_253 : memref<40xi32, #tpu.memory_space<hbm>>) dst(%arg17 : memref<40xi32, #tpu.memory_space<vmem>>)
          %dma_start3A_254 = arith.constant 0 : i32
          %dma_start3A_255 = arith.constant 0 : i32
          %dma_start3A_256 = tpu.memref_slice %arg2[%dma_start3A_254, %dma_start3A_255] : memref<10000x128xf32, #tpu.memory_space<hbm>> -> memref<10000x128xf32, #tpu.memory_space<hbm>>
          tpu.enqueue_indirect_dma source(%dma_start3A_256 : memref<10000x128xf32, #tpu.memory_space<hbm>>) target(%arg23 : memref<40x128xf32, #tpu.memory_space<vmem>>) offsets(%arg11 : memref<40xi32, #tpu.memory_space<vmem>>) semaphore(%arg35 : memref<!tpu.dma_semaphore, #tpu.memory_space<semaphore_mem>>)
        } else {
        }
      } else {
      }
      %mul3A_175 = arith.constant 6 : i32
      %mul3A_176 = arith.muli %mul3A_175, %scan3A_166 : i32
      %add3A_177 = arith.constant 1 : i32
      %add3A_178 = arith.addi %mul3A_176, %add3A_177 : i32
      %lt3A_179 = arith.constant 250 : i32
      %lt3A_180 = arith.cmpi slt, %add3A_178, %lt3A_179 : i32
      %convert_element_type3A_181 = arith.extui %lt3A_180 : i1 to i32
      %cond3A_182 = arith.constant 0 : i32
      %cond3A_183 = arith.cmpi ne, %convert_element_type3A_181, %cond3A_182 : i32
      scf.if %cond3A_183 {
        %dma_wait3A_220 = arith.constant 0 : i32
        %dma_wait3A_221 = arith.constant 0 : i32
        %dma_wait3A_222 = tpu.memref_slice %arg2[%dma_wait3A_220, %dma_wait3A_221] : memref<10000x128xf32, #tpu.memory_space<hbm>> -> memref<40x128xf32, #tpu.memory_space<hbm>>
        %dma_wait3A_223 = arith.constant 0 : i32
        %dma_wait3A_224 = arith.constant 0 : i32
        %dma_wait3A_225 = tpu.memref_slice %arg2[%dma_wait3A_223, %dma_wait3A_224] : memref<10000x128xf32, #tpu.memory_space<hbm>> -> memref<40x128xf32, #tpu.memory_space<hbm>>
        tpu.wait_dma2 semaphore(%arg32 : memref<!tpu.dma_semaphore, #tpu.memory_space<semaphore_mem>>) src(%dma_wait3A_225 : memref<40x128xf32, #tpu.memory_space<hbm>>) dst(%arg20 : memref<40x128xf32, #tpu.memory_space<vmem>>)
        "tpu.region"() ({
          %run_scoped3A = tpu.sem_alloc : memref<!tpu.dma_semaphore, #tpu.memory_space<semaphore_mem>>
          %dma_start3A_240 = arith.constant 0 : i32
          %dma_start3A_241 = arith.constant 0 : i32
          %dma_start3A_242 = tpu.memref_slice %arg37[%dma_start3A_240, %dma_start3A_241] : memref<10000x128xf32, #tpu.memory_space<vmem_shared>> -> memref<10000x128xf32, #tpu.memory_space<vmem_shared>>
          tpu.enqueue_indirect_dma source(%arg20 : memref<40x128xf32, #tpu.memory_space<vmem>>) target(%dma_start3A_242 : memref<10000x128xf32, #tpu.memory_space<vmem_shared>>) offsets(%arg14 : memref<40xi32, #tpu.memory_space<vmem>>) semaphore(%run_scoped3A : memref<!tpu.dma_semaphore, #tpu.memory_space<semaphore_mem>>) {add = true}
          %dma_wait3A_243 = arith.constant 0 : i32
          %dma_wait3A_244 = arith.constant 0 : i32
          %dma_wait3A_245 = tpu.memref_slice %arg37[%dma_wait3A_243, %dma_wait3A_244] : memref<10000x128xf32, #tpu.memory_space<vmem_shared>> -> memref<10000x128xf32, #tpu.memory_space<vmem_shared>>
          tpu.wait_indirect_dma semaphore(%run_scoped3A : memref<!tpu.dma_semaphore, #tpu.memory_space<semaphore_mem>>) src(%arg20 : memref<40x128xf32, #tpu.memory_space<vmem>>) dst(%dma_wait3A_245 : memref<10000x128xf32, #tpu.memory_space<vmem_shared>>)
          tpu.yield
        }) : () -> ()
        %add3A_226 = arith.constant 6 : i32
        %add3A_227 = arith.addi %add3A_178, %add3A_226 : i32
        %lt3A_228 = arith.constant 250 : i32
        %lt3A_229 = arith.cmpi slt, %add3A_227, %lt3A_228 : i32
        %convert_element_type3A_230 = arith.extui %lt3A_229 : i1 to i32
        %cond3A_231 = arith.constant 0 : i32
        %cond3A_232 = arith.cmpi ne, %convert_element_type3A_230, %cond3A_231 : i32
        scf.if %cond3A_232 {
          %add3A_240 = arith.constant 6 : i32
          %add3A_241 = arith.addi %add3A_178, %add3A_240 : i32
          %dma_start3A_242 = arith.constant 0 : i32
          %dma_start3A_243 = tpu.memref_slice %arg3[%add3A, %add3A_241, %dma_start3A_242] : memref<32x250x40xi32, #tpu.memory_space<hbm>> -> memref<1x1x40xi32, #tpu.memory_space<hbm>>
          %dma_start3A_244 = tpu.memref_squeeze %dma_start3A_243 : memref<1x1x40xi32, #tpu.memory_space<hbm>> -> memref<40xi32, #tpu.memory_space<hbm>>
          %dma_start3A_245 = arith.constant 0 : i32
          %dma_start3A_246 = tpu.memref_slice %arg3[%add3A, %add3A_241, %dma_start3A_245] : memref<32x250x40xi32, #tpu.memory_space<hbm>> -> memref<1x1x40xi32, #tpu.memory_space<hbm>>
          %dma_start3A_247 = tpu.memref_squeeze %dma_start3A_246 : memref<1x1x40xi32, #tpu.memory_space<hbm>> -> memref<40xi32, #tpu.memory_space<hbm>>
          tpu.enqueue_dma source(%dma_start3A_247 : memref<40xi32, #tpu.memory_space<hbm>>) target(%arg8 : memref<40xi32, #tpu.memory_space<vmem>>) target_semaphore(%arg26 : memref<!tpu.dma_semaphore, #tpu.memory_space<semaphore_mem>>)
          %dma_start3A_248 = arith.constant 0 : i32
          %dma_start3A_249 = tpu.memref_slice %arg4[%add3A, %add3A_241, %dma_start3A_248] : memref<32x250x40xi32, #tpu.memory_space<hbm>> -> memref<1x1x40xi32, #tpu.memory_space<hbm>>
          %dma_start3A_250 = tpu.memref_squeeze %dma_start3A_249 : memref<1x1x40xi32, #tpu.memory_space<hbm>> -> memref<40xi32, #tpu.memory_space<hbm>>
          %dma_start3A_251 = arith.constant 0 : i32
          %dma_start3A_252 = tpu.memref_slice %arg4[%add3A, %add3A_241, %dma_start3A_251] : memref<32x250x40xi32, #tpu.memory_space<hbm>> -> memref<1x1x40xi32, #tpu.memory_space<hbm>>
          %dma_start3A_253 = tpu.memref_squeeze %dma_start3A_252 : memref<1x1x40xi32, #tpu.memory_space<hbm>> -> memref<40xi32, #tpu.memory_space<hbm>>
          tpu.enqueue_dma source(%dma_start3A_253 : memref<40xi32, #tpu.memory_space<hbm>>) target(%arg14 : memref<40xi32, #tpu.memory_space<vmem>>) target_semaphore(%arg26 : memref<!tpu.dma_semaphore, #tpu.memory_space<semaphore_mem>>)
        } else {
        }
        %add3A_233 = arith.constant 4 : i32
        %add3A_234 = arith.addi %add3A_178, %add3A_233 : i32
        %lt3A_235 = arith.constant 250 : i32
        %lt3A_236 = arith.cmpi slt, %add3A_234, %lt3A_235 : i32
        %convert_element_type3A_237 = arith.extui %lt3A_236 : i1 to i32
        %cond3A_238 = arith.constant 0 : i32
        %cond3A_239 = arith.cmpi ne, %convert_element_type3A_237, %cond3A_238 : i32
        scf.if %cond3A_239 {
          %add3A_240 = arith.constant 4 : i32
          %add3A_241 = arith.addi %add3A_178, %add3A_240 : i32
          %dma_wait3A_242 = arith.constant 0 : i32
          %dma_wait3A_243 = tpu.memref_slice %arg3[%add3A, %add3A_241, %dma_wait3A_242] : memref<32x250x40xi32, #tpu.memory_space<hbm>> -> memref<1x1x40xi32, #tpu.memory_space<hbm>>
          %dma_wait3A_244 = tpu.memref_squeeze %dma_wait3A_243 : memref<1x1x40xi32, #tpu.memory_space<hbm>> -> memref<40xi32, #tpu.memory_space<hbm>>
          %dma_wait3A_245 = arith.constant 0 : i32
          %dma_wait3A_246 = tpu.memref_slice %arg3[%add3A, %add3A_241, %dma_wait3A_245] : memref<32x250x40xi32, #tpu.memory_space<hbm>> -> memref<1x1x40xi32, #tpu.memory_space<hbm>>
          %dma_wait3A_247 = tpu.memref_squeeze %dma_wait3A_246 : memref<1x1x40xi32, #tpu.memory_space<hbm>> -> memref<40xi32, #tpu.memory_space<hbm>>
          tpu.wait_dma2 semaphore(%arg30 : memref<!tpu.dma_semaphore, #tpu.memory_space<semaphore_mem>>) src(%dma_wait3A_247 : memref<40xi32, #tpu.memory_space<hbm>>) dst(%arg12 : memref<40xi32, #tpu.memory_space<vmem>>)
          %dma_wait3A_248 = arith.constant 0 : i32
          %dma_wait3A_249 = tpu.memref_slice %arg4[%add3A, %add3A_241, %dma_wait3A_248] : memref<32x250x40xi32, #tpu.memory_space<hbm>> -> memref<1x1x40xi32, #tpu.memory_space<hbm>>
          %dma_wait3A_250 = tpu.memref_squeeze %dma_wait3A_249 : memref<1x1x40xi32, #tpu.memory_space<hbm>> -> memref<40xi32, #tpu.memory_space<hbm>>
          %dma_wait3A_251 = arith.constant 0 : i32
          %dma_wait3A_252 = tpu.memref_slice %arg4[%add3A, %add3A_241, %dma_wait3A_251] : memref<32x250x40xi32, #tpu.memory_space<hbm>> -> memref<1x1x40xi32, #tpu.memory_space<hbm>>
          %dma_wait3A_253 = tpu.memref_squeeze %dma_wait3A_252 : memref<1x1x40xi32, #tpu.memory_space<hbm>> -> memref<40xi32, #tpu.memory_space<hbm>>
          tpu.wait_dma2 semaphore(%arg30 : memref<!tpu.dma_semaphore, #tpu.memory_space<semaphore_mem>>) src(%dma_wait3A_253 : memref<40xi32, #tpu.memory_space<hbm>>) dst(%arg18 : memref<40xi32, #tpu.memory_space<vmem>>)
          %dma_start3A_254 = arith.constant 0 : i32
          %dma_start3A_255 = arith.constant 0 : i32
          %dma_start3A_256 = tpu.memref_slice %arg2[%dma_start3A_254, %dma_start3A_255] : memref<10000x128xf32, #tpu.memory_space<hbm>> -> memref<10000x128xf32, #tpu.memory_space<hbm>>
          tpu.enqueue_indirect_dma source(%dma_start3A_256 : memref<10000x128xf32, #tpu.memory_space<hbm>>) target(%arg24 : memref<40x128xf32, #tpu.memory_space<vmem>>) offsets(%arg12 : memref<40xi32, #tpu.memory_space<vmem>>) semaphore(%arg36 : memref<!tpu.dma_semaphore, #tpu.memory_space<semaphore_mem>>)
        } else {
        }
      } else {
      }
      %mul3A_184 = arith.constant 6 : i32
      %mul3A_185 = arith.muli %mul3A_184, %scan3A_166 : i32
      %add3A_186 = arith.constant 2 : i32
      %add3A_187 = arith.addi %mul3A_185, %add3A_186 : i32
      %lt3A_188 = arith.constant 250 : i32
      %lt3A_189 = arith.cmpi slt, %add3A_187, %lt3A_188 : i32
      %convert_element_type3A_190 = arith.extui %lt3A_189 : i1 to i32
      %cond3A_191 = arith.constant 0 : i32
      %cond3A_192 = arith.cmpi ne, %convert_element_type3A_190, %cond3A_191 : i32
      scf.if %cond3A_192 {
        %dma_wait3A_220 = arith.constant 0 : i32
        %dma_wait3A_221 = arith.constant 0 : i32
        %dma_wait3A_222 = tpu.memref_slice %arg2[%dma_wait3A_220, %dma_wait3A_221] : memref<10000x128xf32, #tpu.memory_space<hbm>> -> memref<40x128xf32, #tpu.memory_space<hbm>>
        %dma_wait3A_223 = arith.constant 0 : i32
        %dma_wait3A_224 = arith.constant 0 : i32
        %dma_wait3A_225 = tpu.memref_slice %arg2[%dma_wait3A_223, %dma_wait3A_224] : memref<10000x128xf32, #tpu.memory_space<hbm>> -> memref<40x128xf32, #tpu.memory_space<hbm>>
        tpu.wait_dma2 semaphore(%arg33 : memref<!tpu.dma_semaphore, #tpu.memory_space<semaphore_mem>>) src(%dma_wait3A_225 : memref<40x128xf32, #tpu.memory_space<hbm>>) dst(%arg21 : memref<40x128xf32, #tpu.memory_space<vmem>>)
        "tpu.region"() ({
          %run_scoped3A = tpu.sem_alloc : memref<!tpu.dma_semaphore, #tpu.memory_space<semaphore_mem>>
          %dma_start3A_240 = arith.constant 0 : i32
          %dma_start3A_241 = arith.constant 0 : i32
          %dma_start3A_242 = tpu.memref_slice %arg37[%dma_start3A_240, %dma_start3A_241] : memref<10000x128xf32, #tpu.memory_space<vmem_shared>> -> memref<10000x128xf32, #tpu.memory_space<vmem_shared>>
          tpu.enqueue_indirect_dma source(%arg21 : memref<40x128xf32, #tpu.memory_space<vmem>>) target(%dma_start3A_242 : memref<10000x128xf32, #tpu.memory_space<vmem_shared>>) offsets(%arg15 : memref<40xi32, #tpu.memory_space<vmem>>) semaphore(%run_scoped3A : memref<!tpu.dma_semaphore, #tpu.memory_space<semaphore_mem>>) {add = true}
          %dma_wait3A_243 = arith.constant 0 : i32
          %dma_wait3A_244 = arith.constant 0 : i32
          %dma_wait3A_245 = tpu.memref_slice %arg37[%dma_wait3A_243, %dma_wait3A_244] : memref<10000x128xf32, #tpu.memory_space<vmem_shared>> -> memref<10000x128xf32, #tpu.memory_space<vmem_shared>>
          tpu.wait_indirect_dma semaphore(%run_scoped3A : memref<!tpu.dma_semaphore, #tpu.memory_space<semaphore_mem>>) src(%arg21 : memref<40x128xf32, #tpu.memory_space<vmem>>) dst(%dma_wait3A_245 : memref<10000x128xf32, #tpu.memory_space<vmem_shared>>)
          tpu.yield
        }) : () -> ()
        %add3A_226 = arith.constant 6 : i32
        %add3A_227 = arith.addi %add3A_187, %add3A_226 : i32
        %lt3A_228 = arith.constant 250 : i32
        %lt3A_229 = arith.cmpi slt, %add3A_227, %lt3A_228 : i32
        %convert_element_type3A_230 = arith.extui %lt3A_229 : i1 to i32
        %cond3A_231 = arith.constant 0 : i32
        %cond3A_232 = arith.cmpi ne, %convert_element_type3A_230, %cond3A_231 : i32
        scf.if %cond3A_232 {
          %add3A_240 = arith.constant 6 : i32
          %add3A_241 = arith.addi %add3A_187, %add3A_240 : i32
          %dma_start3A_242 = arith.constant 0 : i32
          %dma_start3A_243 = tpu.memref_slice %arg3[%add3A, %add3A_241, %dma_start3A_242] : memref<32x250x40xi32, #tpu.memory_space<hbm>> -> memref<1x1x40xi32, #tpu.memory_space<hbm>>
          %dma_start3A_244 = tpu.memref_squeeze %dma_start3A_243 : memref<1x1x40xi32, #tpu.memory_space<hbm>> -> memref<40xi32, #tpu.memory_space<hbm>>
          %dma_start3A_245 = arith.constant 0 : i32
          %dma_start3A_246 = tpu.memref_slice %arg3[%add3A, %add3A_241, %dma_start3A_245] : memref<32x250x40xi32, #tpu.memory_space<hbm>> -> memref<1x1x40xi32, #tpu.memory_space<hbm>>
          %dma_start3A_247 = tpu.memref_squeeze %dma_start3A_246 : memref<1x1x40xi32, #tpu.memory_space<hbm>> -> memref<40xi32, #tpu.memory_space<hbm>>
          tpu.enqueue_dma source(%dma_start3A_247 : memref<40xi32, #tpu.memory_space<hbm>>) target(%arg9 : memref<40xi32, #tpu.memory_space<vmem>>) target_semaphore(%arg27 : memref<!tpu.dma_semaphore, #tpu.memory_space<semaphore_mem>>)
          %dma_start3A_248 = arith.constant 0 : i32
          %dma_start3A_249 = tpu.memref_slice %arg4[%add3A, %add3A_241, %dma_start3A_248] : memref<32x250x40xi32, #tpu.memory_space<hbm>> -> memref<1x1x40xi32, #tpu.memory_space<hbm>>
          %dma_start3A_250 = tpu.memref_squeeze %dma_start3A_249 : memref<1x1x40xi32, #tpu.memory_space<hbm>> -> memref<40xi32, #tpu.memory_space<hbm>>
          %dma_start3A_251 = arith.constant 0 : i32
          %dma_start3A_252 = tpu.memref_slice %arg4[%add3A, %add3A_241, %dma_start3A_251] : memref<32x250x40xi32, #tpu.memory_space<hbm>> -> memref<1x1x40xi32, #tpu.memory_space<hbm>>
          %dma_start3A_253 = tpu.memref_squeeze %dma_start3A_252 : memref<1x1x40xi32, #tpu.memory_space<hbm>> -> memref<40xi32, #tpu.memory_space<hbm>>
          tpu.enqueue_dma source(%dma_start3A_253 : memref<40xi32, #tpu.memory_space<hbm>>) target(%arg15 : memref<40xi32, #tpu.memory_space<vmem>>) target_semaphore(%arg27 : memref<!tpu.dma_semaphore, #tpu.memory_space<semaphore_mem>>)
        } else {
        }
        %add3A_233 = arith.constant 4 : i32
        %add3A_234 = arith.addi %add3A_187, %add3A_233 : i32
        %lt3A_235 = arith.constant 250 : i32
        %lt3A_236 = arith.cmpi slt, %add3A_234, %lt3A_235 : i32
        %convert_element_type3A_237 = arith.extui %lt3A_236 : i1 to i32
        %cond3A_238 = arith.constant 0 : i32
        %cond3A_239 = arith.cmpi ne, %convert_element_type3A_237, %cond3A_238 : i32
        scf.if %cond3A_239 {
          %add3A_240 = arith.constant 4 : i32
          %add3A_241 = arith.addi %add3A_187, %add3A_240 : i32
          %dma_wait3A_242 = arith.constant 0 : i32
          %dma_wait3A_243 = tpu.memref_slice %arg3[%add3A, %add3A_241, %dma_wait3A_242] : memref<32x250x40xi32, #tpu.memory_space<hbm>> -> memref<1x1x40xi32, #tpu.memory_space<hbm>>
          %dma_wait3A_244 = tpu.memref_squeeze %dma_wait3A_243 : memref<1x1x40xi32, #tpu.memory_space<hbm>> -> memref<40xi32, #tpu.memory_space<hbm>>
          %dma_wait3A_245 = arith.constant 0 : i32
          %dma_wait3A_246 = tpu.memref_slice %arg3[%add3A, %add3A_241, %dma_wait3A_245] : memref<32x250x40xi32, #tpu.memory_space<hbm>> -> memref<1x1x40xi32, #tpu.memory_space<hbm>>
          %dma_wait3A_247 = tpu.memref_squeeze %dma_wait3A_246 : memref<1x1x40xi32, #tpu.memory_space<hbm>> -> memref<40xi32, #tpu.memory_space<hbm>>
          tpu.wait_dma2 semaphore(%arg25 : memref<!tpu.dma_semaphore, #tpu.memory_space<semaphore_mem>>) src(%dma_wait3A_247 : memref<40xi32, #tpu.memory_space<hbm>>) dst(%arg7 : memref<40xi32, #tpu.memory_space<vmem>>)
          %dma_wait3A_248 = arith.constant 0 : i32
          %dma_wait3A_249 = tpu.memref_slice %arg4[%add3A, %add3A_241, %dma_wait3A_248] : memref<32x250x40xi32, #tpu.memory_space<hbm>> -> memref<1x1x40xi32, #tpu.memory_space<hbm>>
          %dma_wait3A_250 = tpu.memref_squeeze %dma_wait3A_249 : memref<1x1x40xi32, #tpu.memory_space<hbm>> -> memref<40xi32, #tpu.memory_space<hbm>>
          %dma_wait3A_251 = arith.constant 0 : i32
          %dma_wait3A_252 = tpu.memref_slice %arg4[%add3A, %add3A_241, %dma_wait3A_251] : memref<32x250x40xi32, #tpu.memory_space<hbm>> -> memref<1x1x40xi32, #tpu.memory_space<hbm>>
          %dma_wait3A_253 = tpu.memref_squeeze %dma_wait3A_252 : memref<1x1x40xi32, #tpu.memory_space<hbm>> -> memref<40xi32, #tpu.memory_space<hbm>>
          tpu.wait_dma2 semaphore(%arg25 : memref<!tpu.dma_semaphore, #tpu.memory_space<semaphore_mem>>) src(%dma_wait3A_253 : memref<40xi32, #tpu.memory_space<hbm>>) dst(%arg13 : memref<40xi32, #tpu.memory_space<vmem>>)
          %dma_start3A_254 = arith.constant 0 : i32
          %dma_start3A_255 = arith.constant 0 : i32
          %dma_start3A_256 = tpu.memref_slice %arg2[%dma_start3A_254, %dma_start3A_255] : memref<10000x128xf32, #tpu.memory_space<hbm>> -> memref<10000x128xf32, #tpu.memory_space<hbm>>
          tpu.enqueue_indirect_dma source(%dma_start3A_256 : memref<10000x128xf32, #tpu.memory_space<hbm>>) target(%arg19 : memref<40x128xf32, #tpu.memory_space<vmem>>) offsets(%arg7 : memref<40xi32, #tpu.memory_space<vmem>>) semaphore(%arg31 : memref<!tpu.dma_semaphore, #tpu.memory_space<semaphore_mem>>)
        } else {
        }
      } else {
      }
      %mul3A_193 = arith.constant 6 : i32
      %mul3A_194 = arith.muli %mul3A_193, %scan3A_166 : i32
      %add3A_195 = arith.constant 3 : i32
      %add3A_196 = arith.addi %mul3A_194, %add3A_195 : i32
      %lt3A_197 = arith.constant 250 : i32
      %lt3A_198 = arith.cmpi slt, %add3A_196, %lt3A_197 : i32
      %convert_element_type3A_199 = arith.extui %lt3A_198 : i1 to i32
      %cond3A_200 = arith.constant 0 : i32
      %cond3A_201 = arith.cmpi ne, %convert_element_type3A_199, %cond3A_200 : i32
      scf.if %cond3A_201 {
        %dma_wait3A_220 = arith.constant 0 : i32
        %dma_wait3A_221 = arith.constant 0 : i32
        %dma_wait3A_222 = tpu.memref_slice %arg2[%dma_wait3A_220, %dma_wait3A_221] : memref<10000x128xf32, #tpu.memory_space<hbm>> -> memref<40x128xf32, #tpu.memory_space<hbm>>
        %dma_wait3A_223 = arith.constant 0 : i32
        %dma_wait3A_224 = arith.constant 0 : i32
        %dma_wait3A_225 = tpu.memref_slice %arg2[%dma_wait3A_223, %dma_wait3A_224] : memref<10000x128xf32, #tpu.memory_space<hbm>> -> memref<40x128xf32, #tpu.memory_space<hbm>>
        tpu.wait_dma2 semaphore(%arg34 : memref<!tpu.dma_semaphore, #tpu.memory_space<semaphore_mem>>) src(%dma_wait3A_225 : memref<40x128xf32, #tpu.memory_space<hbm>>) dst(%arg22 : memref<40x128xf32, #tpu.memory_space<vmem>>)
        "tpu.region"() ({
          %run_scoped3A = tpu.sem_alloc : memref<!tpu.dma_semaphore, #tpu.memory_space<semaphore_mem>>
          %dma_start3A_240 = arith.constant 0 : i32
          %dma_start3A_241 = arith.constant 0 : i32
          %dma_start3A_242 = tpu.memref_slice %arg37[%dma_start3A_240, %dma_start3A_241] : memref<10000x128xf32, #tpu.memory_space<vmem_shared>> -> memref<10000x128xf32, #tpu.memory_space<vmem_shared>>
          tpu.enqueue_indirect_dma source(%arg22 : memref<40x128xf32, #tpu.memory_space<vmem>>) target(%dma_start3A_242 : memref<10000x128xf32, #tpu.memory_space<vmem_shared>>) offsets(%arg16 : memref<40xi32, #tpu.memory_space<vmem>>) semaphore(%run_scoped3A : memref<!tpu.dma_semaphore, #tpu.memory_space<semaphore_mem>>) {add = true}
          %dma_wait3A_243 = arith.constant 0 : i32
          %dma_wait3A_244 = arith.constant 0 : i32
          %dma_wait3A_245 = tpu.memref_slice %arg37[%dma_wait3A_243, %dma_wait3A_244] : memref<10000x128xf32, #tpu.memory_space<vmem_shared>> -> memref<10000x128xf32, #tpu.memory_space<vmem_shared>>
          tpu.wait_indirect_dma semaphore(%run_scoped3A : memref<!tpu.dma_semaphore, #tpu.memory_space<semaphore_mem>>) src(%arg22 : memref<40x128xf32, #tpu.memory_space<vmem>>) dst(%dma_wait3A_245 : memref<10000x128xf32, #tpu.memory_space<vmem_shared>>)
          tpu.yield
        }) : () -> ()
        %add3A_226 = arith.constant 6 : i32
        %add3A_227 = arith.addi %add3A_196, %add3A_226 : i32
        %lt3A_228 = arith.constant 250 : i32
        %lt3A_229 = arith.cmpi slt, %add3A_227, %lt3A_228 : i32
        %convert_element_type3A_230 = arith.extui %lt3A_229 : i1 to i32
        %cond3A_231 = arith.constant 0 : i32
        %cond3A_232 = arith.cmpi ne, %convert_element_type3A_230, %cond3A_231 : i32
        scf.if %cond3A_232 {
          %add3A_240 = arith.constant 6 : i32
          %add3A_241 = arith.addi %add3A_196, %add3A_240 : i32
          %dma_start3A_242 = arith.constant 0 : i32
          %dma_start3A_243 = tpu.memref_slice %arg3[%add3A, %add3A_241, %dma_start3A_242] : memref<32x250x40xi32, #tpu.memory_space<hbm>> -> memref<1x1x40xi32, #tpu.memory_space<hbm>>
          %dma_start3A_244 = tpu.memref_squeeze %dma_start3A_243 : memref<1x1x40xi32, #tpu.memory_space<hbm>> -> memref<40xi32, #tpu.memory_space<hbm>>
          %dma_start3A_245 = arith.constant 0 : i32
          %dma_start3A_246 = tpu.memref_slice %arg3[%add3A, %add3A_241, %dma_start3A_245] : memref<32x250x40xi32, #tpu.memory_space<hbm>> -> memref<1x1x40xi32, #tpu.memory_space<hbm>>
          %dma_start3A_247 = tpu.memref_squeeze %dma_start3A_246 : memref<1x1x40xi32, #tpu.memory_space<hbm>> -> memref<40xi32, #tpu.memory_space<hbm>>
          tpu.enqueue_dma source(%dma_start3A_247 : memref<40xi32, #tpu.memory_space<hbm>>) target(%arg10 : memref<40xi32, #tpu.memory_space<vmem>>) target_semaphore(%arg28 : memref<!tpu.dma_semaphore, #tpu.memory_space<semaphore_mem>>)
          %dma_start3A_248 = arith.constant 0 : i32
          %dma_start3A_249 = tpu.memref_slice %arg4[%add3A, %add3A_241, %dma_start3A_248] : memref<32x250x40xi32, #tpu.memory_space<hbm>> -> memref<1x1x40xi32, #tpu.memory_space<hbm>>
          %dma_start3A_250 = tpu.memref_squeeze %dma_start3A_249 : memref<1x1x40xi32, #tpu.memory_space<hbm>> -> memref<40xi32, #tpu.memory_space<hbm>>
          %dma_start3A_251 = arith.constant 0 : i32
          %dma_start3A_252 = tpu.memref_slice %arg4[%add3A, %add3A_241, %dma_start3A_251] : memref<32x250x40xi32, #tpu.memory_space<hbm>> -> memref<1x1x40xi32, #tpu.memory_space<hbm>>
          %dma_start3A_253 = tpu.memref_squeeze %dma_start3A_252 : memref<1x1x40xi32, #tpu.memory_space<hbm>> -> memref<40xi32, #tpu.memory_space<hbm>>
          tpu.enqueue_dma source(%dma_start3A_253 : memref<40xi32, #tpu.memory_space<hbm>>) target(%arg16 : memref<40xi32, #tpu.memory_space<vmem>>) target_semaphore(%arg28 : memref<!tpu.dma_semaphore, #tpu.memory_space<semaphore_mem>>)
        } else {
        }
        %add3A_233 = arith.constant 4 : i32
        %add3A_234 = arith.addi %add3A_196, %add3A_233 : i32
        %lt3A_235 = arith.constant 250 : i32
        %lt3A_236 = arith.cmpi slt, %add3A_234, %lt3A_235 : i32
        %convert_element_type3A_237 = arith.extui %lt3A_236 : i1 to i32
        %cond3A_238 = arith.constant 0 : i32
        %cond3A_239 = arith.cmpi ne, %convert_element_type3A_237, %cond3A_238 : i32
        scf.if %cond3A_239 {
          %add3A_240 = arith.constant 4 : i32
          %add3A_241 = arith.addi %add3A_196, %add3A_240 : i32
          %dma_wait3A_242 = arith.constant 0 : i32
          %dma_wait3A_243 = tpu.memref_slice %arg3[%add3A, %add3A_241, %dma_wait3A_242] : memref<32x250x40xi32, #tpu.memory_space<hbm>> -> memref<1x1x40xi32, #tpu.memory_space<hbm>>
          %dma_wait3A_244 = tpu.memref_squeeze %dma_wait3A_243 : memref<1x1x40xi32, #tpu.memory_space<hbm>> -> memref<40xi32, #tpu.memory_space<hbm>>
          %dma_wait3A_245 = arith.constant 0 : i32
          %dma_wait3A_246 = tpu.memref_slice %arg3[%add3A, %add3A_241, %dma_wait3A_245] : memref<32x250x40xi32, #tpu.memory_space<hbm>> -> memref<1x1x40xi32, #tpu.memory_space<hbm>>
          %dma_wait3A_247 = tpu.memref_squeeze %dma_wait3A_246 : memref<1x1x40xi32, #tpu.memory_space<hbm>> -> memref<40xi32, #tpu.memory_space<hbm>>
          tpu.wait_dma2 semaphore(%arg26 : memref<!tpu.dma_semaphore, #tpu.memory_space<semaphore_mem>>) src(%dma_wait3A_247 : memref<40xi32, #tpu.memory_space<hbm>>) dst(%arg8 : memref<40xi32, #tpu.memory_space<vmem>>)
          %dma_wait3A_248 = arith.constant 0 : i32
          %dma_wait3A_249 = tpu.memref_slice %arg4[%add3A, %add3A_241, %dma_wait3A_248] : memref<32x250x40xi32, #tpu.memory_space<hbm>> -> memref<1x1x40xi32, #tpu.memory_space<hbm>>
          %dma_wait3A_250 = tpu.memref_squeeze %dma_wait3A_249 : memref<1x1x40xi32, #tpu.memory_space<hbm>> -> memref<40xi32, #tpu.memory_space<hbm>>
          %dma_wait3A_251 = arith.constant 0 : i32
          %dma_wait3A_252 = tpu.memref_slice %arg4[%add3A, %add3A_241, %dma_wait3A_251] : memref<32x250x40xi32, #tpu.memory_space<hbm>> -> memref<1x1x40xi32, #tpu.memory_space<hbm>>
          %dma_wait3A_253 = tpu.memref_squeeze %dma_wait3A_252 : memref<1x1x40xi32, #tpu.memory_space<hbm>> -> memref<40xi32, #tpu.memory_space<hbm>>
          tpu.wait_dma2 semaphore(%arg26 : memref<!tpu.dma_semaphore, #tpu.memory_space<semaphore_mem>>) src(%dma_wait3A_253 : memref<40xi32, #tpu.memory_space<hbm>>) dst(%arg14 : memref<40xi32, #tpu.memory_space<vmem>>)
          %dma_start3A_254 = arith.constant 0 : i32
          %dma_start3A_255 = arith.constant 0 : i32
          %dma_start3A_256 = tpu.memref_slice %arg2[%dma_start3A_254, %dma_start3A_255] : memref<10000x128xf32, #tpu.memory_space<hbm>> -> memref<10000x128xf32, #tpu.memory_space<hbm>>
          tpu.enqueue_indirect_dma source(%dma_start3A_256 : memref<10000x128xf32, #tpu.memory_space<hbm>>) target(%arg20 : memref<40x128xf32, #tpu.memory_space<vmem>>) offsets(%arg8 : memref<40xi32, #tpu.memory_space<vmem>>) semaphore(%arg32 : memref<!tpu.dma_semaphore, #tpu.memory_space<semaphore_mem>>)
        } else {
        }
      } else {
      }
      %mul3A_202 = arith.constant 6 : i32
      %mul3A_203 = arith.muli %mul3A_202, %scan3A_166 : i32
      %add3A_204 = arith.constant 4 : i32
      %add3A_205 = arith.addi %mul3A_203, %add3A_204 : i32
      %lt3A_206 = arith.constant 250 : i32
      %lt3A_207 = arith.cmpi slt, %add3A_205, %lt3A_206 : i32
      %convert_element_type3A_208 = arith.extui %lt3A_207 : i1 to i32
      %cond3A_209 = arith.constant 0 : i32
      %cond3A_210 = arith.cmpi ne, %convert_element_type3A_208, %cond3A_209 : i32
      scf.if %cond3A_210 {
        %dma_wait3A_220 = arith.constant 0 : i32
        %dma_wait3A_221 = arith.constant 0 : i32
        %dma_wait3A_222 = tpu.memref_slice %arg2[%dma_wait3A_220, %dma_wait3A_221] : memref<10000x128xf32, #tpu.memory_space<hbm>> -> memref<40x128xf32, #tpu.memory_space<hbm>>
        %dma_wait3A_223 = arith.constant 0 : i32
        %dma_wait3A_224 = arith.constant 0 : i32
        %dma_wait3A_225 = tpu.memref_slice %arg2[%dma_wait3A_223, %dma_wait3A_224] : memref<10000x128xf32, #tpu.memory_space<hbm>> -> memref<40x128xf32, #tpu.memory_space<hbm>>
        tpu.wait_dma2 semaphore(%arg35 : memref<!tpu.dma_semaphore, #tpu.memory_space<semaphore_mem>>) src(%dma_wait3A_225 : memref<40x128xf32, #tpu.memory_space<hbm>>) dst(%arg23 : memref<40x128xf32, #tpu.memory_space<vmem>>)
        "tpu.region"() ({
          %run_scoped3A = tpu.sem_alloc : memref<!tpu.dma_semaphore, #tpu.memory_space<semaphore_mem>>
          %dma_start3A_240 = arith.constant 0 : i32
          %dma_start3A_241 = arith.constant 0 : i32
          %dma_start3A_242 = tpu.memref_slice %arg37[%dma_start3A_240, %dma_start3A_241] : memref<10000x128xf32, #tpu.memory_space<vmem_shared>> -> memref<10000x128xf32, #tpu.memory_space<vmem_shared>>
          tpu.enqueue_indirect_dma source(%arg23 : memref<40x128xf32, #tpu.memory_space<vmem>>) target(%dma_start3A_242 : memref<10000x128xf32, #tpu.memory_space<vmem_shared>>) offsets(%arg17 : memref<40xi32, #tpu.memory_space<vmem>>) semaphore(%run_scoped3A : memref<!tpu.dma_semaphore, #tpu.memory_space<semaphore_mem>>) {add = true}
          %dma_wait3A_243 = arith.constant 0 : i32
          %dma_wait3A_244 = arith.constant 0 : i32
          %dma_wait3A_245 = tpu.memref_slice %arg37[%dma_wait3A_243, %dma_wait3A_244] : memref<10000x128xf32, #tpu.memory_space<vmem_shared>> -> memref<10000x128xf32, #tpu.memory_space<vmem_shared>>
          tpu.wait_indirect_dma semaphore(%run_scoped3A : memref<!tpu.dma_semaphore, #tpu.memory_space<semaphore_mem>>) src(%arg23 : memref<40x128xf32, #tpu.memory_space<vmem>>) dst(%dma_wait3A_245 : memref<10000x128xf32, #tpu.memory_space<vmem_shared>>)
          tpu.yield
        }) : () -> ()
        %add3A_226 = arith.constant 6 : i32
        %add3A_227 = arith.addi %add3A_205, %add3A_226 : i32
        %lt3A_228 = arith.constant 250 : i32
        %lt3A_229 = arith.cmpi slt, %add3A_227, %lt3A_228 : i32
        %convert_element_type3A_230 = arith.extui %lt3A_229 : i1 to i32
        %cond3A_231 = arith.constant 0 : i32
        %cond3A_232 = arith.cmpi ne, %convert_element_type3A_230, %cond3A_231 : i32
        scf.if %cond3A_232 {
          %add3A_240 = arith.constant 6 : i32
          %add3A_241 = arith.addi %add3A_205, %add3A_240 : i32
          %dma_start3A_242 = arith.constant 0 : i32
          %dma_start3A_243 = tpu.memref_slice %arg3[%add3A, %add3A_241, %dma_start3A_242] : memref<32x250x40xi32, #tpu.memory_space<hbm>> -> memref<1x1x40xi32, #tpu.memory_space<hbm>>
          %dma_start3A_244 = tpu.memref_squeeze %dma_start3A_243 : memref<1x1x40xi32, #tpu.memory_space<hbm>> -> memref<40xi32, #tpu.memory_space<hbm>>
          %dma_start3A_245 = arith.constant 0 : i32
          %dma_start3A_246 = tpu.memref_slice %arg3[%add3A, %add3A_241, %dma_start3A_245] : memref<32x250x40xi32, #tpu.memory_space<hbm>> -> memref<1x1x40xi32, #tpu.memory_space<hbm>>
          %dma_start3A_247 = tpu.memref_squeeze %dma_start3A_246 : memref<1x1x40xi32, #tpu.memory_space<hbm>> -> memref<40xi32, #tpu.memory_space<hbm>>
          tpu.enqueue_dma source(%dma_start3A_247 : memref<40xi32, #tpu.memory_space<hbm>>) target(%arg11 : memref<40xi32, #tpu.memory_space<vmem>>) target_semaphore(%arg29 : memref<!tpu.dma_semaphore, #tpu.memory_space<semaphore_mem>>)
          %dma_start3A_248 = arith.constant 0 : i32
          %dma_start3A_249 = tpu.memref_slice %arg4[%add3A, %add3A_241, %dma_start3A_248] : memref<32x250x40xi32, #tpu.memory_space<hbm>> -> memref<1x1x40xi32, #tpu.memory_space<hbm>>
          %dma_start3A_250 = tpu.memref_squeeze %dma_start3A_249 : memref<1x1x40xi32, #tpu.memory_space<hbm>> -> memref<40xi32, #tpu.memory_space<hbm>>
          %dma_start3A_251 = arith.constant 0 : i32
          %dma_start3A_252 = tpu.memref_slice %arg4[%add3A, %add3A_241, %dma_start3A_251] : memref<32x250x40xi32, #tpu.memory_space<hbm>> -> memref<1x1x40xi32, #tpu.memory_space<hbm>>
          %dma_start3A_253 = tpu.memref_squeeze %dma_start3A_252 : memref<1x1x40xi32, #tpu.memory_space<hbm>> -> memref<40xi32, #tpu.memory_space<hbm>>
          tpu.enqueue_dma source(%dma_start3A_253 : memref<40xi32, #tpu.memory_space<hbm>>) target(%arg17 : memref<40xi32, #tpu.memory_space<vmem>>) target_semaphore(%arg29 : memref<!tpu.dma_semaphore, #tpu.memory_space<semaphore_mem>>)
        } else {
        }
        %add3A_233 = arith.constant 4 : i32
        %add3A_234 = arith.addi %add3A_205, %add3A_233 : i32
        %lt3A_235 = arith.constant 250 : i32
        %lt3A_236 = arith.cmpi slt, %add3A_234, %lt3A_235 : i32
        %convert_element_type3A_237 = arith.extui %lt3A_236 : i1 to i32
        %cond3A_238 = arith.constant 0 : i32
        %cond3A_239 = arith.cmpi ne, %convert_element_type3A_237, %cond3A_238 : i32
        scf.if %cond3A_239 {
          %add3A_240 = arith.constant 4 : i32
          %add3A_241 = arith.addi %add3A_205, %add3A_240 : i32
          %dma_wait3A_242 = arith.constant 0 : i32
          %dma_wait3A_243 = tpu.memref_slice %arg3[%add3A, %add3A_241, %dma_wait3A_242] : memref<32x250x40xi32, #tpu.memory_space<hbm>> -> memref<1x1x40xi32, #tpu.memory_space<hbm>>
          %dma_wait3A_244 = tpu.memref_squeeze %dma_wait3A_243 : memref<1x1x40xi32, #tpu.memory_space<hbm>> -> memref<40xi32, #tpu.memory_space<hbm>>
          %dma_wait3A_245 = arith.constant 0 : i32
          %dma_wait3A_246 = tpu.memref_slice %arg3[%add3A, %add3A_241, %dma_wait3A_245] : memref<32x250x40xi32, #tpu.memory_space<hbm>> -> memref<1x1x40xi32, #tpu.memory_space<hbm>>
          %dma_wait3A_247 = tpu.memref_squeeze %dma_wait3A_246 : memref<1x1x40xi32, #tpu.memory_space<hbm>> -> memref<40xi32, #tpu.memory_space<hbm>>
          tpu.wait_dma2 semaphore(%arg27 : memref<!tpu.dma_semaphore, #tpu.memory_space<semaphore_mem>>) src(%dma_wait3A_247 : memref<40xi32, #tpu.memory_space<hbm>>) dst(%arg9 : memref<40xi32, #tpu.memory_space<vmem>>)
          %dma_wait3A_248 = arith.constant 0 : i32
          %dma_wait3A_249 = tpu.memref_slice %arg4[%add3A, %add3A_241, %dma_wait3A_248] : memref<32x250x40xi32, #tpu.memory_space<hbm>> -> memref<1x1x40xi32, #tpu.memory_space<hbm>>
          %dma_wait3A_250 = tpu.memref_squeeze %dma_wait3A_249 : memref<1x1x40xi32, #tpu.memory_space<hbm>> -> memref<40xi32, #tpu.memory_space<hbm>>
          %dma_wait3A_251 = arith.constant 0 : i32
          %dma_wait3A_252 = tpu.memref_slice %arg4[%add3A, %add3A_241, %dma_wait3A_251] : memref<32x250x40xi32, #tpu.memory_space<hbm>> -> memref<1x1x40xi32, #tpu.memory_space<hbm>>
          %dma_wait3A_253 = tpu.memref_squeeze %dma_wait3A_252 : memref<1x1x40xi32, #tpu.memory_space<hbm>> -> memref<40xi32, #tpu.memory_space<hbm>>
          tpu.wait_dma2 semaphore(%arg27 : memref<!tpu.dma_semaphore, #tpu.memory_space<semaphore_mem>>) src(%dma_wait3A_253 : memref<40xi32, #tpu.memory_space<hbm>>) dst(%arg15 : memref<40xi32, #tpu.memory_space<vmem>>)
          %dma_start3A_254 = arith.constant 0 : i32
          %dma_start3A_255 = arith.constant 0 : i32
          %dma_start3A_256 = tpu.memref_slice %arg2[%dma_start3A_254, %dma_start3A_255] : memref<10000x128xf32, #tpu.memory_space<hbm>> -> memref<10000x128xf32, #tpu.memory_space<hbm>>
          tpu.enqueue_indirect_dma source(%dma_start3A_256 : memref<10000x128xf32, #tpu.memory_space<hbm>>) target(%arg21 : memref<40x128xf32, #tpu.memory_space<vmem>>) offsets(%arg9 : memref<40xi32, #tpu.memory_space<vmem>>) semaphore(%arg33 : memref<!tpu.dma_semaphore, #tpu.memory_space<semaphore_mem>>)
        } else {
        }
      } else {
      }
      %mul3A_211 = arith.constant 6 : i32
      %mul3A_212 = arith.muli %mul3A_211, %scan3A_166 : i32
      %add3A_213 = arith.constant 5 : i32
      %add3A_214 = arith.addi %mul3A_212, %add3A_213 : i32
      %lt3A_215 = arith.constant 250 : i32
      %lt3A_216 = arith.cmpi slt, %add3A_214, %lt3A_215 : i32
      %convert_element_type3A_217 = arith.extui %lt3A_216 : i1 to i32
      %cond3A_218 = arith.constant 0 : i32
      %cond3A_219 = arith.cmpi ne, %convert_element_type3A_217, %cond3A_218 : i32
      scf.if %cond3A_219 {
        %dma_wait3A_220 = arith.constant 0 : i32
        %dma_wait3A_221 = arith.constant 0 : i32
        %dma_wait3A_222 = tpu.memref_slice %arg2[%dma_wait3A_220, %dma_wait3A_221] : memref<10000x128xf32, #tpu.memory_space<hbm>> -> memref<40x128xf32, #tpu.memory_space<hbm>>
        %dma_wait3A_223 = arith.constant 0 : i32
        %dma_wait3A_224 = arith.constant 0 : i32
        %dma_wait3A_225 = tpu.memref_slice %arg2[%dma_wait3A_223, %dma_wait3A_224] : memref<10000x128xf32, #tpu.memory_space<hbm>> -> memref<40x128xf32, #tpu.memory_space<hbm>>
        tpu.wait_dma2 semaphore(%arg36 : memref<!tpu.dma_semaphore, #tpu.memory_space<semaphore_mem>>) src(%dma_wait3A_225 : memref<40x128xf32, #tpu.memory_space<hbm>>) dst(%arg24 : memref<40x128xf32, #tpu.memory_space<vmem>>)
        "tpu.region"() ({
          %run_scoped3A = tpu.sem_alloc : memref<!tpu.dma_semaphore, #tpu.memory_space<semaphore_mem>>
          %dma_start3A_240 = arith.constant 0 : i32
          %dma_start3A_241 = arith.constant 0 : i32
          %dma_start3A_242 = tpu.memref_slice %arg37[%dma_start3A_240, %dma_start3A_241] : memref<10000x128xf32, #tpu.memory_space<vmem_shared>> -> memref<10000x128xf32, #tpu.memory_space<vmem_shared>>
          tpu.enqueue_indirect_dma source(%arg24 : memref<40x128xf32, #tpu.memory_space<vmem>>) target(%dma_start3A_242 : memref<10000x128xf32, #tpu.memory_space<vmem_shared>>) offsets(%arg18 : memref<40xi32, #tpu.memory_space<vmem>>) semaphore(%run_scoped3A : memref<!tpu.dma_semaphore, #tpu.memory_space<semaphore_mem>>) {add = true}
          %dma_wait3A_243 = arith.constant 0 : i32
          %dma_wait3A_244 = arith.constant 0 : i32
          %dma_wait3A_245 = tpu.memref_slice %arg37[%dma_wait3A_243, %dma_wait3A_244] : memref<10000x128xf32, #tpu.memory_space<vmem_shared>> -> memref<10000x128xf32, #tpu.memory_space<vmem_shared>>
          tpu.wait_indirect_dma semaphore(%run_scoped3A : memref<!tpu.dma_semaphore, #tpu.memory_space<semaphore_mem>>) src(%arg24 : memref<40x128xf32, #tpu.memory_space<vmem>>) dst(%dma_wait3A_245 : memref<10000x128xf32, #tpu.memory_space<vmem_shared>>)
          tpu.yield
        }) : () -> ()
        %add3A_226 = arith.constant 6 : i32
        %add3A_227 = arith.addi %add3A_214, %add3A_226 : i32
        %lt3A_228 = arith.constant 250 : i32
        %lt3A_229 = arith.cmpi slt, %add3A_227, %lt3A_228 : i32
        %convert_element_type3A_230 = arith.extui %lt3A_229 : i1 to i32
        %cond3A_231 = arith.constant 0 : i32
        %cond3A_232 = arith.cmpi ne, %convert_element_type3A_230, %cond3A_231 : i32
        scf.if %cond3A_232 {
          %add3A_240 = arith.constant 6 : i32
          %add3A_241 = arith.addi %add3A_214, %add3A_240 : i32
          %dma_start3A_242 = arith.constant 0 : i32
          %dma_start3A_243 = tpu.memref_slice %arg3[%add3A, %add3A_241, %dma_start3A_242] : memref<32x250x40xi32, #tpu.memory_space<hbm>> -> memref<1x1x40xi32, #tpu.memory_space<hbm>>
          %dma_start3A_244 = tpu.memref_squeeze %dma_start3A_243 : memref<1x1x40xi32, #tpu.memory_space<hbm>> -> memref<40xi32, #tpu.memory_space<hbm>>
          %dma_start3A_245 = arith.constant 0 : i32
          %dma_start3A_246 = tpu.memref_slice %arg3[%add3A, %add3A_241, %dma_start3A_245] : memref<32x250x40xi32, #tpu.memory_space<hbm>> -> memref<1x1x40xi32, #tpu.memory_space<hbm>>
          %dma_start3A_247 = tpu.memref_squeeze %dma_start3A_246 : memref<1x1x40xi32, #tpu.memory_space<hbm>> -> memref<40xi32, #tpu.memory_space<hbm>>
          tpu.enqueue_dma source(%dma_start3A_247 : memref<40xi32, #tpu.memory_space<hbm>>) target(%arg12 : memref<40xi32, #tpu.memory_space<vmem>>) target_semaphore(%arg30 : memref<!tpu.dma_semaphore, #tpu.memory_space<semaphore_mem>>)
          %dma_start3A_248 = arith.constant 0 : i32
          %dma_start3A_249 = tpu.memref_slice %arg4[%add3A, %add3A_241, %dma_start3A_248] : memref<32x250x40xi32, #tpu.memory_space<hbm>> -> memref<1x1x40xi32, #tpu.memory_space<hbm>>
          %dma_start3A_250 = tpu.memref_squeeze %dma_start3A_249 : memref<1x1x40xi32, #tpu.memory_space<hbm>> -> memref<40xi32, #tpu.memory_space<hbm>>
          %dma_start3A_251 = arith.constant 0 : i32
          %dma_start3A_252 = tpu.memref_slice %arg4[%add3A, %add3A_241, %dma_start3A_251] : memref<32x250x40xi32, #tpu.memory_space<hbm>> -> memref<1x1x40xi32, #tpu.memory_space<hbm>>
          %dma_start3A_253 = tpu.memref_squeeze %dma_start3A_252 : memref<1x1x40xi32, #tpu.memory_space<hbm>> -> memref<40xi32, #tpu.memory_space<hbm>>
          tpu.enqueue_dma source(%dma_start3A_253 : memref<40xi32, #tpu.memory_space<hbm>>) target(%arg18 : memref<40xi32, #tpu.memory_space<vmem>>) target_semaphore(%arg30 : memref<!tpu.dma_semaphore, #tpu.memory_space<semaphore_mem>>)
        } else {
        }
        %add3A_233 = arith.constant 4 : i32
        %add3A_234 = arith.addi %add3A_214, %add3A_233 : i32
        %lt3A_235 = arith.constant 250 : i32
        %lt3A_236 = arith.cmpi slt, %add3A_234, %lt3A_235 : i32
        %convert_element_type3A_237 = arith.extui %lt3A_236 : i1 to i32
        %cond3A_238 = arith.constant 0 : i32
        %cond3A_239 = arith.cmpi ne, %convert_element_type3A_237, %cond3A_238 : i32
        scf.if %cond3A_239 {
          %add3A_240 = arith.constant 4 : i32
          %add3A_241 = arith.addi %add3A_214, %add3A_240 : i32
          %dma_wait3A_242 = arith.constant 0 : i32
          %dma_wait3A_243 = tpu.memref_slice %arg3[%add3A, %add3A_241, %dma_wait3A_242] : memref<32x250x40xi32, #tpu.memory_space<hbm>> -> memref<1x1x40xi32, #tpu.memory_space<hbm>>
          %dma_wait3A_244 = tpu.memref_squeeze %dma_wait3A_243 : memref<1x1x40xi32, #tpu.memory_space<hbm>> -> memref<40xi32, #tpu.memory_space<hbm>>
          %dma_wait3A_245 = arith.constant 0 : i32
          %dma_wait3A_246 = tpu.memref_slice %arg3[%add3A, %add3A_241, %dma_wait3A_245] : memref<32x250x40xi32, #tpu.memory_space<hbm>> -> memref<1x1x40xi32, #tpu.memory_space<hbm>>
          %dma_wait3A_247 = tpu.memref_squeeze %dma_wait3A_246 : memref<1x1x40xi32, #tpu.memory_space<hbm>> -> memref<40xi32, #tpu.memory_space<hbm>>
          tpu.wait_dma2 semaphore(%arg28 : memref<!tpu.dma_semaphore, #tpu.memory_space<semaphore_mem>>) src(%dma_wait3A_247 : memref<40xi32, #tpu.memory_space<hbm>>) dst(%arg10 : memref<40xi32, #tpu.memory_space<vmem>>)
          %dma_wait3A_248 = arith.constant 0 : i32
          %dma_wait3A_249 = tpu.memref_slice %arg4[%add3A, %add3A_241, %dma_wait3A_248] : memref<32x250x40xi32, #tpu.memory_space<hbm>> -> memref<1x1x40xi32, #tpu.memory_space<hbm>>
          %dma_wait3A_250 = tpu.memref_squeeze %dma_wait3A_249 : memref<1x1x40xi32, #tpu.memory_space<hbm>> -> memref<40xi32, #tpu.memory_space<hbm>>
          %dma_wait3A_251 = arith.constant 0 : i32
          %dma_wait3A_252 = tpu.memref_slice %arg4[%add3A, %add3A_241, %dma_wait3A_251] : memref<32x250x40xi32, #tpu.memory_space<hbm>> -> memref<1x1x40xi32, #tpu.memory_space<hbm>>
          %dma_wait3A_253 = tpu.memref_squeeze %dma_wait3A_252 : memref<1x1x40xi32, #tpu.memory_space<hbm>> -> memref<40xi32, #tpu.memory_space<hbm>>
          tpu.wait_dma2 semaphore(%arg28 : memref<!tpu.dma_semaphore, #tpu.memory_space<semaphore_mem>>) src(%dma_wait3A_253 : memref<40xi32, #tpu.memory_space<hbm>>) dst(%arg16 : memref<40xi32, #tpu.memory_space<vmem>>)
          %dma_start3A_254 = arith.constant 0 : i32
          %dma_start3A_255 = arith.constant 0 : i32
          %dma_start3A_256 = tpu.memref_slice %arg2[%dma_start3A_254, %dma_start3A_255] : memref<10000x128xf32, #tpu.memory_space<hbm>> -> memref<10000x128xf32, #tpu.memory_space<hbm>>
          tpu.enqueue_indirect_dma source(%dma_start3A_256 : memref<10000x128xf32, #tpu.memory_space<hbm>>) target(%arg22 : memref<40x128xf32, #tpu.memory_space<vmem>>) offsets(%arg10 : memref<40xi32, #tpu.memory_space<vmem>>) semaphore(%arg34 : memref<!tpu.dma_semaphore, #tpu.memory_space<semaphore_mem>>)
        } else {
        }
      } else {
      }
    }
    %scan3A_159 = arith.constant 42 : i32
    %barrier3A_160 = arith.constant 0 : index
    tpu.barrier barrier_id(%barrier3A_160)
    "tpu.region"() ({
      %run_scoped3A = tpu.sem_alloc : memref<!tpu.dma_semaphore, #tpu.memory_space<semaphore_mem>>
      %dma_start3A_166 = arith.constant 0 : i32
      %dma_start3A_167 = tpu.memref_slice %arg6[%arg0, %mul3A_2, %dma_start3A_166] : memref<2x10000x128xf32, #tpu.memory_space<hbm>> -> memref<1x624x128xf32, #tpu.memory_space<hbm>>
      %dma_start3A_168 = tpu.memref_squeeze %dma_start3A_167 : memref<1x624x128xf32, #tpu.memory_space<hbm>> -> memref<624x128xf32, #tpu.memory_space<hbm>>
      %dma_start3A_169 = arith.constant 0 : i32
      %dma_start3A_170 = tpu.memref_slice %arg37[%mul3A_2, %dma_start3A_169] : memref<10000x128xf32, #tpu.memory_space<vmem_shared>> -> memref<624x128xf32, #tpu.memory_space<vmem_shared>>
      tpu.enqueue_dma source(%dma_start3A_170 : memref<624x128xf32, #tpu.memory_space<vmem_shared>>) target(%dma_start3A_168 : memref<624x128xf32, #tpu.memory_space<hbm>>) target_semaphore(%run_scoped3A : memref<!tpu.dma_semaphore, #tpu.memory_space<semaphore_mem>>)
      %dma_wait3A_171 = arith.constant 0 : i32
      %dma_wait3A_172 = tpu.memref_slice %arg6[%arg0, %mul3A_2, %dma_wait3A_171] : memref<2x10000x128xf32, #tpu.memory_space<hbm>> -> memref<1x624x128xf32, #tpu.memory_space<hbm>>
      %dma_wait3A_173 = tpu.memref_squeeze %dma_wait3A_172 : memref<1x624x128xf32, #tpu.memory_space<hbm>> -> memref<624x128xf32, #tpu.memory_space<hbm>>
      %dma_wait3A_174 = arith.constant 0 : i32
      %dma_wait3A_175 = tpu.memref_slice %arg37[%mul3A_2, %dma_wait3A_174] : memref<10000x128xf32, #tpu.memory_space<vmem_shared>> -> memref<624x128xf32, #tpu.memory_space<vmem_shared>>
      tpu.wait_dma2 semaphore(%run_scoped3A : memref<!tpu.dma_semaphore, #tpu.memory_space<semaphore_mem>>) src(%dma_wait3A_175 : memref<624x128xf32, #tpu.memory_space<vmem_shared>>) dst(%dma_wait3A_173 : memref<624x128xf32, #tpu.memory_space<hbm>>)
      tpu.yield
    }) : () -> ()
    %eq3A_161 = arith.constant 15 : i32
    %eq3A_162 = arith.cmpi eq, %arg1, %eq3A_161 : i32
    %convert_element_type3A_163 = arith.extui %eq3A_162 : i1 to i32
    %cond3A_164 = arith.constant 0 : i32
    %cond3A_165 = arith.cmpi ne, %convert_element_type3A_163, %cond3A_164 : i32
    scf.if %cond3A_165 {
      "tpu.region"() ({
        %run_scoped3A = tpu.sem_alloc : memref<!tpu.dma_semaphore, #tpu.memory_space<semaphore_mem>>
        %dma_start3A_166 = arith.constant 9984 : i32
        %dma_start3A_167 = arith.constant 0 : i32
        %dma_start3A_168 = tpu.memref_slice %arg6[%arg0, %dma_start3A_166, %dma_start3A_167] : memref<2x10000x128xf32, #tpu.memory_space<hbm>> -> memref<1x16x128xf32, #tpu.memory_space<hbm>>
        %dma_start3A_169 = tpu.memref_squeeze %dma_start3A_168 : memref<1x16x128xf32, #tpu.memory_space<hbm>> -> memref<16x128xf32, #tpu.memory_space<hbm>>
        %dma_start3A_170 = arith.constant 9984 : i32
        %dma_start3A_171 = arith.constant 0 : i32
        %dma_start3A_172 = tpu.memref_slice %arg37[%dma_start3A_170, %dma_start3A_171] : memref<10000x128xf32, #tpu.memory_space<vmem_shared>> -> memref<16x128xf32, #tpu.memory_space<vmem_shared>>
        tpu.enqueue_dma source(%dma_start3A_172 : memref<16x128xf32, #tpu.memory_space<vmem_shared>>) target(%dma_start3A_169 : memref<16x128xf32, #tpu.memory_space<hbm>>) target_semaphore(%run_scoped3A : memref<!tpu.dma_semaphore, #tpu.memory_space<semaphore_mem>>)
        %dma_wait3A_173 = arith.constant 9984 : i32
        %dma_wait3A_174 = arith.constant 0 : i32
        %dma_wait3A_175 = tpu.memref_slice %arg6[%arg0, %dma_wait3A_173, %dma_wait3A_174] : memref<2x10000x128xf32, #tpu.memory_space<hbm>> -> memref<1x16x128xf32, #tpu.memory_space<hbm>>
        %dma_wait3A_176 = tpu.memref_squeeze %dma_wait3A_175 : memref<1x16x128xf32, #tpu.memory_space<hbm>> -> memref<16x128xf32, #tpu.memory_space<hbm>>
        %dma_wait3A_177 = arith.constant 9984 : i32
        %dma_wait3A_178 = arith.constant 0 : i32
        %dma_wait3A_179 = tpu.memref_slice %arg37[%dma_wait3A_177, %dma_wait3A_178] : memref<10000x128xf32, #tpu.memory_space<vmem_shared>> -> memref<16x128xf32, #tpu.memory_space<vmem_shared>>
        tpu.wait_dma2 semaphore(%run_scoped3A : memref<!tpu.dma_semaphore, #tpu.memory_space<semaphore_mem>>) src(%dma_wait3A_179 : memref<16x128xf32, #tpu.memory_space<vmem_shared>>) dst(%dma_wait3A_176 : memref<16x128xf32, #tpu.memory_space<hbm>>)
        tpu.yield
      }) : () -> ()
    } else {
    }
    return
  }
}

module attributes {stable_mosaic.version = 14 : i64} {
  func.func @_init_body(%arg0: i32, %arg1: memref<2000x128xf32, #tpu.memory_space<vmem>>, %arg2: memref<128x128xf32, #tpu.memory_space<vmem>>, %arg3: memref<1x128xf32, #tpu.memory_space<vmem>>, %arg4: memref<2x2000x128xf32, #tpu.memory_space<vmem>>, %arg5: memref<2000x128xf32, #tpu.memory_space<vmem>>, %arg6: memref<1x128xf32, #tpu.memory_space<vmem>>, %arg7: memref<2000x1xf32, #tpu.memory_space<vmem>>) attributes {dimension_semantics = [#tpu.dimension_semantics<arbitrary>], iteration_bounds = array<i64: 5>, scalar_prefetch = 0 : i64, scratch_operands = 0 : i64, tpu.core_type = #tpu.core_type<tc>, window_params = [{transform_indices = @transform_0, window_bounds = array<i64: 2000, 128>}, {pipeline_mode = #tpu.pipeline_mode<synchronous>, transform_indices = @transform_1, window_bounds = array<i64: 128, 128>}, {pipeline_mode = #tpu.pipeline_mode<synchronous>, transform_indices = @transform_2, window_bounds = array<i64: 1, 128>}, {transform_indices = @transform_3, window_bounds = array<i64: 2, 2000, 128>}, {transform_indices = @transform_4, window_bounds = array<i64: 2000, 128>}, {pipeline_mode = #tpu.pipeline_mode<synchronous>, transform_indices = @transform_5, window_bounds = array<i64: 1, 128>}, {transform_indices = @transform_6, window_bounds = array<i64: 2000, 1>}]} {
    %get3A = arith.constant 0 : index
    %get3A_0 = arith.constant 0 : index
    %get3A_1 = vector.load %arg1[%get3A, %get3A_0] : memref<2000x128xf32, #tpu.memory_space<vmem>>, vector<2000x128xf32>
    %get3A_2 = arith.constant 0 : index
    %get3A_3 = arith.constant 0 : index
    %get3A_4 = vector.load %arg2[%get3A_2, %get3A_3] : memref<128x128xf32, #tpu.memory_space<vmem>>, vector<128x128xf32>
    %dot_general3A = arith.constant dense<0.000000e+00> : vector<2000x128xf32>
    %dot_general3A_5 = tpu.matmul %get3A_1, %get3A_4, %dot_general3A {dimension_numbers = #tpu.dot_dimension_numbers<[1], [0], [0], [1], [0, 0, 1, 1], [], []>, transpose_lhs_hint = false} : vector<2000x128xf32>, vector<128x128xf32>, vector<2000x128xf32> -> vector<2000x128xf32>
    %get3A_6 = arith.constant 0 : index
    %get3A_7 = arith.constant 0 : index
    %get3A_8 = vector.load %arg3[%get3A_6, %get3A_7] : memref<1x128xf32, #tpu.memory_space<vmem>>, vector<1x128xf32>
    %add3A = vector.broadcast %get3A_8 : vector<1x128xf32> to vector<2000x128xf32>
    %add3A_9 = arith.addf %dot_general3A_5, %add3A : vector<2000x128xf32>
    %max3A = arith.constant 0.000000e+00 : f32
    %max3A_10 = vector.broadcast %max3A : f32 to vector<2000x128xf32>
    %max3A_11 = arith.maximumf %add3A_9, %max3A_10 : vector<2000x128xf32>
    %swap3A = arith.constant 0 : index
    %swap3A_12 = arith.constant 0 : index
    %swap3A_13 = vector.load %arg5[%swap3A, %swap3A_12] : memref<2000x128xf32, #tpu.memory_space<vmem>>, vector<2000x128xf32>
    tpu.vector_store %arg5[%swap3A, %swap3A_12], %max3A_11 {strides = array<i32>} : memref<2000x128xf32, #tpu.memory_space<vmem>>, vector<2000x128xf32>,
    %eq3A = arith.constant 0 : i32
    %eq3A_14 = arith.cmpi eq, %arg0, %eq3A : i32
    %convert_element_type3A = arith.extui %eq3A_14 : i1 to i32
    %cond3A = arith.constant 0 : i32
    %cond3A_15 = arith.cmpi ne, %convert_element_type3A, %cond3A : i32
    scf.if %cond3A_15 {
      %broadcast_in_dim3A_39 = arith.constant 0.000000e+00 : f32
      %broadcast_in_dim3A_40 = vector.broadcast %broadcast_in_dim3A_39 : f32 to vector<1x128xf32>
      %swap3A_41 = arith.constant 0 : index
      %swap3A_42 = arith.constant 0 : index
      %swap3A_43 = vector.load %arg6[%swap3A_41, %swap3A_42] : memref<1x128xf32, #tpu.memory_space<vmem>>, vector<1x128xf32>
      tpu.vector_store %arg6[%swap3A_41, %swap3A_42], %broadcast_in_dim3A_40 {strides = array<i32>} : memref<1x128xf32, #tpu.memory_space<vmem>>, vector<1x128xf32>,
    } else {
    }
    %get3A_16 = arith.constant 0 : index
    %get3A_17 = arith.constant 0 : index
    %get3A_18 = vector.load %arg6[%get3A_16, %get3A_17] : memref<1x128xf32, #tpu.memory_space<vmem>>, vector<1x128xf32>
    %reduce_sum3A = arith.constant dense<0.000000e+00> : vector<128xf32>
    %reduce_sum3A_19 = vector.multi_reduction <add>, %max3A_11, %reduce_sum3A [0] : vector<2000x128xf32> to vector<128xf32>
    %broadcast_in_dim3A = vector.shape_cast %reduce_sum3A_19 : vector<128xf32> to vector<1x128xf32>
    %add3A_20 = arith.addf %get3A_18, %broadcast_in_dim3A : vector<1x128xf32>
    %swap3A_21 = arith.constant 0 : index
    %swap3A_22 = arith.constant 0 : index
    %swap3A_23 = vector.load %arg6[%swap3A_21, %swap3A_22] : memref<1x128xf32, #tpu.memory_space<vmem>>, vector<1x128xf32>
    tpu.vector_store %arg6[%swap3A_21, %swap3A_22], %add3A_20 {strides = array<i32>} : memref<1x128xf32, #tpu.memory_space<vmem>>, vector<1x128xf32>,
    %get3A_24 = arith.constant 0 : index
    %get3A_25 = arith.constant 0 : index
    %get3A_26 = arith.constant 0 : index
    %get3A_27 = vector.load %arg4[%get3A_24, %get3A_25, %get3A_26] : memref<2x2000x128xf32, #tpu.memory_space<vmem>>, vector<2x2000x128xf32>
    %reduce_sum3A_28 = arith.constant dense<0.000000e+00> : vector<2000xf32>
    %reduce_sum3A_29 = vector.multi_reduction <add>, %get3A_27, %reduce_sum3A_28 [0, 2] : vector<2x2000x128xf32> to vector<2000xf32>
    %max3A_30 = arith.constant 1.000000e+00 : f32
    %max3A_31 = vector.broadcast %max3A_30 : f32 to vector<2000xf32>
    %max3A_32 = arith.maximumf %reduce_sum3A_29, %max3A_31 : vector<2000xf32>
    %div3A = arith.constant 1.000000e+00 : f32
    %div3A_33 = vector.broadcast %div3A : f32 to vector<2000xf32>
    %div3A_34 = arith.divf %div3A_33, %max3A_32 : vector<2000xf32>
    %broadcast_in_dim3A_35 = vector.shape_cast %div3A_34 : vector<2000xf32> to vector<2000x1xf32>
    %swap3A_36 = arith.constant 0 : index
    %swap3A_37 = arith.constant 0 : index
    %swap3A_38 = vector.load %arg7[%swap3A_36, %swap3A_37] : memref<2000x1xf32, #tpu.memory_space<vmem>>, vector<2000x1xf32>
    tpu.vector_store %arg7[%swap3A_36, %swap3A_37], %broadcast_in_dim3A_35 {strides = array<i32>} : memref<2000x1xf32, #tpu.memory_space<vmem>>, vector<2000x1xf32>,
    return
  }
  func.func @transform_0(%arg0: i32) -> (i32, i32) {
    %c0_i32 = arith.constant 0 : i32
    %c0_i32_0 = arith.constant 0 : i32
    return %arg0, %c0_i32 : i32, i32
  }
  func.func @transform_1(%arg0: i32) -> (i32, i32) {
    %c0_i32 = arith.constant 0 : i32
    %c0_i32_0 = arith.constant 0 : i32
    %c0_i32_1 = arith.constant 0 : i32
    return %c0_i32, %c0_i32_0 : i32, i32
  }
  func.func @transform_2(%arg0: i32) -> (i32, i32) {
    %c0_i32 = arith.constant 0 : i32
    %c0_i32_0 = arith.constant 0 : i32
    %c0_i32_1 = arith.constant 0 : i32
    return %c0_i32, %c0_i32_0 : i32, i32
  }
  func.func @transform_3(%arg0: i32) -> (i32, i32, i32) {
    %c0_i32 = arith.constant 0 : i32
    %c0_i32_0 = arith.constant 0 : i32
    %c0_i32_1 = arith.constant 0 : i32
    return %c0_i32, %arg0, %c0_i32_0 : i32, i32, i32
  }
  func.func @transform_4(%arg0: i32) -> (i32, i32) {
    %c0_i32 = arith.constant 0 : i32
    %c0_i32_0 = arith.constant 0 : i32
    return %arg0, %c0_i32 : i32, i32
  }
  func.func @transform_5(%arg0: i32) -> (i32, i32) {
    %c0_i32 = arith.constant 0 : i32
    %c0_i32_0 = arith.constant 0 : i32
    %c0_i32_1 = arith.constant 0 : i32
    return %c0_i32, %c0_i32_0 : i32, i32
  }
  func.func @transform_6(%arg0: i32) -> (i32, i32) {
    %c0_i32 = arith.constant 0 : i32
    %c0_i32_0 = arith.constant 0 : i32
    return %arg0, %c0_i32 : i32, i32
  }
}

module attributes {stable_mosaic.version = 14 : i64} {
  func.func @_layer_body(%arg0: i32, %arg1: memref<2000x128xf32, #tpu.memory_space<vmem>>, %arg2: memref<2x2000x128xf32, #tpu.memory_space<vmem>>, %arg3: memref<2000x1xf32, #tpu.memory_space<vmem>>, %arg4: memref<1x128xf32, #tpu.memory_space<vmem>>, %arg5: memref<128x128xf32, #tpu.memory_space<vmem>>, %arg6: memref<128x128xf32, #tpu.memory_space<vmem>>, %arg7: memref<128x128xf32, #tpu.memory_space<vmem>>, %arg8: memref<1x128xf32, #tpu.memory_space<vmem>>, %arg9: memref<2000x128xf32, #tpu.memory_space<vmem>>, %arg10: memref<1x128xf32, #tpu.memory_space<vmem>>) attributes {dimension_semantics = [#tpu.dimension_semantics<arbitrary>], iteration_bounds = array<i64: 5>, scalar_prefetch = 0 : i64, scratch_operands = 0 : i64, tpu.core_type = #tpu.core_type<tc>, window_params = [{transform_indices = @transform_0, window_bounds = array<i64: 2000, 128>}, {transform_indices = @transform_1, window_bounds = array<i64: 2, 2000, 128>}, {transform_indices = @transform_2, window_bounds = array<i64: 2000, 1>}, {pipeline_mode = #tpu.pipeline_mode<synchronous>, transform_indices = @transform_3, window_bounds = array<i64: 1, 128>}, {pipeline_mode = #tpu.pipeline_mode<synchronous>, transform_indices = @transform_4, window_bounds = array<i64: 128, 128>}, {pipeline_mode = #tpu.pipeline_mode<synchronous>, transform_indices = @transform_5, window_bounds = array<i64: 128, 128>}, {pipeline_mode = #tpu.pipeline_mode<synchronous>, transform_indices = @transform_6, window_bounds = array<i64: 128, 128>}, {pipeline_mode = #tpu.pipeline_mode<synchronous>, transform_indices = @transform_7, window_bounds = array<i64: 1, 128>}, {transform_indices = @transform_8, window_bounds = array<i64: 2000, 128>}, {pipeline_mode = #tpu.pipeline_mode<synchronous>, transform_indices = @transform_9, window_bounds = array<i64: 1, 128>}]} {
    %get3A = arith.constant 0 : index
    %get3A_0 = arith.constant 0 : index
    %get3A_1 = vector.load %arg1[%get3A, %get3A_0] : memref<2000x128xf32, #tpu.memory_space<vmem>>, vector<2000x128xf32>
    %get3A_2 = arith.constant 0 : index
    %get3A_3 = arith.constant 0 : index
    %get3A_4 = arith.constant 0 : index
    %get3A_5 = vector.load %arg2[%get3A_2, %get3A_3, %get3A_4] : memref<2x2000x128xf32, #tpu.memory_space<vmem>>, vector<1x2000x128xf32>
    %get3A_6 = vector.shape_cast %get3A_5 : vector<1x2000x128xf32> to vector<2000x128xf32>
    %get3A_7 = arith.constant 1 : index
    %get3A_8 = arith.constant 0 : index
    %get3A_9 = arith.constant 0 : index
    %get3A_10 = vector.load %arg2[%get3A_7, %get3A_8, %get3A_9] : memref<2x2000x128xf32, #tpu.memory_space<vmem>>, vector<1x2000x128xf32>
    %get3A_11 = vector.shape_cast %get3A_10 : vector<1x2000x128xf32> to vector<2000x128xf32>
    %add3A = arith.addf %get3A_6, %get3A_11 : vector<2000x128xf32>
    %get3A_12 = arith.constant 0 : index
    %get3A_13 = arith.constant 0 : index
    %get3A_14 = vector.load %arg3[%get3A_12, %get3A_13] : memref<2000x1xf32, #tpu.memory_space<vmem>>, vector<2000x1xf32>
    %mul3A = vector.broadcast %get3A_14 : vector<2000x1xf32> to vector<2000x128xf32>
    %mul3A_15 = arith.mulf %add3A, %mul3A : vector<2000x128xf32>
    %get3A_16 = arith.constant 0 : index
    %get3A_17 = arith.constant 0 : index
    %get3A_18 = vector.load %arg4[%get3A_16, %get3A_17] : memref<1x128xf32, #tpu.memory_space<vmem>>, vector<1x128xf32>
    %mul3A_19 = arith.constant 9.99999974E-5 : f32
    %mul3A_20 = vector.broadcast %mul3A_19 : f32 to vector<1x128xf32>
    %mul3A_21 = arith.mulf %get3A_18, %mul3A_20 : vector<1x128xf32>
    %get3A_22 = arith.constant 0 : index
    %get3A_23 = arith.constant 0 : index
    %get3A_24 = vector.load %arg5[%get3A_22, %get3A_23] : memref<128x128xf32, #tpu.memory_space<vmem>>, vector<128x128xf32>
    %dot_general3A = arith.constant dense<0.000000e+00> : vector<2000x128xf32>
    %dot_general3A_25 = tpu.matmul %get3A_1, %get3A_24, %dot_general3A {dimension_numbers = #tpu.dot_dimension_numbers<[1], [0], [0], [1], [0, 0, 1, 1], [], []>, transpose_lhs_hint = false} : vector<2000x128xf32>, vector<128x128xf32>, vector<2000x128xf32> -> vector<2000x128xf32>
    %get3A_26 = arith.constant 0 : index
    %get3A_27 = arith.constant 0 : index
    %get3A_28 = vector.load %arg6[%get3A_26, %get3A_27] : memref<128x128xf32, #tpu.memory_space<vmem>>, vector<128x128xf32>
    %dot_general3A_29 = arith.constant dense<0.000000e+00> : vector<2000x128xf32>
    %dot_general3A_30 = tpu.matmul %mul3A_15, %get3A_28, %dot_general3A_29 {dimension_numbers = #tpu.dot_dimension_numbers<[1], [0], [0], [1], [0, 0, 1, 1], [], []>, transpose_lhs_hint = false} : vector<2000x128xf32>, vector<128x128xf32>, vector<2000x128xf32> -> vector<2000x128xf32>
    %add3A_31 = arith.addf %dot_general3A_25, %dot_general3A_30 : vector<2000x128xf32>
    %get3A_32 = arith.constant 0 : index
    %get3A_33 = arith.constant 0 : index
    %get3A_34 = vector.load %arg7[%get3A_32, %get3A_33] : memref<128x128xf32, #tpu.memory_space<vmem>>, vector<128x128xf32>
    %dot_general3A_35 = arith.constant dense<0.000000e+00> : vector<1x128xf32>
    %dot_general3A_36 = tpu.matmul %mul3A_21, %get3A_34, %dot_general3A_35 {dimension_numbers = #tpu.dot_dimension_numbers<[1], [0], [0], [1], [0, 0, 1, 1], [], []>, transpose_lhs_hint = false} : vector<1x128xf32>, vector<128x128xf32>, vector<1x128xf32> -> vector<1x128xf32>
    %get3A_37 = arith.constant 0 : index
    %get3A_38 = arith.constant 0 : index
    %get3A_39 = vector.load %arg8[%get3A_37, %get3A_38] : memref<1x128xf32, #tpu.memory_space<vmem>>, vector<1x128xf32>
    %add3A_40 = arith.addf %dot_general3A_36, %get3A_39 : vector<1x128xf32>
    %add3A_41 = vector.broadcast %add3A_40 : vector<1x128xf32> to vector<2000x128xf32>
    %add3A_42 = arith.addf %add3A_31, %add3A_41 : vector<2000x128xf32>
    %gt3A = arith.constant 0.000000e+00 : f32
    %gt3A_43 = vector.broadcast %gt3A : f32 to vector<2000x128xf32>
    %gt3A_44 = arith.cmpf ogt, %add3A_42, %gt3A_43 : vector<2000x128xf32>
    %mul3A_45 = arith.constant 1.000000e-01 : f32
    %mul3A_46 = vector.broadcast %mul3A_45 : f32 to vector<2000x128xf32>
    %mul3A_47 = arith.mulf %mul3A_46, %add3A_42 : vector<2000x128xf32>
    %select_n3A = arith.select %gt3A_44, %add3A_42, %mul3A_47 : vector<2000x128xi1>, vector<2000x128xf32>
    %swap3A = arith.constant 0 : index
    %swap3A_48 = arith.constant 0 : index
    %swap3A_49 = vector.load %arg9[%swap3A, %swap3A_48] : memref<2000x128xf32, #tpu.memory_space<vmem>>, vector<2000x128xf32>
    tpu.vector_store %arg9[%swap3A, %swap3A_48], %select_n3A {strides = array<i32>} : memref<2000x128xf32, #tpu.memory_space<vmem>>, vector<2000x128xf32>,
    %eq3A = arith.constant 0 : i32
    %eq3A_50 = arith.cmpi eq, %arg0, %eq3A : i32
    %convert_element_type3A = arith.extui %eq3A_50 : i1 to i32
    %cond3A = arith.constant 0 : i32
    %cond3A_51 = arith.cmpi ne, %convert_element_type3A, %cond3A : i32
    scf.if %cond3A_51 {
      %broadcast_in_dim3A_60 = arith.constant 0.000000e+00 : f32
      %broadcast_in_dim3A_61 = vector.broadcast %broadcast_in_dim3A_60 : f32 to vector<1x128xf32>
      %swap3A_62 = arith.constant 0 : index
      %swap3A_63 = arith.constant 0 : index
      %swap3A_64 = vector.load %arg10[%swap3A_62, %swap3A_63] : memref<1x128xf32, #tpu.memory_space<vmem>>, vector<1x128xf32>
      tpu.vector_store %arg10[%swap3A_62, %swap3A_63], %broadcast_in_dim3A_61 {strides = array<i32>} : memref<1x128xf32, #tpu.memory_space<vmem>>, vector<1x128xf32>,
    } else {
    }
    %get3A_52 = arith.constant 0 : index
    %get3A_53 = arith.constant 0 : index
    %get3A_54 = vector.load %arg10[%get3A_52, %get3A_53] : memref<1x128xf32, #tpu.memory_space<vmem>>, vector<1x128xf32>
    %reduce_sum3A = arith.constant dense<0.000000e+00> : vector<128xf32>
    %reduce_sum3A_55 = vector.multi_reduction <add>, %select_n3A, %reduce_sum3A [0] : vector<2000x128xf32> to vector<128xf32>
    %broadcast_in_dim3A = vector.shape_cast %reduce_sum3A_55 : vector<128xf32> to vector<1x128xf32>
    %add3A_56 = arith.addf %get3A_54, %broadcast_in_dim3A : vector<1x128xf32>
    %swap3A_57 = arith.constant 0 : index
    %swap3A_58 = arith.constant 0 : index
    %swap3A_59 = vector.load %arg10[%swap3A_57, %swap3A_58] : memref<1x128xf32, #tpu.memory_space<vmem>>, vector<1x128xf32>
    tpu.vector_store %arg10[%swap3A_57, %swap3A_58], %add3A_56 {strides = array<i32>} : memref<1x128xf32, #tpu.memory_space<vmem>>, vector<1x128xf32>,
    return
  }
  func.func @transform_0(%arg0: i32) -> (i32, i32) {
    %c0_i32 = arith.constant 0 : i32
    %c0_i32_0 = arith.constant 0 : i32
    return %arg0, %c0_i32 : i32, i32
  }
  func.func @transform_1(%arg0: i32) -> (i32, i32, i32) {
    %c0_i32 = arith.constant 0 : i32
    %c0_i32_0 = arith.constant 0 : i32
    %c0_i32_1 = arith.constant 0 : i32
    return %c0_i32, %arg0, %c0_i32_0 : i32, i32, i32
  }
  func.func @transform_2(%arg0: i32) -> (i32, i32) {
    %c0_i32 = arith.constant 0 : i32
    %c0_i32_0 = arith.constant 0 : i32
    return %arg0, %c0_i32 : i32, i32
  }
  func.func @transform_3(%arg0: i32) -> (i32, i32) {
    %c0_i32 = arith.constant 0 : i32
    %c0_i32_0 = arith.constant 0 : i32
    %c0_i32_1 = arith.constant 0 : i32
    return %c0_i32, %c0_i32_0 : i32, i32
  }
  func.func @transform_4(%arg0: i32) -> (i32, i32) {
    %c0_i32 = arith.constant 0 : i32
    %c0_i32_0 = arith.constant 0 : i32
    %c0_i32_1 = arith.constant 0 : i32
    return %c0_i32, %c0_i32_0 : i32, i32
  }
  func.func @transform_5(%arg0: i32) -> (i32, i32) {
    %c0_i32 = arith.constant 0 : i32
    %c0_i32_0 = arith.constant 0 : i32
    %c0_i32_1 = arith.constant 0 : i32
    return %c0_i32, %c0_i32_0 : i32, i32
  }
  func.func @transform_6(%arg0: i32) -> (i32, i32) {
    %c0_i32 = arith.constant 0 : i32
    %c0_i32_0 = arith.constant 0 : i32
    %c0_i32_1 = arith.constant 0 : i32
    return %c0_i32, %c0_i32_0 : i32, i32
  }
  func.func @transform_7(%arg0: i32) -> (i32, i32) {
    %c0_i32 = arith.constant 0 : i32
    %c0_i32_0 = arith.constant 0 : i32
    %c0_i32_1 = arith.constant 0 : i32
    return %c0_i32, %c0_i32_0 : i32, i32
  }
  func.func @transform_8(%arg0: i32) -> (i32, i32) {
    %c0_i32 = arith.constant 0 : i32
    %c0_i32_0 = arith.constant 0 : i32
    return %arg0, %c0_i32 : i32, i32
  }
  func.func @transform_9(%arg0: i32) -> (i32, i32) {
    %c0_i32 = arith.constant 0 : i32
    %c0_i32_0 = arith.constant 0 : i32
    %c0_i32_1 = arith.constant 0 : i32
    return %c0_i32, %c0_i32_0 : i32, i32
  }
}

module attributes {stable_mosaic.version = 14 : i64} {
  func.func @_layer_body(%arg0: i32, %arg1: memref<2000x128xf32, #tpu.memory_space<vmem>>, %arg2: memref<2x2000x128xf32, #tpu.memory_space<vmem>>, %arg3: memref<2000x1xf32, #tpu.memory_space<vmem>>, %arg4: memref<1x128xf32, #tpu.memory_space<vmem>>, %arg5: memref<128x128xf32, #tpu.memory_space<vmem>>, %arg6: memref<128x128xf32, #tpu.memory_space<vmem>>, %arg7: memref<128x128xf32, #tpu.memory_space<vmem>>, %arg8: memref<1x128xf32, #tpu.memory_space<vmem>>, %arg9: memref<2000x128xf32, #tpu.memory_space<vmem>>, %arg10: memref<1x128xf32, #tpu.memory_space<vmem>>) attributes {dimension_semantics = [#tpu.dimension_semantics<arbitrary>], iteration_bounds = array<i64: 5>, scalar_prefetch = 0 : i64, scratch_operands = 0 : i64, tpu.core_type = #tpu.core_type<tc>, window_params = [{transform_indices = @transform_0, window_bounds = array<i64: 2000, 128>}, {transform_indices = @transform_1, window_bounds = array<i64: 2, 2000, 128>}, {transform_indices = @transform_2, window_bounds = array<i64: 2000, 1>}, {pipeline_mode = #tpu.pipeline_mode<synchronous>, transform_indices = @transform_3, window_bounds = array<i64: 1, 128>}, {pipeline_mode = #tpu.pipeline_mode<synchronous>, transform_indices = @transform_4, window_bounds = array<i64: 128, 128>}, {pipeline_mode = #tpu.pipeline_mode<synchronous>, transform_indices = @transform_5, window_bounds = array<i64: 128, 128>}, {pipeline_mode = #tpu.pipeline_mode<synchronous>, transform_indices = @transform_6, window_bounds = array<i64: 128, 128>}, {pipeline_mode = #tpu.pipeline_mode<synchronous>, transform_indices = @transform_7, window_bounds = array<i64: 1, 128>}, {transform_indices = @transform_8, window_bounds = array<i64: 2000, 128>}, {pipeline_mode = #tpu.pipeline_mode<synchronous>, transform_indices = @transform_9, window_bounds = array<i64: 1, 128>}]} {
    %get3A = arith.constant 0 : index
    %get3A_0 = arith.constant 0 : index
    %get3A_1 = vector.load %arg1[%get3A, %get3A_0] : memref<2000x128xf32, #tpu.memory_space<vmem>>, vector<2000x128xf32>
    %get3A_2 = arith.constant 0 : index
    %get3A_3 = arith.constant 0 : index
    %get3A_4 = arith.constant 0 : index
    %get3A_5 = vector.load %arg2[%get3A_2, %get3A_3, %get3A_4] : memref<2x2000x128xf32, #tpu.memory_space<vmem>>, vector<1x2000x128xf32>
    %get3A_6 = vector.shape_cast %get3A_5 : vector<1x2000x128xf32> to vector<2000x128xf32>
    %get3A_7 = arith.constant 1 : index
    %get3A_8 = arith.constant 0 : index
    %get3A_9 = arith.constant 0 : index
    %get3A_10 = vector.load %arg2[%get3A_7, %get3A_8, %get3A_9] : memref<2x2000x128xf32, #tpu.memory_space<vmem>>, vector<1x2000x128xf32>
    %get3A_11 = vector.shape_cast %get3A_10 : vector<1x2000x128xf32> to vector<2000x128xf32>
    %add3A = arith.addf %get3A_6, %get3A_11 : vector<2000x128xf32>
    %get3A_12 = arith.constant 0 : index
    %get3A_13 = arith.constant 0 : index
    %get3A_14 = vector.load %arg3[%get3A_12, %get3A_13] : memref<2000x1xf32, #tpu.memory_space<vmem>>, vector<2000x1xf32>
    %mul3A = vector.broadcast %get3A_14 : vector<2000x1xf32> to vector<2000x128xf32>
    %mul3A_15 = arith.mulf %add3A, %mul3A : vector<2000x128xf32>
    %get3A_16 = arith.constant 0 : index
    %get3A_17 = arith.constant 0 : index
    %get3A_18 = vector.load %arg4[%get3A_16, %get3A_17] : memref<1x128xf32, #tpu.memory_space<vmem>>, vector<1x128xf32>
    %mul3A_19 = arith.constant 9.99999974E-5 : f32
    %mul3A_20 = vector.broadcast %mul3A_19 : f32 to vector<1x128xf32>
    %mul3A_21 = arith.mulf %get3A_18, %mul3A_20 : vector<1x128xf32>
    %get3A_22 = arith.constant 0 : index
    %get3A_23 = arith.constant 0 : index
    %get3A_24 = vector.load %arg5[%get3A_22, %get3A_23] : memref<128x128xf32, #tpu.memory_space<vmem>>, vector<128x128xf32>
    %dot_general3A = arith.constant dense<0.000000e+00> : vector<2000x128xf32>
    %dot_general3A_25 = tpu.matmul %get3A_1, %get3A_24, %dot_general3A {dimension_numbers = #tpu.dot_dimension_numbers<[1], [0], [0], [1], [0, 0, 1, 1], [], []>, transpose_lhs_hint = false} : vector<2000x128xf32>, vector<128x128xf32>, vector<2000x128xf32> -> vector<2000x128xf32>
    %get3A_26 = arith.constant 0 : index
    %get3A_27 = arith.constant 0 : index
    %get3A_28 = vector.load %arg6[%get3A_26, %get3A_27] : memref<128x128xf32, #tpu.memory_space<vmem>>, vector<128x128xf32>
    %dot_general3A_29 = arith.constant dense<0.000000e+00> : vector<2000x128xf32>
    %dot_general3A_30 = tpu.matmul %mul3A_15, %get3A_28, %dot_general3A_29 {dimension_numbers = #tpu.dot_dimension_numbers<[1], [0], [0], [1], [0, 0, 1, 1], [], []>, transpose_lhs_hint = false} : vector<2000x128xf32>, vector<128x128xf32>, vector<2000x128xf32> -> vector<2000x128xf32>
    %add3A_31 = arith.addf %dot_general3A_25, %dot_general3A_30 : vector<2000x128xf32>
    %get3A_32 = arith.constant 0 : index
    %get3A_33 = arith.constant 0 : index
    %get3A_34 = vector.load %arg7[%get3A_32, %get3A_33] : memref<128x128xf32, #tpu.memory_space<vmem>>, vector<128x128xf32>
    %dot_general3A_35 = arith.constant dense<0.000000e+00> : vector<1x128xf32>
    %dot_general3A_36 = tpu.matmul %mul3A_21, %get3A_34, %dot_general3A_35 {dimension_numbers = #tpu.dot_dimension_numbers<[1], [0], [0], [1], [0, 0, 1, 1], [], []>, transpose_lhs_hint = false} : vector<1x128xf32>, vector<128x128xf32>, vector<1x128xf32> -> vector<1x128xf32>
    %get3A_37 = arith.constant 0 : index
    %get3A_38 = arith.constant 0 : index
    %get3A_39 = vector.load %arg8[%get3A_37, %get3A_38] : memref<1x128xf32, #tpu.memory_space<vmem>>, vector<1x128xf32>
    %add3A_40 = arith.addf %dot_general3A_36, %get3A_39 : vector<1x128xf32>
    %add3A_41 = vector.broadcast %add3A_40 : vector<1x128xf32> to vector<2000x128xf32>
    %add3A_42 = arith.addf %add3A_31, %add3A_41 : vector<2000x128xf32>
    %gt3A = arith.constant 0.000000e+00 : f32
    %gt3A_43 = vector.broadcast %gt3A : f32 to vector<2000x128xf32>
    %gt3A_44 = arith.cmpf ogt, %add3A_42, %gt3A_43 : vector<2000x128xf32>
    %mul3A_45 = arith.constant 1.000000e-01 : f32
    %mul3A_46 = vector.broadcast %mul3A_45 : f32 to vector<2000x128xf32>
    %mul3A_47 = arith.mulf %mul3A_46, %add3A_42 : vector<2000x128xf32>
    %select_n3A = arith.select %gt3A_44, %add3A_42, %mul3A_47 : vector<2000x128xi1>, vector<2000x128xf32>
    %swap3A = arith.constant 0 : index
    %swap3A_48 = arith.constant 0 : index
    %swap3A_49 = vector.load %arg9[%swap3A, %swap3A_48] : memref<2000x128xf32, #tpu.memory_space<vmem>>, vector<2000x128xf32>
    tpu.vector_store %arg9[%swap3A, %swap3A_48], %select_n3A {strides = array<i32>} : memref<2000x128xf32, #tpu.memory_space<vmem>>, vector<2000x128xf32>,
    %eq3A = arith.constant 0 : i32
    %eq3A_50 = arith.cmpi eq, %arg0, %eq3A : i32
    %convert_element_type3A = arith.extui %eq3A_50 : i1 to i32
    %cond3A = arith.constant 0 : i32
    %cond3A_51 = arith.cmpi ne, %convert_element_type3A, %cond3A : i32
    scf.if %cond3A_51 {
      %broadcast_in_dim3A_60 = arith.constant 0.000000e+00 : f32
      %broadcast_in_dim3A_61 = vector.broadcast %broadcast_in_dim3A_60 : f32 to vector<1x128xf32>
      %swap3A_62 = arith.constant 0 : index
      %swap3A_63 = arith.constant 0 : index
      %swap3A_64 = vector.load %arg10[%swap3A_62, %swap3A_63] : memref<1x128xf32, #tpu.memory_space<vmem>>, vector<1x128xf32>
      tpu.vector_store %arg10[%swap3A_62, %swap3A_63], %broadcast_in_dim3A_61 {strides = array<i32>} : memref<1x128xf32, #tpu.memory_space<vmem>>, vector<1x128xf32>,
    } else {
    }
    %get3A_52 = arith.constant 0 : index
    %get3A_53 = arith.constant 0 : index
    %get3A_54 = vector.load %arg10[%get3A_52, %get3A_53] : memref<1x128xf32, #tpu.memory_space<vmem>>, vector<1x128xf32>
    %reduce_sum3A = arith.constant dense<0.000000e+00> : vector<128xf32>
    %reduce_sum3A_55 = vector.multi_reduction <add>, %select_n3A, %reduce_sum3A [0] : vector<2000x128xf32> to vector<128xf32>
    %broadcast_in_dim3A = vector.shape_cast %reduce_sum3A_55 : vector<128xf32> to vector<1x128xf32>
    %add3A_56 = arith.addf %get3A_54, %broadcast_in_dim3A : vector<1x128xf32>
    %swap3A_57 = arith.constant 0 : index
    %swap3A_58 = arith.constant 0 : index
    %swap3A_59 = vector.load %arg10[%swap3A_57, %swap3A_58] : memref<1x128xf32, #tpu.memory_space<vmem>>, vector<1x128xf32>
    tpu.vector_store %arg10[%swap3A_57, %swap3A_58], %add3A_56 {strides = array<i32>} : memref<1x128xf32, #tpu.memory_space<vmem>>, vector<1x128xf32>,
    return
  }
  func.func @transform_0(%arg0: i32) -> (i32, i32) {
    %c0_i32 = arith.constant 0 : i32
    %c0_i32_0 = arith.constant 0 : i32
    return %arg0, %c0_i32 : i32, i32
  }
  func.func @transform_1(%arg0: i32) -> (i32, i32, i32) {
    %c0_i32 = arith.constant 0 : i32
    %c0_i32_0 = arith.constant 0 : i32
    %c0_i32_1 = arith.constant 0 : i32
    return %c0_i32, %arg0, %c0_i32_0 : i32, i32, i32
  }
  func.func @transform_2(%arg0: i32) -> (i32, i32) {
    %c0_i32 = arith.constant 0 : i32
    %c0_i32_0 = arith.constant 0 : i32
    return %arg0, %c0_i32 : i32, i32
  }
  func.func @transform_3(%arg0: i32) -> (i32, i32) {
    %c0_i32 = arith.constant 0 : i32
    %c0_i32_0 = arith.constant 0 : i32
    %c0_i32_1 = arith.constant 0 : i32
    return %c0_i32, %c0_i32_0 : i32, i32
  }
  func.func @transform_4(%arg0: i32) -> (i32, i32) {
    %c0_i32 = arith.constant 0 : i32
    %c0_i32_0 = arith.constant 0 : i32
    %c0_i32_1 = arith.constant 0 : i32
    return %c0_i32, %c0_i32_0 : i32, i32
  }
  func.func @transform_5(%arg0: i32) -> (i32, i32) {
    %c0_i32 = arith.constant 0 : i32
    %c0_i32_0 = arith.constant 0 : i32
    %c0_i32_1 = arith.constant 0 : i32
    return %c0_i32, %c0_i32_0 : i32, i32
  }
  func.func @transform_6(%arg0: i32) -> (i32, i32) {
    %c0_i32 = arith.constant 0 : i32
    %c0_i32_0 = arith.constant 0 : i32
    %c0_i32_1 = arith.constant 0 : i32
    return %c0_i32, %c0_i32_0 : i32, i32
  }
  func.func @transform_7(%arg0: i32) -> (i32, i32) {
    %c0_i32 = arith.constant 0 : i32
    %c0_i32_0 = arith.constant 0 : i32
    %c0_i32_1 = arith.constant 0 : i32
    return %c0_i32, %c0_i32_0 : i32, i32
  }
  func.func @transform_8(%arg0: i32) -> (i32, i32) {
    %c0_i32 = arith.constant 0 : i32
    %c0_i32_0 = arith.constant 0 : i32
    return %arg0, %c0_i32 : i32, i32
  }
  func.func @transform_9(%arg0: i32) -> (i32, i32) {
    %c0_i32 = arith.constant 0 : i32
    %c0_i32_0 = arith.constant 0 : i32
    %c0_i32_1 = arith.constant 0 : i32
    return %c0_i32, %c0_i32_0 : i32, i32
  }
}

module attributes {stable_mosaic.version = 14 : i64} {
  func.func @_final_body(%arg0: i32, %arg1: memref<2000x128xf32, #tpu.memory_space<vmem>>, %arg2: memref<128x128xf32, #tpu.memory_space<vmem>>, %arg3: memref<1x128xf32, #tpu.memory_space<vmem>>, %arg4: memref<128x64xf32, #tpu.memory_space<vmem>>, %arg5: memref<1x64xf32, #tpu.memory_space<vmem>>, %arg6: memref<2000x64xf32, #tpu.memory_space<vmem>>) attributes {dimension_semantics = [#tpu.dimension_semantics<arbitrary>], iteration_bounds = array<i64: 5>, scalar_prefetch = 0 : i64, scratch_operands = 0 : i64, tpu.core_type = #tpu.core_type<tc>, window_params = [{transform_indices = @transform_0, window_bounds = array<i64: 2000, 128>}, {pipeline_mode = #tpu.pipeline_mode<synchronous>, transform_indices = @transform_1, window_bounds = array<i64: 128, 128>}, {pipeline_mode = #tpu.pipeline_mode<synchronous>, transform_indices = @transform_2, window_bounds = array<i64: 1, 128>}, {pipeline_mode = #tpu.pipeline_mode<synchronous>, transform_indices = @transform_3, window_bounds = array<i64: 128, 64>}, {pipeline_mode = #tpu.pipeline_mode<synchronous>, transform_indices = @transform_4, window_bounds = array<i64: 1, 64>}, {transform_indices = @transform_5, window_bounds = array<i64: 2000, 64>}]} {
    %get3A = arith.constant 0 : index
    %get3A_0 = arith.constant 0 : index
    %get3A_1 = vector.load %arg1[%get3A, %get3A_0] : memref<2000x128xf32, #tpu.memory_space<vmem>>, vector<2000x128xf32>
    %get3A_2 = arith.constant 0 : index
    %get3A_3 = arith.constant 0 : index
    %get3A_4 = vector.load %arg2[%get3A_2, %get3A_3] : memref<128x128xf32, #tpu.memory_space<vmem>>, vector<128x128xf32>
    %dot_general3A = arith.constant dense<0.000000e+00> : vector<2000x128xf32>
    %dot_general3A_5 = tpu.matmul %get3A_1, %get3A_4, %dot_general3A {dimension_numbers = #tpu.dot_dimension_numbers<[1], [0], [0], [1], [0, 0, 1, 1], [], []>, transpose_lhs_hint = false} : vector<2000x128xf32>, vector<128x128xf32>, vector<2000x128xf32> -> vector<2000x128xf32>
    %get3A_6 = arith.constant 0 : index
    %get3A_7 = arith.constant 0 : index
    %get3A_8 = vector.load %arg3[%get3A_6, %get3A_7] : memref<1x128xf32, #tpu.memory_space<vmem>>, vector<1x128xf32>
    %add3A = vector.broadcast %get3A_8 : vector<1x128xf32> to vector<2000x128xf32>
    %add3A_9 = arith.addf %dot_general3A_5, %add3A : vector<2000x128xf32>
    %max3A = arith.constant 0.000000e+00 : f32
    %max3A_10 = vector.broadcast %max3A : f32 to vector<2000x128xf32>
    %max3A_11 = arith.maximumf %add3A_9, %max3A_10 : vector<2000x128xf32>
    %add3A_12 = arith.addf %max3A_11, %get3A_1 : vector<2000x128xf32>
    %get3A_13 = arith.constant 0 : index
    %get3A_14 = arith.constant 0 : index
    %get3A_15 = vector.load %arg4[%get3A_13, %get3A_14] : memref<128x64xf32, #tpu.memory_space<vmem>>, vector<128x64xf32>
    %dot_general3A_16 = arith.constant dense<0.000000e+00> : vector<2000x64xf32>
    %dot_general3A_17 = tpu.matmul %add3A_12, %get3A_15, %dot_general3A_16 {dimension_numbers = #tpu.dot_dimension_numbers<[1], [0], [0], [1], [0, 0, 1, 1], [], []>, transpose_lhs_hint = false} : vector<2000x128xf32>, vector<128x64xf32>, vector<2000x64xf32> -> vector<2000x64xf32>
    %get3A_18 = arith.constant 0 : index
    %get3A_19 = arith.constant 0 : index
    %get3A_20 = vector.load %arg5[%get3A_18, %get3A_19] : memref<1x64xf32, #tpu.memory_space<vmem>>, vector<1x64xf32>
    %add3A_21 = vector.broadcast %get3A_20 : vector<1x64xf32> to vector<2000x64xf32>
    %add3A_22 = arith.addf %dot_general3A_17, %add3A_21 : vector<2000x64xf32>
    %reduce_max3A = arith.constant dense<0xFF800000> : vector<2000xf32>
    %reduce_max3A_23 = vector.multi_reduction <maximumf>, %add3A_22, %reduce_max3A [1] : vector<2000x64xf32> to vector<2000xf32>
    %broadcast_in_dim3A = vector.shape_cast %reduce_max3A_23 : vector<2000xf32> to vector<2000x1xf32>
    %sub3A = vector.broadcast %broadcast_in_dim3A : vector<2000x1xf32> to vector<2000x64xf32>
    %sub3A_24 = arith.subf %add3A_22, %sub3A : vector<2000x64xf32>
    %exp3A = math.exp %sub3A_24 : vector<2000x64xf32>
    %reduce_sum3A = arith.constant dense<0.000000e+00> : vector<2000xf32>
    %reduce_sum3A_25 = vector.multi_reduction <add>, %exp3A, %reduce_sum3A [1] : vector<2000x64xf32> to vector<2000xf32>
    %broadcast_in_dim3A_26 = vector.shape_cast %reduce_sum3A_25 : vector<2000xf32> to vector<2000x1xf32>
    %log3A = math.log %broadcast_in_dim3A_26 : vector<2000x1xf32>
    %add3A_27 = arith.addf %log3A, %broadcast_in_dim3A : vector<2000x1xf32>
    %sub3A_28 = vector.broadcast %add3A_27 : vector<2000x1xf32> to vector<2000x64xf32>
    %sub3A_29 = arith.subf %add3A_22, %sub3A_28 : vector<2000x64xf32>
    %swap3A = arith.constant 0 : index
    %swap3A_30 = arith.constant 0 : index
    %swap3A_31 = vector.load %arg6[%swap3A, %swap3A_30] : memref<2000x64xf32, #tpu.memory_space<vmem>>, vector<2000x64xf32>
    tpu.vector_store %arg6[%swap3A, %swap3A_30], %sub3A_29 {strides = array<i32>} : memref<2000x64xf32, #tpu.memory_space<vmem>>, vector<2000x64xf32>,
    return
  }
  func.func @transform_0(%arg0: i32) -> (i32, i32) {
    %c0_i32 = arith.constant 0 : i32
    %c0_i32_0 = arith.constant 0 : i32
    return %arg0, %c0_i32 : i32, i32
  }
  func.func @transform_1(%arg0: i32) -> (i32, i32) {
    %c0_i32 = arith.constant 0 : i32
    %c0_i32_0 = arith.constant 0 : i32
    %c0_i32_1 = arith.constant 0 : i32
    return %c0_i32, %c0_i32_0 : i32, i32
  }
  func.func @transform_2(%arg0: i32) -> (i32, i32) {
    %c0_i32 = arith.constant 0 : i32
    %c0_i32_0 = arith.constant 0 : i32
    %c0_i32_1 = arith.constant 0 : i32
    return %c0_i32, %c0_i32_0 : i32, i32
  }
  func.func @transform_3(%arg0: i32) -> (i32, i32) {
    %c0_i32 = arith.constant 0 : i32
    %c0_i32_0 = arith.constant 0 : i32
    %c0_i32_1 = arith.constant 0 : i32
    return %c0_i32, %c0_i32_0 : i32, i32
  }
  func.func @transform_4(%arg0: i32) -> (i32, i32) {
    %c0_i32 = arith.constant 0 : i32
    %c0_i32_0 = arith.constant 0 : i32
    %c0_i32_1 = arith.constant 0 : i32
    return %c0_i32, %c0_i32_0 : i32, i32
  }
  func.func @transform_5(%arg0: i32) -> (i32, i32) {
    %c0_i32 = arith.constant 0 : i32
    %c0_i32_0 = arith.constant 0 : i32
    return %arg0, %c0_i32 : i32, i32
  }
}

</mosaic_0001>

<sc_bundles>
// kernel: kernel.11.cloned.1.call-start
scs
__scs_entry_jumppad:
0x0: {  	(pc) =	sbr.rel $0x88, $3  }
0x1: {  	(tag) =	ssettag $0x0;
	lr =	simm.s32 $0x1  }
0x2: {  	[smem:$0x3F95] =	sst lr;
	_ =	strace $0xD0000000  }
0x3: {  	_ = 	snop  }
0x4: {  	_ = 	snop  }
0x5: {  	_ = 	snop  }
0x6: {  	_ = 	snop  }
0x7: {  	_ = 	snop  }
__scs_overlays_trampoline_lowered:
0x8: {  	[smem:$0x3FA4] =	sst s0  }
0x9: {  	[smem:$0x3FA5] =	sst s1  }
0xa: {  	[smem:$0x3FA6] =	sst s2  }
0xb: {  	[smem:$0x3FA7] =	sst s3  }
0xc: {  	[smem:$0x3FA8] =	sst s4  }
0xd: {  	[smem:$0x3FA9] =	sst s5  }
0xe: {  	[smem:$0x3FAA] =	sst s6  }
0xf: {  	[smem:$0x3FAB] =	sst s7  }
0x10: {  	[smem:$0x3FAC] =	sst s8  }
0x11: {  	[smem:$0x3FAD] =	sst s9;
	s0 =	simm.s32 @!p0 $0x0  }
0x12: {  	s1 =	sld [smem:$0x3F93];
	s0 =	simm.s32 @p0 $0x1  }
0x13: {  	[smem:$0x3FAE] =	sst s0;
	s0 =	simm.s32 @!p1 $0x0  }
0x14: {  	s2 =	sld [smem:$0x3F92];
	s0 =	simm.s32 @p1 $0x1  }
0x15: {  	[smem:$0x3FAF] =	sst s0;
	s0 =	simm.s32 @!p2 $0x0  }
0x16: {  	s3 =	sld [smem:$0x3FDB];
	s0 =	simm.s32 @p2 $0x1  }
0x17: {  	s4 =	simm.s32 $0x1BF5;
	[smem:$0x3FB1] =	sst s0  }
0x18: {  	s0 =	sld [smem:$0x3F94];
	_ =	swait.ge [sflag:s4], $0x0  }
0x19: {  	s7 =	sld [smem:$0x3F95]  }
0x1a: {  	s8 =	sadd.s32 $0xFFFFE003, lr  }
0x1b: {  	s9 =	sadd.s32 $0xFFFFFEF7, lr;
	s5 =	simm.s32 $0xFFFFFFFF;
	p2 =	slt.u32 s8, $0xFFFFF086  }
0x1c: {  	p1 =	slt.u32 s9, $0xF7A;
	s5 =	simm.s32 @!p2 $0x0  }
0x1d: {  	s5 =	simm.s32 @p1 $0x1;
	p0 =	seq.s32 s7, s2  }
0x1e: {  	s7 =	smul.u32 @!p0 $0xF7A, s2;
	p2 =	seq.s32 @!p0 s5, $0x0  }
0x1f: {  	s9 =	smul.u32 $0xF7A, s1;
	s8 =	simm.s32 @!p0 $0x1BF5;
	p2 =	por !p2, p0  }
0x20: {  	[sflag:s8] =	ssyncset.s32 @!p0 $0xFFFFF086;
	s6 =	sadd.s32 @!p0 s3, s7;
	s7 =	simm.s32 @!p0 $0x108  }
0x21: {  	s3 =	sadd.s32 s3, s9;
	s6 =	sadd.s32 @!p0 $0x88, s6;
	s7 =	simm.s32 @p2 $0x1082  }
0x22: {  	[simem:s7], [sflag:s8] =	dma.local @!p0 [hbm:s6], $0xF7A  }
0x23: {  	s9 =	sor.u32 $0xD0000000, s2;
	s6 =	simm.s32 $0x108;
	_ =	swait.ge @!p0 [sflag:s8], $0x0  }
0x24: {  	s3 =	sadd.s32 $0x88, s3;
	s6 =	simm.s32 @!p1 $0x1082;
	[sflag:s4] =	ssyncset.s32 $0xFFFFF086  }
0x25: {  	[simem:s6], [sflag:s4] =	dma.local [hbm:s3], $0xF7A  }
0x26: {  	[smem:$0x3F95] =	sst s1;
	(tag) =	ssettag s2;
	_ =	strace s9  }
0x27: {  	s1 =	sld [smem:$0x3FA5]  }
0x28: {  	s2 =	sld [smem:$0x3FA6]  }
0x29: {  	s4 =	sld [smem:$0x3FA8]  }
0x2a: {  	p0 =	seq.s32 s5, $0x0;
	s5 =	sld [smem:$0x3FA9]  }
0x2b: {  	s6 =	sld [smem:$0x3FAA]  }
0x2c: {  	s7 =	sld [smem:$0x3FAB]  }
0x2d: {  	s3 =	simm.s32 $0x108;
	s8 =	sld [smem:$0x3FAC]  }
0x2e: {  	s3 =	simm.s32 @!p0 $0x1082;
	s9 =	sld [smem:$0x3FAD]  }
0x2f: {  	lr =	sadd.s32 s0, s3;
	s0 =	sld [smem:$0x3FA4]  }
0x30: {  	s3 =	sld [smem:$0x3FA7]  }
0x31: {  	[smem:$0x3FB0] =	sst s10  }
0x32: {  	s10 =	sld [smem:$0x3FAE];
	_ =	sdelay $0x3  }
0x33: {  	p0 =	seq.s32 s10, $0x1;
	s10 =	sld [smem:$0x3FB0];
	_ =	sdelay $0x3  }
0x34: {  	[smem:$0x3FB0] =	sst s10  }
0x35: {  	s10 =	sld [smem:$0x3FAF];
	_ =	sdelay $0x3  }
0x36: {  	p1 =	seq.s32 s10, $0x1;
	s10 =	sld [smem:$0x3FB0];
	_ =	sdelay $0x3  }
0x37: {  	[smem:$0x3FB0] =	sst s10  }
0x38: {  	s10 =	sld [smem:$0x3FB1]  }
0x39: {  	_ = 	snop;
	(pc) =	sbr.ind lr, $3  }
0x3a: {  	_ = 	snop  }
0x3b: {  	_ = 	snop  }
0x3c: {  	p2 =	seq.s32 s10, $0x1;
	s10 =	sld [smem:$0x3FB0]  }
0x3d: {  	_ =	shalt  }
0x3e: {  	_ =	shalt  }
0x3f: {  	_ =	shalt  }
0x40: {  	_ =	shalt  }
0x41: {  	_ =	shalt  }
0x42: {  	_ =	shalt  }
0x43: {  	_ =	shalt  }
0x44: {  	_ =	shalt  }
0x45: {  	_ =	shalt  }
0x46: {  	_ =	shalt  }
0x47: {  	_ =	shalt  }
0x48: {  	_ =	shalt  }
0x49: {  	_ =	shalt  }
0x4a: {  	_ =	shalt  }
0x4b: {  	_ =	shalt  }
0x4c: {  	_ =	shalt  }
0x4d: {  	_ =	shalt  }
0x4e: {  	_ =	shalt  }
0x4f: {  	_ =	shalt  }
0x50: {  	_ =	shalt  }
0x51: {  	_ =	shalt  }
0x52: {  	_ =	shalt  }
0x53: {  	_ =	shalt  }
0x54: {  	_ =	shalt  }
0x55: {  	_ =	shalt  }
0x56: {  	_ =	shalt  }
0x57: {  	_ =	shalt  }
0x58: {  	_ =	shalt  }
0x59: {  	_ =	shalt  }
0x5a: {  	_ =	shalt  }
0x5b: {  	_ =	shalt  }
0x5c: {  	_ =	shalt  }
0x5d: {  	_ =	shalt  }
0x5e: {  	_ =	shalt  }
0x5f: {  	_ =	shalt  }
0x60: {  	_ =	shalt  }
0x61: {  	_ =	shalt  }
0x62: {  	_ =	shalt  }
0x63: {  	_ =	shalt  }
0x64: {  	_ =	shalt  }
0x65: {  	_ =	shalt  }
0x66: {  	_ =	shalt  }
0x67: {  	_ =	shalt  }
0x68: {  	_ =	shalt  }
0x69: {  	_ =	shalt  }
0x6a: {  	_ =	shalt  }
0x6b: {  	_ =	shalt  }
0x6c: {  	_ =	shalt  }
0x6d: {  	_ =	shalt  }
0x6e: {  	_ =	shalt  }
0x6f: {  	_ =	shalt  }
0x70: {  	_ =	shalt  }
0x71: {  	_ =	shalt  }
0x72: {  	_ =	shalt  }
0x73: {  	_ =	shalt  }
0x74: {  	_ =	shalt  }
0x75: {  	_ =	shalt  }
0x76: {  	_ =	shalt  }
0x77: {  	_ =	shalt  }
0x78: {  	_ =	shalt  }
0x79: {  	_ =	shalt  }
0x7a: {  	_ =	shalt  }
0x7b: {  	_ =	shalt  }
0x7c: {  	_ =	shalt  }
0x7d: {  	_ =	shalt  }
0x7e: {  	_ =	shalt  }
0x7f: {  	_ =	shalt  }
0x80: {  	_ =	shalt  }
0x81: {  	_ =	shalt  }
0x82: {  	_ =	shalt  }
0x83: {  	_ =	shalt  }
0x84: {  	_ =	shalt  }
0x85: {  	_ =	shalt  }
0x86: {  	_ =	shalt  }
0x87: {  	_ =	shalt  }
.Lfunc_end0:
.L_simem_size_0:
called_computation_lowered:
.L_overlay_start_0:
0x88: {  	s2 =	sld [smem:$0x3FD9]  }
0x89: {  	s3 =	sld [smem:$0x3FFE];
	_ =	sdelay $0x1  }
0x8a: {  	s1 =	srdreg.scid  }
0x8b: {  	s0 =	sand.u32 $0x1, s1  }
0x8c: {  	s17 =	sshll.u32 s0, $0xA;
	s2 =	sadd.s32 s3, s2  }
0x8d: {  	s2 =	sadd.s32 s2, s17  }
0x8e: {  	[smem:$0x3FBC] =	sst s2  }
0x8f: {  	_ = 	snop  }
0x90: {  	s2 =	sld [smem:$0x3FD0];
	(tm) =	ssettm $0x1  }
0x91: {  	s18 =	sld [smem:$0x3FFB];
	_ =	sdelay $0x3  }
0x92: {  	_ =	strace s18  }
0x93: {  	s3 =	sld [smem:$0x3FFC];
	_ =	sdelay $0x3  }
0x94: {  	_ =	strace s3  }
0x95: {  	s3 =	sld [smem:$0x3FFD];
	_ =	sdelay $0x3  }
0x96: {  	_ =	strace s3  }
0x97: {  	_ =	strace $0x8FFFFFFF  }
0x98: {  	s19 =	sld [smem:$0x3FDB];
	_ =	sdelay $0x1  }
0x99: {  	s4 =	simm.s32 $_scs_section_size  }
0x9a: {  	s5 =	simm.s32 $_size__tile_overlayer_lowered;
	s6 =	simm.s32 $_tile_overlayer_lowered  }
0x9b: {  	s22 =	simm.s32 $0x1BFF;
	s21 =	sshll.u32 s6, $0x1;
	s3 =	sadd.s32 s4, s19  }
0x9c: {  	s7 =	simm.s32 $0x0;
	s20 =	sshll.u32 s5, $0x1;
	s5 =	sadd.s32 s21, s3  }
0x9d: {  	[timem:s7], [sflag:s22] =	dma.local [hbm:s5], s20  }
0x9e: {  	_ =	swait.ge [sflag:s22], s20  }
0x9f: {  	s4 =	ssub.s32 $0x0, s20;
	[sflag:s22] =	ssyncset.done $0x0  }
0xa0: {  	[sflag:s22] =	ssyncadd.s32 s4;
	_ =	sdelay $0x1  }
0xa1: {  	s23 =	simm.s32 $0x1B8B  }
0xa2: {  	_ =	swait.ge [sflag:s23], $0x1  }
0xa3: {  	[sflag:s23] =	ssyncset.done $0x0  }
0xa4: {  	s25 =	simm.s32 $0x1B8E;
	s24 =	sld [smem:$0x3FFE];
	[sflag:s23] =	ssyncadd.s32 $0xFFFFFFFF  }
0xa5: {  	s26 =	simm.s32 $execute0_lowered;
	[smem:$0x3FD2] =	sst s25  }
0xa6: {  	s5 =	sshll.u32 s26, $0x1;
	_ =	strace $0x80000046;
	[dreg:$0x1] =	wrdreg $0xFFFFFFFF  }
0xa7: {  	s28 =	simm.s32 $_size_execute0_lowered;
	s3 =	sadd.s32 s3, s5;
	[dreg:$0x0] =	wrdreg $0x0  }
0xa8: {  	s5 =	sshll.u32 s28, $0x1;
	[dreg:$0x2] =	wrdreg s3  }
0xa9: {  	[dreg:$0x3] =	wrdreg s5  }
0xaa: {  	[dreg:$0x4] =	wrdreg $0xC0  }
0xab: {  	_ =	task [dreg:s7], $0x5FFFF  }
0xac: {  	[dreg:$0x1] =	wrdreg $0xFFFFFFFF  }
0xad: {  	[dreg:$0x0] =	wrdreg $0x60  }
0xae: {  	[dreg:$0x2] =	wrdreg s24  }
0xaf: {  	[dreg:$0x3] =	wrdreg s2  }
0xb0: {  	[dreg:$0x4] =	wrdreg $0x17000  }
0xb1: {  	[dreg:$0x5] =	wrdreg $0x9  }
0xb2: {  	_ =	task.clear_ibuf [dreg:s7], $0x6FFFF;
	_ =	strace $0x90000046  }
0xb3: {  	s29 =	simm.s32 $0x9;
	_ =	strace $0x80000048  }
0xb4: {  	_ =	swait.ge [sflag:s29], $0x1  }
0xb5: {  	[sflag:s29] =	ssyncadd.s32 $0xFFFFFFFF  }
0xb6: {  	_ =	strace $0x90000048  }
0xb7: {  	_ =	sfence  }
0xb8: {  	s30 =	sld [smem:$0x0];
	_ =	sdelay $0x2  }
0xb9: {  	s31 =	sshll.u32 s1, $0xD;
	s1 =	sshrl.u32 s1, $0x2  }
0xba: {  	s3 =	sand.u32 $0x4000, s31;
	s1 =	sadd.s32 s1, s30  }
0xbb: {  	s0 =	sor.u32 s3, s0;
	s1 =	sshll.u32 s1, $0x11  }
0xbc: {  	s0 =	sor.u32 s1, s0  }
0xbd: {  	s0 =	sadd.s32 $0x8F2B, s0  }
0xbe: {  	[sflag:s0] =	ssyncadd.remote.s32 $0x1  }
0xbf: {  	_ =	sfence.sel $0xFFFF  }
0xc0: {  	[dreg:$0x0] =	wrdreg $0xFFFFFFFF;
	(pc) =	sbr.abs _section_cstart, $3  }
0xc1: {  	[dreg:$0x1] =	wrdreg $0xFFFFFFFF  }
0xc2: {  	_ =	task.clear_ibuf [dreg:s7], $0x2FFFF;
	_ =	strace $0x9FFFFFFF  }
0xc3: {  	(tm) =	ssettm $0x7FFFFFFF  }
tec
execute0_lowered:
.L_overlay_start_1:
0x0: {  	(tag) =	ssettag $0x1  }
0x1: {  	s0 =	rddreg [dreg:$0x0]  }
0x2: {  	s2 =	rddreg [dreg:$0x2];
	s4 =	simm.s32 $0x0  }
0x3: {  	s1 =	srdreg.scid;
	s11 =	stileid.u32;
	s19 =	simm.s32 $0xD  }
0x4: {  	s28 =	simm.s32 $0x28;
	s29 =	simm.s32 $0x2;
	s30 =	simm.s32 $0x7  }
0x5: {  	s31 =	simm.s32 $0x4;
	[smem:$0x7FF] =	sst s4;
	s1 =	sand.u32 $0x1, s1  }
0x6: {  	s6 =	smul.u32 $0x4E000, s11;
	s5 =	sadd.s32 $0x3E00, s0;
	s0 =	sadd.s32 $0x23E00, s0  }
0x7: {  	s8 =	sshll.u32 s11, $0x10;
	s20 =	sshll.u32 s11, $0x6;
	s21 =	smul.u32 $0x13800, s11  }
0x8: {  	s12 =	sadd.s32 $0x138000, s2;
	p0 =	sne.s32 s11, $0xF;
	_ =	strace $0x80000047  }
0x9: {  	s3 =	ssub.s32 $0x2, s1;
	s9 =	sshll.u32 s1, $0xF;
	s1 =	smul.u32 $0x138800, s1  }
0xa: {  	[dreg:$0x4] =	wrdreg s12;
	s7 =	sshrl.u32 s3, $0x1;
	s6 =	sshrl.u32 s6, $0x2  }
0xb: {  	s3 =	ssub.s32 s3, s7;
	s10 =	sadd.s32 s6, s2;
	s6 =	sor.u32 s9, s8  }
0xc: {  	s7 =	sor.u32 $0x1C0D, s20;
	s9 =	sadd.s32 s21, s1;
	s1 =	sshrl.u32 s1, $0x3  }
0xd: {  	s20 =	simm.s32 $0x1400;
	s8 =	sshrl.u32 s6, $0x3;
	s9 =	sshrl.u32 s9, $0x3  }
0xe: {  	s1 =	sadd.s32 s0, s1;
	s8 =	sadd.s32 s5, s8;
	s0 =	sadd.s32 s0, s9  }
0xf: {  	s21 =	simm.s32 $0x1480;
	s22 =	sadd.s32 $0x10, s8;
	[dreg:$0xa] =	wrdreg s0  }
0x10: {  	s17 =	smax.u32 s3, $0x1;
	s23 =	sadd.s32 $0x20, s8;
	[dreg:$0x5] =	wrdreg s22  }
0x11: {  	s18 =	sshrl.u32 s10, $0x3;
	s24 =	sadd.s32 $0x30, s8;
	[dreg:$0x6] =	wrdreg s23  }
0x12: {  	s3 =	simm.s32 $0xA;
	s25 =	sadd.s32 $0x40, s8;
	[dreg:$0x7] =	wrdreg s24  }
0x13: {  	s16 =	sadd.s32 $0x27000, s1;
	s26 =	sadd.s32 $0x50, s8;
	[dreg:$0x8] =	wrdreg s25  }
0x14: {  	s0 =	simm.s32 $0x9;
	[dreg:$0x9] =	wrdreg s26;
	s23 =	simm.s32 $0x1580  }
0x15: {  	v0 =	vimm.f32 $7.812500000e-03;
	s25 =	simm.s32 $0x1680;
	s26 =	simm.s32 $0x1;
	s22 =	simm.s32 $0x0  }
.LBB2_1:
0x16: {  	s1 =	simm.s32 $0x0;
	s9 =	simm.s32 $0x200  }
.LBB2_2:
0x17: {  	p1 =	sne.s32 s9, $0x4E00;
	[tilespmem:s1+$0x70] =	vst v0  }
0x18: {  	[tilespmem:s1+$0x0] =	vst v0  }
0x19: {  	[tilespmem:s1+$0x10] =	vst v0  }
.Ltmp0:
0x1a: {  	[tilespmem:s1+$0x20] =	vst v0;
	(pc) =	sbr.rel @p1 .LBB2_2-.Ltmp0, $4  }
0x1b: {  	[tilespmem:s1+$0x30] =	vst v0  }
0x1c: {  	[tilespmem:s1+$0x40] =	vst v0  }
0x1d: {  	[tilespmem:s1+$0x50] =	vst v0  }
0x1e: {  	[tilespmem:s1+$0x60] =	vst v0;
	s1 =	sshra.s32 s9, $0x2;
	s9 =	sadd.s32 $0x200, s9  }
0x1f: {  	[tilespmem:s1+$0x70] =	vst v0  }
0x20: {  	[tilespmem:s1+$0x0] =	vst v0  }
0x21: {  	[tilespmem:s1+$0x10] =	vst v0  }
0x22: {  	[tilespmem:s1+$0x20] =	vst v0  }
0x23: {  	[tilespmem:s1+$0x30] =	vst v0  }
0x24: {  	[tilespmem:s1+$0x40] =	vst v0  }
0x25: {  	[tilespmem:s1+$0x50] =	vst v0  }
0x26: {  	[tilespmem:s1+$0x60] =	vst v0;
	s1 =	rddreg [dreg:$0x1]  }
0x27: {  	[spmem:s18], [sflag:s7] =	dma.local [hbm:s1], $0x2700  }
0x28: {  	_ =	swait.ge [sflag:s19], $0x2700  }
0x29: {  	[sflag:s19] =	ssyncset.done $0x0;
	s9 =	rddreg [dreg:$0x4]  }
0x2a: {  	[sflag:s19] =	ssyncadd.s32 $0xFFFFD900;
	s24 =	sshrl.u32 @!p0 s9, $0x3  }
0x2b: {  	[spmem:s24], [sflag:s7] =	dma.local @!p0 [hbm:s1], $0x100  }
0x2c: {  	s1 =	simm.s32 @!p0 $0xD  }
0x2d: {  	_ =	swait.ge @!p0 [sflag:s1], $0x100  }
0x2e: {  	[sflag:s1] =	ssyncset.done @!p0 $0x0  }
0x2f: {  	[sflag:s1] =	ssyncadd.s32 @!p0 $0xFFFFFF00  }
0x30: {  	s1 =	simm.s32 $0x0;
	[bflag:$0x0] =	sbarrier.arrive $0xFFFF  }
0x31: {  	[tilespmem:s20], [sflag:$0x1] =	stream.linear.gather [hbm4b:s8+s1], $0x80, $0x38;
	[tilespmem:$0x14F80] =	vst v63  }
0x32: {  	s10 =	rddreg [dreg:$0x5]  }
0x33: {  	[tilespmem:s21], [sflag:$0x2] =	stream.linear.gather [hbm4b:s10+s1], $0x80, $0x38;
	[tilespmem:$0x14F80] =	vst v63  }
0x34: {  	s11 =	rddreg [dreg:$0x6];
	s10 =	simm.s32 $0x1500  }
0x35: {  	[tilespmem:s10], [sflag:$0x3] =	stream.linear.gather [hbm4b:s11+s1], $0x80, $0x38;
	[tilespmem:$0x14F80] =	vst v63  }
0x36: {  	s12 =	rddreg [dreg:$0x7]  }
0x37: {  	[tilespmem:s23], [sflag:$0x4] =	stream.linear.gather [hbm4b:s12+s1], $0x80, $0x38;
	[tilespmem:$0x14F80] =	vst v63  }
0x38: {  	s14 =	simm.s32 $0x1600;
	s13 =	rddreg [dreg:$0x8]  }
0x39: {  	[tilespmem:s14], [sflag:$0x5] =	stream.linear.gather [hbm4b:s13+s1], $0x80, $0x38;
	[tilespmem:$0x14F80] =	vst v63  }
0x3a: {  	s9 =	simm.s32 $0x500;
	s15 =	rddreg [dreg:$0x9]  }
0x3b: {  	[tilespmem:s25], [sflag:$0x6] =	stream.linear.gather [hbm4b:s15+s1], $0x80, $0x38;
	[tilespmem:$0x14F80] =	vst v63  }
.LBB2_4:
0x3c: {  	_ =	swait.ge [sflag:s26], $0x80  }
0x3d: {  	p1 =	seq.s32 s9, $0x500;
	[sflag:s26] =	ssyncset.done $0x0  }
0x3e: {  	s10 =	simm.s32 @!p1 $0xC;
	[sflag:s26] =	ssyncadd.s32 $0xFFFFFF80  }
0x3f: {  	[spmem:s2] =	stream.indirect.scatter.add.f32 [tilespmem:s4], [sflag:$0x7], $0x80, s20, s28, $0xb8;
	[tilespmem:$0x14F80] =	vst v63  }
0x40: {  	p2 =	seq.s32 @!p1 s9, $0x8000;
	_ =	swait.ge @!p1 [sflag:s10], $0x1400  }
0x41: {  	p2 =	por p1, !p2;
	[sflag:s10] =	ssyncset.done @!p1 $0x0  }
0x42: {  	[sflag:s10] =	ssyncadd.s32 @!p1 $0xFFFFEC00;
	s10 =	sadd.s32 @p2 $0xFFFFFD80, s9  }
0x43: {  	s11 =	sand.u32 @p2 $0x1FC00, s10  }
0x44: {  	s10 =	sand.u32 @p2 $0x380, s10;
	s11 =	sadd.s32 @p2 s6, s11  }
0x45: {  	s10 =	sor.u32 @p2 s10, s11  }
0x46: {  	s10 =	sshrl.u32 @p2 s10, $0x3  }
0x47: {  	s10 =	sadd.s32 @p2 s5, s10  }
0x48: {  	[tilespmem:s25], [sflag:$0x6] =	stream.linear.gather @p2 [hbm4b:s10+s4], $0x80, $0x38;
	[tilespmem:$0x14F80] =	vst v63  }
0x49: {  	_ =	swait.ge [sflag:s29], $0x80  }
0x4a: {  	[sflag:s29] =	ssyncset.done $0x0  }
0x4b: {  	[sflag:s29] =	ssyncadd.s32 $0xFFFFFF80  }
0x4c: {  	[spmem:s2] =	stream.indirect.scatter.add.f32 [tilespmem:s4], [sflag:$0x8], $0x80, s21, s28, $0xb8;
	[tilespmem:$0x14F80] =	vst v63  }
0x4d: {  	_ =	swait.ge [sflag:s30], $0x1400  }
0x4e: {  	p1 =	seq.s32 s9, $0x8000;
	[sflag:s30] =	ssyncset.done $0x0  }
0x4f: {  	s10 =	simm.s32 @p1 $0x3;
	[sflag:s30] =	ssyncadd.s32 $0xFFFFEC00  }
0x50: {  	_ =	swait.ge @p1 [sflag:s10], $0x80  }
0x51: {  	s12 =	simm.s32 @p1 $0x0;
	[sflag:s10] =	ssyncset.done @p1 $0x0  }
0x52: {  	s11 =	simm.s32 @p1 $0x1500;
	[sflag:s10] =	ssyncadd.s32 @p1 $0xFFFFFF80;
	s10 =	simm.s32 @p1 $0x28  }
0x53: {  	[spmem:s2] =	stream.indirect.scatter.add.f32 @p1 [tilespmem:s12], [sflag:$0x9], $0x80, s11, s10, $0xb8;
	[tilespmem:$0x14F80] =	vst v63  }
0x54: {  	s10 =	sadd.s32 @!p1 $0xFFFFFE00, s9  }
0x55: {  	s11 =	simm.s32 @p1 $0x8;
	s12 =	sand.u32 @!p1 $0x1FC00, s10  }
0x56: {  	_ =	swait.ge @p1 [sflag:s11], $0x1400;
	s10 =	sand.u32 @!p1 $0x300, s10;
	s12 =	sadd.s32 @!p1 s6, s12  }
0x57: {  	[sflag:s11] =	ssyncset.done @p1 $0x0;
	s10 =	sor.u32 @!p1 s10, s12  }
0x58: {  	[sflag:s11] =	ssyncadd.s32 @p1 $0xFFFFEC00;
	s10 =	sshrl.u32 @!p1 s10, $0x3  }
0x59: {  	s12 =	simm.s32 @!p1 $0x1400;
	s11 =	sadd.s32 @!p1 s5, s10;
	s10 =	simm.s32 @!p1 $0x0  }
0x5a: {  	[tilespmem:s12], [sflag:$0x1] =	stream.linear.gather @!p1 [hbm4b:s11+s10], $0x80, $0x38;
	[tilespmem:$0x14F80] =	vst v63  }
0x5b: {  	s13 =	sadd.s32 @!p1 $0xFFFFFE80, s9;
	s11 =	simm.s32 @!p1 $0x3  }
0x5c: {  	s15 =	simm.s32 @!p1 $0x8;
	s14 =	sand.u32 @!p1 $0x1FC00, s13;
	_ =	swait.ge @!p1 [sflag:s11], $0x80  }
0x5d: {  	s13 =	sand.u32 @!p1 $0x380, s13;
	s14 =	sadd.s32 @!p1 s6, s14;
	[sflag:s11] =	ssyncset.done @!p1 $0x0  }
0x5e: {  	s12 =	simm.s32 @!p1 $0x1500;
	[sflag:s11] =	ssyncadd.s32 @!p1 $0xFFFFFF80;
	s11 =	simm.s32 @!p1 $0x28  }
0x5f: {  	[spmem:s2] =	stream.indirect.scatter.add.f32 @!p1 [tilespmem:s10], [sflag:$0x9], $0x80, s12, s11, $0xb8;
	[tilespmem:$0x14F80] =	vst v63  }
0x60: {  	s13 =	sor.u32 @!p1 s13, s14;
	_ =	swait.ge @!p1 [sflag:s15], $0x1400  }
0x61: {  	s13 =	sshrl.u32 @!p1 s13, $0x3;
	[sflag:s15] =	ssyncset.done @!p1 $0x0  }
0x62: {  	s14 =	simm.s32 @!p1 $0x1480;
	s13 =	sadd.s32 @!p1 s5, s13;
	[sflag:s15] =	ssyncadd.s32 @!p1 $0xFFFFEC00  }
0x63: {  	[tilespmem:s14], [sflag:$0x2] =	stream.linear.gather @!p1 [hbm4b:s13+s10], $0x80, $0x38;
	[tilespmem:$0x14F80] =	vst v63  }
0x64: {  	s13 =	sadd.s32 @!p1 $0xFFFFFF00, s9;
	_ =	swait.ge [sflag:s31], $0x80  }
0x65: {  	s14 =	sadd.s32 @!p1 $0xFFFFFB00, s9;
	s13 =	sand.u32 @!p1 $0x1FC00, s13;
	[sflag:s31] =	ssyncset.done $0x0  }
0x66: {  	s14 =	sand.u32 @!p1 $0x300, s14;
	s13 =	sadd.s32 @!p1 s6, s13;
	[sflag:s31] =	ssyncadd.s32 $0xFFFFFF80  }
0x67: {  	[spmem:s2] =	stream.indirect.scatter.add.f32 [tilespmem:s4], [sflag:$0xA], $0x80, s23, s28, $0xb8;
	[tilespmem:$0x14F80] =	vst v63  }
0x68: {  	s13 =	sor.u32 @!p1 s14, s13;
	_ =	swait.ge [sflag:s0], $0x1400  }
0x69: {  	s13 =	sshrl.u32 @!p1 s13, $0x3;
	[sflag:s0] =	ssyncset.done $0x0  }
0x6a: {  	s13 =	sadd.s32 @!p1 s5, s13;
	[sflag:s0] =	ssyncadd.s32 $0xFFFFEC00  }
0x6b: {  	[tilespmem:s12], [sflag:$0x3] =	stream.linear.gather @!p1 [hbm4b:s13+s10], $0x80, $0x38;
	[tilespmem:$0x14F80] =	vst v63  }
0x6c: {  	s12 =	simm.s32 @!p1 $0x5  }
0x6d: {  	_ =	swait.ge @!p1 [sflag:s12], $0x80  }
0x6e: {  	[sflag:s12] =	ssyncset.done @!p1 $0x0  }
0x6f: {  	[sflag:s12] =	ssyncadd.s32 @!p1 $0xFFFFFF80;
	s12 =	simm.s32 @!p1 $0x1600  }
0x70: {  	[spmem:s2] =	stream.indirect.scatter.add.f32 @!p1 [tilespmem:s10], [sflag:$0xB], $0x80, s12, s11, $0xb8;
	[tilespmem:$0x14F80] =	vst v63  }
0x71: {  	s12 =	sadd.s32 @!p1 $0xFFFFFF80, s9  }
0x72: {  	s13 =	sand.u32 @!p1 $0x1FC00, s12  }
0x73: {  	s14 =	simm.s32 @!p1 $0xA;
	s12 =	sand.u32 @!p1 $0x380, s12;
	s13 =	sadd.s32 @!p1 s6, s13  }
0x74: {  	_ =	swait.ge @!p1 [sflag:s14], $0x1400;
	s12 =	sor.u32 @!p1 s12, s13  }
0x75: {  	[sflag:s14] =	ssyncset.done @!p1 $0x0;
	s12 =	sshrl.u32 @!p1 s12, $0x3  }
0x76: {  	[sflag:s14] =	ssyncadd.s32 @!p1 $0xFFFFEC00;
	s13 =	simm.s32 @!p1 $0x1580;
	s12 =	sadd.s32 @!p1 s5, s12  }
0x77: {  	[tilespmem:s13], [sflag:$0x4] =	stream.linear.gather @!p1 [hbm4b:s12+s10], $0x80, $0x38;
	[tilespmem:$0x14F80] =	vst v63  }
0x78: {  	s12 =	simm.s32 @!p1 $0x6  }
0x79: {  	_ =	swait.ge @!p1 [sflag:s12], $0x80  }
0x7a: {  	p2 =	sgt.u32 @!p1 s1, $0x27;
	[sflag:s12] =	ssyncset.done @!p1 $0x0  }
0x7b: {  	p2 =	por p2, p1;
	[sflag:s12] =	ssyncadd.s32 @!p1 $0xFFFFFF80;
	s12 =	simm.s32 @!p1 $0x1680  }
0x7c: {  	[spmem:s2] =	stream.indirect.scatter.add.f32 @!p1 [tilespmem:s10], [sflag:$0xC], $0x80, s12, s11, $0xb8;
	[tilespmem:$0x14F80] =	vst v63  }
0x7d: {  	s10 =	simm.s32 @!p1 $0xB;
	s11 =	sand.u32 @!p2 $0x1FC00, s9  }
0x7e: {  	s12 =	sand.u32 @!p2 $0x300, s9;
	_ =	swait.ge @!p1 [sflag:s10], $0x1400;
	s11 =	sadd.s32 @!p2 s6, s11  }
0x7f: {  	[sflag:s10] =	ssyncset.done @!p1 $0x0;
	s11 =	sor.u32 @!p2 s12, s11  }
0x80: {  	s9 =	sadd.s32 @!p1 $0x300, s9;
	[sflag:s10] =	ssyncadd.s32 @!p1 $0xFFFFEC00;
	s10 =	sshrl.u32 @!p2 s11, $0x3  }
0x81: {  	s12 =	simm.s32 @!p2 $0x1600;
	s11 =	simm.s32 @!p2 $0x0;
	s10 =	sadd.s32 @!p2 s5, s10  }
0x82: {  	[tilespmem:s12], [sflag:$0x5] =	stream.linear.gather @!p2 [hbm4b:s10+s11], $0x80, $0x38;
	[tilespmem:$0x14F80] =	vst v63  }
0x83: {  	p2 =	sne.s32 @!p1 s9, $0x8300  }
0x84: {  	p2 =	por p1, !p2  }
.Ltmp1:
0x85: {  	_ = 	snop;
	(pc) =	sbr.rel @!p2 .LBB2_4-.Ltmp1, $2  }
0x86: {  	_ =	sdelay $0x2  }
0x87: {  	s1 =	sadd.s32 @!p1 $0x1, s1  }
0x88: {  	_ =	swait.ge [sflag:s3], $0x1400  }
0x89: {  	[sflag:s3] =	ssyncset.done $0x0  }
0x8a: {  	[sflag:s3] =	ssyncadd.s32 $0xFFFFEC00  }
0x8b: {  	[bflag:$0x0] =	sbarrier.arrive $0xFFFF  }
0x8c: {  	s1 =	rddreg [dreg:$0xa]  }
0x8d: {  	[hbm:s1], [sflag:s7] =	dma.local [spmem:s18], $0x2700  }
0x8e: {  	s22 =	sadd.s32 $0x1, s22;
	_ =	swait.ge [sflag:s19], $0x2700  }
0x8f: {  	p1 =	sne.s32 s22, s17;
	[sflag:s19] =	ssyncset.done $0x0  }
.Ltmp2:
0x90: {  	s1 =	simm.s32 @!p0 $0xD;
	[sflag:s19] =	ssyncadd.s32 $0xFFFFD900;
	(pc) =	sbr.rel @p1 .LBB2_1-.Ltmp2, $4  }
0x91: {  	[hbm:s16], [sflag:s7] =	dma.local @!p0 [spmem:s24], $0x100  }
0x92: {  	_ =	swait.ge @!p0 [sflag:s1], $0x100  }
0x93: {  	[sflag:s1] =	ssyncset.done @!p0 $0x0  }
0x94: {  	[sflag:s1] =	ssyncadd.s32 @!p0 $0xFFFFFF00  }
0x95: {  	_ =	sfence.sel $0x180000  }
0x96: {  	[bflag:$0x0] =	sbarrier.arrive $0xFFFF  }
0x97: {  	_ =	strace $0x90000047  }
0x98: {  	s0 =	stileid.u32;
	[bflag:$0x2] =	sbarrier.arrive $0xFFFF  }
0x99: {  	p0 =	sne.s32 s0, $0x0;
	s0 =	rddreg [dreg:$0x3]  }
0x9a: {  	s0 =	sadd.s32 @!p0 $0x100000, s0  }
0x9b: {  	[sflag:s0] =	ssyncadd.tile.s32 @!p0 $0x1;
	_ =	shalt  }
.Lfunc_end2:
_tile_overlayer_lowered:
.L_overlay_start_2:
0x9c: {  	(tag) =	ssettag $0x2  }
0x9d: {  	s0 =	rddreg [dreg:$0x0];
	s2 =	stileid.u32  }
0x9e: {  	s1 =	rddreg [dreg:$0x1];
	p0 =	sne.s32 s2, $0x0  }
0x9f: {  	s3 =	rddreg [dreg:$0x2];
	[bflag:$0x3] =	sbarrier.arrive $0xFFFF;
	s2 =	simm.s32 @!p0 $0x1C0D  }
0xa0: {  	[timem:s3], [sflag:s2] =	dma.local @!p0 [hbm:s0], s1  }
0xa1: {  	s0 =	simm.s32 @!p0 $0xD  }
0xa2: {  	_ =	swait.ge @!p0 [sflag:s0], s1  }
0xa3: {  	s1 =	ssub.s32 @!p0 $0x0, s1;
	[sflag:s0] =	ssyncset.done @!p0 $0x0  }
0xa4: {  	[sflag:s0] =	ssyncadd.s32 @!p0 s1  }
0xa5: {  	[bflag:$0x3] =	sbarrier.arrive $0xFFFF  }
0xa6: {  	_ =	shalt  }

// kernel: kernel.14.cloned.1.call-start
scs
__scs_entry_jumppad:
0x0: {  	(pc) =	sbr.rel $0x88, $3  }
0x1: {  	(tag) =	ssettag $0x0;
	lr =	simm.s32 $0x1  }
0x2: {  	[smem:$0x3F95] =	sst lr;
	_ =	strace $0xD0000000  }
0x3: {  	_ = 	snop  }
0x4: {  	_ = 	snop  }
0x5: {  	_ = 	snop  }
0x6: {  	_ = 	snop  }
0x7: {  	_ = 	snop  }
__scs_overlays_trampoline_lowered:
0x8: {  	[smem:$0x3FA4] =	sst s0  }
0x9: {  	[smem:$0x3FA5] =	sst s1  }
0xa: {  	[smem:$0x3FA6] =	sst s2  }
0xb: {  	[smem:$0x3FA7] =	sst s3  }
0xc: {  	[smem:$0x3FA8] =	sst s4  }
0xd: {  	[smem:$0x3FA9] =	sst s5  }
0xe: {  	[smem:$0x3FAA] =	sst s6  }
0xf: {  	[smem:$0x3FAB] =	sst s7  }
0x10: {  	[smem:$0x3FAC] =	sst s8  }
0x11: {  	[smem:$0x3FAD] =	sst s9;
	s0 =	simm.s32 @!p0 $0x0  }
0x12: {  	s1 =	sld [smem:$0x3F93];
	s0 =	simm.s32 @p0 $0x1  }
0x13: {  	[smem:$0x3FAE] =	sst s0;
	s0 =	simm.s32 @!p1 $0x0  }
0x14: {  	s2 =	sld [smem:$0x3F92];
	s0 =	simm.s32 @p1 $0x1  }
0x15: {  	[smem:$0x3FAF] =	sst s0;
	s0 =	simm.s32 @!p2 $0x0  }
0x16: {  	s3 =	sld [smem:$0x3FDB];
	s0 =	simm.s32 @p2 $0x1  }
0x17: {  	s4 =	simm.s32 $0x1BF5;
	[smem:$0x3FB1] =	sst s0  }
0x18: {  	s0 =	sld [smem:$0x3F94];
	_ =	swait.ge [sflag:s4], $0x0  }
0x19: {  	s7 =	sld [smem:$0x3F95]  }
0x1a: {  	s8 =	sadd.s32 $0xFFFFE003, lr  }
0x1b: {  	s9 =	sadd.s32 $0xFFFFFEF7, lr;
	s5 =	simm.s32 $0xFFFFFFFF;
	p2 =	slt.u32 s8, $0xFFFFF086  }
0x1c: {  	p1 =	slt.u32 s9, $0xF7A;
	s5 =	simm.s32 @!p2 $0x0  }
0x1d: {  	s5 =	simm.s32 @p1 $0x1;
	p0 =	seq.s32 s7, s2  }
0x1e: {  	s7 =	smul.u32 @!p0 $0xF7A, s2;
	p2 =	seq.s32 @!p0 s5, $0x0  }
0x1f: {  	s9 =	smul.u32 $0xF7A, s1;
	s8 =	simm.s32 @!p0 $0x1BF5;
	p2 =	por !p2, p0  }
0x20: {  	[sflag:s8] =	ssyncset.s32 @!p0 $0xFFFFF086;
	s6 =	sadd.s32 @!p0 s3, s7;
	s7 =	simm.s32 @!p0 $0x108  }
0x21: {  	s3 =	sadd.s32 s3, s9;
	s6 =	sadd.s32 @!p0 $0x88, s6;
	s7 =	simm.s32 @p2 $0x1082  }
0x22: {  	[simem:s7], [sflag:s8] =	dma.local @!p0 [hbm:s6], $0xF7A  }
0x23: {  	s9 =	sor.u32 $0xD0000000, s2;
	s6 =	simm.s32 $0x108;
	_ =	swait.ge @!p0 [sflag:s8], $0x0  }
0x24: {  	s3 =	sadd.s32 $0x88, s3;
	s6 =	simm.s32 @!p1 $0x1082;
	[sflag:s4] =	ssyncset.s32 $0xFFFFF086  }
0x25: {  	[simem:s6], [sflag:s4] =	dma.local [hbm:s3], $0xF7A  }
0x26: {  	[smem:$0x3F95] =	sst s1;
	(tag) =	ssettag s2;
	_ =	strace s9  }
0x27: {  	s1 =	sld [smem:$0x3FA5]  }
0x28: {  	s2 =	sld [smem:$0x3FA6]  }
0x29: {  	s4 =	sld [smem:$0x3FA8]  }
0x2a: {  	p0 =	seq.s32 s5, $0x0;
	s5 =	sld [smem:$0x3FA9]  }
0x2b: {  	s6 =	sld [smem:$0x3FAA]  }
0x2c: {  	s7 =	sld [smem:$0x3FAB]  }
0x2d: {  	s3 =	simm.s32 $0x108;
	s8 =	sld [smem:$0x3FAC]  }
0x2e: {  	s3 =	simm.s32 @!p0 $0x1082;
	s9 =	sld [smem:$0x3FAD]  }
0x2f: {  	lr =	sadd.s32 s0, s3;
	s0 =	sld [smem:$0x3FA4]  }
0x30: {  	s3 =	sld [smem:$0x3FA7]  }
0x31: {  	[smem:$0x3FB0] =	sst s10  }
0x32: {  	s10 =	sld [smem:$0x3FAE];
	_ =	sdelay $0x3  }
0x33: {  	p0 =	seq.s32 s10, $0x1;
	s10 =	sld [smem:$0x3FB0];
	_ =	sdelay $0x3  }
0x34: {  	[smem:$0x3FB0] =	sst s10  }
0x35: {  	s10 =	sld [smem:$0x3FAF];
	_ =	sdelay $0x3  }
0x36: {  	p1 =	seq.s32 s10, $0x1;
	s10 =	sld [smem:$0x3FB0];
	_ =	sdelay $0x3  }
0x37: {  	[smem:$0x3FB0] =	sst s10  }
0x38: {  	s10 =	sld [smem:$0x3FB1]  }
0x39: {  	_ = 	snop;
	(pc) =	sbr.ind lr, $3  }
0x3a: {  	_ = 	snop  }
0x3b: {  	_ = 	snop  }
0x3c: {  	p2 =	seq.s32 s10, $0x1;
	s10 =	sld [smem:$0x3FB0]  }
0x3d: {  	_ =	shalt  }
0x3e: {  	_ =	shalt  }
0x3f: {  	_ =	shalt  }
0x40: {  	_ =	shalt  }
0x41: {  	_ =	shalt  }
0x42: {  	_ =	shalt  }
0x43: {  	_ =	shalt  }
0x44: {  	_ =	shalt  }
0x45: {  	_ =	shalt  }
0x46: {  	_ =	shalt  }
0x47: {  	_ =	shalt  }
0x48: {  	_ =	shalt  }
0x49: {  	_ =	shalt  }
0x4a: {  	_ =	shalt  }
0x4b: {  	_ =	shalt  }
0x4c: {  	_ =	shalt  }
0x4d: {  	_ =	shalt  }
0x4e: {  	_ =	shalt  }
0x4f: {  	_ =	shalt  }
0x50: {  	_ =	shalt  }
0x51: {  	_ =	shalt  }
0x52: {  	_ =	shalt  }
0x53: {  	_ =	shalt  }
0x54: {  	_ =	shalt  }
0x55: {  	_ =	shalt  }
0x56: {  	_ =	shalt  }
0x57: {  	_ =	shalt  }
0x58: {  	_ =	shalt  }
0x59: {  	_ =	shalt  }
0x5a: {  	_ =	shalt  }
0x5b: {  	_ =	shalt  }
0x5c: {  	_ =	shalt  }
0x5d: {  	_ =	shalt  }
0x5e: {  	_ =	shalt  }
0x5f: {  	_ =	shalt  }
0x60: {  	_ =	shalt  }
0x61: {  	_ =	shalt  }
0x62: {  	_ =	shalt  }
0x63: {  	_ =	shalt  }
0x64: {  	_ =	shalt  }
0x65: {  	_ =	shalt  }
0x66: {  	_ =	shalt  }
0x67: {  	_ =	shalt  }
0x68: {  	_ =	shalt  }
0x69: {  	_ =	shalt  }
0x6a: {  	_ =	shalt  }
0x6b: {  	_ =	shalt  }
0x6c: {  	_ =	shalt  }
0x6d: {  	_ =	shalt  }
0x6e: {  	_ =	shalt  }
0x6f: {  	_ =	shalt  }
0x70: {  	_ =	shalt  }
0x71: {  	_ =	shalt  }
0x72: {  	_ =	shalt  }
0x73: {  	_ =	shalt  }
0x74: {  	_ =	shalt  }
0x75: {  	_ =	shalt  }
0x76: {  	_ =	shalt  }
0x77: {  	_ =	shalt  }
0x78: {  	_ =	shalt  }
0x79: {  	_ =	shalt  }
0x7a: {  	_ =	shalt  }
0x7b: {  	_ =	shalt  }
0x7c: {  	_ =	shalt  }
0x7d: {  	_ =	shalt  }
0x7e: {  	_ =	shalt  }
0x7f: {  	_ =	shalt  }
0x80: {  	_ =	shalt  }
0x81: {  	_ =	shalt  }
0x82: {  	_ =	shalt  }
0x83: {  	_ =	shalt  }
0x84: {  	_ =	shalt  }
0x85: {  	_ =	shalt  }
0x86: {  	_ =	shalt  }
0x87: {  	_ =	shalt  }
.Lfunc_end0:
.L_simem_size_0:
called_computation.1_lowered:
.L_overlay_start_0:
0x88: {  	s2 =	sld [smem:$0x3FD9]  }
0x89: {  	s3 =	sld [smem:$0x3FFE];
	_ =	sdelay $0x1  }
0x8a: {  	s1 =	srdreg.scid  }
0x8b: {  	s0 =	sand.u32 $0x1, s1  }
0x8c: {  	s17 =	sshll.u32 s0, $0xA;
	s2 =	sadd.s32 s3, s2  }
0x8d: {  	s2 =	sadd.s32 s2, s17  }
0x8e: {  	[smem:$0x3FBC] =	sst s2  }
0x8f: {  	_ = 	snop  }
0x90: {  	s2 =	sld [smem:$0x3FD0];
	(tm) =	ssettm $0x1  }
0x91: {  	s18 =	sld [smem:$0x3FFB];
	_ =	sdelay $0x3  }
0x92: {  	_ =	strace s18  }
0x93: {  	s3 =	sld [smem:$0x3FFC];
	_ =	sdelay $0x3  }
0x94: {  	_ =	strace s3  }
0x95: {  	s3 =	sld [smem:$0x3FFD];
	_ =	sdelay $0x3  }
0x96: {  	_ =	strace s3  }
0x97: {  	_ =	strace $0x8FFFFFFF  }
0x98: {  	s19 =	sld [smem:$0x3FDB];
	_ =	sdelay $0x1  }
0x99: {  	s4 =	simm.s32 $_scs_section_size  }
0x9a: {  	s5 =	simm.s32 $_size__tile_overlayer_lowered;
	s6 =	simm.s32 $_tile_overlayer_lowered  }
0x9b: {  	s22 =	simm.s32 $0x1BFF;
	s21 =	sshll.u32 s6, $0x1;
	s3 =	sadd.s32 s4, s19  }
0x9c: {  	s7 =	simm.s32 $0x0;
	s20 =	sshll.u32 s5, $0x1;
	s5 =	sadd.s32 s21, s3  }
0x9d: {  	[timem:s7], [sflag:s22] =	dma.local [hbm:s5], s20  }
0x9e: {  	_ =	swait.ge [sflag:s22], s20  }
0x9f: {  	s4 =	ssub.s32 $0x0, s20;
	[sflag:s22] =	ssyncset.done $0x0  }
0xa0: {  	[sflag:s22] =	ssyncadd.s32 s4;
	_ =	sdelay $0x1  }
0xa1: {  	s23 =	simm.s32 $0x1B8B  }
0xa2: {  	_ =	swait.ge [sflag:s23], $0x1  }
0xa3: {  	[sflag:s23] =	ssyncset.done $0x0  }
0xa4: {  	s25 =	simm.s32 $0x1B8E;
	s24 =	sld [smem:$0x3FFE];
	[sflag:s23] =	ssyncadd.s32 $0xFFFFFFFF  }
0xa5: {  	s26 =	simm.s32 $execute0_lowered;
	[smem:$0x3FD2] =	sst s25  }
0xa6: {  	s5 =	sshll.u32 s26, $0x1;
	_ =	strace $0x80000049;
	[dreg:$0x1] =	wrdreg $0xFFFFFFFF  }
0xa7: {  	s28 =	simm.s32 $_size_execute0_lowered;
	s3 =	sadd.s32 s3, s5;
	[dreg:$0x0] =	wrdreg $0x0  }
0xa8: {  	s5 =	sshll.u32 s28, $0x1;
	[dreg:$0x2] =	wrdreg s3  }
0xa9: {  	[dreg:$0x3] =	wrdreg s5  }
0xaa: {  	[dreg:$0x4] =	wrdreg $0xC0  }
0xab: {  	_ =	task [dreg:s7], $0x5FFFF  }
0xac: {  	[dreg:$0x1] =	wrdreg $0xFFFFFFFF  }
0xad: {  	[dreg:$0x0] =	wrdreg $0x60  }
0xae: {  	[dreg:$0x2] =	wrdreg s24  }
0xaf: {  	[dreg:$0x3] =	wrdreg s2  }
0xb0: {  	[dreg:$0x4] =	wrdreg $0x7E000  }
0xb1: {  	[dreg:$0x5] =	wrdreg $0x9  }
0xb2: {  	_ =	task.clear_ibuf [dreg:s7], $0x6FFFF;
	_ =	strace $0x90000049  }
0xb3: {  	s29 =	simm.s32 $0x9;
	_ =	strace $0x8000004B  }
0xb4: {  	_ =	swait.ge [sflag:s29], $0x1  }
0xb5: {  	[sflag:s29] =	ssyncadd.s32 $0xFFFFFFFF  }
0xb6: {  	_ =	strace $0x9000004B  }
0xb7: {  	_ =	sfence  }
0xb8: {  	s30 =	sld [smem:$0x0];
	_ =	sdelay $0x2  }
0xb9: {  	s31 =	sshll.u32 s1, $0xD;
	s1 =	sshrl.u32 s1, $0x2  }
0xba: {  	s3 =	sand.u32 $0x4000, s31;
	s1 =	sadd.s32 s1, s30  }
0xbb: {  	s0 =	sor.u32 s3, s0;
	s1 =	sshll.u32 s1, $0x11  }
0xbc: {  	s0 =	sor.u32 s1, s0  }
0xbd: {  	s0 =	sadd.s32 $0x8F2B, s0  }
0xbe: {  	[sflag:s0] =	ssyncadd.remote.s32 $0x1  }
0xbf: {  	_ =	sfence.sel $0xFFFF  }
0xc0: {  	[dreg:$0x0] =	wrdreg $0xFFFFFFFF;
	(pc) =	sbr.abs _section_cstart, $3  }
0xc1: {  	[dreg:$0x1] =	wrdreg $0xFFFFFFFF  }
0xc2: {  	_ =	task.clear_ibuf [dreg:s7], $0x2FFFF;
	_ =	strace $0x9FFFFFFF  }
0xc3: {  	(tm) =	ssettm $0x7FFFFFFF  }
tec
execute0_lowered:
.L_overlay_start_1:
0x0: {  	(tag) =	ssettag $0x1  }
0x1: {  	s0 =	rddreg [dreg:$0x0]  }
0x2: {  	s2 =	rddreg [dreg:$0x2];
	s3 =	simm.s32 $0x0  }
0x3: {  	s1 =	srdreg.scid;
	s13 =	stileid.u32;
	s28 =	simm.s32 $0xD  }
0x4: {  	s31 =	simm.s32 $0x180;
	[smem:$0x7FF] =	sst s3;
	s5 =	sadd.s32 $0x23E00, s0  }
0x5: {  	s6 =	sadd.s32 $0x72000, s0;
	s1 =	sand.u32 $0x1, s1;
	s9 =	smul.u32 $0x4E000, s13  }
0x6: {  	s29 =	sshll.u32 s13, $0x10;
	s11 =	sshll.u32 s13, $0x6;
	_ =	strace $0x8000004A  }
0x7: {  	s4 =	ssub.s32 $0x2, s1;
	s10 =	sshll.u32 s1, $0xF;
	s15 =	sor.u32 $0x1C0D, s11  }
0x8: {  	s8 =	sshrl.u32 s4, $0x1;
	s9 =	sshrl.u32 s9, $0x2;
	[dreg:$0x5] =	wrdreg s15  }
0x9: {  	s4 =	ssub.s32 s4, s8;
	s8 =	sor.u32 s10, s29;
	s9 =	sadd.s32 s9, s2  }
0xa: {  	s7 =	sadd.s32 $0x3E00, s0;
	[dreg:$0x4] =	wrdreg s9;
	s30 =	sshrl.u32 s8, $0x3  }
0xb: {  	s29 =	smax.u32 s4, $0x1;
	s11 =	sadd.s32 s6, s30;
	s12 =	sadd.s32 s7, s30  }
0xc: {  	s14 =	sor.u32 $0x10, s30;
	s17 =	sor.u32 $0x20, s30;
	[dreg:$0x14] =	wrdreg s29  }
0xd: {  	s18 =	sor.u32 $0x30, s30;
	s21 =	sor.u32 $0x40, s30;
	[dreg:$0x6] =	wrdreg s11  }
0xe: {  	s9 =	sor.u32 $0x50, s30;
	s30 =	sadd.s32 $0x138000, s2;
	[dreg:$0x7] =	wrdreg s12  }
0xf: {  	s0 =	sadd.s32 $0x92000, s0;
	s16 =	sadd.s32 s6, s14;
	[dreg:$0x15] =	wrdreg s30  }
0x10: {  	p0 =	sne.s32 s13, $0xF;
	s10 =	sadd.s32 s7, s14;
	[dreg:$0x8] =	wrdreg s16  }
0x11: {  	s1 =	smul.u32 $0x138800, s1;
	s14 =	sadd.s32 s6, s17;
	[dreg:$0x9] =	wrdreg s10  }
0x12: {  	s12 =	smul.u32 $0x13800, s13;
	s19 =	sadd.s32 s6, s18;
	[dreg:$0xa] =	wrdreg s14  }
0x13: {  	s20 =	sadd.s32 s7, s18;
	s23 =	sadd.s32 s6, s21;
	[dreg:$0xc] =	wrdreg s19  }
0x14: {  	s25 =	sadd.s32 s6, s9;
	s26 =	sadd.s32 s7, s9;
	[dreg:$0xd] =	wrdreg s20  }
0x15: {  	s11 =	simm.s32 $0x1;
	s13 =	simm.s32 $0x600;
	[dreg:$0xe] =	wrdreg s23  }
0x16: {  	s18 =	simm.s32 $0x4;
	s10 =	sadd.s32 s7, s17;
	[dreg:$0x11] =	wrdreg s25  }
0x17: {  	[dreg:$0x12] =	wrdreg s26;
	s14 =	simm.s32 $0x2;
	s16 =	simm.s32 $0x3  }
0x18: {  	s17 =	simm.s32 $0x2E00;
	s19 =	simm.s32 $0x4200;
	s20 =	simm.s32 $0x7  }
0x19: {  	s23 =	simm.s32 $0xB;
	s25 =	simm.s32 $0xC;
	[dreg:$0xb] =	wrdreg s10  }
0x1a: {  	s22 =	sadd.s32 s12, s1;
	s10 =	sadd.s32 s7, s21;
	s1 =	sshrl.u32 s1, $0x3  }
.Ltmp0:
0x1b: {  	s12 =	simm.s32 $0x28;
	s21 =	simm.s32 $0x9;
	(pc) =	sbr.rel .LBB2_1-.Ltmp0, $4  }
0x1c: {  	[dreg:$0xf] =	wrdreg s10;
	s24 =	sshrl.u32 s22, $0x3;
	s22 =	simm.s32 $0xA  }
0x1d: {  	s10 =	sadd.s32 s0, s24;
	s0 =	sadd.s32 s0, s1;
	s24 =	simm.s32 $0x400  }
0x1e: {  	s1 =	simm.s32 $0x480;
	[dreg:$0x10] =	wrdreg s10;
	s0 =	sadd.s32 $0x27000, s0  }
0x1f: {  	s10 =	simm.s32 $0x0;
	[dreg:$0x13] =	wrdreg s0;
	s0 =	simm.s32 $0x100  }
.LBB2_6:
0x20: {  	_ =	swait.ge [sflag:s22], $0x1400  }
0x21: {  	[sflag:s22] =	ssyncset.done $0x0  }
0x22: {  	[sflag:s22] =	ssyncadd.s32 $0xFFFFEC00  }
0x23: {  	[spmem:s2] =	stream.indirect.scatter.add.f32 [tilespmem:s19], [sflag:$0xD], $0x80, s1, s12, $0xb8;
	[tilespmem:$0x1B680] =	vst v63  }
0x24: {  	_ =	swait.ge [sflag:s28], $0x1400  }
0x25: {  	[sflag:s28] =	ssyncset.done $0x0  }
0x26: {  	[sflag:s28] =	ssyncadd.s32 $0xFFFFEC00  }
.LBB2_4:
0x27: {  	[bflag:$0x0] =	sbarrier.arrive $0xFFFF  }
0x28: {  	s15 =	rddreg [dreg:$0x5]  }
0x29: {  	s4 =	rddreg [dreg:$0x10]  }
0x2a: {  	s9 =	rddreg [dreg:$0x17]  }
0x2b: {  	[hbm:s4], [sflag:s15] =	dma.local [spmem:s9], $0x2700  }
0x2c: {  	_ =	swait.ge [sflag:s28], $0x2700  }
0x2d: {  	[sflag:s28] =	ssyncset.done $0x0;
	s4 =	rddreg [dreg:$0x13]  }
0x2e: {  	s9 =	rddreg [dreg:$0x18];
	[sflag:s28] =	ssyncadd.s32 $0xFFFFD900  }
0x2f: {  	[hbm:s4], [sflag:s15] =	dma.local @!p0 [spmem:s9], $0x100  }
0x30: {  	s4 =	simm.s32 @!p0 $0xD  }
0x31: {  	_ =	swait.ge @!p0 [sflag:s4], $0x100  }
0x32: {  	s10 =	rddreg [dreg:$0x16]  }
0x33: {  	s30 =	rddreg [dreg:$0x14];
	s10 =	sadd.s32 $0x1, s10  }
0x34: {  	p1 =	sne.s32 s10, s30  }
.Ltmp1:
0x35: {  	_ = 	snop;
	(pc) =	sbr.rel @!p1 .LBB2_5-.Ltmp1, $3  }
0x36: {  	_ =	sdelay $0x1  }
0x37: {  	[sflag:s4] =	ssyncset.done @!p0 $0x0  }
0x38: {  	s24 =	simm.s32 $0x400;
	[sflag:s4] =	ssyncadd.s32 @!p0 $0xFFFFFF00  }
.LBB2_1:
0x39: {  	[dreg:$0x16] =	wrdreg s10  }
0x3a: {  	s4 =	rddreg [dreg:$0x4]  }
0x3b: {  	s9 =	sshrl.u32 s4, $0x3;
	s4 =	rddreg [dreg:$0x1]  }
0x3c: {  	[dreg:$0x17] =	wrdreg s9  }
0x3d: {  	[spmem:s9], [sflag:s15] =	dma.local [hbm:s4], $0x2700  }
0x3e: {  	_ =	swait.ge [sflag:s28], $0x2700  }
0x3f: {  	s9 =	rddreg [dreg:$0x15]  }
0x40: {  	[sflag:s28] =	ssyncset.done $0x0;
	s9 =	sshrl.u32 @!p0 s9, $0x3  }
0x41: {  	s10 =	simm.s32 @!p0 $0xD;
	[sflag:s28] =	ssyncadd.s32 $0xFFFFD900;
	[dreg:$0x18] =	wrdreg s9  }
0x42: {  	[spmem:s9], [sflag:s15] =	dma.local @!p0 [hbm:s4], $0x100  }
0x43: {  	_ =	swait.ge @!p0 [sflag:s10], $0x100  }
0x44: {  	[sflag:s10] =	ssyncset.done @!p0 $0x0  }
0x45: {  	[sflag:s10] =	ssyncadd.s32 @!p0 $0xFFFFFF00  }
0x46: {  	[bflag:$0x0] =	sbarrier.arrive $0xFFFF  }
0x47: {  	s26 =	rddreg [dreg:$0x6]  }
0x48: {  	[tilespmem:s3], [sflag:$0x1] =	stream.linear.gather [hbm4b:s26+s3], $0x80, $0x38;
	[tilespmem:$0x1B680] =	vst v63  }
0x49: {  	s30 =	simm.s32 $0x300;
	s29 =	rddreg [dreg:$0x7]  }
0x4a: {  	[tilespmem:s30], [sflag:$0x1] =	stream.linear.gather [hbm4b:s29+s3], $0x80, $0x38;
	[tilespmem:$0x1B680] =	vst v63  }
0x4b: {  	s9 =	simm.s32 $0x80;
	s10 =	rddreg [dreg:$0x8]  }
0x4c: {  	[tilespmem:s9], [sflag:$0x2] =	stream.linear.gather [hbm4b:s10+s3], $0x80, $0x38;
	[tilespmem:$0x1B680] =	vst v63  }
0x4d: {  	s15 =	rddreg [dreg:$0x9];
	s26 =	simm.s32 $0x380  }
0x4e: {  	[tilespmem:s26], [sflag:$0x2] =	stream.linear.gather [hbm4b:s15+s3], $0x80, $0x38;
	[tilespmem:$0x1B680] =	vst v63  }
0x4f: {  	s29 =	rddreg [dreg:$0xa]  }
0x50: {  	[tilespmem:s0], [sflag:$0x3] =	stream.linear.gather [hbm4b:s29+s3], $0x80, $0x38;
	[tilespmem:$0x1B680] =	vst v63  }
0x51: {  	s30 =	rddreg [dreg:$0xb]  }
0x52: {  	[tilespmem:s24], [sflag:$0x3] =	stream.linear.gather [hbm4b:s30+s3], $0x80, $0x38;
	[tilespmem:$0x1B680] =	vst v63  }
0x53: {  	s10 =	rddreg [dreg:$0xc]  }
0x54: {  	[tilespmem:s31], [sflag:$0x4] =	stream.linear.gather [hbm4b:s10+s3], $0x80, $0x38;
	[tilespmem:$0x1B680] =	vst v63  }
0x55: {  	s15 =	rddreg [dreg:$0xd]  }
0x56: {  	[tilespmem:s1], [sflag:$0x4] =	stream.linear.gather [hbm4b:s15+s3], $0x80, $0x38;
	[tilespmem:$0x1B680] =	vst v63  }
0x57: {  	s26 =	simm.s32 $0x200;
	s24 =	rddreg [dreg:$0xe]  }
0x58: {  	[tilespmem:s26], [sflag:$0x5] =	stream.linear.gather [hbm4b:s24+s3], $0x80, $0x38;
	[tilespmem:$0x1B680] =	vst v63  }
0x59: {  	s29 =	rddreg [dreg:$0xf];
	s30 =	simm.s32 $0x500  }
0x5a: {  	[tilespmem:s30], [sflag:$0x5] =	stream.linear.gather [hbm4b:s29+s3], $0x80, $0x38;
	[tilespmem:$0x1B680] =	vst v63  }
0x5b: {  	s15 =	rddreg [dreg:$0x11];
	s24 =	simm.s32 $0x280  }
0x5c: {  	[tilespmem:s24], [sflag:$0x6] =	stream.linear.gather [hbm4b:s15+s3], $0x80, $0x38;
	[tilespmem:$0x1B680] =	vst v63  }
0x5d: {  	s26 =	rddreg [dreg:$0x12];
	s29 =	simm.s32 $0x580  }
0x5e: {  	[tilespmem:s29], [sflag:$0x6] =	stream.linear.gather [hbm4b:s26+s3], $0x80, $0x38;
	[tilespmem:$0x1B680] =	vst v63  }
0x5f: {  	_ =	swait.ge [sflag:s11], $0x80  }
0x60: {  	[sflag:s11] =	ssyncset.done $0x0  }
0x61: {  	[sflag:s11] =	ssyncadd.s32 $0xFFFFFF80  }
0x62: {  	_ =	swait.ge [sflag:s11], $0x80  }
0x63: {  	[sflag:s11] =	ssyncset.done $0x0  }
0x64: {  	[sflag:s11] =	ssyncadd.s32 $0xFFFFFF80  }
0x65: {  	[tilespmem:s13], [sflag:$0x7] =	stream.indirect.gather [hbm4b:s5+s12], $0x80, s3, s12, $0xb8;
	[tilespmem:$0x1B680] =	vst v63  }
0x66: {  	_ =	swait.ge [sflag:s14], $0x80  }
0x67: {  	[sflag:s14] =	ssyncset.done $0x0  }
0x68: {  	[sflag:s14] =	ssyncadd.s32 $0xFFFFFF80  }
0x69: {  	_ =	swait.ge [sflag:s14], $0x80  }
0x6a: {  	[sflag:s14] =	ssyncset.done $0x0  }
0x6b: {  	s30 =	simm.s32 $0x1A00;
	[sflag:s14] =	ssyncadd.s32 $0xFFFFFF80  }
0x6c: {  	[tilespmem:s30], [sflag:$0x8] =	stream.indirect.gather [hbm4b:s5+s12], $0x80, s9, s12, $0xb8;
	[tilespmem:$0x1B680] =	vst v63  }
0x6d: {  	_ =	swait.ge [sflag:s16], $0x80  }
0x6e: {  	[sflag:s16] =	ssyncset.done $0x0  }
0x6f: {  	[sflag:s16] =	ssyncadd.s32 $0xFFFFFF80  }
0x70: {  	_ =	swait.ge [sflag:s16], $0x80  }
0x71: {  	[sflag:s16] =	ssyncset.done $0x0  }
0x72: {  	[sflag:s16] =	ssyncadd.s32 $0xFFFFFF80  }
0x73: {  	[tilespmem:s17], [sflag:$0x9] =	stream.indirect.gather [hbm4b:s5+s12], $0x80, s0, s12, $0xb8;
	[tilespmem:$0x1B680] =	vst v63  }
0x74: {  	_ =	swait.ge [sflag:s18], $0x80  }
0x75: {  	[sflag:s18] =	ssyncset.done $0x0  }
0x76: {  	[sflag:s18] =	ssyncadd.s32 $0xFFFFFF80  }
0x77: {  	_ =	swait.ge [sflag:s18], $0x80  }
0x78: {  	[sflag:s18] =	ssyncset.done $0x0  }
0x79: {  	s10 =	simm.s32 $0x0;
	s24 =	simm.s32 $0x580;
	[sflag:s18] =	ssyncadd.s32 $0xFFFFFF80  }
0x7a: {  	[tilespmem:s19], [sflag:$0xA] =	stream.indirect.gather [hbm4b:s5+s12], $0x80, s31, s12, $0xb8;
	[tilespmem:$0x1B680] =	vst v63  }
.LBB2_2:
0x7b: {  	_ =	swait.ge [sflag:s20], $0x1400  }
0x7c: {  	[sflag:s20] =	ssyncset.done $0x0  }
0x7d: {  	s4 =	simm.s32 $0x300;
	[sflag:s20] =	ssyncadd.s32 $0xFFFFEC00  }
0x7e: {  	[spmem:s2] =	stream.indirect.scatter.add.f32 [tilespmem:s13], [sflag:$0xD], $0x80, s4, s12, $0xb8;
	[tilespmem:$0x1B680] =	vst v63  }
0x7f: {  	_ =	swait.ge [sflag:s28], $0x1400  }
0x80: {  	p1 =	seq.s32 s24, $0x8080;
	[sflag:s28] =	ssyncset.done $0x0  }
0x81: {  	s9 =	simm.s32 @p1 $0x8;
	[sflag:s28] =	ssyncadd.s32 $0xFFFFEC00  }
0x82: {  	_ =	swait.ge @p1 [sflag:s9], $0x1400  }
0x83: {  	s29 =	simm.s32 @p1 $0x380;
	[sflag:s9] =	ssyncset.done @p1 $0x0  }
0x84: {  	s15 =	simm.s32 @p1 $0x1A00;
	[sflag:s9] =	ssyncadd.s32 @p1 $0xFFFFEC00;
	s9 =	simm.s32 @p1 $0x28  }
0x85: {  	[spmem:s2] =	stream.indirect.scatter.add.f32 @p1 [tilespmem:s15], [sflag:$0xD], $0x80, s29, s9, $0xb8;
	[tilespmem:$0x1B680] =	vst v63  }
0x86: {  	s9 =	sadd.s32 @!p1 $0xFFFFFD80, s24  }
0x87: {  	s15 =	sand.u32 @!p1 $0x1FC00, s9  }
0x88: {  	s29 =	simm.s32 @p1 $0xD;
	s9 =	sand.u32 @!p1 $0x300, s9;
	s15 =	sadd.s32 @!p1 s8, s15  }
0x89: {  	_ =	swait.ge @p1 [sflag:s29], $0x1400;
	s9 =	sor.u32 @!p1 s9, s15  }
0x8a: {  	[sflag:s29] =	ssyncset.done @p1 $0x0;
	s9 =	sshrl.u32 @!p1 s9, $0x3  }
0x8b: {  	[sflag:s29] =	ssyncadd.s32 @p1 $0xFFFFEC00;
	s29 =	simm.s32 @!p1 $0x0;
	s15 =	sadd.s32 @!p1 s6, s9  }
0x8c: {  	[tilespmem:s29], [sflag:$0x1] =	stream.linear.gather @!p1 [hbm4b:s15+s29], $0x80, $0x38;
	[tilespmem:$0x1B680] =	vst v63  }
0x8d: {  	s9 =	sadd.s32 @!p1 s7, s9;
	s15 =	simm.s32 @!p1 $0x300  }
0x8e: {  	[tilespmem:s15], [sflag:$0x1] =	stream.linear.gather @!p1 [hbm4b:s9+s29], $0x80, $0x38;
	[tilespmem:$0x1B680] =	vst v63  }
0x8f: {  	s9 =	simm.s32 @!p1 $0x5  }
0x90: {  	_ =	swait.ge @!p1 [sflag:s9], $0x80  }
0x91: {  	[sflag:s9] =	ssyncset.done @!p1 $0x0  }
0x92: {  	[sflag:s9] =	ssyncadd.s32 @!p1 $0xFFFFFF80  }
0x93: {  	_ =	swait.ge @!p1 [sflag:s9], $0x80  }
0x94: {  	s30 =	simm.s32 @!p1 $0x5600;
	[sflag:s9] =	ssyncset.done @!p1 $0x0  }
0x95: {  	s15 =	simm.s32 @!p1 $0x200;
	[sflag:s9] =	ssyncadd.s32 @!p1 $0xFFFFFF80;
	s9 =	simm.s32 @!p1 $0x28  }
0x96: {  	[tilespmem:s30], [sflag:$0xB] =	stream.indirect.gather @!p1 [hbm4b:s5+s9], $0x80, s15, s9, $0xb8;
	[tilespmem:$0x1B680] =	vst v63  }
0x97: {  	s15 =	simm.s32 @!p1 $0x8  }
0x98: {  	_ =	swait.ge @!p1 [sflag:s15], $0x1400  }
0x99: {  	[sflag:s15] =	ssyncset.done @!p1 $0x0  }
0x9a: {  	s30 =	simm.s32 @!p1 $0x1A00;
	[sflag:s15] =	ssyncadd.s32 @!p1 $0xFFFFEC00;
	s15 =	simm.s32 @!p1 $0x380  }
0x9b: {  	[spmem:s2] =	stream.indirect.scatter.add.f32 @!p1 [tilespmem:s30], [sflag:$0xD], $0x80, s15, s9, $0xb8;
	[tilespmem:$0x1B680] =	vst v63  }
0x9c: {  	s30 =	sadd.s32 @!p1 $0xFFFFFE00, s24  }
0x9d: {  	s26 =	sand.u32 @!p1 $0x1FC00, s30  }
0x9e: {  	s4 =	simm.s32 @!p1 $0xD;
	s30 =	sand.u32 @!p1 $0x380, s30;
	s26 =	sadd.s32 @!p1 s8, s26  }
0x9f: {  	_ =	swait.ge @!p1 [sflag:s4], $0x1400;
	s26 =	sor.u32 @!p1 s30, s26  }
0xa0: {  	[sflag:s4] =	ssyncset.done @!p1 $0x0;
	s26 =	sshrl.u32 @!p1 s26, $0x3  }
0xa1: {  	[sflag:s4] =	ssyncadd.s32 @!p1 $0xFFFFEC00;
	s30 =	simm.s32 @!p1 $0x80;
	s4 =	sadd.s32 @!p1 s6, s26  }
0xa2: {  	[tilespmem:s30], [sflag:$0x2] =	stream.linear.gather @!p1 [hbm4b:s4+s29], $0x80, $0x38;
	[tilespmem:$0x1B680] =	vst v63  }
0xa3: {  	s4 =	sadd.s32 @!p1 s7, s26  }
0xa4: {  	[tilespmem:s15], [sflag:$0x2] =	stream.linear.gather @!p1 [hbm4b:s4+s29], $0x80, $0x38;
	[tilespmem:$0x1B680] =	vst v63  }
0xa5: {  	s4 =	simm.s32 @!p1 $0x6  }
0xa6: {  	_ =	swait.ge @!p1 [sflag:s4], $0x80  }
0xa7: {  	[sflag:s4] =	ssyncset.done @!p1 $0x0  }
0xa8: {  	[sflag:s4] =	ssyncadd.s32 @!p1 $0xFFFFFF80  }
0xa9: {  	_ =	swait.ge @!p1 [sflag:s4], $0x80  }
0xaa: {  	[sflag:s4] =	ssyncset.done @!p1 $0x0  }
0xab: {  	s15 =	simm.s32 @!p1 $0x6A00;
	[sflag:s4] =	ssyncadd.s32 @!p1 $0xFFFFFF80;
	s4 =	simm.s32 @!p1 $0x280  }
0xac: {  	[tilespmem:s15], [sflag:$0xC] =	stream.indirect.gather @!p1 [hbm4b:s5+s9], $0x80, s4, s9, $0xb8;
	[tilespmem:$0x1B680] =	vst v63  }
0xad: {  	_ =	swait.ge [sflag:s21], $0x1400  }
0xae: {  	[sflag:s21] =	ssyncset.done $0x0  }
.Ltmp2:
0xaf: {  	s15 =	simm.s32 $0x400;
	[sflag:s21] =	ssyncadd.s32 $0xFFFFEC00;
	(pc) =	sbr.rel @p1 .LBB2_6-.Ltmp2, $4  }
0xb0: {  	[spmem:s2] =	stream.indirect.scatter.add.f32 [tilespmem:s17], [sflag:$0xD], $0x80, s15, s12, $0xb8;
	[tilespmem:$0x1B680] =	vst v63  }
0xb1: {  	_ =	swait.ge [sflag:s28], $0x1400  }
0xb2: {  	[sflag:s28] =	ssyncset.done $0x0  }
0xb3: {  	[sflag:s28] =	ssyncadd.s32 $0xFFFFEC00  }
0xb4: {  	s4 =	sadd.s32 $0xFFFFFE80, s24  }
0xb5: {  	s9 =	sadd.s32 $0xFFFFFA80, s24;
	s4 =	sand.u32 $0x1FC00, s4  }
0xb6: {  	s9 =	sand.u32 $0x300, s9;
	s4 =	sadd.s32 s8, s4  }
0xb7: {  	s4 =	sor.u32 s9, s4  }
0xb8: {  	s4 =	sshrl.u32 s4, $0x3  }
0xb9: {  	s29 =	sadd.s32 s6, s4  }
0xba: {  	[tilespmem:s0], [sflag:$0x3] =	stream.linear.gather [hbm4b:s29+s3], $0x80, $0x38;
	[tilespmem:$0x1B680] =	vst v63  }
0xbb: {  	s4 =	sadd.s32 s7, s4  }
0xbc: {  	[tilespmem:s15], [sflag:$0x3] =	stream.linear.gather [hbm4b:s4+s3], $0x80, $0x38;
	[tilespmem:$0x1B680] =	vst v63  }
0xbd: {  	_ =	swait.ge [sflag:s11], $0x80  }
0xbe: {  	[sflag:s11] =	ssyncset.done $0x0  }
0xbf: {  	[sflag:s11] =	ssyncadd.s32 $0xFFFFFF80  }
0xc0: {  	_ =	swait.ge [sflag:s11], $0x80  }
0xc1: {  	[sflag:s11] =	ssyncset.done $0x0  }
0xc2: {  	[sflag:s11] =	ssyncadd.s32 $0xFFFFFF80  }
0xc3: {  	[tilespmem:s13], [sflag:$0x7] =	stream.indirect.gather [hbm4b:s5+s12], $0x80, s3, s12, $0xb8;
	[tilespmem:$0x1B680] =	vst v63  }
0xc4: {  	s30 =	sadd.s32 $0xFFFFFF00, s24;
	_ =	swait.ge [sflag:s22], $0x1400  }
0xc5: {  	s15 =	sand.u32 $0x1FC00, s30;
	[sflag:s22] =	ssyncset.done $0x0  }
0xc6: {  	s4 =	sand.u32 $0x380, s30;
	s9 =	sadd.s32 s8, s15;
	[sflag:s22] =	ssyncadd.s32 $0xFFFFEC00  }
0xc7: {  	[spmem:s2] =	stream.indirect.scatter.add.f32 [tilespmem:s19], [sflag:$0xD], $0x80, s1, s12, $0xb8;
	[tilespmem:$0x1B680] =	vst v63  }
0xc8: {  	s4 =	sor.u32 s4, s9;
	_ =	swait.ge [sflag:s28], $0x1400  }
0xc9: {  	s4 =	sshrl.u32 s4, $0x3;
	[sflag:s28] =	ssyncset.done $0x0  }
0xca: {  	s26 =	sadd.s32 s6, s4;
	[sflag:s28] =	ssyncadd.s32 $0xFFFFEC00  }
0xcb: {  	[tilespmem:s31], [sflag:$0x4] =	stream.linear.gather [hbm4b:s26+s3], $0x80, $0x38;
	[tilespmem:$0x1B680] =	vst v63  }
0xcc: {  	s4 =	sadd.s32 s7, s4  }
0xcd: {  	[tilespmem:s1], [sflag:$0x4] =	stream.linear.gather [hbm4b:s4+s3], $0x80, $0x38;
	[tilespmem:$0x1B680] =	vst v63  }
0xce: {  	_ =	swait.ge [sflag:s14], $0x80  }
0xcf: {  	[sflag:s14] =	ssyncset.done $0x0  }
0xd0: {  	[sflag:s14] =	ssyncadd.s32 $0xFFFFFF80  }
0xd1: {  	_ =	swait.ge [sflag:s14], $0x80  }
0xd2: {  	p1 =	sgt.u32 s10, $0x27;
	s29 =	simm.s32 $0x80;
	[sflag:s14] =	ssyncset.done $0x0  }
0xd3: {  	s30 =	simm.s32 $0x1A00;
	s4 =	sadd.s32 @!p1 $0xFFFFFF80, s24;
	[sflag:s14] =	ssyncadd.s32 $0xFFFFFF80  }
0xd4: {  	[tilespmem:s30], [sflag:$0x8] =	stream.indirect.gather [hbm4b:s5+s12], $0x80, s29, s12, $0xb8;
	[tilespmem:$0x1B680] =	vst v63  }
0xd5: {  	s15 =	simm.s32 $0x500;
	s9 =	sand.u32 @!p1 $0x1FC00, s4;
	_ =	swait.ge [sflag:s23], $0x1400  }
0xd6: {  	s4 =	sand.u32 @!p1 $0x300, s4;
	s9 =	sadd.s32 @!p1 s8, s9;
	[sflag:s23] =	ssyncset.done $0x0  }
0xd7: {  	s26 =	simm.s32 $0x5600;
	s4 =	sor.u32 @!p1 s4, s9;
	[sflag:s23] =	ssyncadd.s32 $0xFFFFEC00  }
0xd8: {  	[spmem:s2] =	stream.indirect.scatter.add.f32 [tilespmem:s26], [sflag:$0xD], $0x80, s15, s12, $0xb8;
	[tilespmem:$0x1B680] =	vst v63  }
0xd9: {  	s4 =	sshrl.u32 @!p1 s4, $0x3;
	_ =	swait.ge [sflag:s28], $0x1400  }
0xda: {  	s9 =	sadd.s32 @!p1 s6, s4;
	[sflag:s28] =	ssyncset.done $0x0  }
0xdb: {  	s15 =	simm.s32 @!p1 $0x0;
	s26 =	simm.s32 @!p1 $0x200;
	[sflag:s28] =	ssyncadd.s32 $0xFFFFEC00  }
0xdc: {  	[tilespmem:s26], [sflag:$0x5] =	stream.linear.gather @!p1 [hbm4b:s9+s15], $0x80, $0x38;
	[tilespmem:$0x1B680] =	vst v63  }
0xdd: {  	s4 =	sadd.s32 @!p1 s7, s4;
	s9 =	simm.s32 @!p1 $0x500  }
0xde: {  	[tilespmem:s9], [sflag:$0x5] =	stream.linear.gather @!p1 [hbm4b:s4+s15], $0x80, $0x38;
	[tilespmem:$0x1B680] =	vst v63  }
0xdf: {  	_ =	swait.ge [sflag:s16], $0x80  }
0xe0: {  	[sflag:s16] =	ssyncset.done $0x0  }
0xe1: {  	[sflag:s16] =	ssyncadd.s32 $0xFFFFFF80  }
0xe2: {  	_ =	swait.ge [sflag:s16], $0x80  }
0xe3: {  	[sflag:s16] =	ssyncset.done $0x0  }
0xe4: {  	[sflag:s16] =	ssyncadd.s32 $0xFFFFFF80  }
0xe5: {  	[tilespmem:s17], [sflag:$0x9] =	stream.indirect.gather [hbm4b:s5+s12], $0x80, s0, s12, $0xb8;
	[tilespmem:$0x1B680] =	vst v63  }
0xe6: {  	s29 =	simm.s32 $0x580;
	_ =	swait.ge [sflag:s25], $0x1400  }
0xe7: {  	s30 =	simm.s32 $0x6A00;
	s4 =	sand.u32 @!p1 $0x1FC00, s24;
	[sflag:s25] =	ssyncset.done $0x0  }
0xe8: {  	s9 =	sand.u32 @!p1 $0x380, s24;
	s4 =	sadd.s32 @!p1 s8, s4;
	[sflag:s25] =	ssyncadd.s32 $0xFFFFEC00  }
0xe9: {  	[spmem:s2] =	stream.indirect.scatter.add.f32 [tilespmem:s30], [sflag:$0xD], $0x80, s29, s12, $0xb8;
	[tilespmem:$0x1B680] =	vst v63  }
0xea: {  	s4 =	sor.u32 @!p1 s9, s4;
	_ =	swait.ge [sflag:s28], $0x1400  }
0xeb: {  	s4 =	sshrl.u32 @!p1 s4, $0x3;
	[sflag:s28] =	ssyncset.done $0x0  }
0xec: {  	s26 =	simm.s32 @!p1 $0x280;
	s9 =	sadd.s32 @!p1 s6, s4;
	[sflag:s28] =	ssyncadd.s32 $0xFFFFEC00  }
0xed: {  	[tilespmem:s26], [sflag:$0x6] =	stream.linear.gather @!p1 [hbm4b:s9+s15], $0x80, $0x38;
	[tilespmem:$0x1B680] =	vst v63  }
0xee: {  	s4 =	sadd.s32 @!p1 s7, s4;
	s9 =	simm.s32 @!p1 $0x580  }
0xef: {  	[tilespmem:s9], [sflag:$0x6] =	stream.linear.gather @!p1 [hbm4b:s4+s15], $0x80, $0x38;
	[tilespmem:$0x1B680] =	vst v63  }
0xf0: {  	s24 =	sadd.s32 $0x300, s24;
	_ =	swait.ge [sflag:s18], $0x80  }
0xf1: {  	p1 =	sne.s32 s24, $0x8380;
	[sflag:s18] =	ssyncset.done $0x0  }
.Ltmp3:
0xf2: {  	[sflag:s18] =	ssyncadd.s32 $0xFFFFFF80;
	(pc) =	sbr.rel @p1 .LBB2_2-.Ltmp3, $4  }
.Ltmp4:
0xf3: {  	_ =	swait.ge [sflag:s18], $0x80;
	(pc) =	sbr.rel @!p1 .LBB2_4-.Ltmp4, $4  }
0xf4: {  	[sflag:s18] =	ssyncset.done $0x0  }
0xf5: {  	s10 =	sadd.s32 $0x1, s10;
	[sflag:s18] =	ssyncadd.s32 $0xFFFFFF80  }
0xf6: {  	[tilespmem:s19], [sflag:$0xA] =	stream.indirect.gather [hbm4b:s5+s12], $0x80, s31, s12, $0xb8;
	[tilespmem:$0x1B680] =	vst v63  }
0xf7: {  	_ = 	snop  }
.LBB2_5:
0xf8: {  	_ =	sfence.sel $0x180000  }
0xf9: {  	[bflag:$0x0] =	sbarrier.arrive $0xFFFF  }
0xfa: {  	_ =	strace $0x9000004A  }
0xfb: {  	s0 =	stileid.u32;
	[bflag:$0x2] =	sbarrier.arrive $0xFFFF  }
0xfc: {  	p0 =	sne.s32 s0, $0x0;
	s0 =	rddreg [dreg:$0x3]  }
0xfd: {  	s0 =	sadd.s32 @!p0 $0x100000, s0  }
0xfe: {  	[sflag:s0] =	ssyncadd.tile.s32 @!p0 $0x1;
	_ =	shalt  }
.Lfunc_end2:
_tile_overlayer_lowered:
.L_overlay_start_2:
0xff: {  	(tag) =	ssettag $0x2  }
0x100: {  	s0 =	rddreg [dreg:$0x0];
	s2 =	stileid.u32  }
0x101: {  	s1 =	rddreg [dreg:$0x1];
	p0 =	sne.s32 s2, $0x0  }
0x102: {  	s3 =	rddreg [dreg:$0x2];
	[bflag:$0x3] =	sbarrier.arrive $0xFFFF;
	s2 =	simm.s32 @!p0 $0x1C0D  }
0x103: {  	[timem:s3], [sflag:s2] =	dma.local @!p0 [hbm:s0], s1  }
0x104: {  	s0 =	simm.s32 @!p0 $0xD  }
0x105: {  	_ =	swait.ge @!p0 [sflag:s0], s1  }
0x106: {  	s1 =	ssub.s32 @!p0 $0x0, s1;
	[sflag:s0] =	ssyncset.done @!p0 $0x0  }
0x107: {  	[sflag:s0] =	ssyncadd.s32 @!p0 s1  }
0x108: {  	[bflag:$0x3] =	sbarrier.arrive $0xFFFF  }
0x109: {  	_ =	shalt  }

// kernel: kernel.17.cloned.1.call-start
scs
__scs_entry_jumppad:
0x0: {  	(pc) =	sbr.rel $0x88, $3  }
0x1: {  	(tag) =	ssettag $0x0;
	lr =	simm.s32 $0x1  }
0x2: {  	[smem:$0x3F95] =	sst lr;
	_ =	strace $0xD0000000  }
0x3: {  	_ = 	snop  }
0x4: {  	_ = 	snop  }
0x5: {  	_ = 	snop  }
0x6: {  	_ = 	snop  }
0x7: {  	_ = 	snop  }
__scs_overlays_trampoline_lowered:
0x8: {  	[smem:$0x3FA4] =	sst s0  }
0x9: {  	[smem:$0x3FA5] =	sst s1  }
0xa: {  	[smem:$0x3FA6] =	sst s2  }
0xb: {  	[smem:$0x3FA7] =	sst s3  }
0xc: {  	[smem:$0x3FA8] =	sst s4  }
0xd: {  	[smem:$0x3FA9] =	sst s5  }
0xe: {  	[smem:$0x3FAA] =	sst s6  }
0xf: {  	[smem:$0x3FAB] =	sst s7  }
0x10: {  	[smem:$0x3FAC] =	sst s8  }
0x11: {  	[smem:$0x3FAD] =	sst s9;
	s0 =	simm.s32 @!p0 $0x0  }
0x12: {  	s1 =	sld [smem:$0x3F93];
	s0 =	simm.s32 @p0 $0x1  }
0x13: {  	[smem:$0x3FAE] =	sst s0;
	s0 =	simm.s32 @!p1 $0x0  }
0x14: {  	s2 =	sld [smem:$0x3F92];
	s0 =	simm.s32 @p1 $0x1  }
0x15: {  	[smem:$0x3FAF] =	sst s0;
	s0 =	simm.s32 @!p2 $0x0  }
0x16: {  	s3 =	sld [smem:$0x3FDB];
	s0 =	simm.s32 @p2 $0x1  }
0x17: {  	s4 =	simm.s32 $0x1BF5;
	[smem:$0x3FB1] =	sst s0  }
0x18: {  	s0 =	sld [smem:$0x3F94];
	_ =	swait.ge [sflag:s4], $0x0  }
0x19: {  	s7 =	sld [smem:$0x3F95]  }
0x1a: {  	s8 =	sadd.s32 $0xFFFFE003, lr  }
0x1b: {  	s9 =	sadd.s32 $0xFFFFFEF7, lr;
	s5 =	simm.s32 $0xFFFFFFFF;
	p2 =	slt.u32 s8, $0xFFFFF086  }
0x1c: {  	p1 =	slt.u32 s9, $0xF7A;
	s5 =	simm.s32 @!p2 $0x0  }
0x1d: {  	s5 =	simm.s32 @p1 $0x1;
	p0 =	seq.s32 s7, s2  }
0x1e: {  	s7 =	smul.u32 @!p0 $0xF7A, s2;
	p2 =	seq.s32 @!p0 s5, $0x0  }
0x1f: {  	s9 =	smul.u32 $0xF7A, s1;
	s8 =	simm.s32 @!p0 $0x1BF5;
	p2 =	por !p2, p0  }
0x20: {  	[sflag:s8] =	ssyncset.s32 @!p0 $0xFFFFF086;
	s6 =	sadd.s32 @!p0 s3, s7;
	s7 =	simm.s32 @!p0 $0x108  }
0x21: {  	s3 =	sadd.s32 s3, s9;
	s6 =	sadd.s32 @!p0 $0x88, s6;
	s7 =	simm.s32 @p2 $0x1082  }
0x22: {  	[simem:s7], [sflag:s8] =	dma.local @!p0 [hbm:s6], $0xF7A  }
0x23: {  	s9 =	sor.u32 $0xD0000000, s2;
	s6 =	simm.s32 $0x108;
	_ =	swait.ge @!p0 [sflag:s8], $0x0  }
0x24: {  	s3 =	sadd.s32 $0x88, s3;
	s6 =	simm.s32 @!p1 $0x1082;
	[sflag:s4] =	ssyncset.s32 $0xFFFFF086  }
0x25: {  	[simem:s6], [sflag:s4] =	dma.local [hbm:s3], $0xF7A  }
0x26: {  	[smem:$0x3F95] =	sst s1;
	(tag) =	ssettag s2;
	_ =	strace s9  }
0x27: {  	s1 =	sld [smem:$0x3FA5]  }
0x28: {  	s2 =	sld [smem:$0x3FA6]  }
0x29: {  	s4 =	sld [smem:$0x3FA8]  }
0x2a: {  	p0 =	seq.s32 s5, $0x0;
	s5 =	sld [smem:$0x3FA9]  }
0x2b: {  	s6 =	sld [smem:$0x3FAA]  }
0x2c: {  	s7 =	sld [smem:$0x3FAB]  }
0x2d: {  	s3 =	simm.s32 $0x108;
	s8 =	sld [smem:$0x3FAC]  }
0x2e: {  	s3 =	simm.s32 @!p0 $0x1082;
	s9 =	sld [smem:$0x3FAD]  }
0x2f: {  	lr =	sadd.s32 s0, s3;
	s0 =	sld [smem:$0x3FA4]  }
0x30: {  	s3 =	sld [smem:$0x3FA7]  }
0x31: {  	[smem:$0x3FB0] =	sst s10  }
0x32: {  	s10 =	sld [smem:$0x3FAE];
	_ =	sdelay $0x3  }
0x33: {  	p0 =	seq.s32 s10, $0x1;
	s10 =	sld [smem:$0x3FB0];
	_ =	sdelay $0x3  }
0x34: {  	[smem:$0x3FB0] =	sst s10  }
0x35: {  	s10 =	sld [smem:$0x3FAF];
	_ =	sdelay $0x3  }
0x36: {  	p1 =	seq.s32 s10, $0x1;
	s10 =	sld [smem:$0x3FB0];
	_ =	sdelay $0x3  }
0x37: {  	[smem:$0x3FB0] =	sst s10  }
0x38: {  	s10 =	sld [smem:$0x3FB1]  }
0x39: {  	_ = 	snop;
	(pc) =	sbr.ind lr, $3  }
0x3a: {  	_ = 	snop  }
0x3b: {  	_ = 	snop  }
0x3c: {  	p2 =	seq.s32 s10, $0x1;
	s10 =	sld [smem:$0x3FB0]  }
0x3d: {  	_ =	shalt  }
0x3e: {  	_ =	shalt  }
0x3f: {  	_ =	shalt  }
0x40: {  	_ =	shalt  }
0x41: {  	_ =	shalt  }
0x42: {  	_ =	shalt  }
0x43: {  	_ =	shalt  }
0x44: {  	_ =	shalt  }
0x45: {  	_ =	shalt  }
0x46: {  	_ =	shalt  }
0x47: {  	_ =	shalt  }
0x48: {  	_ =	shalt  }
0x49: {  	_ =	shalt  }
0x4a: {  	_ =	shalt  }
0x4b: {  	_ =	shalt  }
0x4c: {  	_ =	shalt  }
0x4d: {  	_ =	shalt  }
0x4e: {  	_ =	shalt  }
0x4f: {  	_ =	shalt  }
0x50: {  	_ =	shalt  }
0x51: {  	_ =	shalt  }
0x52: {  	_ =	shalt  }
0x53: {  	_ =	shalt  }
0x54: {  	_ =	shalt  }
0x55: {  	_ =	shalt  }
0x56: {  	_ =	shalt  }
0x57: {  	_ =	shalt  }
0x58: {  	_ =	shalt  }
0x59: {  	_ =	shalt  }
0x5a: {  	_ =	shalt  }
0x5b: {  	_ =	shalt  }
0x5c: {  	_ =	shalt  }
0x5d: {  	_ =	shalt  }
0x5e: {  	_ =	shalt  }
0x5f: {  	_ =	shalt  }
0x60: {  	_ =	shalt  }
0x61: {  	_ =	shalt  }
0x62: {  	_ =	shalt  }
0x63: {  	_ =	shalt  }
0x64: {  	_ =	shalt  }
0x65: {  	_ =	shalt  }
0x66: {  	_ =	shalt  }
0x67: {  	_ =	shalt  }
0x68: {  	_ =	shalt  }
0x69: {  	_ =	shalt  }
0x6a: {  	_ =	shalt  }
0x6b: {  	_ =	shalt  }
0x6c: {  	_ =	shalt  }
0x6d: {  	_ =	shalt  }
0x6e: {  	_ =	shalt  }
0x6f: {  	_ =	shalt  }
0x70: {  	_ =	shalt  }
0x71: {  	_ =	shalt  }
0x72: {  	_ =	shalt  }
0x73: {  	_ =	shalt  }
0x74: {  	_ =	shalt  }
0x75: {  	_ =	shalt  }
0x76: {  	_ =	shalt  }
0x77: {  	_ =	shalt  }
0x78: {  	_ =	shalt  }
0x79: {  	_ =	shalt  }
0x7a: {  	_ =	shalt  }
0x7b: {  	_ =	shalt  }
0x7c: {  	_ =	shalt  }
0x7d: {  	_ =	shalt  }
0x7e: {  	_ =	shalt  }
0x7f: {  	_ =	shalt  }
0x80: {  	_ =	shalt  }
0x81: {  	_ =	shalt  }
0x82: {  	_ =	shalt  }
0x83: {  	_ =	shalt  }
0x84: {  	_ =	shalt  }
0x85: {  	_ =	shalt  }
0x86: {  	_ =	shalt  }
0x87: {  	_ =	shalt  }
.Lfunc_end0:
.L_simem_size_0:
called_computation.2_lowered:
.L_overlay_start_0:
0x88: {  	s2 =	sld [smem:$0x3FD9]  }
0x89: {  	s3 =	sld [smem:$0x3FFE];
	_ =	sdelay $0x1  }
0x8a: {  	s1 =	srdreg.scid  }
0x8b: {  	s0 =	sand.u32 $0x1, s1  }
0x8c: {  	s17 =	sshll.u32 s0, $0xA;
	s2 =	sadd.s32 s3, s2  }
0x8d: {  	s2 =	sadd.s32 s2, s17  }
0x8e: {  	[smem:$0x3FBC] =	sst s2  }
0x8f: {  	_ = 	snop  }
0x90: {  	s2 =	sld [smem:$0x3FD0];
	(tm) =	ssettm $0x1  }
0x91: {  	s18 =	sld [smem:$0x3FFB];
	_ =	sdelay $0x3  }
0x92: {  	_ =	strace s18  }
0x93: {  	s3 =	sld [smem:$0x3FFC];
	_ =	sdelay $0x3  }
0x94: {  	_ =	strace s3  }
0x95: {  	s3 =	sld [smem:$0x3FFD];
	_ =	sdelay $0x3  }
0x96: {  	_ =	strace s3  }
0x97: {  	_ =	strace $0x8FFFFFFF  }
0x98: {  	s19 =	sld [smem:$0x3FDB];
	_ =	sdelay $0x1  }
0x99: {  	s4 =	simm.s32 $_scs_section_size  }
0x9a: {  	s5 =	simm.s32 $_size__tile_overlayer_lowered;
	s6 =	simm.s32 $_tile_overlayer_lowered  }
0x9b: {  	s22 =	simm.s32 $0x1BFF;
	s21 =	sshll.u32 s6, $0x1;
	s3 =	sadd.s32 s4, s19  }
0x9c: {  	s7 =	simm.s32 $0x0;
	s20 =	sshll.u32 s5, $0x1;
	s5 =	sadd.s32 s21, s3  }
0x9d: {  	[timem:s7], [sflag:s22] =	dma.local [hbm:s5], s20  }
0x9e: {  	_ =	swait.ge [sflag:s22], s20  }
0x9f: {  	s4 =	ssub.s32 $0x0, s20;
	[sflag:s22] =	ssyncset.done $0x0  }
0xa0: {  	[sflag:s22] =	ssyncadd.s32 s4;
	_ =	sdelay $0x1  }
0xa1: {  	s23 =	simm.s32 $0x1B8B  }
0xa2: {  	_ =	swait.ge [sflag:s23], $0x1  }
0xa3: {  	[sflag:s23] =	ssyncset.done $0x0  }
0xa4: {  	s25 =	simm.s32 $0x1B8E;
	s24 =	sld [smem:$0x3FFE];
	[sflag:s23] =	ssyncadd.s32 $0xFFFFFFFF  }
0xa5: {  	s26 =	simm.s32 $execute0_lowered;
	[smem:$0x3FD2] =	sst s25  }
0xa6: {  	s5 =	sshll.u32 s26, $0x1;
	_ =	strace $0x8000004C;
	[dreg:$0x1] =	wrdreg $0xFFFFFFFF  }
0xa7: {  	s28 =	simm.s32 $_size_execute0_lowered;
	s3 =	sadd.s32 s3, s5;
	[dreg:$0x0] =	wrdreg $0x0  }
0xa8: {  	s5 =	sshll.u32 s28, $0x1;
	[dreg:$0x2] =	wrdreg s3  }
0xa9: {  	[dreg:$0x3] =	wrdreg s5  }
0xaa: {  	[dreg:$0x4] =	wrdreg $0xC0  }
0xab: {  	_ =	task [dreg:s7], $0x5FFFF  }
0xac: {  	[dreg:$0x1] =	wrdreg $0xFFFFFFFF  }
0xad: {  	[dreg:$0x0] =	wrdreg $0x60  }
0xae: {  	[dreg:$0x2] =	wrdreg s24  }
0xaf: {  	[dreg:$0x3] =	wrdreg s2  }
0xb0: {  	[dreg:$0x4] =	wrdreg $0x7E000  }
0xb1: {  	[dreg:$0x5] =	wrdreg $0x9  }
0xb2: {  	_ =	task.clear_ibuf [dreg:s7], $0x6FFFF;
	_ =	strace $0x9000004C  }
0xb3: {  	s29 =	simm.s32 $0x9;
	_ =	strace $0x8000004E  }
0xb4: {  	_ =	swait.ge [sflag:s29], $0x1  }
0xb5: {  	[sflag:s29] =	ssyncadd.s32 $0xFFFFFFFF  }
0xb6: {  	_ =	strace $0x9000004E  }
0xb7: {  	_ =	sfence  }
0xb8: {  	s30 =	sld [smem:$0x0];
	_ =	sdelay $0x2  }
0xb9: {  	s31 =	sshll.u32 s1, $0xD;
	s1 =	sshrl.u32 s1, $0x2  }
0xba: {  	s3 =	sand.u32 $0x4000, s31;
	s1 =	sadd.s32 s1, s30  }
0xbb: {  	s0 =	sor.u32 s3, s0;
	s1 =	sshll.u32 s1, $0x11  }
0xbc: {  	s0 =	sor.u32 s1, s0  }
0xbd: {  	s0 =	sadd.s32 $0x8F2B, s0  }
0xbe: {  	[sflag:s0] =	ssyncadd.remote.s32 $0x1  }
0xbf: {  	_ =	sfence.sel $0xFFFF  }
0xc0: {  	[dreg:$0x0] =	wrdreg $0xFFFFFFFF;
	(pc) =	sbr.abs _section_cstart, $3  }
0xc1: {  	[dreg:$0x1] =	wrdreg $0xFFFFFFFF  }
0xc2: {  	_ =	task.clear_ibuf [dreg:s7], $0x2FFFF;
	_ =	strace $0x9FFFFFFF  }
0xc3: {  	(tm) =	ssettm $0x7FFFFFFF  }
tec
execute0_lowered:
.L_overlay_start_1:
0x0: {  	(tag) =	ssettag $0x1  }
0x1: {  	s0 =	rddreg [dreg:$0x0]  }
0x2: {  	s2 =	rddreg [dreg:$0x2];
	s3 =	simm.s32 $0x0  }
0x3: {  	s1 =	srdreg.scid;
	s13 =	stileid.u32;
	s28 =	simm.s32 $0xD  }
0x4: {  	s31 =	simm.s32 $0x180;
	[smem:$0x7FF] =	sst s3;
	s5 =	sadd.s32 $0x23E00, s0  }
0x5: {  	s6 =	sadd.s32 $0x72000, s0;
	s1 =	sand.u32 $0x1, s1;
	s9 =	smul.u32 $0x4E000, s13  }
0x6: {  	s29 =	sshll.u32 s13, $0x10;
	s11 =	sshll.u32 s13, $0x6;
	_ =	strace $0x8000004D  }
0x7: {  	s4 =	ssub.s32 $0x2, s1;
	s10 =	sshll.u32 s1, $0xF;
	s15 =	sor.u32 $0x1C0D, s11  }
0x8: {  	s8 =	sshrl.u32 s4, $0x1;
	s9 =	sshrl.u32 s9, $0x2;
	[dreg:$0x5] =	wrdreg s15  }
0x9: {  	s4 =	ssub.s32 s4, s8;
	s8 =	sor.u32 s10, s29;
	s9 =	sadd.s32 s9, s2  }
0xa: {  	s7 =	sadd.s32 $0x3E00, s0;
	[dreg:$0x4] =	wrdreg s9;
	s30 =	sshrl.u32 s8, $0x3  }
0xb: {  	s29 =	smax.u32 s4, $0x1;
	s11 =	sadd.s32 s6, s30;
	s12 =	sadd.s32 s7, s30  }
0xc: {  	s14 =	sor.u32 $0x10, s30;
	s17 =	sor.u32 $0x20, s30;
	[dreg:$0x14] =	wrdreg s29  }
0xd: {  	s18 =	sor.u32 $0x30, s30;
	s21 =	sor.u32 $0x40, s30;
	[dreg:$0x6] =	wrdreg s11  }
0xe: {  	s9 =	sor.u32 $0x50, s30;
	s30 =	sadd.s32 $0x138000, s2;
	[dreg:$0x7] =	wrdreg s12  }
0xf: {  	s0 =	sadd.s32 $0x92000, s0;
	s16 =	sadd.s32 s6, s14;
	[dreg:$0x15] =	wrdreg s30  }
0x10: {  	p0 =	sne.s32 s13, $0xF;
	s10 =	sadd.s32 s7, s14;
	[dreg:$0x8] =	wrdreg s16  }
0x11: {  	s1 =	smul.u32 $0x138800, s1;
	s14 =	sadd.s32 s6, s17;
	[dreg:$0x9] =	wrdreg s10  }
0x12: {  	s12 =	smul.u32 $0x13800, s13;
	s19 =	sadd.s32 s6, s18;
	[dreg:$0xa] =	wrdreg s14  }
0x13: {  	s20 =	sadd.s32 s7, s18;
	s23 =	sadd.s32 s6, s21;
	[dreg:$0xc] =	wrdreg s19  }
0x14: {  	s25 =	sadd.s32 s6, s9;
	s26 =	sadd.s32 s7, s9;
	[dreg:$0xd] =	wrdreg s20  }
0x15: {  	s11 =	simm.s32 $0x1;
	s13 =	simm.s32 $0x600;
	[dreg:$0xe] =	wrdreg s23  }
0x16: {  	s18 =	simm.s32 $0x4;
	s10 =	sadd.s32 s7, s17;
	[dreg:$0x11] =	wrdreg s25  }
0x17: {  	[dreg:$0x12] =	wrdreg s26;
	s14 =	simm.s32 $0x2;
	s16 =	simm.s32 $0x3  }
0x18: {  	s17 =	simm.s32 $0x2E00;
	s19 =	simm.s32 $0x4200;
	s20 =	simm.s32 $0x7  }
0x19: {  	s23 =	simm.s32 $0xB;
	s25 =	simm.s32 $0xC;
	[dreg:$0xb] =	wrdreg s10  }
0x1a: {  	s22 =	sadd.s32 s12, s1;
	s10 =	sadd.s32 s7, s21;
	s1 =	sshrl.u32 s1, $0x3  }
.Ltmp0:
0x1b: {  	s12 =	simm.s32 $0x28;
	s21 =	simm.s32 $0x9;
	(pc) =	sbr.rel .LBB2_1-.Ltmp0, $4  }
0x1c: {  	[dreg:$0xf] =	wrdreg s10;
	s24 =	sshrl.u32 s22, $0x3;
	s22 =	simm.s32 $0xA  }
0x1d: {  	s10 =	sadd.s32 s0, s24;
	s0 =	sadd.s32 s0, s1;
	s24 =	simm.s32 $0x400  }
0x1e: {  	s1 =	simm.s32 $0x480;
	[dreg:$0x10] =	wrdreg s10;
	s0 =	sadd.s32 $0x27000, s0  }
0x1f: {  	s10 =	simm.s32 $0x0;
	[dreg:$0x13] =	wrdreg s0;
	s0 =	simm.s32 $0x100  }
.LBB2_6:
0x20: {  	_ =	swait.ge [sflag:s22], $0x1400  }
0x21: {  	[sflag:s22] =	ssyncset.done $0x0  }
0x22: {  	[sflag:s22] =	ssyncadd.s32 $0xFFFFEC00  }
0x23: {  	[spmem:s2] =	stream.indirect.scatter.add.f32 [tilespmem:s19], [sflag:$0xD], $0x80, s1, s12, $0xb8;
	[tilespmem:$0x1B680] =	vst v63  }
0x24: {  	_ =	swait.ge [sflag:s28], $0x1400  }
0x25: {  	[sflag:s28] =	ssyncset.done $0x0  }
0x26: {  	[sflag:s28] =	ssyncadd.s32 $0xFFFFEC00  }
.LBB2_4:
0x27: {  	[bflag:$0x0] =	sbarrier.arrive $0xFFFF  }
0x28: {  	s15 =	rddreg [dreg:$0x5]  }
0x29: {  	s4 =	rddreg [dreg:$0x10]  }
0x2a: {  	s9 =	rddreg [dreg:$0x17]  }
0x2b: {  	[hbm:s4], [sflag:s15] =	dma.local [spmem:s9], $0x2700  }
0x2c: {  	_ =	swait.ge [sflag:s28], $0x2700  }
0x2d: {  	[sflag:s28] =	ssyncset.done $0x0;
	s4 =	rddreg [dreg:$0x13]  }
0x2e: {  	s9 =	rddreg [dreg:$0x18];
	[sflag:s28] =	ssyncadd.s32 $0xFFFFD900  }
0x2f: {  	[hbm:s4], [sflag:s15] =	dma.local @!p0 [spmem:s9], $0x100  }
0x30: {  	s4 =	simm.s32 @!p0 $0xD  }
0x31: {  	_ =	swait.ge @!p0 [sflag:s4], $0x100  }
0x32: {  	s10 =	rddreg [dreg:$0x16]  }
0x33: {  	s30 =	rddreg [dreg:$0x14];
	s10 =	sadd.s32 $0x1, s10  }
0x34: {  	p1 =	sne.s32 s10, s30  }
.Ltmp1:
0x35: {  	_ = 	snop;
	(pc) =	sbr.rel @!p1 .LBB2_5-.Ltmp1, $3  }
0x36: {  	_ =	sdelay $0x1  }
0x37: {  	[sflag:s4] =	ssyncset.done @!p0 $0x0  }
0x38: {  	s24 =	simm.s32 $0x400;
	[sflag:s4] =	ssyncadd.s32 @!p0 $0xFFFFFF00  }
.LBB2_1:
0x39: {  	[dreg:$0x16] =	wrdreg s10  }
0x3a: {  	s4 =	rddreg [dreg:$0x4]  }
0x3b: {  	s9 =	sshrl.u32 s4, $0x3;
	s4 =	rddreg [dreg:$0x1]  }
0x3c: {  	[dreg:$0x17] =	wrdreg s9  }
0x3d: {  	[spmem:s9], [sflag:s15] =	dma.local [hbm:s4], $0x2700  }
0x3e: {  	_ =	swait.ge [sflag:s28], $0x2700  }
0x3f: {  	s9 =	rddreg [dreg:$0x15]  }
0x40: {  	[sflag:s28] =	ssyncset.done $0x0;
	s9 =	sshrl.u32 @!p0 s9, $0x3  }
0x41: {  	s10 =	simm.s32 @!p0 $0xD;
	[sflag:s28] =	ssyncadd.s32 $0xFFFFD900;
	[dreg:$0x18] =	wrdreg s9  }
0x42: {  	[spmem:s9], [sflag:s15] =	dma.local @!p0 [hbm:s4], $0x100  }
0x43: {  	_ =	swait.ge @!p0 [sflag:s10], $0x100  }
0x44: {  	[sflag:s10] =	ssyncset.done @!p0 $0x0  }
0x45: {  	[sflag:s10] =	ssyncadd.s32 @!p0 $0xFFFFFF00  }
0x46: {  	[bflag:$0x0] =	sbarrier.arrive $0xFFFF  }
0x47: {  	s26 =	rddreg [dreg:$0x6]  }
0x48: {  	[tilespmem:s3], [sflag:$0x1] =	stream.linear.gather [hbm4b:s26+s3], $0x80, $0x38;
	[tilespmem:$0x1B680] =	vst v63  }
0x49: {  	s30 =	simm.s32 $0x300;
	s29 =	rddreg [dreg:$0x7]  }
0x4a: {  	[tilespmem:s30], [sflag:$0x1] =	stream.linear.gather [hbm4b:s29+s3], $0x80, $0x38;
	[tilespmem:$0x1B680] =	vst v63  }
0x4b: {  	s9 =	simm.s32 $0x80;
	s10 =	rddreg [dreg:$0x8]  }
0x4c: {  	[tilespmem:s9], [sflag:$0x2] =	stream.linear.gather [hbm4b:s10+s3], $0x80, $0x38;
	[tilespmem:$0x1B680] =	vst v63  }
0x4d: {  	s15 =	rddreg [dreg:$0x9];
	s26 =	simm.s32 $0x380  }
0x4e: {  	[tilespmem:s26], [sflag:$0x2] =	stream.linear.gather [hbm4b:s15+s3], $0x80, $0x38;
	[tilespmem:$0x1B680] =	vst v63  }
0x4f: {  	s29 =	rddreg [dreg:$0xa]  }
0x50: {  	[tilespmem:s0], [sflag:$0x3] =	stream.linear.gather [hbm4b:s29+s3], $0x80, $0x38;
	[tilespmem:$0x1B680] =	vst v63  }
0x51: {  	s30 =	rddreg [dreg:$0xb]  }
0x52: {  	[tilespmem:s24], [sflag:$0x3] =	stream.linear.gather [hbm4b:s30+s3], $0x80, $0x38;
	[tilespmem:$0x1B680] =	vst v63  }
0x53: {  	s10 =	rddreg [dreg:$0xc]  }
0x54: {  	[tilespmem:s31], [sflag:$0x4] =	stream.linear.gather [hbm4b:s10+s3], $0x80, $0x38;
	[tilespmem:$0x1B680] =	vst v63  }
0x55: {  	s15 =	rddreg [dreg:$0xd]  }
0x56: {  	[tilespmem:s1], [sflag:$0x4] =	stream.linear.gather [hbm4b:s15+s3], $0x80, $0x38;
	[tilespmem:$0x1B680] =	vst v63  }
0x57: {  	s26 =	simm.s32 $0x200;
	s24 =	rddreg [dreg:$0xe]  }
0x58: {  	[tilespmem:s26], [sflag:$0x5] =	stream.linear.gather [hbm4b:s24+s3], $0x80, $0x38;
	[tilespmem:$0x1B680] =	vst v63  }
0x59: {  	s29 =	rddreg [dreg:$0xf];
	s30 =	simm.s32 $0x500  }
0x5a: {  	[tilespmem:s30], [sflag:$0x5] =	stream.linear.gather [hbm4b:s29+s3], $0x80, $0x38;
	[tilespmem:$0x1B680] =	vst v63  }
0x5b: {  	s15 =	rddreg [dreg:$0x11];
	s24 =	simm.s32 $0x280  }
0x5c: {  	[tilespmem:s24], [sflag:$0x6] =	stream.linear.gather [hbm4b:s15+s3], $0x80, $0x38;
	[tilespmem:$0x1B680] =	vst v63  }
0x5d: {  	s26 =	rddreg [dreg:$0x12];
	s29 =	simm.s32 $0x580  }
0x5e: {  	[tilespmem:s29], [sflag:$0x6] =	stream.linear.gather [hbm4b:s26+s3], $0x80, $0x38;
	[tilespmem:$0x1B680] =	vst v63  }
0x5f: {  	_ =	swait.ge [sflag:s11], $0x80  }
0x60: {  	[sflag:s11] =	ssyncset.done $0x0  }
0x61: {  	[sflag:s11] =	ssyncadd.s32 $0xFFFFFF80  }
0x62: {  	_ =	swait.ge [sflag:s11], $0x80  }
0x63: {  	[sflag:s11] =	ssyncset.done $0x0  }
0x64: {  	[sflag:s11] =	ssyncadd.s32 $0xFFFFFF80  }
0x65: {  	[tilespmem:s13], [sflag:$0x7] =	stream.indirect.gather [hbm4b:s5+s12], $0x80, s3, s12, $0xb8;
	[tilespmem:$0x1B680] =	vst v63  }
0x66: {  	_ =	swait.ge [sflag:s14], $0x80  }
0x67: {  	[sflag:s14] =	ssyncset.done $0x0  }
0x68: {  	[sflag:s14] =	ssyncadd.s32 $0xFFFFFF80  }
0x69: {  	_ =	swait.ge [sflag:s14], $0x80  }
0x6a: {  	[sflag:s14] =	ssyncset.done $0x0  }
0x6b: {  	s30 =	simm.s32 $0x1A00;
	[sflag:s14] =	ssyncadd.s32 $0xFFFFFF80  }
0x6c: {  	[tilespmem:s30], [sflag:$0x8] =	stream.indirect.gather [hbm4b:s5+s12], $0x80, s9, s12, $0xb8;
	[tilespmem:$0x1B680] =	vst v63  }
0x6d: {  	_ =	swait.ge [sflag:s16], $0x80  }
0x6e: {  	[sflag:s16] =	ssyncset.done $0x0  }
0x6f: {  	[sflag:s16] =	ssyncadd.s32 $0xFFFFFF80  }
0x70: {  	_ =	swait.ge [sflag:s16], $0x80  }
0x71: {  	[sflag:s16] =	ssyncset.done $0x0  }
0x72: {  	[sflag:s16] =	ssyncadd.s32 $0xFFFFFF80  }
0x73: {  	[tilespmem:s17], [sflag:$0x9] =	stream.indirect.gather [hbm4b:s5+s12], $0x80, s0, s12, $0xb8;
	[tilespmem:$0x1B680] =	vst v63  }
0x74: {  	_ =	swait.ge [sflag:s18], $0x80  }
0x75: {  	[sflag:s18] =	ssyncset.done $0x0  }
0x76: {  	[sflag:s18] =	ssyncadd.s32 $0xFFFFFF80  }
0x77: {  	_ =	swait.ge [sflag:s18], $0x80  }
0x78: {  	[sflag:s18] =	ssyncset.done $0x0  }
0x79: {  	s10 =	simm.s32 $0x0;
	s24 =	simm.s32 $0x580;
	[sflag:s18] =	ssyncadd.s32 $0xFFFFFF80  }
0x7a: {  	[tilespmem:s19], [sflag:$0xA] =	stream.indirect.gather [hbm4b:s5+s12], $0x80, s31, s12, $0xb8;
	[tilespmem:$0x1B680] =	vst v63  }
.LBB2_2:
0x7b: {  	_ =	swait.ge [sflag:s20], $0x1400  }
0x7c: {  	[sflag:s20] =	ssyncset.done $0x0  }
0x7d: {  	s4 =	simm.s32 $0x300;
	[sflag:s20] =	ssyncadd.s32 $0xFFFFEC00  }
0x7e: {  	[spmem:s2] =	stream.indirect.scatter.add.f32 [tilespmem:s13], [sflag:$0xD], $0x80, s4, s12, $0xb8;
	[tilespmem:$0x1B680] =	vst v63  }
0x7f: {  	_ =	swait.ge [sflag:s28], $0x1400  }
0x80: {  	p1 =	seq.s32 s24, $0x8080;
	[sflag:s28] =	ssyncset.done $0x0  }
0x81: {  	s9 =	simm.s32 @p1 $0x8;
	[sflag:s28] =	ssyncadd.s32 $0xFFFFEC00  }
0x82: {  	_ =	swait.ge @p1 [sflag:s9], $0x1400  }
0x83: {  	s29 =	simm.s32 @p1 $0x380;
	[sflag:s9] =	ssyncset.done @p1 $0x0  }
0x84: {  	s15 =	simm.s32 @p1 $0x1A00;
	[sflag:s9] =	ssyncadd.s32 @p1 $0xFFFFEC00;
	s9 =	simm.s32 @p1 $0x28  }
0x85: {  	[spmem:s2] =	stream.indirect.scatter.add.f32 @p1 [tilespmem:s15], [sflag:$0xD], $0x80, s29, s9, $0xb8;
	[tilespmem:$0x1B680] =	vst v63  }
0x86: {  	s9 =	sadd.s32 @!p1 $0xFFFFFD80, s24  }
0x87: {  	s15 =	sand.u32 @!p1 $0x1FC00, s9  }
0x88: {  	s29 =	simm.s32 @p1 $0xD;
	s9 =	sand.u32 @!p1 $0x300, s9;
	s15 =	sadd.s32 @!p1 s8, s15  }
0x89: {  	_ =	swait.ge @p1 [sflag:s29], $0x1400;
	s9 =	sor.u32 @!p1 s9, s15  }
0x8a: {  	[sflag:s29] =	ssyncset.done @p1 $0x0;
	s9 =	sshrl.u32 @!p1 s9, $0x3  }
0x8b: {  	[sflag:s29] =	ssyncadd.s32 @p1 $0xFFFFEC00;
	s29 =	simm.s32 @!p1 $0x0;
	s15 =	sadd.s32 @!p1 s6, s9  }
0x8c: {  	[tilespmem:s29], [sflag:$0x1] =	stream.linear.gather @!p1 [hbm4b:s15+s29], $0x80, $0x38;
	[tilespmem:$0x1B680] =	vst v63  }
0x8d: {  	s9 =	sadd.s32 @!p1 s7, s9;
	s15 =	simm.s32 @!p1 $0x300  }
0x8e: {  	[tilespmem:s15], [sflag:$0x1] =	stream.linear.gather @!p1 [hbm4b:s9+s29], $0x80, $0x38;
	[tilespmem:$0x1B680] =	vst v63  }
0x8f: {  	s9 =	simm.s32 @!p1 $0x5  }
0x90: {  	_ =	swait.ge @!p1 [sflag:s9], $0x80  }
0x91: {  	[sflag:s9] =	ssyncset.done @!p1 $0x0  }
0x92: {  	[sflag:s9] =	ssyncadd.s32 @!p1 $0xFFFFFF80  }
0x93: {  	_ =	swait.ge @!p1 [sflag:s9], $0x80  }
0x94: {  	s30 =	simm.s32 @!p1 $0x5600;
	[sflag:s9] =	ssyncset.done @!p1 $0x0  }
0x95: {  	s15 =	simm.s32 @!p1 $0x200;
	[sflag:s9] =	ssyncadd.s32 @!p1 $0xFFFFFF80;
	s9 =	simm.s32 @!p1 $0x28  }
0x96: {  	[tilespmem:s30], [sflag:$0xB] =	stream.indirect.gather @!p1 [hbm4b:s5+s9], $0x80, s15, s9, $0xb8;
	[tilespmem:$0x1B680] =	vst v63  }
0x97: {  	s15 =	simm.s32 @!p1 $0x8  }
0x98: {  	_ =	swait.ge @!p1 [sflag:s15], $0x1400  }
0x99: {  	[sflag:s15] =	ssyncset.done @!p1 $0x0  }
0x9a: {  	s30 =	simm.s32 @!p1 $0x1A00;
	[sflag:s15] =	ssyncadd.s32 @!p1 $0xFFFFEC00;
	s15 =	simm.s32 @!p1 $0x380  }
0x9b: {  	[spmem:s2] =	stream.indirect.scatter.add.f32 @!p1 [tilespmem:s30], [sflag:$0xD], $0x80, s15, s9, $0xb8;
	[tilespmem:$0x1B680] =	vst v63  }
0x9c: {  	s30 =	sadd.s32 @!p1 $0xFFFFFE00, s24  }
0x9d: {  	s26 =	sand.u32 @!p1 $0x1FC00, s30  }
0x9e: {  	s4 =	simm.s32 @!p1 $0xD;
	s30 =	sand.u32 @!p1 $0x380, s30;
	s26 =	sadd.s32 @!p1 s8, s26  }
0x9f: {  	_ =	swait.ge @!p1 [sflag:s4], $0x1400;
	s26 =	sor.u32 @!p1 s30, s26  }
0xa0: {  	[sflag:s4] =	ssyncset.done @!p1 $0x0;
	s26 =	sshrl.u32 @!p1 s26, $0x3  }
0xa1: {  	[sflag:s4] =	ssyncadd.s32 @!p1 $0xFFFFEC00;
	s30 =	simm.s32 @!p1 $0x80;
	s4 =	sadd.s32 @!p1 s6, s26  }
0xa2: {  	[tilespmem:s30], [sflag:$0x2] =	stream.linear.gather @!p1 [hbm4b:s4+s29], $0x80, $0x38;
	[tilespmem:$0x1B680] =	vst v63  }
0xa3: {  	s4 =	sadd.s32 @!p1 s7, s26  }
0xa4: {  	[tilespmem:s15], [sflag:$0x2] =	stream.linear.gather @!p1 [hbm4b:s4+s29], $0x80, $0x38;
	[tilespmem:$0x1B680] =	vst v63  }
0xa5: {  	s4 =	simm.s32 @!p1 $0x6  }
0xa6: {  	_ =	swait.ge @!p1 [sflag:s4], $0x80  }
0xa7: {  	[sflag:s4] =	ssyncset.done @!p1 $0x0  }
0xa8: {  	[sflag:s4] =	ssyncadd.s32 @!p1 $0xFFFFFF80  }
0xa9: {  	_ =	swait.ge @!p1 [sflag:s4], $0x80  }
0xaa: {  	[sflag:s4] =	ssyncset.done @!p1 $0x0  }
0xab: {  	s15 =	simm.s32 @!p1 $0x6A00;
	[sflag:s4] =	ssyncadd.s32 @!p1 $0xFFFFFF80;
	s4 =	simm.s32 @!p1 $0x280  }
0xac: {  	[tilespmem:s15], [sflag:$0xC] =	stream.indirect.gather @!p1 [hbm4b:s5+s9], $0x80, s4, s9, $0xb8;
	[tilespmem:$0x1B680] =	vst v63  }
0xad: {  	_ =	swait.ge [sflag:s21], $0x1400  }
0xae: {  	[sflag:s21] =	ssyncset.done $0x0  }
.Ltmp2:
0xaf: {  	s15 =	simm.s32 $0x400;
	[sflag:s21] =	ssyncadd.s32 $0xFFFFEC00;
	(pc) =	sbr.rel @p1 .LBB2_6-.Ltmp2, $4  }
0xb0: {  	[spmem:s2] =	stream.indirect.scatter.add.f32 [tilespmem:s17], [sflag:$0xD], $0x80, s15, s12, $0xb8;
	[tilespmem:$0x1B680] =	vst v63  }
0xb1: {  	_ =	swait.ge [sflag:s28], $0x1400  }
0xb2: {  	[sflag:s28] =	ssyncset.done $0x0  }
0xb3: {  	[sflag:s28] =	ssyncadd.s32 $0xFFFFEC00  }
0xb4: {  	s4 =	sadd.s32 $0xFFFFFE80, s24  }
0xb5: {  	s9 =	sadd.s32 $0xFFFFFA80, s24;
	s4 =	sand.u32 $0x1FC00, s4  }
0xb6: {  	s9 =	sand.u32 $0x300, s9;
	s4 =	sadd.s32 s8, s4  }
0xb7: {  	s4 =	sor.u32 s9, s4  }
0xb8: {  	s4 =	sshrl.u32 s4, $0x3  }
0xb9: {  	s29 =	sadd.s32 s6, s4  }
0xba: {  	[tilespmem:s0], [sflag:$0x3] =	stream.linear.gather [hbm4b:s29+s3], $0x80, $0x38;
	[tilespmem:$0x1B680] =	vst v63  }
0xbb: {  	s4 =	sadd.s32 s7, s4  }
0xbc: {  	[tilespmem:s15], [sflag:$0x3] =	stream.linear.gather [hbm4b:s4+s3], $0x80, $0x38;
	[tilespmem:$0x1B680] =	vst v63  }
0xbd: {  	_ =	swait.ge [sflag:s11], $0x80  }
0xbe: {  	[sflag:s11] =	ssyncset.done $0x0  }
0xbf: {  	[sflag:s11] =	ssyncadd.s32 $0xFFFFFF80  }
0xc0: {  	_ =	swait.ge [sflag:s11], $0x80  }
0xc1: {  	[sflag:s11] =	ssyncset.done $0x0  }
0xc2: {  	[sflag:s11] =	ssyncadd.s32 $0xFFFFFF80  }
0xc3: {  	[tilespmem:s13], [sflag:$0x7] =	stream.indirect.gather [hbm4b:s5+s12], $0x80, s3, s12, $0xb8;
	[tilespmem:$0x1B680] =	vst v63  }
0xc4: {  	s30 =	sadd.s32 $0xFFFFFF00, s24;
	_ =	swait.ge [sflag:s22], $0x1400  }
0xc5: {  	s15 =	sand.u32 $0x1FC00, s30;
	[sflag:s22] =	ssyncset.done $0x0  }
0xc6: {  	s4 =	sand.u32 $0x380, s30;
	s9 =	sadd.s32 s8, s15;
	[sflag:s22] =	ssyncadd.s32 $0xFFFFEC00  }
0xc7: {  	[spmem:s2] =	stream.indirect.scatter.add.f32 [tilespmem:s19], [sflag:$0xD], $0x80, s1, s12, $0xb8;
	[tilespmem:$0x1B680] =	vst v63  }
0xc8: {  	s4 =	sor.u32 s4, s9;
	_ =	swait.ge [sflag:s28], $0x1400  }
0xc9: {  	s4 =	sshrl.u32 s4, $0x3;
	[sflag:s28] =	ssyncset.done $0x0  }
0xca: {  	s26 =	sadd.s32 s6, s4;
	[sflag:s28] =	ssyncadd.s32 $0xFFFFEC00  }
0xcb: {  	[tilespmem:s31], [sflag:$0x4] =	stream.linear.gather [hbm4b:s26+s3], $0x80, $0x38;
	[tilespmem:$0x1B680] =	vst v63  }
0xcc: {  	s4 =	sadd.s32 s7, s4  }
0xcd: {  	[tilespmem:s1], [sflag:$0x4] =	stream.linear.gather [hbm4b:s4+s3], $0x80, $0x38;
	[tilespmem:$0x1B680] =	vst v63  }
0xce: {  	_ =	swait.ge [sflag:s14], $0x80  }
0xcf: {  	[sflag:s14] =	ssyncset.done $0x0  }
0xd0: {  	[sflag:s14] =	ssyncadd.s32 $0xFFFFFF80  }
0xd1: {  	_ =	swait.ge [sflag:s14], $0x80  }
0xd2: {  	p1 =	sgt.u32 s10, $0x27;
	s29 =	simm.s32 $0x80;
	[sflag:s14] =	ssyncset.done $0x0  }
0xd3: {  	s30 =	simm.s32 $0x1A00;
	s4 =	sadd.s32 @!p1 $0xFFFFFF80, s24;
	[sflag:s14] =	ssyncadd.s32 $0xFFFFFF80  }
0xd4: {  	[tilespmem:s30], [sflag:$0x8] =	stream.indirect.gather [hbm4b:s5+s12], $0x80, s29, s12, $0xb8;
	[tilespmem:$0x1B680] =	vst v63  }
0xd5: {  	s15 =	simm.s32 $0x500;
	s9 =	sand.u32 @!p1 $0x1FC00, s4;
	_ =	swait.ge [sflag:s23], $0x1400  }
0xd6: {  	s4 =	sand.u32 @!p1 $0x300, s4;
	s9 =	sadd.s32 @!p1 s8, s9;
	[sflag:s23] =	ssyncset.done $0x0  }
0xd7: {  	s26 =	simm.s32 $0x5600;
	s4 =	sor.u32 @!p1 s4, s9;
	[sflag:s23] =	ssyncadd.s32 $0xFFFFEC00  }
0xd8: {  	[spmem:s2] =	stream.indirect.scatter.add.f32 [tilespmem:s26], [sflag:$0xD], $0x80, s15, s12, $0xb8;
	[tilespmem:$0x1B680] =	vst v63  }
0xd9: {  	s4 =	sshrl.u32 @!p1 s4, $0x3;
	_ =	swait.ge [sflag:s28], $0x1400  }
0xda: {  	s9 =	sadd.s32 @!p1 s6, s4;
	[sflag:s28] =	ssyncset.done $0x0  }
0xdb: {  	s15 =	simm.s32 @!p1 $0x0;
	s26 =	simm.s32 @!p1 $0x200;
	[sflag:s28] =	ssyncadd.s32 $0xFFFFEC00  }
0xdc: {  	[tilespmem:s26], [sflag:$0x5] =	stream.linear.gather @!p1 [hbm4b:s9+s15], $0x80, $0x38;
	[tilespmem:$0x1B680] =	vst v63  }
0xdd: {  	s4 =	sadd.s32 @!p1 s7, s4;
	s9 =	simm.s32 @!p1 $0x500  }
0xde: {  	[tilespmem:s9], [sflag:$0x5] =	stream.linear.gather @!p1 [hbm4b:s4+s15], $0x80, $0x38;
	[tilespmem:$0x1B680] =	vst v63  }
0xdf: {  	_ =	swait.ge [sflag:s16], $0x80  }
0xe0: {  	[sflag:s16] =	ssyncset.done $0x0  }
0xe1: {  	[sflag:s16] =	ssyncadd.s32 $0xFFFFFF80  }
0xe2: {  	_ =	swait.ge [sflag:s16], $0x80  }
0xe3: {  	[sflag:s16] =	ssyncset.done $0x0  }
0xe4: {  	[sflag:s16] =	ssyncadd.s32 $0xFFFFFF80  }
0xe5: {  	[tilespmem:s17], [sflag:$0x9] =	stream.indirect.gather [hbm4b:s5+s12], $0x80, s0, s12, $0xb8;
	[tilespmem:$0x1B680] =	vst v63  }
0xe6: {  	s29 =	simm.s32 $0x580;
	_ =	swait.ge [sflag:s25], $0x1400  }
0xe7: {  	s30 =	simm.s32 $0x6A00;
	s4 =	sand.u32 @!p1 $0x1FC00, s24;
	[sflag:s25] =	ssyncset.done $0x0  }
0xe8: {  	s9 =	sand.u32 @!p1 $0x380, s24;
	s4 =	sadd.s32 @!p1 s8, s4;
	[sflag:s25] =	ssyncadd.s32 $0xFFFFEC00  }
0xe9: {  	[spmem:s2] =	stream.indirect.scatter.add.f32 [tilespmem:s30], [sflag:$0xD], $0x80, s29, s12, $0xb8;
	[tilespmem:$0x1B680] =	vst v63  }
0xea: {  	s4 =	sor.u32 @!p1 s9, s4;
	_ =	swait.ge [sflag:s28], $0x1400  }
0xeb: {  	s4 =	sshrl.u32 @!p1 s4, $0x3;
	[sflag:s28] =	ssyncset.done $0x0  }
0xec: {  	s26 =	simm.s32 @!p1 $0x280;
	s9 =	sadd.s32 @!p1 s6, s4;
	[sflag:s28] =	ssyncadd.s32 $0xFFFFEC00  }
0xed: {  	[tilespmem:s26], [sflag:$0x6] =	stream.linear.gather @!p1 [hbm4b:s9+s15], $0x80, $0x38;
	[tilespmem:$0x1B680] =	vst v63  }
0xee: {  	s4 =	sadd.s32 @!p1 s7, s4;
	s9 =	simm.s32 @!p1 $0x580  }
0xef: {  	[tilespmem:s9], [sflag:$0x6] =	stream.linear.gather @!p1 [hbm4b:s4+s15], $0x80, $0x38;
	[tilespmem:$0x1B680] =	vst v63  }
0xf0: {  	s24 =	sadd.s32 $0x300, s24;
	_ =	swait.ge [sflag:s18], $0x80  }
0xf1: {  	p1 =	sne.s32 s24, $0x8380;
	[sflag:s18] =	ssyncset.done $0x0  }
.Ltmp3:
0xf2: {  	[sflag:s18] =	ssyncadd.s32 $0xFFFFFF80;
	(pc) =	sbr.rel @p1 .LBB2_2-.Ltmp3, $4  }
.Ltmp4:
0xf3: {  	_ =	swait.ge [sflag:s18], $0x80;
	(pc) =	sbr.rel @!p1 .LBB2_4-.Ltmp4, $4  }
0xf4: {  	[sflag:s18] =	ssyncset.done $0x0  }
0xf5: {  	s10 =	sadd.s32 $0x1, s10;
	[sflag:s18] =	ssyncadd.s32 $0xFFFFFF80  }
0xf6: {  	[tilespmem:s19], [sflag:$0xA] =	stream.indirect.gather [hbm4b:s5+s12], $0x80, s31, s12, $0xb8;
	[tilespmem:$0x1B680] =	vst v63  }
0xf7: {  	_ = 	snop  }
.LBB2_5:
0xf8: {  	_ =	sfence.sel $0x180000  }
0xf9: {  	[bflag:$0x0] =	sbarrier.arrive $0xFFFF  }
0xfa: {  	_ =	strace $0x9000004D  }
0xfb: {  	s0 =	stileid.u32;
	[bflag:$0x2] =	sbarrier.arrive $0xFFFF  }
0xfc: {  	p0 =	sne.s32 s0, $0x0;
	s0 =	rddreg [dreg:$0x3]  }
0xfd: {  	s0 =	sadd.s32 @!p0 $0x100000, s0  }
0xfe: {  	[sflag:s0] =	ssyncadd.tile.s32 @!p0 $0x1;
	_ =	shalt  }
.Lfunc_end2:
_tile_overlayer_lowered:
.L_overlay_start_2:
0xff: {  	(tag) =	ssettag $0x2  }
0x100: {  	s0 =	rddreg [dreg:$0x0];
	s2 =	stileid.u32  }
0x101: {  	s1 =	rddreg [dreg:$0x1];
	p0 =	sne.s32 s2, $0x0  }
0x102: {  	s3 =	rddreg [dreg:$0x2];
	[bflag:$0x3] =	sbarrier.arrive $0xFFFF;
	s2 =	simm.s32 @!p0 $0x1C0D  }
0x103: {  	[timem:s3], [sflag:s2] =	dma.local @!p0 [hbm:s0], s1  }
0x104: {  	s0 =	simm.s32 @!p0 $0xD  }
0x105: {  	_ =	swait.ge @!p0 [sflag:s0], s1  }
0x106: {  	s1 =	ssub.s32 @!p0 $0x0, s1;
	[sflag:s0] =	ssyncset.done @!p0 $0x0  }
0x107: {  	[sflag:s0] =	ssyncadd.s32 @!p0 s1  }
0x108: {  	[bflag:$0x3] =	sbarrier.arrive $0xFFFF  }
0x109: {  	_ =	shalt  }

// kernel: kernel.20.cloned.1.call-start
scs
__scs_entry_jumppad:
0x0: {  	(pc) =	sbr.rel $0x88, $3  }
0x1: {  	(tag) =	ssettag $0x0;
	lr =	simm.s32 $0x1  }
0x2: {  	[smem:$0x3F95] =	sst lr;
	_ =	strace $0xD0000000  }
0x3: {  	_ = 	snop  }
0x4: {  	_ = 	snop  }
0x5: {  	_ = 	snop  }
0x6: {  	_ = 	snop  }
0x7: {  	_ = 	snop  }
__scs_overlays_trampoline_lowered:
0x8: {  	[smem:$0x3FA4] =	sst s0  }
0x9: {  	[smem:$0x3FA5] =	sst s1  }
0xa: {  	[smem:$0x3FA6] =	sst s2  }
0xb: {  	[smem:$0x3FA7] =	sst s3  }
0xc: {  	[smem:$0x3FA8] =	sst s4  }
0xd: {  	[smem:$0x3FA9] =	sst s5  }
0xe: {  	[smem:$0x3FAA] =	sst s6  }
0xf: {  	[smem:$0x3FAB] =	sst s7  }
0x10: {  	[smem:$0x3FAC] =	sst s8  }
0x11: {  	[smem:$0x3FAD] =	sst s9;
	s0 =	simm.s32 @!p0 $0x0  }
0x12: {  	s1 =	sld [smem:$0x3F93];
	s0 =	simm.s32 @p0 $0x1  }
0x13: {  	[smem:$0x3FAE] =	sst s0;
	s0 =	simm.s32 @!p1 $0x0  }
0x14: {  	s2 =	sld [smem:$0x3F92];
	s0 =	simm.s32 @p1 $0x1  }
0x15: {  	[smem:$0x3FAF] =	sst s0;
	s0 =	simm.s32 @!p2 $0x0  }
0x16: {  	s3 =	sld [smem:$0x3FDB];
	s0 =	simm.s32 @p2 $0x1  }
0x17: {  	s4 =	simm.s32 $0x1BF5;
	[smem:$0x3FB1] =	sst s0  }
0x18: {  	s0 =	sld [smem:$0x3F94];
	_ =	swait.ge [sflag:s4], $0x0  }
0x19: {  	s7 =	sld [smem:$0x3F95]  }
0x1a: {  	s8 =	sadd.s32 $0xFFFFE003, lr  }
0x1b: {  	s9 =	sadd.s32 $0xFFFFFEF7, lr;
	s5 =	simm.s32 $0xFFFFFFFF;
	p2 =	slt.u32 s8, $0xFFFFF086  }
0x1c: {  	p1 =	slt.u32 s9, $0xF7A;
	s5 =	simm.s32 @!p2 $0x0  }
0x1d: {  	s5 =	simm.s32 @p1 $0x1;
	p0 =	seq.s32 s7, s2  }
0x1e: {  	s7 =	smul.u32 @!p0 $0xF7A, s2;
	p2 =	seq.s32 @!p0 s5, $0x0  }
0x1f: {  	s9 =	smul.u32 $0xF7A, s1;
	s8 =	simm.s32 @!p0 $0x1BF5;
	p2 =	por !p2, p0  }
0x20: {  	[sflag:s8] =	ssyncset.s32 @!p0 $0xFFFFF086;
	s6 =	sadd.s32 @!p0 s3, s7;
	s7 =	simm.s32 @!p0 $0x108  }
0x21: {  	s3 =	sadd.s32 s3, s9;
	s6 =	sadd.s32 @!p0 $0x88, s6;
	s7 =	simm.s32 @p2 $0x1082  }
0x22: {  	[simem:s7], [sflag:s8] =	dma.local @!p0 [hbm:s6], $0xF7A  }
0x23: {  	s9 =	sor.u32 $0xD0000000, s2;
	s6 =	simm.s32 $0x108;
	_ =	swait.ge @!p0 [sflag:s8], $0x0  }
0x24: {  	s3 =	sadd.s32 $0x88, s3;
	s6 =	simm.s32 @!p1 $0x1082;
	[sflag:s4] =	ssyncset.s32 $0xFFFFF086  }
0x25: {  	[simem:s6], [sflag:s4] =	dma.local [hbm:s3], $0xF7A  }
0x26: {  	[smem:$0x3F95] =	sst s1;
	(tag) =	ssettag s2;
	_ =	strace s9  }
0x27: {  	s1 =	sld [smem:$0x3FA5]  }
0x28: {  	s2 =	sld [smem:$0x3FA6]  }
0x29: {  	s4 =	sld [smem:$0x3FA8]  }
0x2a: {  	p0 =	seq.s32 s5, $0x0;
	s5 =	sld [smem:$0x3FA9]  }
0x2b: {  	s6 =	sld [smem:$0x3FAA]  }
0x2c: {  	s7 =	sld [smem:$0x3FAB]  }
0x2d: {  	s3 =	simm.s32 $0x108;
	s8 =	sld [smem:$0x3FAC]  }
0x2e: {  	s3 =	simm.s32 @!p0 $0x1082;
	s9 =	sld [smem:$0x3FAD]  }
0x2f: {  	lr =	sadd.s32 s0, s3;
	s0 =	sld [smem:$0x3FA4]  }
0x30: {  	s3 =	sld [smem:$0x3FA7]  }
0x31: {  	[smem:$0x3FB0] =	sst s10  }
0x32: {  	s10 =	sld [smem:$0x3FAE];
	_ =	sdelay $0x3  }
0x33: {  	p0 =	seq.s32 s10, $0x1;
	s10 =	sld [smem:$0x3FB0];
	_ =	sdelay $0x3  }
0x34: {  	[smem:$0x3FB0] =	sst s10  }
0x35: {  	s10 =	sld [smem:$0x3FAF];
	_ =	sdelay $0x3  }
0x36: {  	p1 =	seq.s32 s10, $0x1;
	s10 =	sld [smem:$0x3FB0];
	_ =	sdelay $0x3  }
0x37: {  	[smem:$0x3FB0] =	sst s10  }
0x38: {  	s10 =	sld [smem:$0x3FB1]  }
0x39: {  	_ = 	snop;
	(pc) =	sbr.ind lr, $3  }
0x3a: {  	_ = 	snop  }
0x3b: {  	_ = 	snop  }
0x3c: {  	p2 =	seq.s32 s10, $0x1;
	s10 =	sld [smem:$0x3FB0]  }
0x3d: {  	_ =	shalt  }
0x3e: {  	_ =	shalt  }
0x3f: {  	_ =	shalt  }
0x40: {  	_ =	shalt  }
0x41: {  	_ =	shalt  }
0x42: {  	_ =	shalt  }
0x43: {  	_ =	shalt  }
0x44: {  	_ =	shalt  }
0x45: {  	_ =	shalt  }
0x46: {  	_ =	shalt  }
0x47: {  	_ =	shalt  }
0x48: {  	_ =	shalt  }
0x49: {  	_ =	shalt  }
0x4a: {  	_ =	shalt  }
0x4b: {  	_ =	shalt  }
0x4c: {  	_ =	shalt  }
0x4d: {  	_ =	shalt  }
0x4e: {  	_ =	shalt  }
0x4f: {  	_ =	shalt  }
0x50: {  	_ =	shalt  }
0x51: {  	_ =	shalt  }
0x52: {  	_ =	shalt  }
0x53: {  	_ =	shalt  }
0x54: {  	_ =	shalt  }
0x55: {  	_ =	shalt  }
0x56: {  	_ =	shalt  }
0x57: {  	_ =	shalt  }
0x58: {  	_ =	shalt  }
0x59: {  	_ =	shalt  }
0x5a: {  	_ =	shalt  }
0x5b: {  	_ =	shalt  }
0x5c: {  	_ =	shalt  }
0x5d: {  	_ =	shalt  }
0x5e: {  	_ =	shalt  }
0x5f: {  	_ =	shalt  }
0x60: {  	_ =	shalt  }
0x61: {  	_ =	shalt  }
0x62: {  	_ =	shalt  }
0x63: {  	_ =	shalt  }
0x64: {  	_ =	shalt  }
0x65: {  	_ =	shalt  }
0x66: {  	_ =	shalt  }
0x67: {  	_ =	shalt  }
0x68: {  	_ =	shalt  }
0x69: {  	_ =	shalt  }
0x6a: {  	_ =	shalt  }
0x6b: {  	_ =	shalt  }
0x6c: {  	_ =	shalt  }
0x6d: {  	_ =	shalt  }
0x6e: {  	_ =	shalt  }
0x6f: {  	_ =	shalt  }
0x70: {  	_ =	shalt  }
0x71: {  	_ =	shalt  }
0x72: {  	_ =	shalt  }
0x73: {  	_ =	shalt  }
0x74: {  	_ =	shalt  }
0x75: {  	_ =	shalt  }
0x76: {  	_ =	shalt  }
0x77: {  	_ =	shalt  }
0x78: {  	_ =	shalt  }
0x79: {  	_ =	shalt  }
0x7a: {  	_ =	shalt  }
0x7b: {  	_ =	shalt  }
0x7c: {  	_ =	shalt  }
0x7d: {  	_ =	shalt  }
0x7e: {  	_ =	shalt  }
0x7f: {  	_ =	shalt  }
0x80: {  	_ =	shalt  }
0x81: {  	_ =	shalt  }
0x82: {  	_ =	shalt  }
0x83: {  	_ =	shalt  }
0x84: {  	_ =	shalt  }
0x85: {  	_ =	shalt  }
0x86: {  	_ =	shalt  }
0x87: {  	_ =	shalt  }
.Lfunc_end0:
.L_simem_size_0:
called_computation.3_lowered:
.L_overlay_start_0:
0x88: {  	s2 =	sld [smem:$0x3FD9]  }
0x89: {  	s3 =	sld [smem:$0x3FFE];
	_ =	sdelay $0x1  }
0x8a: {  	s1 =	srdreg.scid  }
0x8b: {  	s0 =	sand.u32 $0x1, s1  }
0x8c: {  	s17 =	sshll.u32 s0, $0xA;
	s2 =	sadd.s32 s3, s2  }
0x8d: {  	s2 =	sadd.s32 s2, s17  }
0x8e: {  	[smem:$0x3FBC] =	sst s2  }
0x8f: {  	_ = 	snop  }
0x90: {  	s2 =	sld [smem:$0x3FD0];
	(tm) =	ssettm $0x1  }
0x91: {  	s18 =	sld [smem:$0x3FFB];
	_ =	sdelay $0x3  }
0x92: {  	_ =	strace s18  }
0x93: {  	s3 =	sld [smem:$0x3FFC];
	_ =	sdelay $0x3  }
0x94: {  	_ =	strace s3  }
0x95: {  	s3 =	sld [smem:$0x3FFD];
	_ =	sdelay $0x3  }
0x96: {  	_ =	strace s3  }
0x97: {  	_ =	strace $0x8FFFFFFF  }
0x98: {  	s19 =	sld [smem:$0x3FDB];
	_ =	sdelay $0x1  }
0x99: {  	s4 =	simm.s32 $_scs_section_size  }
0x9a: {  	s5 =	simm.s32 $_size__tile_overlayer_lowered;
	s6 =	simm.s32 $_tile_overlayer_lowered  }
0x9b: {  	s22 =	simm.s32 $0x1BFF;
	s21 =	sshll.u32 s6, $0x1;
	s3 =	sadd.s32 s4, s19  }
0x9c: {  	s7 =	simm.s32 $0x0;
	s20 =	sshll.u32 s5, $0x1;
	s5 =	sadd.s32 s21, s3  }
0x9d: {  	[timem:s7], [sflag:s22] =	dma.local [hbm:s5], s20  }
0x9e: {  	_ =	swait.ge [sflag:s22], s20  }
0x9f: {  	s4 =	ssub.s32 $0x0, s20;
	[sflag:s22] =	ssyncset.done $0x0  }
0xa0: {  	[sflag:s22] =	ssyncadd.s32 s4;
	_ =	sdelay $0x1  }
0xa1: {  	s23 =	simm.s32 $0x1B8B  }
0xa2: {  	_ =	swait.ge [sflag:s23], $0x1  }
0xa3: {  	[sflag:s23] =	ssyncset.done $0x0  }
0xa4: {  	s25 =	simm.s32 $0x1B8E;
	s24 =	sld [smem:$0x3FFE];
	[sflag:s23] =	ssyncadd.s32 $0xFFFFFFFF  }
0xa5: {  	s26 =	simm.s32 $execute0_lowered;
	[smem:$0x3FD2] =	sst s25  }
0xa6: {  	s5 =	sshll.u32 s26, $0x1;
	_ =	strace $0x8000004F;
	[dreg:$0x1] =	wrdreg $0xFFFFFFFF  }
0xa7: {  	s28 =	simm.s32 $_size_execute0_lowered;
	s3 =	sadd.s32 s3, s5;
	[dreg:$0x0] =	wrdreg $0x0  }
0xa8: {  	s5 =	sshll.u32 s28, $0x1;
	[dreg:$0x2] =	wrdreg s3  }
0xa9: {  	[dreg:$0x3] =	wrdreg s5  }
0xaa: {  	[dreg:$0x4] =	wrdreg $0xC0  }
0xab: {  	_ =	task [dreg:s7], $0x5FFFF  }
0xac: {  	[dreg:$0x1] =	wrdreg $0xFFFFFFFF  }
0xad: {  	[dreg:$0x0] =	wrdreg $0x60  }
0xae: {  	[dreg:$0x2] =	wrdreg s24  }
0xaf: {  	[dreg:$0x3] =	wrdreg s2  }
0xb0: {  	[dreg:$0x4] =	wrdreg $0x7E000  }
0xb1: {  	[dreg:$0x5] =	wrdreg $0x9  }
0xb2: {  	_ =	task.clear_ibuf [dreg:s7], $0x6FFFF;
	_ =	strace $0x9000004F  }
0xb3: {  	s29 =	simm.s32 $0x9;
	_ =	strace $0x80000051  }
0xb4: {  	_ =	swait.ge [sflag:s29], $0x1  }
0xb5: {  	[sflag:s29] =	ssyncadd.s32 $0xFFFFFFFF  }
0xb6: {  	_ =	strace $0x90000051  }
0xb7: {  	_ =	sfence  }
0xb8: {  	s30 =	sld [smem:$0x0];
	_ =	sdelay $0x2  }
0xb9: {  	s31 =	sshll.u32 s1, $0xD;
	s1 =	sshrl.u32 s1, $0x2  }
0xba: {  	s3 =	sand.u32 $0x4000, s31;
	s1 =	sadd.s32 s1, s30  }
0xbb: {  	s0 =	sor.u32 s3, s0;
	s1 =	sshll.u32 s1, $0x11  }
0xbc: {  	s0 =	sor.u32 s1, s0  }
0xbd: {  	s0 =	sadd.s32 $0x8F2B, s0  }
0xbe: {  	[sflag:s0] =	ssyncadd.remote.s32 $0x1  }
0xbf: {  	_ =	sfence.sel $0xFFFF  }
0xc0: {  	[dreg:$0x0] =	wrdreg $0xFFFFFFFF;
	(pc) =	sbr.abs _section_cstart, $3  }
0xc1: {  	[dreg:$0x1] =	wrdreg $0xFFFFFFFF  }
0xc2: {  	_ =	task.clear_ibuf [dreg:s7], $0x2FFFF;
	_ =	strace $0x9FFFFFFF  }
0xc3: {  	(tm) =	ssettm $0x7FFFFFFF  }
tec
execute0_lowered:
.L_overlay_start_1:
0x0: {  	(tag) =	ssettag $0x1  }
0x1: {  	s0 =	rddreg [dreg:$0x0]  }
0x2: {  	s2 =	rddreg [dreg:$0x2];
	s3 =	simm.s32 $0x0  }
0x3: {  	s1 =	srdreg.scid;
	s13 =	stileid.u32;
	s28 =	simm.s32 $0xD  }
0x4: {  	s31 =	simm.s32 $0x180;
	[smem:$0x7FF] =	sst s3;
	s5 =	sadd.s32 $0x23E00, s0  }
0x5: {  	s6 =	sadd.s32 $0x72000, s0;
	s1 =	sand.u32 $0x1, s1;
	s9 =	smul.u32 $0x4E000, s13  }
0x6: {  	s29 =	sshll.u32 s13, $0x10;
	s11 =	sshll.u32 s13, $0x6;
	_ =	strace $0x80000050  }
0x7: {  	s4 =	ssub.s32 $0x2, s1;
	s10 =	sshll.u32 s1, $0xF;
	s15 =	sor.u32 $0x1C0D, s11  }
0x8: {  	s8 =	sshrl.u32 s4, $0x1;
	s9 =	sshrl.u32 s9, $0x2;
	[dreg:$0x5] =	wrdreg s15  }
0x9: {  	s4 =	ssub.s32 s4, s8;
	s8 =	sor.u32 s10, s29;
	s9 =	sadd.s32 s9, s2  }
0xa: {  	s7 =	sadd.s32 $0x3E00, s0;
	[dreg:$0x4] =	wrdreg s9;
	s30 =	sshrl.u32 s8, $0x3  }
0xb: {  	s29 =	smax.u32 s4, $0x1;
	s11 =	sadd.s32 s6, s30;
	s12 =	sadd.s32 s7, s30  }
0xc: {  	s14 =	sor.u32 $0x10, s30;
	s17 =	sor.u32 $0x20, s30;
	[dreg:$0x14] =	wrdreg s29  }
0xd: {  	s18 =	sor.u32 $0x30, s30;
	s21 =	sor.u32 $0x40, s30;
	[dreg:$0x6] =	wrdreg s11  }
0xe: {  	s9 =	sor.u32 $0x50, s30;
	s30 =	sadd.s32 $0x138000, s2;
	[dreg:$0x7] =	wrdreg s12  }
0xf: {  	s0 =	sadd.s32 $0x92000, s0;
	s16 =	sadd.s32 s6, s14;
	[dreg:$0x15] =	wrdreg s30  }
0x10: {  	p0 =	sne.s32 s13, $0xF;
	s10 =	sadd.s32 s7, s14;
	[dreg:$0x8] =	wrdreg s16  }
0x11: {  	s1 =	smul.u32 $0x138800, s1;
	s14 =	sadd.s32 s6, s17;
	[dreg:$0x9] =	wrdreg s10  }
0x12: {  	s12 =	smul.u32 $0x13800, s13;
	s19 =	sadd.s32 s6, s18;
	[dreg:$0xa] =	wrdreg s14  }
0x13: {  	s20 =	sadd.s32 s7, s18;
	s23 =	sadd.s32 s6, s21;
	[dreg:$0xc] =	wrdreg s19  }
0x14: {  	s25 =	sadd.s32 s6, s9;
	s26 =	sadd.s32 s7, s9;
	[dreg:$0xd] =	wrdreg s20  }
0x15: {  	s11 =	simm.s32 $0x1;
	s13 =	simm.s32 $0x600;
	[dreg:$0xe] =	wrdreg s23  }
0x16: {  	s18 =	simm.s32 $0x4;
	s10 =	sadd.s32 s7, s17;
	[dreg:$0x11] =	wrdreg s25  }
0x17: {  	[dreg:$0x12] =	wrdreg s26;
	s14 =	simm.s32 $0x2;
	s16 =	simm.s32 $0x3  }
0x18: {  	s17 =	simm.s32 $0x2E00;
	s19 =	simm.s32 $0x4200;
	s20 =	simm.s32 $0x7  }
0x19: {  	s23 =	simm.s32 $0xB;
	s25 =	simm.s32 $0xC;
	[dreg:$0xb] =	wrdreg s10  }
0x1a: {  	s22 =	sadd.s32 s12, s1;
	s10 =	sadd.s32 s7, s21;
	s1 =	sshrl.u32 s1, $0x3  }
.Ltmp0:
0x1b: {  	s12 =	simm.s32 $0x28;
	s21 =	simm.s32 $0x9;
	(pc) =	sbr.rel .LBB2_1-.Ltmp0, $4  }
0x1c: {  	[dreg:$0xf] =	wrdreg s10;
	s24 =	sshrl.u32 s22, $0x3;
	s22 =	simm.s32 $0xA  }
0x1d: {  	s10 =	sadd.s32 s0, s24;
	s0 =	sadd.s32 s0, s1;
	s24 =	simm.s32 $0x400  }
0x1e: {  	s1 =	simm.s32 $0x480;
	[dreg:$0x10] =	wrdreg s10;
	s0 =	sadd.s32 $0x27000, s0  }
0x1f: {  	s10 =	simm.s32 $0x0;
	[dreg:$0x13] =	wrdreg s0;
	s0 =	simm.s32 $0x100  }
.LBB2_6:
0x20: {  	_ =	swait.ge [sflag:s22], $0x1400  }
0x21: {  	[sflag:s22] =	ssyncset.done $0x0  }
0x22: {  	[sflag:s22] =	ssyncadd.s32 $0xFFFFEC00  }
0x23: {  	[spmem:s2] =	stream.indirect.scatter.add.f32 [tilespmem:s19], [sflag:$0xD], $0x80, s1, s12, $0xb8;
	[tilespmem:$0x1B680] =	vst v63  }
0x24: {  	_ =	swait.ge [sflag:s28], $0x1400  }
0x25: {  	[sflag:s28] =	ssyncset.done $0x0  }
0x26: {  	[sflag:s28] =	ssyncadd.s32 $0xFFFFEC00  }
.LBB2_4:
0x27: {  	[bflag:$0x0] =	sbarrier.arrive $0xFFFF  }
0x28: {  	s15 =	rddreg [dreg:$0x5]  }
0x29: {  	s4 =	rddreg [dreg:$0x10]  }
0x2a: {  	s9 =	rddreg [dreg:$0x17]  }
0x2b: {  	[hbm:s4], [sflag:s15] =	dma.local [spmem:s9], $0x2700  }
0x2c: {  	_ =	swait.ge [sflag:s28], $0x2700  }
0x2d: {  	[sflag:s28] =	ssyncset.done $0x0;
	s4 =	rddreg [dreg:$0x13]  }
0x2e: {  	s9 =	rddreg [dreg:$0x18];
	[sflag:s28] =	ssyncadd.s32 $0xFFFFD900  }
0x2f: {  	[hbm:s4], [sflag:s15] =	dma.local @!p0 [spmem:s9], $0x100  }
0x30: {  	s4 =	simm.s32 @!p0 $0xD  }
0x31: {  	_ =	swait.ge @!p0 [sflag:s4], $0x100  }
0x32: {  	s10 =	rddreg [dreg:$0x16]  }
0x33: {  	s30 =	rddreg [dreg:$0x14];
	s10 =	sadd.s32 $0x1, s10  }
0x34: {  	p1 =	sne.s32 s10, s30  }
.Ltmp1:
0x35: {  	_ = 	snop;
	(pc) =	sbr.rel @!p1 .LBB2_5-.Ltmp1, $3  }
0x36: {  	_ =	sdelay $0x1  }
0x37: {  	[sflag:s4] =	ssyncset.done @!p0 $0x0  }
0x38: {  	s24 =	simm.s32 $0x400;
	[sflag:s4] =	ssyncadd.s32 @!p0 $0xFFFFFF00  }
.LBB2_1:
0x39: {  	[dreg:$0x16] =	wrdreg s10  }
0x3a: {  	s4 =	rddreg [dreg:$0x4]  }
0x3b: {  	s9 =	sshrl.u32 s4, $0x3;
	s4 =	rddreg [dreg:$0x1]  }
0x3c: {  	[dreg:$0x17] =	wrdreg s9  }
0x3d: {  	[spmem:s9], [sflag:s15] =	dma.local [hbm:s4], $0x2700  }
0x3e: {  	_ =	swait.ge [sflag:s28], $0x2700  }
0x3f: {  	s9 =	rddreg [dreg:$0x15]  }
0x40: {  	[sflag:s28] =	ssyncset.done $0x0;
	s9 =	sshrl.u32 @!p0 s9, $0x3  }
0x41: {  	s10 =	simm.s32 @!p0 $0xD;
	[sflag:s28] =	ssyncadd.s32 $0xFFFFD900;
	[dreg:$0x18] =	wrdreg s9  }
0x42: {  	[spmem:s9], [sflag:s15] =	dma.local @!p0 [hbm:s4], $0x100  }
0x43: {  	_ =	swait.ge @!p0 [sflag:s10], $0x100  }
0x44: {  	[sflag:s10] =	ssyncset.done @!p0 $0x0  }
0x45: {  	[sflag:s10] =	ssyncadd.s32 @!p0 $0xFFFFFF00  }
0x46: {  	[bflag:$0x0] =	sbarrier.arrive $0xFFFF  }
0x47: {  	s26 =	rddreg [dreg:$0x6]  }
0x48: {  	[tilespmem:s3], [sflag:$0x1] =	stream.linear.gather [hbm4b:s26+s3], $0x80, $0x38;
	[tilespmem:$0x1B680] =	vst v63  }
0x49: {  	s30 =	simm.s32 $0x300;
	s29 =	rddreg [dreg:$0x7]  }
0x4a: {  	[tilespmem:s30], [sflag:$0x1] =	stream.linear.gather [hbm4b:s29+s3], $0x80, $0x38;
	[tilespmem:$0x1B680] =	vst v63  }
0x4b: {  	s9 =	simm.s32 $0x80;
	s10 =	rddreg [dreg:$0x8]  }
0x4c: {  	[tilespmem:s9], [sflag:$0x2] =	stream.linear.gather [hbm4b:s10+s3], $0x80, $0x38;
	[tilespmem:$0x1B680] =	vst v63  }
0x4d: {  	s15 =	rddreg [dreg:$0x9];
	s26 =	simm.s32 $0x380  }
0x4e: {  	[tilespmem:s26], [sflag:$0x2] =	stream.linear.gather [hbm4b:s15+s3], $0x80, $0x38;
	[tilespmem:$0x1B680] =	vst v63  }
0x4f: {  	s29 =	rddreg [dreg:$0xa]  }
0x50: {  	[tilespmem:s0], [sflag:$0x3] =	stream.linear.gather [hbm4b:s29+s3], $0x80, $0x38;
	[tilespmem:$0x1B680] =	vst v63  }
0x51: {  	s30 =	rddreg [dreg:$0xb]  }
0x52: {  	[tilespmem:s24], [sflag:$0x3] =	stream.linear.gather [hbm4b:s30+s3], $0x80, $0x38;
	[tilespmem:$0x1B680] =	vst v63  }
0x53: {  	s10 =	rddreg [dreg:$0xc]  }
0x54: {  	[tilespmem:s31], [sflag:$0x4] =	stream.linear.gather [hbm4b:s10+s3], $0x80, $0x38;
	[tilespmem:$0x1B680] =	vst v63  }
0x55: {  	s15 =	rddreg [dreg:$0xd]  }
0x56: {  	[tilespmem:s1], [sflag:$0x4] =	stream.linear.gather [hbm4b:s15+s3], $0x80, $0x38;
	[tilespmem:$0x1B680] =	vst v63  }
0x57: {  	s26 =	simm.s32 $0x200;
	s24 =	rddreg [dreg:$0xe]  }
0x58: {  	[tilespmem:s26], [sflag:$0x5] =	stream.linear.gather [hbm4b:s24+s3], $0x80, $0x38;
	[tilespmem:$0x1B680] =	vst v63  }
0x59: {  	s29 =	rddreg [dreg:$0xf];
	s30 =	simm.s32 $0x500  }
0x5a: {  	[tilespmem:s30], [sflag:$0x5] =	stream.linear.gather [hbm4b:s29+s3], $0x80, $0x38;
	[tilespmem:$0x1B680] =	vst v63  }
0x5b: {  	s15 =	rddreg [dreg:$0x11];
	s24 =	simm.s32 $0x280  }
0x5c: {  	[tilespmem:s24], [sflag:$0x6] =	stream.linear.gather [hbm4b:s15+s3], $0x80, $0x38;
	[tilespmem:$0x1B680] =	vst v63  }
0x5d: {  	s26 =	rddreg [dreg:$0x12];
	s29 =	simm.s32 $0x580  }
0x5e: {  	[tilespmem:s29], [sflag:$0x6] =	stream.linear.gather [hbm4b:s26+s3], $0x80, $0x38;
	[tilespmem:$0x1B680] =	vst v63  }
0x5f: {  	_ =	swait.ge [sflag:s11], $0x80  }
0x60: {  	[sflag:s11] =	ssyncset.done $0x0  }
0x61: {  	[sflag:s11] =	ssyncadd.s32 $0xFFFFFF80  }
0x62: {  	_ =	swait.ge [sflag:s11], $0x80  }
0x63: {  	[sflag:s11] =	ssyncset.done $0x0  }
0x64: {  	[sflag:s11] =	ssyncadd.s32 $0xFFFFFF80  }
0x65: {  	[tilespmem:s13], [sflag:$0x7] =	stream.indirect.gather [hbm4b:s5+s12], $0x80, s3, s12, $0xb8;
	[tilespmem:$0x1B680] =	vst v63  }
0x66: {  	_ =	swait.ge [sflag:s14], $0x80  }
0x67: {  	[sflag:s14] =	ssyncset.done $0x0  }
0x68: {  	[sflag:s14] =	ssyncadd.s32 $0xFFFFFF80  }
0x69: {  	_ =	swait.ge [sflag:s14], $0x80  }
0x6a: {  	[sflag:s14] =	ssyncset.done $0x0  }
0x6b: {  	s30 =	simm.s32 $0x1A00;
	[sflag:s14] =	ssyncadd.s32 $0xFFFFFF80  }
0x6c: {  	[tilespmem:s30], [sflag:$0x8] =	stream.indirect.gather [hbm4b:s5+s12], $0x80, s9, s12, $0xb8;
	[tilespmem:$0x1B680] =	vst v63  }
0x6d: {  	_ =	swait.ge [sflag:s16], $0x80  }
0x6e: {  	[sflag:s16] =	ssyncset.done $0x0  }
0x6f: {  	[sflag:s16] =	ssyncadd.s32 $0xFFFFFF80  }
0x70: {  	_ =	swait.ge [sflag:s16], $0x80  }
0x71: {  	[sflag:s16] =	ssyncset.done $0x0  }
0x72: {  	[sflag:s16] =	ssyncadd.s32 $0xFFFFFF80  }
0x73: {  	[tilespmem:s17], [sflag:$0x9] =	stream.indirect.gather [hbm4b:s5+s12], $0x80, s0, s12, $0xb8;
	[tilespmem:$0x1B680] =	vst v63  }
0x74: {  	_ =	swait.ge [sflag:s18], $0x80  }
0x75: {  	[sflag:s18] =	ssyncset.done $0x0  }
0x76: {  	[sflag:s18] =	ssyncadd.s32 $0xFFFFFF80  }
0x77: {  	_ =	swait.ge [sflag:s18], $0x80  }
0x78: {  	[sflag:s18] =	ssyncset.done $0x0  }
0x79: {  	s10 =	simm.s32 $0x0;
	s24 =	simm.s32 $0x580;
	[sflag:s18] =	ssyncadd.s32 $0xFFFFFF80  }
0x7a: {  	[tilespmem:s19], [sflag:$0xA] =	stream.indirect.gather [hbm4b:s5+s12], $0x80, s31, s12, $0xb8;
	[tilespmem:$0x1B680] =	vst v63  }
.LBB2_2:
0x7b: {  	_ =	swait.ge [sflag:s20], $0x1400  }
0x7c: {  	[sflag:s20] =	ssyncset.done $0x0  }
0x7d: {  	s4 =	simm.s32 $0x300;
	[sflag:s20] =	ssyncadd.s32 $0xFFFFEC00  }
0x7e: {  	[spmem:s2] =	stream.indirect.scatter.add.f32 [tilespmem:s13], [sflag:$0xD], $0x80, s4, s12, $0xb8;
	[tilespmem:$0x1B680] =	vst v63  }
0x7f: {  	_ =	swait.ge [sflag:s28], $0x1400  }
0x80: {  	p1 =	seq.s32 s24, $0x8080;
	[sflag:s28] =	ssyncset.done $0x0  }
0x81: {  	s9 =	simm.s32 @p1 $0x8;
	[sflag:s28] =	ssyncadd.s32 $0xFFFFEC00  }
0x82: {  	_ =	swait.ge @p1 [sflag:s9], $0x1400  }
0x83: {  	s29 =	simm.s32 @p1 $0x380;
	[sflag:s9] =	ssyncset.done @p1 $0x0  }
0x84: {  	s15 =	simm.s32 @p1 $0x1A00;
	[sflag:s9] =	ssyncadd.s32 @p1 $0xFFFFEC00;
	s9 =	simm.s32 @p1 $0x28  }
0x85: {  	[spmem:s2] =	stream.indirect.scatter.add.f32 @p1 [tilespmem:s15], [sflag:$0xD], $0x80, s29, s9, $0xb8;
	[tilespmem:$0x1B680] =	vst v63  }
0x86: {  	s9 =	sadd.s32 @!p1 $0xFFFFFD80, s24  }
0x87: {  	s15 =	sand.u32 @!p1 $0x1FC00, s9  }
0x88: {  	s29 =	simm.s32 @p1 $0xD;
	s9 =	sand.u32 @!p1 $0x300, s9;
	s15 =	sadd.s32 @!p1 s8, s15  }
0x89: {  	_ =	swait.ge @p1 [sflag:s29], $0x1400;
	s9 =	sor.u32 @!p1 s9, s15  }
0x8a: {  	[sflag:s29] =	ssyncset.done @p1 $0x0;
	s9 =	sshrl.u32 @!p1 s9, $0x3  }
0x8b: {  	[sflag:s29] =	ssyncadd.s32 @p1 $0xFFFFEC00;
	s29 =	simm.s32 @!p1 $0x0;
	s15 =	sadd.s32 @!p1 s6, s9  }
0x8c: {  	[tilespmem:s29], [sflag:$0x1] =	stream.linear.gather @!p1 [hbm4b:s15+s29], $0x80, $0x38;
	[tilespmem:$0x1B680] =	vst v63  }
0x8d: {  	s9 =	sadd.s32 @!p1 s7, s9;
	s15 =	simm.s32 @!p1 $0x300  }
0x8e: {  	[tilespmem:s15], [sflag:$0x1] =	stream.linear.gather @!p1 [hbm4b:s9+s29], $0x80, $0x38;
	[tilespmem:$0x1B680] =	vst v63  }
0x8f: {  	s9 =	simm.s32 @!p1 $0x5  }
0x90: {  	_ =	swait.ge @!p1 [sflag:s9], $0x80  }
0x91: {  	[sflag:s9] =	ssyncset.done @!p1 $0x0  }
0x92: {  	[sflag:s9] =	ssyncadd.s32 @!p1 $0xFFFFFF80  }
0x93: {  	_ =	swait.ge @!p1 [sflag:s9], $0x80  }
0x94: {  	s30 =	simm.s32 @!p1 $0x5600;
	[sflag:s9] =	ssyncset.done @!p1 $0x0  }
0x95: {  	s15 =	simm.s32 @!p1 $0x200;
	[sflag:s9] =	ssyncadd.s32 @!p1 $0xFFFFFF80;
	s9 =	simm.s32 @!p1 $0x28  }
0x96: {  	[tilespmem:s30], [sflag:$0xB] =	stream.indirect.gather @!p1 [hbm4b:s5+s9], $0x80, s15, s9, $0xb8;
	[tilespmem:$0x1B680] =	vst v63  }
0x97: {  	s15 =	simm.s32 @!p1 $0x8  }
0x98: {  	_ =	swait.ge @!p1 [sflag:s15], $0x1400  }
0x99: {  	[sflag:s15] =	ssyncset.done @!p1 $0x0  }
0x9a: {  	s30 =	simm.s32 @!p1 $0x1A00;
	[sflag:s15] =	ssyncadd.s32 @!p1 $0xFFFFEC00;
	s15 =	simm.s32 @!p1 $0x380  }
0x9b: {  	[spmem:s2] =	stream.indirect.scatter.add.f32 @!p1 [tilespmem:s30], [sflag:$0xD], $0x80, s15, s9, $0xb8;
	[tilespmem:$0x1B680] =	vst v63  }
0x9c: {  	s30 =	sadd.s32 @!p1 $0xFFFFFE00, s24  }
0x9d: {  	s26 =	sand.u32 @!p1 $0x1FC00, s30  }
0x9e: {  	s4 =	simm.s32 @!p1 $0xD;
	s30 =	sand.u32 @!p1 $0x380, s30;
	s26 =	sadd.s32 @!p1 s8, s26  }
0x9f: {  	_ =	swait.ge @!p1 [sflag:s4], $0x1400;
	s26 =	sor.u32 @!p1 s30, s26  }
0xa0: {  	[sflag:s4] =	ssyncset.done @!p1 $0x0;
	s26 =	sshrl.u32 @!p1 s26, $0x3  }
0xa1: {  	[sflag:s4] =	ssyncadd.s32 @!p1 $0xFFFFEC00;
	s30 =	simm.s32 @!p1 $0x80;
	s4 =	sadd.s32 @!p1 s6, s26  }
0xa2: {  	[tilespmem:s30], [sflag:$0x2] =	stream.linear.gather @!p1 [hbm4b:s4+s29], $0x80, $0x38;
	[tilespmem:$0x1B680] =	vst v63  }
0xa3: {  	s4 =	sadd.s32 @!p1 s7, s26  }
0xa4: {  	[tilespmem:s15], [sflag:$0x2] =	stream.linear.gather @!p1 [hbm4b:s4+s29], $0x80, $0x38;
	[tilespmem:$0x1B680] =	vst v63  }
0xa5: {  	s4 =	simm.s32 @!p1 $0x6  }
0xa6: {  	_ =	swait.ge @!p1 [sflag:s4], $0x80  }
0xa7: {  	[sflag:s4] =	ssyncset.done @!p1 $0x0  }
0xa8: {  	[sflag:s4] =	ssyncadd.s32 @!p1 $0xFFFFFF80  }
0xa9: {  	_ =	swait.ge @!p1 [sflag:s4], $0x80  }
0xaa: {  	[sflag:s4] =	ssyncset.done @!p1 $0x0  }
0xab: {  	s15 =	simm.s32 @!p1 $0x6A00;
	[sflag:s4] =	ssyncadd.s32 @!p1 $0xFFFFFF80;
	s4 =	simm.s32 @!p1 $0x280  }
0xac: {  	[tilespmem:s15], [sflag:$0xC] =	stream.indirect.gather @!p1 [hbm4b:s5+s9], $0x80, s4, s9, $0xb8;
	[tilespmem:$0x1B680] =	vst v63  }
0xad: {  	_ =	swait.ge [sflag:s21], $0x1400  }
0xae: {  	[sflag:s21] =	ssyncset.done $0x0  }
.Ltmp2:
0xaf: {  	s15 =	simm.s32 $0x400;
	[sflag:s21] =	ssyncadd.s32 $0xFFFFEC00;
	(pc) =	sbr.rel @p1 .LBB2_6-.Ltmp2, $4  }
0xb0: {  	[spmem:s2] =	stream.indirect.scatter.add.f32 [tilespmem:s17], [sflag:$0xD], $0x80, s15, s12, $0xb8;
	[tilespmem:$0x1B680] =	vst v63  }
0xb1: {  	_ =	swait.ge [sflag:s28], $0x1400  }
0xb2: {  	[sflag:s28] =	ssyncset.done $0x0  }
0xb3: {  	[sflag:s28] =	ssyncadd.s32 $0xFFFFEC00  }
0xb4: {  	s4 =	sadd.s32 $0xFFFFFE80, s24  }
0xb5: {  	s9 =	sadd.s32 $0xFFFFFA80, s24;
	s4 =	sand.u32 $0x1FC00, s4  }
0xb6: {  	s9 =	sand.u32 $0x300, s9;
	s4 =	sadd.s32 s8, s4  }
0xb7: {  	s4 =	sor.u32 s9, s4  }
0xb8: {  	s4 =	sshrl.u32 s4, $0x3  }
0xb9: {  	s29 =	sadd.s32 s6, s4  }
0xba: {  	[tilespmem:s0], [sflag:$0x3] =	stream.linear.gather [hbm4b:s29+s3], $0x80, $0x38;
	[tilespmem:$0x1B680] =	vst v63  }
0xbb: {  	s4 =	sadd.s32 s7, s4  }
0xbc: {  	[tilespmem:s15], [sflag:$0x3] =	stream.linear.gather [hbm4b:s4+s3], $0x80, $0x38;
	[tilespmem:$0x1B680] =	vst v63  }
0xbd: {  	_ =	swait.ge [sflag:s11], $0x80  }
0xbe: {  	[sflag:s11] =	ssyncset.done $0x0  }
0xbf: {  	[sflag:s11] =	ssyncadd.s32 $0xFFFFFF80  }
0xc0: {  	_ =	swait.ge [sflag:s11], $0x80  }
0xc1: {  	[sflag:s11] =	ssyncset.done $0x0  }
0xc2: {  	[sflag:s11] =	ssyncadd.s32 $0xFFFFFF80  }
0xc3: {  	[tilespmem:s13], [sflag:$0x7] =	stream.indirect.gather [hbm4b:s5+s12], $0x80, s3, s12, $0xb8;
	[tilespmem:$0x1B680] =	vst v63  }
0xc4: {  	s30 =	sadd.s32 $0xFFFFFF00, s24;
	_ =	swait.ge [sflag:s22], $0x1400  }
0xc5: {  	s15 =	sand.u32 $0x1FC00, s30;
	[sflag:s22] =	ssyncset.done $0x0  }
0xc6: {  	s4 =	sand.u32 $0x380, s30;
	s9 =	sadd.s32 s8, s15;
	[sflag:s22] =	ssyncadd.s32 $0xFFFFEC00  }
0xc7: {  	[spmem:s2] =	stream.indirect.scatter.add.f32 [tilespmem:s19], [sflag:$0xD], $0x80, s1, s12, $0xb8;
	[tilespmem:$0x1B680] =	vst v63  }
0xc8: {  	s4 =	sor.u32 s4, s9;
	_ =	swait.ge [sflag:s28], $0x1400  }
0xc9: {  	s4 =	sshrl.u32 s4, $0x3;
	[sflag:s28] =	ssyncset.done $0x0  }
0xca: {  	s26 =	sadd.s32 s6, s4;
	[sflag:s28] =	ssyncadd.s32 $0xFFFFEC00  }
0xcb: {  	[tilespmem:s31], [sflag:$0x4] =	stream.linear.gather [hbm4b:s26+s3], $0x80, $0x38;
	[tilespmem:$0x1B680] =	vst v63  }
0xcc: {  	s4 =	sadd.s32 s7, s4  }
0xcd: {  	[tilespmem:s1], [sflag:$0x4] =	stream.linear.gather [hbm4b:s4+s3], $0x80, $0x38;
	[tilespmem:$0x1B680] =	vst v63  }
0xce: {  	_ =	swait.ge [sflag:s14], $0x80  }
0xcf: {  	[sflag:s14] =	ssyncset.done $0x0  }
0xd0: {  	[sflag:s14] =	ssyncadd.s32 $0xFFFFFF80  }
0xd1: {  	_ =	swait.ge [sflag:s14], $0x80  }
0xd2: {  	p1 =	sgt.u32 s10, $0x27;
	s29 =	simm.s32 $0x80;
	[sflag:s14] =	ssyncset.done $0x0  }
0xd3: {  	s30 =	simm.s32 $0x1A00;
	s4 =	sadd.s32 @!p1 $0xFFFFFF80, s24;
	[sflag:s14] =	ssyncadd.s32 $0xFFFFFF80  }
0xd4: {  	[tilespmem:s30], [sflag:$0x8] =	stream.indirect.gather [hbm4b:s5+s12], $0x80, s29, s12, $0xb8;
	[tilespmem:$0x1B680] =	vst v63  }
0xd5: {  	s15 =	simm.s32 $0x500;
	s9 =	sand.u32 @!p1 $0x1FC00, s4;
	_ =	swait.ge [sflag:s23], $0x1400  }
0xd6: {  	s4 =	sand.u32 @!p1 $0x300, s4;
	s9 =	sadd.s32 @!p1 s8, s9;
	[sflag:s23] =	ssyncset.done $0x0  }
0xd7: {  	s26 =	simm.s32 $0x5600;
	s4 =	sor.u32 @!p1 s4, s9;
	[sflag:s23] =	ssyncadd.s32 $0xFFFFEC00  }
0xd8: {  	[spmem:s2] =	stream.indirect.scatter.add.f32 [tilespmem:s26], [sflag:$0xD], $0x80, s15, s12, $0xb8;
	[tilespmem:$0x1B680] =	vst v63  }
0xd9: {  	s4 =	sshrl.u32 @!p1 s4, $0x3;
	_ =	swait.ge [sflag:s28], $0x1400  }
0xda: {  	s9 =	sadd.s32 @!p1 s6, s4;
	[sflag:s28] =	ssyncset.done $0x0  }
0xdb: {  	s15 =	simm.s32 @!p1 $0x0;
	s26 =	simm.s32 @!p1 $0x200;
	[sflag:s28] =	ssyncadd.s32 $0xFFFFEC00  }
0xdc: {  	[tilespmem:s26], [sflag:$0x5] =	stream.linear.gather @!p1 [hbm4b:s9+s15], $0x80, $0x38;
	[tilespmem:$0x1B680] =	vst v63  }
0xdd: {  	s4 =	sadd.s32 @!p1 s7, s4;
	s9 =	simm.s32 @!p1 $0x500  }
0xde: {  	[tilespmem:s9], [sflag:$0x5] =	stream.linear.gather @!p1 [hbm4b:s4+s15], $0x80, $0x38;
	[tilespmem:$0x1B680] =	vst v63  }
0xdf: {  	_ =	swait.ge [sflag:s16], $0x80  }
0xe0: {  	[sflag:s16] =	ssyncset.done $0x0  }
0xe1: {  	[sflag:s16] =	ssyncadd.s32 $0xFFFFFF80  }
0xe2: {  	_ =	swait.ge [sflag:s16], $0x80  }
0xe3: {  	[sflag:s16] =	ssyncset.done $0x0  }
0xe4: {  	[sflag:s16] =	ssyncadd.s32 $0xFFFFFF80  }
0xe5: {  	[tilespmem:s17], [sflag:$0x9] =	stream.indirect.gather [hbm4b:s5+s12], $0x80, s0, s12, $0xb8;
	[tilespmem:$0x1B680] =	vst v63  }
0xe6: {  	s29 =	simm.s32 $0x580;
	_ =	swait.ge [sflag:s25], $0x1400  }
0xe7: {  	s30 =	simm.s32 $0x6A00;
	s4 =	sand.u32 @!p1 $0x1FC00, s24;
	[sflag:s25] =	ssyncset.done $0x0  }
0xe8: {  	s9 =	sand.u32 @!p1 $0x380, s24;
	s4 =	sadd.s32 @!p1 s8, s4;
	[sflag:s25] =	ssyncadd.s32 $0xFFFFEC00  }
0xe9: {  	[spmem:s2] =	stream.indirect.scatter.add.f32 [tilespmem:s30], [sflag:$0xD], $0x80, s29, s12, $0xb8;
	[tilespmem:$0x1B680] =	vst v63  }
0xea: {  	s4 =	sor.u32 @!p1 s9, s4;
	_ =	swait.ge [sflag:s28], $0x1400  }
0xeb: {  	s4 =	sshrl.u32 @!p1 s4, $0x3;
	[sflag:s28] =	ssyncset.done $0x0  }
0xec: {  	s26 =	simm.s32 @!p1 $0x280;
	s9 =	sadd.s32 @!p1 s6, s4;
	[sflag:s28] =	ssyncadd.s32 $0xFFFFEC00  }
0xed: {  	[tilespmem:s26], [sflag:$0x6] =	stream.linear.gather @!p1 [hbm4b:s9+s15], $0x80, $0x38;
	[tilespmem:$0x1B680] =	vst v63  }
0xee: {  	s4 =	sadd.s32 @!p1 s7, s4;
	s9 =	simm.s32 @!p1 $0x580  }
0xef: {  	[tilespmem:s9], [sflag:$0x6] =	stream.linear.gather @!p1 [hbm4b:s4+s15], $0x80, $0x38;
	[tilespmem:$0x1B680] =	vst v63  }
0xf0: {  	s24 =	sadd.s32 $0x300, s24;
	_ =	swait.ge [sflag:s18], $0x80  }
0xf1: {  	p1 =	sne.s32 s24, $0x8380;
	[sflag:s18] =	ssyncset.done $0x0  }
.Ltmp3:
0xf2: {  	[sflag:s18] =	ssyncadd.s32 $0xFFFFFF80;
	(pc) =	sbr.rel @p1 .LBB2_2-.Ltmp3, $4  }
.Ltmp4:
0xf3: {  	_ =	swait.ge [sflag:s18], $0x80;
	(pc) =	sbr.rel @!p1 .LBB2_4-.Ltmp4, $4  }
0xf4: {  	[sflag:s18] =	ssyncset.done $0x0  }
0xf5: {  	s10 =	sadd.s32 $0x1, s10;
	[sflag:s18] =	ssyncadd.s32 $0xFFFFFF80  }
0xf6: {  	[tilespmem:s19], [sflag:$0xA] =	stream.indirect.gather [hbm4b:s5+s12], $0x80, s31, s12, $0xb8;
	[tilespmem:$0x1B680] =	vst v63  }
0xf7: {  	_ = 	snop  }
.LBB2_5:
0xf8: {  	_ =	sfence.sel $0x180000  }
0xf9: {  	[bflag:$0x0] =	sbarrier.arrive $0xFFFF  }
0xfa: {  	_ =	strace $0x90000050  }
0xfb: {  	s0 =	stileid.u32;
	[bflag:$0x2] =	sbarrier.arrive $0xFFFF  }
0xfc: {  	p0 =	sne.s32 s0, $0x0;
	s0 =	rddreg [dreg:$0x3]  }
0xfd: {  	s0 =	sadd.s32 @!p0 $0x100000, s0  }
0xfe: {  	[sflag:s0] =	ssyncadd.tile.s32 @!p0 $0x1;
	_ =	shalt  }
.Lfunc_end2:
_tile_overlayer_lowered:
.L_overlay_start_2:
0xff: {  	(tag) =	ssettag $0x2  }
0x100: {  	s0 =	rddreg [dreg:$0x0];
	s2 =	stileid.u32  }
0x101: {  	s1 =	rddreg [dreg:$0x1];
	p0 =	sne.s32 s2, $0x0  }
0x102: {  	s3 =	rddreg [dreg:$0x2];
	[bflag:$0x3] =	sbarrier.arrive $0xFFFF;
	s2 =	simm.s32 @!p0 $0x1C0D  }
0x103: {  	[timem:s3], [sflag:s2] =	dma.local @!p0 [hbm:s0], s1  }
0x104: {  	s0 =	simm.s32 @!p0 $0xD  }
0x105: {  	_ =	swait.ge @!p0 [sflag:s0], s1  }
0x106: {  	s1 =	ssub.s32 @!p0 $0x0, s1;
	[sflag:s0] =	ssyncset.done @!p0 $0x0  }
0x107: {  	[sflag:s0] =	ssyncadd.s32 @!p0 s1  }
0x108: {  	[bflag:$0x3] =	sbarrier.arrive $0xFFFF  }
0x109: {  	_ =	shalt  }

</sc_bundles>
